<compile_context>
chip_gen: v7x
topology: tpu7x:2x2x1
jax: 0.10.2.dev20260603
libtpu: 0.0.44.dev20260713+nightly
codegen_flags: <defaults>
</compile_context>

<pallas_src>
import functools

import jax
import jax.numpy as jnp
from jax import lax
from jax.experimental import pallas as pl
from jax.experimental.pallas import tpu as pltpu
from jax.experimental.pallas import tpu_sc as plsc

N = 10000
NPAD = 10240
F = 128
E = 320000
NC = 2
NS = 16
RPT = NPAD // NS
KP = 80
CHPH = 63
PH = 2
CHP = PH * CHPH
NBUF = 3
PAD_ROW = 10200

RB = 1024
NBLK = NPAD // RB


def _vmesh():
    return plsc.VectorSubcoreMesh(core_axis_name="c", subcore_axis_name="s")



EPT = E // (NC * NS)


def _sc_degree(dst2, zeros_line):

    @functools.partial(
        pl.kernel,
        out_type=jax.ShapeDtypeStruct((NC * NS, NPAD), jnp.float32),
        mesh=_vmesh(),
        compiler_params=pltpu.CompilerParams(needs_layout_passes=False),
        scratch_types=[
            pltpu.VMEM((EPT,), jnp.int32),
            pltpu.VMEM((NPAD,), jnp.float32),
        ],
    )
    def body(dst_hbm, zero_hbm, out_hbm, idx_v, cnt_v):
        c = lax.axis_index("c")
        s = lax.axis_index("s")
        t = c * NS + s
        pltpu.sync_copy(zero_hbm, cnt_v)
        pltpu.sync_copy(dst_hbm.at[t], idx_v)
        ones = jnp.full((16,), 1.0, jnp.float32)

        def step(i, carry):
            v = idx_v[pl.ds(i * 16, 16)]
            plsc.addupdate_scatter(cnt_v, [v], ones)
            return carry

        lax.fori_loop(0, EPT // 16, step, 0)
        pltpu.sync_copy(cnt_v, out_hbm.at[t])

    return body(dst2, zeros_line)


def _sc_gather_scatter(y, src5, dst5, zeros_rows):

    @functools.partial(
        pl.kernel,
        out_type=jax.ShapeDtypeStruct((NC * NPAD, F), jnp.float32),
        mesh=_vmesh(),
        scratch_types=[
            pltpu.VMEM((CHPH, KP), jnp.int32),
            pltpu.VMEM((CHPH, KP), jnp.int32),
            pltpu.VMEM((NBUF, KP, F), jnp.float32),
            pltpu.VMEM_SHARED((NPAD, F), jnp.float32),
            pltpu.SemaphoreType.DMA((NBUF,)),
            pltpu.SemaphoreType.DMA((NBUF,)),
        ],
    )
    def body(y_hbm, src_hbm, dst_hbm, zero_hbm, out_hbm,
             src_v, dst_v, rows_v, acc_s, sem_g, sem_s):
        c = lax.axis_index("c")
        s = lax.axis_index("s")
        t = c * NS + s
        base = c * NPAD + s * RPT
        pltpu.sync_copy(zero_hbm, acc_s.at[pl.ds(s * RPT, RPT)])
        plsc.subcore_barrier()

        def fire_g(j, b):
            pltpu.async_copy(y_hbm.at[src_v.at[j]], rows_v.at[b], sem_g.at[b])

        def wait_g(b):
            pltpu.make_async_copy(y_hbm.at[src_v.at[0]], rows_v.at[b],
                                  sem_g.at[b]).wait()

        def fire_s(j, b):
            pltpu.async_copy(rows_v.at[b], acc_s.at[dst_v.at[j]], sem_s.at[b],
                             add=True)

        def wait_s(b):
            pltpu.make_async_copy(rows_v.at[b], acc_s.at[dst_v.at[0]],
                                  sem_s.at[b]).wait()

        for p in range(PH):
            u = t * PH + p
            pltpu.sync_copy(src_hbm.at[u], src_v)
            pltpu.sync_copy(dst_hbm.at[u], dst_v)

            for b in range(NBUF):
                fire_g(b, b)

            def group(j2, carry):
                for bp in range(NBUF):
                    j = NBUF * j2 + bp
                    wait_g(bp)
                    fire_s(j, bp)
                    wait_s(bp)
                    fire_g(j + NBUF, bp)
                return carry

            lax.fori_loop(0, (CHPH - NBUF) // NBUF, group, 0)
            for e in range(NBUF):
                j = CHPH - NBUF + e
                wait_g(e)
                fire_s(j, e)
                wait_s(e)

        plsc.subcore_barrier()
        pltpu.sync_copy(acc_s.at[pl.ds(s * RPT, RPT)], out_hbm.at[pl.ds(base, RPT)])

    return body(y, src5, dst5, zeros_rows)



def _mm_body(x_ref, w_ref, o_ref):
    o_ref[...] = jnp.dot(x_ref[...], w_ref[...],
                         preferred_element_type=jnp.float32)


def _tc_matmul(xp, w):
    m, k1 = xp.shape
    k2 = w.shape[1]
    return pl.pallas_call(
        _mm_body,
        grid=(m // RB,),
        in_specs=[pl.BlockSpec((RB, k1), lambda i: (i, 0)),
                  pl.BlockSpec((k1, k2), lambda i: (0, 0))],
        out_specs=pl.BlockSpec((RB, k2), lambda i: (i, 0)),
        out_shape=jax.ShapeDtypeStruct((m, k2), jnp.float32),
    )(xp, w)


def _dis_scale_body(dp_ref, xw_ref, dis_ref, y_ref):
    ones = jnp.ones((NC * NS, 1), jnp.float32)
    deg = lax.dot_general(dp_ref[...], ones, (((0,), (0,)), ((), ())),
                          preferred_element_type=jnp.float32)
    d = lax.rsqrt(deg + 1.0)
    dis_ref[...] = d
    y_ref[...] = xw_ref[...] * d


def _tc_dis_scale(degpart, xw):
    return pl.pallas_call(
        _dis_scale_body,
        grid=(NBLK,),
        in_specs=[pl.BlockSpec((NC * NS, RB), lambda i: (0, i)),
                  pl.BlockSpec((RB, F), lambda i: (i, 0))],
        out_specs=[pl.BlockSpec((RB, 1), lambda i: (i, 0)),
                   pl.BlockSpec((RB, F), lambda i: (i, 0))],
        out_shape=[jax.ShapeDtypeStruct((NPAD, 1), jnp.float32),
                   jax.ShapeDtypeStruct((NPAD, F), jnp.float32)],
    )(degpart, xw)


def _mid_body(a0_ref, a1_ref, y_ref, dis_ref, b_ref, w_ref, o_ref):
    d = dis_ref[...]
    h = (a0_ref[...] + a1_ref[...] + y_ref[...]) * d
    h = jnp.maximum(h + b_ref[...], 0.0)
    o_ref[...] = jnp.dot(h, w_ref[...], preferred_element_type=jnp.float32) * d


def _tc_mid(accpart, y, dis, b, w):
    k2 = w.shape[1]
    return pl.pallas_call(
        _mid_body,
        grid=(NBLK,),
        in_specs=[pl.BlockSpec((RB, F), lambda i: (i, 0)),
                  pl.BlockSpec((RB, F), lambda i: (NBLK + i, 0)),
                  pl.BlockSpec((RB, F), lambda i: (i, 0)),
                  pl.BlockSpec((RB, 1), lambda i: (i, 0)),
                  pl.BlockSpec((1, F), lambda i: (0, 0)),
                  pl.BlockSpec((F, k2), lambda i: (0, 0))],
        out_specs=pl.BlockSpec((RB, k2), lambda i: (i, 0)),
        out_shape=jax.ShapeDtypeStruct((NPAD, k2), jnp.float32),
    )(accpart, accpart, y, dis, b, w)


def _fin_body(a0_ref, a1_ref, y_ref, dis_ref, b_ref, w_ref, blin_ref, o_ref):
    h = (a0_ref[...] + a1_ref[...] + y_ref[...]) * dis_ref[...]
    h = jnp.maximum(h + b_ref[...], 0.0)
    o_ref[...] = (jnp.dot(h, w_ref[...], preferred_element_type=jnp.float32)
                  + blin_ref[...])


def _tc_fin(accpart, y, dis, b, wlin, blin):
    k2 = wlin.shape[1]
    return pl.pallas_call(
        _fin_body,
        grid=(NBLK,),
        in_specs=[pl.BlockSpec((RB, F), lambda i: (i, 0)),
                  pl.BlockSpec((RB, F), lambda i: (NBLK + i, 0)),
                  pl.BlockSpec((RB, F), lambda i: (i, 0)),
                  pl.BlockSpec((RB, 1), lambda i: (i, 0)),
                  pl.BlockSpec((1, F), lambda i: (0, 0)),
                  pl.BlockSpec((F, k2), lambda i: (0, 0)),
                  pl.BlockSpec((1, k2), lambda i: (0, 0))],
        out_specs=pl.BlockSpec((RB, k2), lambda i: (i, 0)),
        out_shape=jax.ShapeDtypeStruct((NPAD, k2), jnp.float32),
    )(accpart, accpart, y, dis, b, wlin, blin)



def kernel(x, edge_index, W1, b1, W2, b2, Wlin, blin):
    src = edge_index[0].astype(jnp.int32)
    dst = edge_index[1].astype(jnp.int32)
    srcr = src.reshape(NC * NS, EPT)
    dstr = dst.reshape(NC * NS, EPT)
    pade = CHP * KP - EPT
    src5 = jnp.concatenate(
        [srcr, jnp.zeros((NC * NS, pade), jnp.int32)], axis=1
    ).reshape(NC * NS * PH, CHPH, KP)
    dst5 = jnp.concatenate(
        [dstr, jnp.full((NC * NS, pade), PAD_ROW, jnp.int32)], axis=1
    ).reshape(NC * NS * PH, CHPH, KP)
    dst2 = dstr

    xpad = jnp.concatenate(
        [x, jnp.zeros((NPAD - N, F), jnp.float32)], axis=0)
    zeros_line = jnp.zeros((NPAD,), jnp.float32)
    zeros_rows = jnp.zeros((RPT, F), jnp.float32)

    degpart = _sc_degree(dst2, zeros_line)
    xw1 = _tc_matmul(xpad, W1)
    dis, y1 = _tc_dis_scale(degpart, xw1)

    acc1 = _sc_gather_scatter(y1, src5, dst5, zeros_rows)
    y2 = _tc_mid(acc1, y1, dis, b1.reshape(1, F), W2)

    acc2 = _sc_gather_scatter(y2, src5, dst5, zeros_rows)
    out = _tc_fin(acc2, y2, dis, b2.reshape(1, F), Wlin, blin.reshape(1, -1))
    return out[:N]

# --- scband reference (transcript-rebuilt; emitter-appended) ---
"""Pipeline reference for scband-gat-16011638079944 (READ-ONLY COPY).

The authoritative reference and input builder live on the scoring server;
editing this copy changes nothing except your own understanding.
"""

import jax, jax.numpy as jnp
import numpy as np

N_NODES = 10000


def gcn_conv(x, edge_index, W, b, num_nodes):
    # PyG GCNConv: add self-loops, symmetric normalization, then propagate
    loop = jnp.arange(num_nodes, dtype=edge_index.dtype)
    src = jnp.concatenate([edge_index[0], loop])
    dst = jnp.concatenate([edge_index[1], loop])
    deg = jnp.zeros((num_nodes,), dtype=x.dtype).at[dst].add(1.0)
    deg_inv_sqrt = jnp.where(deg > 0, deg ** -0.5, 0.0)
    norm = deg_inv_sqrt[src] * deg_inv_sqrt[dst]
    xw = x @ W
    msg = xw[src] * norm[:, None]
    out = jnp.zeros((num_nodes, W.shape[1]), dtype=x.dtype).at[dst].add(msg)
    return out + b


def setup_inputs(seed: int = 0) -> dict:
    key = jax.random.key(seed)
    k_x, k_e, k1, k2, k3 = jax.random.split(key, 5)
    x = jax.random.normal(k_x, (N_NODES, 128), dtype=jnp.float32)
    edge_index = jax.random.randint(k_e, (2, 320000), 0, N_NODES, dtype=jnp.int64)
    # glorot-ish init for weights
    W1 = jax.random.normal(jax.random.fold_in(k1, 0), (128, 128), dtype=jnp.float32) * (1.0 / np.sqrt(128))
    b1 = jnp.zeros((128,), dtype=jnp.float32)
    W2 = jax.random.normal(jax.random.fold_in(k2, 0), (128, 128), dtype=jnp.float32) * (1.0 / np.sqrt(128))
    b2 = jnp.zeros((128,), dtype=jnp.float32)
    Wlin = jax.random.normal(jax.random.fold_in(k3, 0), (128, 16), dtype=jnp.float32) * (1.0 / np.sqrt(128))
    blin = jnp.zeros((16,), dtype=jnp.float32)
    return {"x": x, "edge_index": edge_index, "W1": W1, "b1": b1, "W2": W2, "b2": b2, "Wlin": Wlin, "blin": blin}


def reference(x, edge_index, W1, b1, W2, b2, Wlin, blin):
    num_nodes = x.shape[0]
    h = gcn_conv(x, edge_index, W1, b1, num_nodes)
    h = jax.nn.relu(h)
    h = gcn_conv(h, edge_index, W2, b2, num_nodes)
    h = jax.nn.relu(h)
    # dropout p=0.5 is identity in eval mode (training=False)
    out = h @ Wlin + blin
    return out

if __name__ == "__main__":
    import jax
    _d = setup_inputs()
    print(jax.jit(kernel)(*tuple(_d.values())))

</pallas_src>

<mosaic_0001>
#map = affine_map<(d0, d1) -> (0, 0)>
#map1 = affine_map<(d0, d1) -> (0, 0, 0)>
module attributes {stable_mosaic.version = 14 : i64} {
  func.func @body(%arg0: i32, %arg1: i32, %arg2: memref<10240x128xf32, #tpu.memory_space<hbm>>, %arg3: memref<64x63x80xi32, #tpu.memory_space<hbm>>, %arg4: memref<64x63x80xi32, #tpu.memory_space<hbm>>, %arg5: memref<640x128xf32, #tpu.memory_space<hbm>>, %arg6: memref<20480x128xf32, #tpu.memory_space<hbm>>, %arg7: memref<63x80xi32, #tpu.memory_space<vmem>>, %arg8: memref<63x80xi32, #tpu.memory_space<vmem>>, %arg9: memref<3x80x128xf32, #tpu.memory_space<vmem>>, %arg10: memref<10240x128xf32, #tpu.memory_space<vmem_shared>>, %arg11: memref<3x!tpu.dma_semaphore, #tpu.memory_space<semaphore_mem>>, %arg12: memref<3x!tpu.dma_semaphore, #tpu.memory_space<semaphore_mem>>) attributes {dimension_semantics = [#tpu.dimension_semantics<core_parallel>, #tpu.dimension_semantics<subcore_parallel>], iteration_bounds = array<i64: 2, 16>, scalar_prefetch = 0 : i64, scratch_operands = 6 : i64, tpu.core_type = #tpu.core_type<sc_vector_subcore>, window_params = [{transform_indices = #map}, {transform_indices = #map1}, {transform_indices = #map1}, {transform_indices = #map}, {transform_indices = #map}]} {
    %mul3A = arith.constant 16 : i32
    %mul3A_0 = arith.muli %arg0, %mul3A : i32
    %add3A = arith.addi %mul3A_0, %arg1 : i32
    %mul3A_1 = arith.constant 10240 : i32
    %mul3A_2 = arith.muli %arg0, %mul3A_1 : i32
    %mul3A_3 = arith.constant 640 : i32
    %mul3A_4 = arith.muli %arg1, %mul3A_3 : i32
    %add3A_5 = arith.addi %mul3A_2, %mul3A_4 : i32
    %mul3A_6 = arith.constant 640 : i32
    %mul3A_7 = arith.muli %arg1, %mul3A_6 : i32
    "tpu.region"() ({
      %run_scoped3A = tpu.sem_alloc : memref<!tpu.dma_semaphore, #tpu.memory_space<semaphore_mem>>
      %dma_start3A_388 = arith.constant 0 : i32
      %dma_start3A_389 = tpu.memref_slice %arg10[%mul3A_7, %dma_start3A_388] : memref<10240x128xf32, #tpu.memory_space<vmem_shared>> -> memref<640x128xf32, #tpu.memory_space<vmem_shared>>
      tpu.enqueue_dma source(%arg5 : memref<640x128xf32, #tpu.memory_space<hbm>>) target(%dma_start3A_389 : memref<640x128xf32, #tpu.memory_space<vmem_shared>>) target_semaphore(%run_scoped3A : memref<!tpu.dma_semaphore, #tpu.memory_space<semaphore_mem>>)
      %dma_wait3A_390 = arith.constant 0 : i32
      %dma_wait3A_391 = tpu.memref_slice %arg10[%mul3A_7, %dma_wait3A_390] : memref<10240x128xf32, #tpu.memory_space<vmem_shared>> -> memref<640x128xf32, #tpu.memory_space<vmem_shared>>
      tpu.wait_dma2 semaphore(%run_scoped3A : memref<!tpu.dma_semaphore, #tpu.memory_space<semaphore_mem>>) src(%arg5 : memref<640x128xf32, #tpu.memory_space<hbm>>) dst(%dma_wait3A_391 : memref<640x128xf32, #tpu.memory_space<vmem_shared>>)
      tpu.yield
    }) : () -> ()
    %barrier3A = arith.constant 0 : index
    tpu.barrier barrier_id(%barrier3A)
    %mul3A_8 = arith.constant 2 : i32
    %mul3A_9 = arith.muli %add3A, %mul3A_8 : i32
    %add3A_10 = arith.constant 0 : i32
    %add3A_11 = arith.addi %mul3A_9, %add3A_10 : i32
    "tpu.region"() ({
      %run_scoped3A = tpu.sem_alloc : memref<!tpu.dma_semaphore, #tpu.memory_space<semaphore_mem>>
      %dma_start3A_388 = arith.constant 0 : i32
      %dma_start3A_389 = arith.constant 0 : i32
      %dma_start3A_390 = tpu.memref_slice %arg3[%add3A_11, %dma_start3A_388, %dma_start3A_389] : memref<64x63x80xi32, #tpu.memory_space<hbm>> -> memref<1x63x80xi32, #tpu.memory_space<hbm>>
      %dma_start3A_391 = tpu.memref_squeeze %dma_start3A_390 : memref<1x63x80xi32, #tpu.memory_space<hbm>> -> memref<63x80xi32, #tpu.memory_space<hbm>>
      %dma_start3A_392 = arith.constant 0 : i32
      %dma_start3A_393 = arith.constant 0 : i32
      %dma_start3A_394 = tpu.memref_slice %arg3[%add3A_11, %dma_start3A_392, %dma_start3A_393] : memref<64x63x80xi32, #tpu.memory_space<hbm>> -> memref<1x63x80xi32, #tpu.memory_space<hbm>>
      %dma_start3A_395 = tpu.memref_squeeze %dma_start3A_394 : memref<1x63x80xi32, #tpu.memory_space<hbm>> -> memref<63x80xi32, #tpu.memory_space<hbm>>
      tpu.enqueue_dma source(%dma_start3A_395 : memref<63x80xi32, #tpu.memory_space<hbm>>) target(%arg7 : memref<63x80xi32, #tpu.memory_space<vmem>>) target_semaphore(%run_scoped3A : memref<!tpu.dma_semaphore, #tpu.memory_space<semaphore_mem>>)
      %dma_wait3A_396 = arith.constant 0 : i32
      %dma_wait3A_397 = arith.constant 0 : i32
      %dma_wait3A_398 = tpu.memref_slice %arg3[%add3A_11, %dma_wait3A_396, %dma_wait3A_397] : memref<64x63x80xi32, #tpu.memory_space<hbm>> -> memref<1x63x80xi32, #tpu.memory_space<hbm>>
      %dma_wait3A_399 = tpu.memref_squeeze %dma_wait3A_398 : memref<1x63x80xi32, #tpu.memory_space<hbm>> -> memref<63x80xi32, #tpu.memory_space<hbm>>
      %dma_wait3A_400 = arith.constant 0 : i32
      %dma_wait3A_401 = arith.constant 0 : i32
      %dma_wait3A_402 = tpu.memref_slice %arg3[%add3A_11, %dma_wait3A_400, %dma_wait3A_401] : memref<64x63x80xi32, #tpu.memory_space<hbm>> -> memref<1x63x80xi32, #tpu.memory_space<hbm>>
      %dma_wait3A_403 = tpu.memref_squeeze %dma_wait3A_402 : memref<1x63x80xi32, #tpu.memory_space<hbm>> -> memref<63x80xi32, #tpu.memory_space<hbm>>
      tpu.wait_dma2 semaphore(%run_scoped3A : memref<!tpu.dma_semaphore, #tpu.memory_space<semaphore_mem>>) src(%dma_wait3A_403 : memref<63x80xi32, #tpu.memory_space<hbm>>) dst(%arg7 : memref<63x80xi32, #tpu.memory_space<vmem>>)
      tpu.yield
    }) : () -> ()
    "tpu.region"() ({
      %run_scoped3A = tpu.sem_alloc : memref<!tpu.dma_semaphore, #tpu.memory_space<semaphore_mem>>
      %dma_start3A_388 = arith.constant 0 : i32
      %dma_start3A_389 = arith.constant 0 : i32
      %dma_start3A_390 = tpu.memref_slice %arg4[%add3A_11, %dma_start3A_388, %dma_start3A_389] : memref<64x63x80xi32, #tpu.memory_space<hbm>> -> memref<1x63x80xi32, #tpu.memory_space<hbm>>
      %dma_start3A_391 = tpu.memref_squeeze %dma_start3A_390 : memref<1x63x80xi32, #tpu.memory_space<hbm>> -> memref<63x80xi32, #tpu.memory_space<hbm>>
      %dma_start3A_392 = arith.constant 0 : i32
      %dma_start3A_393 = arith.constant 0 : i32
      %dma_start3A_394 = tpu.memref_slice %arg4[%add3A_11, %dma_start3A_392, %dma_start3A_393] : memref<64x63x80xi32, #tpu.memory_space<hbm>> -> memref<1x63x80xi32, #tpu.memory_space<hbm>>
      %dma_start3A_395 = tpu.memref_squeeze %dma_start3A_394 : memref<1x63x80xi32, #tpu.memory_space<hbm>> -> memref<63x80xi32, #tpu.memory_space<hbm>>
      tpu.enqueue_dma source(%dma_start3A_395 : memref<63x80xi32, #tpu.memory_space<hbm>>) target(%arg8 : memref<63x80xi32, #tpu.memory_space<vmem>>) target_semaphore(%run_scoped3A : memref<!tpu.dma_semaphore, #tpu.memory_space<semaphore_mem>>)
      %dma_wait3A_396 = arith.constant 0 : i32
      %dma_wait3A_397 = arith.constant 0 : i32
      %dma_wait3A_398 = tpu.memref_slice %arg4[%add3A_11, %dma_wait3A_396, %dma_wait3A_397] : memref<64x63x80xi32, #tpu.memory_space<hbm>> -> memref<1x63x80xi32, #tpu.memory_space<hbm>>
      %dma_wait3A_399 = tpu.memref_squeeze %dma_wait3A_398 : memref<1x63x80xi32, #tpu.memory_space<hbm>> -> memref<63x80xi32, #tpu.memory_space<hbm>>
      %dma_wait3A_400 = arith.constant 0 : i32
      %dma_wait3A_401 = arith.constant 0 : i32
      %dma_wait3A_402 = tpu.memref_slice %arg4[%add3A_11, %dma_wait3A_400, %dma_wait3A_401] : memref<64x63x80xi32, #tpu.memory_space<hbm>> -> memref<1x63x80xi32, #tpu.memory_space<hbm>>
      %dma_wait3A_403 = tpu.memref_squeeze %dma_wait3A_402 : memref<1x63x80xi32, #tpu.memory_space<hbm>> -> memref<63x80xi32, #tpu.memory_space<hbm>>
      tpu.wait_dma2 semaphore(%run_scoped3A : memref<!tpu.dma_semaphore, #tpu.memory_space<semaphore_mem>>) src(%dma_wait3A_403 : memref<63x80xi32, #tpu.memory_space<hbm>>) dst(%arg8 : memref<63x80xi32, #tpu.memory_space<vmem>>)
      tpu.yield
    }) : () -> ()
    %dma_start3A = arith.constant 0 : i32
    %dma_start3A_12 = arith.constant 0 : i32
    %dma_start3A_13 = arith.constant 0 : i32
    %dma_start3A_14 = arith.constant 0 : i32
    %dma_start3A_15 = arith.constant 0 : i32
    %dma_start3A_16 = tpu.memref_slice %arg9[%dma_start3A_12, %dma_start3A_14, %dma_start3A_15] : memref<3x80x128xf32, #tpu.memory_space<vmem>> -> memref<1x80x128xf32, #tpu.memory_space<vmem>>
    %dma_start3A_17 = tpu.memref_squeeze %dma_start3A_16 : memref<1x80x128xf32, #tpu.memory_space<vmem>> -> memref<80x128xf32, #tpu.memory_space<vmem>>
    %dma_start3A_18 = arith.constant 0 : i32
    %dma_start3A_19 = tpu.memref_slice %arg7[%dma_start3A, %dma_start3A_18] : memref<63x80xi32, #tpu.memory_space<vmem>> -> memref<1x80xi32, #tpu.memory_space<vmem>>
    %dma_start3A_20 = tpu.memref_squeeze %dma_start3A_19 : memref<1x80xi32, #tpu.memory_space<vmem>> -> memref<80xi32, #tpu.memory_space<vmem>>
    %dma_start3A_21 = arith.constant 0 : i32
    %dma_start3A_22 = arith.constant 0 : i32
    %dma_start3A_23 = tpu.memref_slice %arg2[%dma_start3A_21, %dma_start3A_22] : memref<10240x128xf32, #tpu.memory_space<hbm>> -> memref<10240x128xf32, #tpu.memory_space<hbm>>
    %dma_start3A_24 = tpu.memref_slice %arg11[%dma_start3A_13] : memref<3x!tpu.dma_semaphore, #tpu.memory_space<semaphore_mem>> -> memref<1x!tpu.dma_semaphore, #tpu.memory_space<semaphore_mem>>
    %dma_start3A_25 = tpu.memref_squeeze %dma_start3A_24 : memref<1x!tpu.dma_semaphore, #tpu.memory_space<semaphore_mem>> -> memref<!tpu.dma_semaphore, #tpu.memory_space<semaphore_mem>>
    tpu.enqueue_indirect_dma source(%dma_start3A_23 : memref<10240x128xf32, #tpu.memory_space<hbm>>) target(%dma_start3A_17 : memref<80x128xf32, #tpu.memory_space<vmem>>) offsets(%dma_start3A_20 : memref<80xi32, #tpu.memory_space<vmem>>) semaphore(%dma_start3A_25 : memref<!tpu.dma_semaphore, #tpu.memory_space<semaphore_mem>>)
    %dma_start3A_26 = arith.constant 1 : i32
    %dma_start3A_27 = arith.constant 1 : i32
    %dma_start3A_28 = arith.constant 1 : i32
    %dma_start3A_29 = arith.constant 0 : i32
    %dma_start3A_30 = arith.constant 0 : i32
    %dma_start3A_31 = tpu.memref_slice %arg9[%dma_start3A_27, %dma_start3A_29, %dma_start3A_30] : memref<3x80x128xf32, #tpu.memory_space<vmem>> -> memref<1x80x128xf32, #tpu.memory_space<vmem>>
    %dma_start3A_32 = tpu.memref_squeeze %dma_start3A_31 : memref<1x80x128xf32, #tpu.memory_space<vmem>> -> memref<80x128xf32, #tpu.memory_space<vmem>>
    %dma_start3A_33 = arith.constant 0 : i32
    %dma_start3A_34 = tpu.memref_slice %arg7[%dma_start3A_26, %dma_start3A_33] : memref<63x80xi32, #tpu.memory_space<vmem>> -> memref<1x80xi32, #tpu.memory_space<vmem>>
    %dma_start3A_35 = tpu.memref_squeeze %dma_start3A_34 : memref<1x80xi32, #tpu.memory_space<vmem>> -> memref<80xi32, #tpu.memory_space<vmem>>
    %dma_start3A_36 = arith.constant 0 : i32
    %dma_start3A_37 = arith.constant 0 : i32
    %dma_start3A_38 = tpu.memref_slice %arg2[%dma_start3A_36, %dma_start3A_37] : memref<10240x128xf32, #tpu.memory_space<hbm>> -> memref<10240x128xf32, #tpu.memory_space<hbm>>
    %dma_start3A_39 = tpu.memref_slice %arg11[%dma_start3A_28] : memref<3x!tpu.dma_semaphore, #tpu.memory_space<semaphore_mem>> -> memref<1x!tpu.dma_semaphore, #tpu.memory_space<semaphore_mem>>
    %dma_start3A_40 = tpu.memref_squeeze %dma_start3A_39 : memref<1x!tpu.dma_semaphore, #tpu.memory_space<semaphore_mem>> -> memref<!tpu.dma_semaphore, #tpu.memory_space<semaphore_mem>>
    tpu.enqueue_indirect_dma source(%dma_start3A_38 : memref<10240x128xf32, #tpu.memory_space<hbm>>) target(%dma_start3A_32 : memref<80x128xf32, #tpu.memory_space<vmem>>) offsets(%dma_start3A_35 : memref<80xi32, #tpu.memory_space<vmem>>) semaphore(%dma_start3A_40 : memref<!tpu.dma_semaphore, #tpu.memory_space<semaphore_mem>>)
    %dma_start3A_41 = arith.constant 2 : i32
    %dma_start3A_42 = arith.constant 2 : i32
    %dma_start3A_43 = arith.constant 2 : i32
    %dma_start3A_44 = arith.constant 0 : i32
    %dma_start3A_45 = arith.constant 0 : i32
    %dma_start3A_46 = tpu.memref_slice %arg9[%dma_start3A_42, %dma_start3A_44, %dma_start3A_45] : memref<3x80x128xf32, #tpu.memory_space<vmem>> -> memref<1x80x128xf32, #tpu.memory_space<vmem>>
    %dma_start3A_47 = tpu.memref_squeeze %dma_start3A_46 : memref<1x80x128xf32, #tpu.memory_space<vmem>> -> memref<80x128xf32, #tpu.memory_space<vmem>>
    %dma_start3A_48 = arith.constant 0 : i32
    %dma_start3A_49 = tpu.memref_slice %arg7[%dma_start3A_41, %dma_start3A_48] : memref<63x80xi32, #tpu.memory_space<vmem>> -> memref<1x80xi32, #tpu.memory_space<vmem>>
    %dma_start3A_50 = tpu.memref_squeeze %dma_start3A_49 : memref<1x80xi32, #tpu.memory_space<vmem>> -> memref<80xi32, #tpu.memory_space<vmem>>
    %dma_start3A_51 = arith.constant 0 : i32
    %dma_start3A_52 = arith.constant 0 : i32
    %dma_start3A_53 = tpu.memref_slice %arg2[%dma_start3A_51, %dma_start3A_52] : memref<10240x128xf32, #tpu.memory_space<hbm>> -> memref<10240x128xf32, #tpu.memory_space<hbm>>
    %dma_start3A_54 = tpu.memref_slice %arg11[%dma_start3A_43] : memref<3x!tpu.dma_semaphore, #tpu.memory_space<semaphore_mem>> -> memref<1x!tpu.dma_semaphore, #tpu.memory_space<semaphore_mem>>
    %dma_start3A_55 = tpu.memref_squeeze %dma_start3A_54 : memref<1x!tpu.dma_semaphore, #tpu.memory_space<semaphore_mem>> -> memref<!tpu.dma_semaphore, #tpu.memory_space<semaphore_mem>>
    tpu.enqueue_indirect_dma source(%dma_start3A_53 : memref<10240x128xf32, #tpu.memory_space<hbm>>) target(%dma_start3A_47 : memref<80x128xf32, #tpu.memory_space<vmem>>) offsets(%dma_start3A_50 : memref<80xi32, #tpu.memory_space<vmem>>) semaphore(%dma_start3A_55 : memref<!tpu.dma_semaphore, #tpu.memory_space<semaphore_mem>>)
    %scan3A = arith.constant 0 : i32
    %scan3A_56 = arith.constant 0 : i32
    %scan3A_57 = arith.constant 20 : i32
    %scan3A_58 = arith.addi %scan3A_56, %scan3A_57 : i32
    %scan3A_59 = arith.constant 1 : i32
    scf.for %scan3A_388 = %scan3A_56 to %scan3A_58 step %scan3A_59  : i32 {
      %mul3A_389 = arith.constant 3 : i32
      %mul3A_390 = arith.muli %mul3A_389, %scan3A_388 : i32
      %add3A_391 = arith.constant 0 : i32
      %add3A_392 = arith.addi %mul3A_390, %add3A_391 : i32
      %dma_wait3A_393 = arith.constant 0 : i32
      %dma_wait3A_394 = arith.constant 0 : i32
      %dma_wait3A_395 = arith.constant 0 : i32
      %dma_wait3A_396 = arith.constant 0 : i32
      %dma_wait3A_397 = arith.constant 0 : i32
      %dma_wait3A_398 = tpu.memref_slice %arg9[%dma_wait3A_394, %dma_wait3A_396, %dma_wait3A_397] : memref<3x80x128xf32, #tpu.memory_space<vmem>> -> memref<1x80x128xf32, #tpu.memory_space<vmem>>
      %dma_wait3A_399 = tpu.memref_squeeze %dma_wait3A_398 : memref<1x80x128xf32, #tpu.memory_space<vmem>> -> memref<80x128xf32, #tpu.memory_space<vmem>>
      %dma_wait3A_400 = arith.constant 0 : i32
      %dma_wait3A_401 = tpu.memref_slice %arg7[%dma_wait3A_393, %dma_wait3A_400] : memref<63x80xi32, #tpu.memory_space<vmem>> -> memref<1x80xi32, #tpu.memory_space<vmem>>
      %dma_wait3A_402 = tpu.memref_squeeze %dma_wait3A_401 : memref<1x80xi32, #tpu.memory_space<vmem>> -> memref<80xi32, #tpu.memory_space<vmem>>
      %dma_wait3A_403 = arith.constant 0 : i32
      %dma_wait3A_404 = arith.constant 0 : i32
      %dma_wait3A_405 = tpu.memref_slice %arg2[%dma_wait3A_403, %dma_wait3A_404] : memref<10240x128xf32, #tpu.memory_space<hbm>> -> memref<10240x128xf32, #tpu.memory_space<hbm>>
      %dma_wait3A_406 = tpu.memref_slice %arg11[%dma_wait3A_395] : memref<3x!tpu.dma_semaphore, #tpu.memory_space<semaphore_mem>> -> memref<1x!tpu.dma_semaphore, #tpu.memory_space<semaphore_mem>>
      %dma_wait3A_407 = tpu.memref_squeeze %dma_wait3A_406 : memref<1x!tpu.dma_semaphore, #tpu.memory_space<semaphore_mem>> -> memref<!tpu.dma_semaphore, #tpu.memory_space<semaphore_mem>>
      tpu.wait_indirect_dma semaphore(%dma_wait3A_407 : memref<!tpu.dma_semaphore, #tpu.memory_space<semaphore_mem>>) src(%dma_wait3A_405 : memref<10240x128xf32, #tpu.memory_space<hbm>>) dst(%dma_wait3A_399 : memref<80x128xf32, #tpu.memory_space<vmem>>)
      %dma_start3A_408 = arith.constant 0 : i32
      %dma_start3A_409 = arith.constant 0 : i32
      %dma_start3A_410 = arith.constant 0 : i32
      %dma_start3A_411 = arith.constant 0 : i32
      %dma_start3A_412 = tpu.memref_slice %arg9[%dma_start3A_408, %dma_start3A_410, %dma_start3A_411] : memref<3x80x128xf32, #tpu.memory_space<vmem>> -> memref<1x80x128xf32, #tpu.memory_space<vmem>>
      %dma_start3A_413 = tpu.memref_squeeze %dma_start3A_412 : memref<1x80x128xf32, #tpu.memory_space<vmem>> -> memref<80x128xf32, #tpu.memory_space<vmem>>
      %dma_start3A_414 = arith.constant 0 : i32
      %dma_start3A_415 = tpu.memref_slice %arg8[%add3A_392, %dma_start3A_414] : memref<63x80xi32, #tpu.memory_space<vmem>> -> memref<1x80xi32, #tpu.memory_space<vmem>>
      %dma_start3A_416 = tpu.memref_squeeze %dma_start3A_415 : memref<1x80xi32, #tpu.memory_space<vmem>> -> memref<80xi32, #tpu.memory_space<vmem>>
      %dma_start3A_417 = arith.constant 0 : i32
      %dma_start3A_418 = arith.constant 0 : i32
      %dma_start3A_419 = tpu.memref_slice %arg10[%dma_start3A_417, %dma_start3A_418] : memref<10240x128xf32, #tpu.memory_space<vmem_shared>> -> memref<10240x128xf32, #tpu.memory_space<vmem_shared>>
      %dma_start3A_420 = tpu.memref_slice %arg12[%dma_start3A_409] : memref<3x!tpu.dma_semaphore, #tpu.memory_space<semaphore_mem>> -> memref<1x!tpu.dma_semaphore, #tpu.memory_space<semaphore_mem>>
      %dma_start3A_421 = tpu.memref_squeeze %dma_start3A_420 : memref<1x!tpu.dma_semaphore, #tpu.memory_space<semaphore_mem>> -> memref<!tpu.dma_semaphore, #tpu.memory_space<semaphore_mem>>
      tpu.enqueue_indirect_dma source(%dma_start3A_413 : memref<80x128xf32, #tpu.memory_space<vmem>>) target(%dma_start3A_419 : memref<10240x128xf32, #tpu.memory_space<vmem_shared>>) offsets(%dma_start3A_416 : memref<80xi32, #tpu.memory_space<vmem>>) semaphore(%dma_start3A_421 : memref<!tpu.dma_semaphore, #tpu.memory_space<semaphore_mem>>) {add = true}
      %dma_wait3A_422 = arith.constant 0 : i32
      %dma_wait3A_423 = arith.constant 0 : i32
      %dma_wait3A_424 = arith.constant 0 : i32
      %dma_wait3A_425 = arith.constant 0 : i32
      %dma_wait3A_426 = arith.constant 0 : i32
      %dma_wait3A_427 = tpu.memref_slice %arg9[%dma_wait3A_422, %dma_wait3A_425, %dma_wait3A_426] : memref<3x80x128xf32, #tpu.memory_space<vmem>> -> memref<1x80x128xf32, #tpu.memory_space<vmem>>
      %dma_wait3A_428 = tpu.memref_squeeze %dma_wait3A_427 : memref<1x80x128xf32, #tpu.memory_space<vmem>> -> memref<80x128xf32, #tpu.memory_space<vmem>>
      %dma_wait3A_429 = arith.constant 0 : i32
      %dma_wait3A_430 = tpu.memref_slice %arg8[%dma_wait3A_423, %dma_wait3A_429] : memref<63x80xi32, #tpu.memory_space<vmem>> -> memref<1x80xi32, #tpu.memory_space<vmem>>
      %dma_wait3A_431 = tpu.memref_squeeze %dma_wait3A_430 : memref<1x80xi32, #tpu.memory_space<vmem>> -> memref<80xi32, #tpu.memory_space<vmem>>
      %dma_wait3A_432 = arith.constant 0 : i32
      %dma_wait3A_433 = arith.constant 0 : i32
      %dma_wait3A_434 = tpu.memref_slice %arg10[%dma_wait3A_432, %dma_wait3A_433] : memref<10240x128xf32, #tpu.memory_space<vmem_shared>> -> memref<10240x128xf32, #tpu.memory_space<vmem_shared>>
      %dma_wait3A_435 = tpu.memref_slice %arg12[%dma_wait3A_424] : memref<3x!tpu.dma_semaphore, #tpu.memory_space<semaphore_mem>> -> memref<1x!tpu.dma_semaphore, #tpu.memory_space<semaphore_mem>>
      %dma_wait3A_436 = tpu.memref_squeeze %dma_wait3A_435 : memref<1x!tpu.dma_semaphore, #tpu.memory_space<semaphore_mem>> -> memref<!tpu.dma_semaphore, #tpu.memory_space<semaphore_mem>>
      tpu.wait_indirect_dma semaphore(%dma_wait3A_436 : memref<!tpu.dma_semaphore, #tpu.memory_space<semaphore_mem>>) src(%dma_wait3A_428 : memref<80x128xf32, #tpu.memory_space<vmem>>) dst(%dma_wait3A_434 : memref<10240x128xf32, #tpu.memory_space<vmem_shared>>)
      %add3A_437 = arith.constant 3 : i32
      %add3A_438 = arith.addi %add3A_392, %add3A_437 : i32
      %dma_start3A_439 = arith.constant 0 : i32
      %dma_start3A_440 = arith.constant 0 : i32
      %dma_start3A_441 = arith.constant 0 : i32
      %dma_start3A_442 = arith.constant 0 : i32
      %dma_start3A_443 = tpu.memref_slice %arg9[%dma_start3A_439, %dma_start3A_441, %dma_start3A_442] : memref<3x80x128xf32, #tpu.memory_space<vmem>> -> memref<1x80x128xf32, #tpu.memory_space<vmem>>
      %dma_start3A_444 = tpu.memref_squeeze %dma_start3A_443 : memref<1x80x128xf32, #tpu.memory_space<vmem>> -> memref<80x128xf32, #tpu.memory_space<vmem>>
      %dma_start3A_445 = arith.constant 0 : i32
      %dma_start3A_446 = tpu.memref_slice %arg7[%add3A_438, %dma_start3A_445] : memref<63x80xi32, #tpu.memory_space<vmem>> -> memref<1x80xi32, #tpu.memory_space<vmem>>
      %dma_start3A_447 = tpu.memref_squeeze %dma_start3A_446 : memref<1x80xi32, #tpu.memory_space<vmem>> -> memref<80xi32, #tpu.memory_space<vmem>>
      %dma_start3A_448 = arith.constant 0 : i32
      %dma_start3A_449 = arith.constant 0 : i32
      %dma_start3A_450 = tpu.memref_slice %arg2[%dma_start3A_448, %dma_start3A_449] : memref<10240x128xf32, #tpu.memory_space<hbm>> -> memref<10240x128xf32, #tpu.memory_space<hbm>>
      %dma_start3A_451 = tpu.memref_slice %arg11[%dma_start3A_440] : memref<3x!tpu.dma_semaphore, #tpu.memory_space<semaphore_mem>> -> memref<1x!tpu.dma_semaphore, #tpu.memory_space<semaphore_mem>>
      %dma_start3A_452 = tpu.memref_squeeze %dma_start3A_451 : memref<1x!tpu.dma_semaphore, #tpu.memory_space<semaphore_mem>> -> memref<!tpu.dma_semaphore, #tpu.memory_space<semaphore_mem>>
      tpu.enqueue_indirect_dma source(%dma_start3A_450 : memref<10240x128xf32, #tpu.memory_space<hbm>>) target(%dma_start3A_444 : memref<80x128xf32, #tpu.memory_space<vmem>>) offsets(%dma_start3A_447 : memref<80xi32, #tpu.memory_space<vmem>>) semaphore(%dma_start3A_452 : memref<!tpu.dma_semaphore, #tpu.memory_space<semaphore_mem>>)
      %mul3A_453 = arith.constant 3 : i32
      %mul3A_454 = arith.muli %mul3A_453, %scan3A_388 : i32
      %add3A_455 = arith.constant 1 : i32
      %add3A_456 = arith.addi %mul3A_454, %add3A_455 : i32
      %dma_wait3A_457 = arith.constant 0 : i32
      %dma_wait3A_458 = arith.constant 1 : i32
      %dma_wait3A_459 = arith.constant 1 : i32
      %dma_wait3A_460 = arith.constant 0 : i32
      %dma_wait3A_461 = arith.constant 0 : i32
      %dma_wait3A_462 = tpu.memref_slice %arg9[%dma_wait3A_458, %dma_wait3A_460, %dma_wait3A_461] : memref<3x80x128xf32, #tpu.memory_space<vmem>> -> memref<1x80x128xf32, #tpu.memory_space<vmem>>
      %dma_wait3A_463 = tpu.memref_squeeze %dma_wait3A_462 : memref<1x80x128xf32, #tpu.memory_space<vmem>> -> memref<80x128xf32, #tpu.memory_space<vmem>>
      %dma_wait3A_464 = arith.constant 0 : i32
      %dma_wait3A_465 = tpu.memref_slice %arg7[%dma_wait3A_457, %dma_wait3A_464] : memref<63x80xi32, #tpu.memory_space<vmem>> -> memref<1x80xi32, #tpu.memory_space<vmem>>
      %dma_wait3A_466 = tpu.memref_squeeze %dma_wait3A_465 : memref<1x80xi32, #tpu.memory_space<vmem>> -> memref<80xi32, #tpu.memory_space<vmem>>
      %dma_wait3A_467 = arith.constant 0 : i32
      %dma_wait3A_468 = arith.constant 0 : i32
      %dma_wait3A_469 = tpu.memref_slice %arg2[%dma_wait3A_467, %dma_wait3A_468] : memref<10240x128xf32, #tpu.memory_space<hbm>> -> memref<10240x128xf32, #tpu.memory_space<hbm>>
      %dma_wait3A_470 = tpu.memref_slice %arg11[%dma_wait3A_459] : memref<3x!tpu.dma_semaphore, #tpu.memory_space<semaphore_mem>> -> memref<1x!tpu.dma_semaphore, #tpu.memory_space<semaphore_mem>>
      %dma_wait3A_471 = tpu.memref_squeeze %dma_wait3A_470 : memref<1x!tpu.dma_semaphore, #tpu.memory_space<semaphore_mem>> -> memref<!tpu.dma_semaphore, #tpu.memory_space<semaphore_mem>>
      tpu.wait_indirect_dma semaphore(%dma_wait3A_471 : memref<!tpu.dma_semaphore, #tpu.memory_space<semaphore_mem>>) src(%dma_wait3A_469 : memref<10240x128xf32, #tpu.memory_space<hbm>>) dst(%dma_wait3A_463 : memref<80x128xf32, #tpu.memory_space<vmem>>)
      %dma_start3A_472 = arith.constant 1 : i32
      %dma_start3A_473 = arith.constant 1 : i32
      %dma_start3A_474 = arith.constant 0 : i32
      %dma_start3A_475 = arith.constant 0 : i32
      %dma_start3A_476 = tpu.memref_slice %arg9[%dma_start3A_472, %dma_start3A_474, %dma_start3A_475] : memref<3x80x128xf32, #tpu.memory_space<vmem>> -> memref<1x80x128xf32, #tpu.memory_space<vmem>>
      %dma_start3A_477 = tpu.memref_squeeze %dma_start3A_476 : memref<1x80x128xf32, #tpu.memory_space<vmem>> -> memref<80x128xf32, #tpu.memory_space<vmem>>
      %dma_start3A_478 = arith.constant 0 : i32
      %dma_start3A_479 = tpu.memref_slice %arg8[%add3A_456, %dma_start3A_478] : memref<63x80xi32, #tpu.memory_space<vmem>> -> memref<1x80xi32, #tpu.memory_space<vmem>>
      %dma_start3A_480 = tpu.memref_squeeze %dma_start3A_479 : memref<1x80xi32, #tpu.memory_space<vmem>> -> memref<80xi32, #tpu.memory_space<vmem>>
      %dma_start3A_481 = arith.constant 0 : i32
      %dma_start3A_482 = arith.constant 0 : i32
      %dma_start3A_483 = tpu.memref_slice %arg10[%dma_start3A_481, %dma_start3A_482] : memref<10240x128xf32, #tpu.memory_space<vmem_shared>> -> memref<10240x128xf32, #tpu.memory_space<vmem_shared>>
      %dma_start3A_484 = tpu.memref_slice %arg12[%dma_start3A_473] : memref<3x!tpu.dma_semaphore, #tpu.memory_space<semaphore_mem>> -> memref<1x!tpu.dma_semaphore, #tpu.memory_space<semaphore_mem>>
      %dma_start3A_485 = tpu.memref_squeeze %dma_start3A_484 : memref<1x!tpu.dma_semaphore, #tpu.memory_space<semaphore_mem>> -> memref<!tpu.dma_semaphore, #tpu.memory_space<semaphore_mem>>
      tpu.enqueue_indirect_dma source(%dma_start3A_477 : memref<80x128xf32, #tpu.memory_space<vmem>>) target(%dma_start3A_483 : memref<10240x128xf32, #tpu.memory_space<vmem_shared>>) offsets(%dma_start3A_480 : memref<80xi32, #tpu.memory_space<vmem>>) semaphore(%dma_start3A_485 : memref<!tpu.dma_semaphore, #tpu.memory_space<semaphore_mem>>) {add = true}
      %dma_wait3A_486 = arith.constant 1 : i32
      %dma_wait3A_487 = arith.constant 0 : i32
      %dma_wait3A_488 = arith.constant 1 : i32
      %dma_wait3A_489 = arith.constant 0 : i32
      %dma_wait3A_490 = arith.constant 0 : i32
      %dma_wait3A_491 = tpu.memref_slice %arg9[%dma_wait3A_486, %dma_wait3A_489, %dma_wait3A_490] : memref<3x80x128xf32, #tpu.memory_space<vmem>> -> memref<1x80x128xf32, #tpu.memory_space<vmem>>
      %dma_wait3A_492 = tpu.memref_squeeze %dma_wait3A_491 : memref<1x80x128xf32, #tpu.memory_space<vmem>> -> memref<80x128xf32, #tpu.memory_space<vmem>>
      %dma_wait3A_493 = arith.constant 0 : i32
      %dma_wait3A_494 = tpu.memref_slice %arg8[%dma_wait3A_487, %dma_wait3A_493] : memref<63x80xi32, #tpu.memory_space<vmem>> -> memref<1x80xi32, #tpu.memory_space<vmem>>
      %dma_wait3A_495 = tpu.memref_squeeze %dma_wait3A_494 : memref<1x80xi32, #tpu.memory_space<vmem>> -> memref<80xi32, #tpu.memory_space<vmem>>
      %dma_wait3A_496 = arith.constant 0 : i32
      %dma_wait3A_497 = arith.constant 0 : i32
      %dma_wait3A_498 = tpu.memref_slice %arg10[%dma_wait3A_496, %dma_wait3A_497] : memref<10240x128xf32, #tpu.memory_space<vmem_shared>> -> memref<10240x128xf32, #tpu.memory_space<vmem_shared>>
      %dma_wait3A_499 = tpu.memref_slice %arg12[%dma_wait3A_488] : memref<3x!tpu.dma_semaphore, #tpu.memory_space<semaphore_mem>> -> memref<1x!tpu.dma_semaphore, #tpu.memory_space<semaphore_mem>>
      %dma_wait3A_500 = tpu.memref_squeeze %dma_wait3A_499 : memref<1x!tpu.dma_semaphore, #tpu.memory_space<semaphore_mem>> -> memref<!tpu.dma_semaphore, #tpu.memory_space<semaphore_mem>>
      tpu.wait_indirect_dma semaphore(%dma_wait3A_500 : memref<!tpu.dma_semaphore, #tpu.memory_space<semaphore_mem>>) src(%dma_wait3A_492 : memref<80x128xf32, #tpu.memory_space<vmem>>) dst(%dma_wait3A_498 : memref<10240x128xf32, #tpu.memory_space<vmem_shared>>)
      %add3A_501 = arith.constant 3 : i32
      %add3A_502 = arith.addi %add3A_456, %add3A_501 : i32
      %dma_start3A_503 = arith.constant 1 : i32
      %dma_start3A_504 = arith.constant 1 : i32
      %dma_start3A_505 = arith.constant 0 : i32
      %dma_start3A_506 = arith.constant 0 : i32
      %dma_start3A_507 = tpu.memref_slice %arg9[%dma_start3A_503, %dma_start3A_505, %dma_start3A_506] : memref<3x80x128xf32, #tpu.memory_space<vmem>> -> memref<1x80x128xf32, #tpu.memory_space<vmem>>
      %dma_start3A_508 = tpu.memref_squeeze %dma_start3A_507 : memref<1x80x128xf32, #tpu.memory_space<vmem>> -> memref<80x128xf32, #tpu.memory_space<vmem>>
      %dma_start3A_509 = arith.constant 0 : i32
      %dma_start3A_510 = tpu.memref_slice %arg7[%add3A_502, %dma_start3A_509] : memref<63x80xi32, #tpu.memory_space<vmem>> -> memref<1x80xi32, #tpu.memory_space<vmem>>
      %dma_start3A_511 = tpu.memref_squeeze %dma_start3A_510 : memref<1x80xi32, #tpu.memory_space<vmem>> -> memref<80xi32, #tpu.memory_space<vmem>>
      %dma_start3A_512 = arith.constant 0 : i32
      %dma_start3A_513 = arith.constant 0 : i32
      %dma_start3A_514 = tpu.memref_slice %arg2[%dma_start3A_512, %dma_start3A_513] : memref<10240x128xf32, #tpu.memory_space<hbm>> -> memref<10240x128xf32, #tpu.memory_space<hbm>>
      %dma_start3A_515 = tpu.memref_slice %arg11[%dma_start3A_504] : memref<3x!tpu.dma_semaphore, #tpu.memory_space<semaphore_mem>> -> memref<1x!tpu.dma_semaphore, #tpu.memory_space<semaphore_mem>>
      %dma_start3A_516 = tpu.memref_squeeze %dma_start3A_515 : memref<1x!tpu.dma_semaphore, #tpu.memory_space<semaphore_mem>> -> memref<!tpu.dma_semaphore, #tpu.memory_space<semaphore_mem>>
      tpu.enqueue_indirect_dma source(%dma_start3A_514 : memref<10240x128xf32, #tpu.memory_space<hbm>>) target(%dma_start3A_508 : memref<80x128xf32, #tpu.memory_space<vmem>>) offsets(%dma_start3A_511 : memref<80xi32, #tpu.memory_space<vmem>>) semaphore(%dma_start3A_516 : memref<!tpu.dma_semaphore, #tpu.memory_space<semaphore_mem>>)
      %mul3A_517 = arith.constant 3 : i32
      %mul3A_518 = arith.muli %mul3A_517, %scan3A_388 : i32
      %add3A_519 = arith.constant 2 : i32
      %add3A_520 = arith.addi %mul3A_518, %add3A_519 : i32
      %dma_wait3A_521 = arith.constant 0 : i32
      %dma_wait3A_522 = arith.constant 2 : i32
      %dma_wait3A_523 = arith.constant 2 : i32
      %dma_wait3A_524 = arith.constant 0 : i32
      %dma_wait3A_525 = arith.constant 0 : i32
      %dma_wait3A_526 = tpu.memref_slice %arg9[%dma_wait3A_522, %dma_wait3A_524, %dma_wait3A_525] : memref<3x80x128xf32, #tpu.memory_space<vmem>> -> memref<1x80x128xf32, #tpu.memory_space<vmem>>
      %dma_wait3A_527 = tpu.memref_squeeze %dma_wait3A_526 : memref<1x80x128xf32, #tpu.memory_space<vmem>> -> memref<80x128xf32, #tpu.memory_space<vmem>>
      %dma_wait3A_528 = arith.constant 0 : i32
      %dma_wait3A_529 = tpu.memref_slice %arg7[%dma_wait3A_521, %dma_wait3A_528] : memref<63x80xi32, #tpu.memory_space<vmem>> -> memref<1x80xi32, #tpu.memory_space<vmem>>
      %dma_wait3A_530 = tpu.memref_squeeze %dma_wait3A_529 : memref<1x80xi32, #tpu.memory_space<vmem>> -> memref<80xi32, #tpu.memory_space<vmem>>
      %dma_wait3A_531 = arith.constant 0 : i32
      %dma_wait3A_532 = arith.constant 0 : i32
      %dma_wait3A_533 = tpu.memref_slice %arg2[%dma_wait3A_531, %dma_wait3A_532] : memref<10240x128xf32, #tpu.memory_space<hbm>> -> memref<10240x128xf32, #tpu.memory_space<hbm>>
      %dma_wait3A_534 = tpu.memref_slice %arg11[%dma_wait3A_523] : memref<3x!tpu.dma_semaphore, #tpu.memory_space<semaphore_mem>> -> memref<1x!tpu.dma_semaphore, #tpu.memory_space<semaphore_mem>>
      %dma_wait3A_535 = tpu.memref_squeeze %dma_wait3A_534 : memref<1x!tpu.dma_semaphore, #tpu.memory_space<semaphore_mem>> -> memref<!tpu.dma_semaphore, #tpu.memory_space<semaphore_mem>>
      tpu.wait_indirect_dma semaphore(%dma_wait3A_535 : memref<!tpu.dma_semaphore, #tpu.memory_space<semaphore_mem>>) src(%dma_wait3A_533 : memref<10240x128xf32, #tpu.memory_space<hbm>>) dst(%dma_wait3A_527 : memref<80x128xf32, #tpu.memory_space<vmem>>)
      %dma_start3A_536 = arith.constant 2 : i32
      %dma_start3A_537 = arith.constant 2 : i32
      %dma_start3A_538 = arith.constant 0 : i32
      %dma_start3A_539 = arith.constant 0 : i32
      %dma_start3A_540 = tpu.memref_slice %arg9[%dma_start3A_536, %dma_start3A_538, %dma_start3A_539] : memref<3x80x128xf32, #tpu.memory_space<vmem>> -> memref<1x80x128xf32, #tpu.memory_space<vmem>>
      %dma_start3A_541 = tpu.memref_squeeze %dma_start3A_540 : memref<1x80x128xf32, #tpu.memory_space<vmem>> -> memref<80x128xf32, #tpu.memory_space<vmem>>
      %dma_start3A_542 = arith.constant 0 : i32
      %dma_start3A_543 = tpu.memref_slice %arg8[%add3A_520, %dma_start3A_542] : memref<63x80xi32, #tpu.memory_space<vmem>> -> memref<1x80xi32, #tpu.memory_space<vmem>>
      %dma_start3A_544 = tpu.memref_squeeze %dma_start3A_543 : memref<1x80xi32, #tpu.memory_space<vmem>> -> memref<80xi32, #tpu.memory_space<vmem>>
      %dma_start3A_545 = arith.constant 0 : i32
      %dma_start3A_546 = arith.constant 0 : i32
      %dma_start3A_547 = tpu.memref_slice %arg10[%dma_start3A_545, %dma_start3A_546] : memref<10240x128xf32, #tpu.memory_space<vmem_shared>> -> memref<10240x128xf32, #tpu.memory_space<vmem_shared>>
      %dma_start3A_548 = tpu.memref_slice %arg12[%dma_start3A_537] : memref<3x!tpu.dma_semaphore, #tpu.memory_space<semaphore_mem>> -> memref<1x!tpu.dma_semaphore, #tpu.memory_space<semaphore_mem>>
      %dma_start3A_549 = tpu.memref_squeeze %dma_start3A_548 : memref<1x!tpu.dma_semaphore, #tpu.memory_space<semaphore_mem>> -> memref<!tpu.dma_semaphore, #tpu.memory_space<semaphore_mem>>
      tpu.enqueue_indirect_dma source(%dma_start3A_541 : memref<80x128xf32, #tpu.memory_space<vmem>>) target(%dma_start3A_547 : memref<10240x128xf32, #tpu.memory_space<vmem_shared>>) offsets(%dma_start3A_544 : memref<80xi32, #tpu.memory_space<vmem>>) semaphore(%dma_start3A_549 : memref<!tpu.dma_semaphore, #tpu.memory_space<semaphore_mem>>) {add = true}
      %dma_wait3A_550 = arith.constant 2 : i32
      %dma_wait3A_551 = arith.constant 0 : i32
      %dma_wait3A_552 = arith.constant 2 : i32
      %dma_wait3A_553 = arith.constant 0 : i32
      %dma_wait3A_554 = arith.constant 0 : i32
      %dma_wait3A_555 = tpu.memref_slice %arg9[%dma_wait3A_550, %dma_wait3A_553, %dma_wait3A_554] : memref<3x80x128xf32, #tpu.memory_space<vmem>> -> memref<1x80x128xf32, #tpu.memory_space<vmem>>
      %dma_wait3A_556 = tpu.memref_squeeze %dma_wait3A_555 : memref<1x80x128xf32, #tpu.memory_space<vmem>> -> memref<80x128xf32, #tpu.memory_space<vmem>>
      %dma_wait3A_557 = arith.constant 0 : i32
      %dma_wait3A_558 = tpu.memref_slice %arg8[%dma_wait3A_551, %dma_wait3A_557] : memref<63x80xi32, #tpu.memory_space<vmem>> -> memref<1x80xi32, #tpu.memory_space<vmem>>
      %dma_wait3A_559 = tpu.memref_squeeze %dma_wait3A_558 : memref<1x80xi32, #tpu.memory_space<vmem>> -> memref<80xi32, #tpu.memory_space<vmem>>
      %dma_wait3A_560 = arith.constant 0 : i32
      %dma_wait3A_561 = arith.constant 0 : i32
      %dma_wait3A_562 = tpu.memref_slice %arg10[%dma_wait3A_560, %dma_wait3A_561] : memref<10240x128xf32, #tpu.memory_space<vmem_shared>> -> memref<10240x128xf32, #tpu.memory_space<vmem_shared>>
      %dma_wait3A_563 = tpu.memref_slice %arg12[%dma_wait3A_552] : memref<3x!tpu.dma_semaphore, #tpu.memory_space<semaphore_mem>> -> memref<1x!tpu.dma_semaphore, #tpu.memory_space<semaphore_mem>>
      %dma_wait3A_564 = tpu.memref_squeeze %dma_wait3A_563 : memref<1x!tpu.dma_semaphore, #tpu.memory_space<semaphore_mem>> -> memref<!tpu.dma_semaphore, #tpu.memory_space<semaphore_mem>>
      tpu.wait_indirect_dma semaphore(%dma_wait3A_564 : memref<!tpu.dma_semaphore, #tpu.memory_space<semaphore_mem>>) src(%dma_wait3A_556 : memref<80x128xf32, #tpu.memory_space<vmem>>) dst(%dma_wait3A_562 : memref<10240x128xf32, #tpu.memory_space<vmem_shared>>)
      %add3A_565 = arith.constant 3 : i32
      %add3A_566 = arith.addi %add3A_520, %add3A_565 : i32
      %dma_start3A_567 = arith.constant 2 : i32
      %dma_start3A_568 = arith.constant 2 : i32
      %dma_start3A_569 = arith.constant 0 : i32
      %dma_start3A_570 = arith.constant 0 : i32
      %dma_start3A_571 = tpu.memref_slice %arg9[%dma_start3A_567, %dma_start3A_569, %dma_start3A_570] : memref<3x80x128xf32, #tpu.memory_space<vmem>> -> memref<1x80x128xf32, #tpu.memory_space<vmem>>
      %dma_start3A_572 = tpu.memref_squeeze %dma_start3A_571 : memref<1x80x128xf32, #tpu.memory_space<vmem>> -> memref<80x128xf32, #tpu.memory_space<vmem>>
      %dma_start3A_573 = arith.constant 0 : i32
      %dma_start3A_574 = tpu.memref_slice %arg7[%add3A_566, %dma_start3A_573] : memref<63x80xi32, #tpu.memory_space<vmem>> -> memref<1x80xi32, #tpu.memory_space<vmem>>
      %dma_start3A_575 = tpu.memref_squeeze %dma_start3A_574 : memref<1x80xi32, #tpu.memory_space<vmem>> -> memref<80xi32, #tpu.memory_space<vmem>>
      %dma_start3A_576 = arith.constant 0 : i32
      %dma_start3A_577 = arith.constant 0 : i32
      %dma_start3A_578 = tpu.memref_slice %arg2[%dma_start3A_576, %dma_start3A_577] : memref<10240x128xf32, #tpu.memory_space<hbm>> -> memref<10240x128xf32, #tpu.memory_space<hbm>>
      %dma_start3A_579 = tpu.memref_slice %arg11[%dma_start3A_568] : memref<3x!tpu.dma_semaphore, #tpu.memory_space<semaphore_mem>> -> memref<1x!tpu.dma_semaphore, #tpu.memory_space<semaphore_mem>>
      %dma_start3A_580 = tpu.memref_squeeze %dma_start3A_579 : memref<1x!tpu.dma_semaphore, #tpu.memory_space<semaphore_mem>> -> memref<!tpu.dma_semaphore, #tpu.memory_space<semaphore_mem>>
      tpu.enqueue_indirect_dma source(%dma_start3A_578 : memref<10240x128xf32, #tpu.memory_space<hbm>>) target(%dma_start3A_572 : memref<80x128xf32, #tpu.memory_space<vmem>>) offsets(%dma_start3A_575 : memref<80xi32, #tpu.memory_space<vmem>>) semaphore(%dma_start3A_580 : memref<!tpu.dma_semaphore, #tpu.memory_space<semaphore_mem>>)
    }
    %scan3A_60 = arith.constant 20 : i32
    %dma_wait3A = arith.constant 0 : i32
    %dma_wait3A_61 = arith.constant 0 : i32
    %dma_wait3A_62 = arith.constant 0 : i32
    %dma_wait3A_63 = arith.constant 0 : i32
    %dma_wait3A_64 = arith.constant 0 : i32
    %dma_wait3A_65 = tpu.memref_slice %arg9[%dma_wait3A_61, %dma_wait3A_63, %dma_wait3A_64] : memref<3x80x128xf32, #tpu.memory_space<vmem>> -> memref<1x80x128xf32, #tpu.memory_space<vmem>>
    %dma_wait3A_66 = tpu.memref_squeeze %dma_wait3A_65 : memref<1x80x128xf32, #tpu.memory_space<vmem>> -> memref<80x128xf32, #tpu.memory_space<vmem>>
    %dma_wait3A_67 = arith.constant 0 : i32
    %dma_wait3A_68 = tpu.memref_slice %arg7[%dma_wait3A, %dma_wait3A_67] : memref<63x80xi32, #tpu.memory_space<vmem>> -> memref<1x80xi32, #tpu.memory_space<vmem>>
    %dma_wait3A_69 = tpu.memref_squeeze %dma_wait3A_68 : memref<1x80xi32, #tpu.memory_space<vmem>> -> memref<80xi32, #tpu.memory_space<vmem>>
    %dma_wait3A_70 = arith.constant 0 : i32
    %dma_wait3A_71 = arith.constant 0 : i32
    %dma_wait3A_72 = tpu.memref_slice %arg2[%dma_wait3A_70, %dma_wait3A_71] : memref<10240x128xf32, #tpu.memory_space<hbm>> -> memref<10240x128xf32, #tpu.memory_space<hbm>>
    %dma_wait3A_73 = tpu.memref_slice %arg11[%dma_wait3A_62] : memref<3x!tpu.dma_semaphore, #tpu.memory_space<semaphore_mem>> -> memref<1x!tpu.dma_semaphore, #tpu.memory_space<semaphore_mem>>
    %dma_wait3A_74 = tpu.memref_squeeze %dma_wait3A_73 : memref<1x!tpu.dma_semaphore, #tpu.memory_space<semaphore_mem>> -> memref<!tpu.dma_semaphore, #tpu.memory_space<semaphore_mem>>
    tpu.wait_indirect_dma semaphore(%dma_wait3A_74 : memref<!tpu.dma_semaphore, #tpu.memory_space<semaphore_mem>>) src(%dma_wait3A_72 : memref<10240x128xf32, #tpu.memory_space<hbm>>) dst(%dma_wait3A_66 : memref<80x128xf32, #tpu.memory_space<vmem>>)
    %dma_start3A_75 = arith.constant 0 : i32
    %dma_start3A_76 = arith.constant 60 : i32
    %dma_start3A_77 = arith.constant 0 : i32
    %dma_start3A_78 = arith.constant 0 : i32
    %dma_start3A_79 = arith.constant 0 : i32
    %dma_start3A_80 = tpu.memref_slice %arg9[%dma_start3A_75, %dma_start3A_78, %dma_start3A_79] : memref<3x80x128xf32, #tpu.memory_space<vmem>> -> memref<1x80x128xf32, #tpu.memory_space<vmem>>
    %dma_start3A_81 = tpu.memref_squeeze %dma_start3A_80 : memref<1x80x128xf32, #tpu.memory_space<vmem>> -> memref<80x128xf32, #tpu.memory_space<vmem>>
    %dma_start3A_82 = arith.constant 0 : i32
    %dma_start3A_83 = tpu.memref_slice %arg8[%dma_start3A_76, %dma_start3A_82] : memref<63x80xi32, #tpu.memory_space<vmem>> -> memref<1x80xi32, #tpu.memory_space<vmem>>
    %dma_start3A_84 = tpu.memref_squeeze %dma_start3A_83 : memref<1x80xi32, #tpu.memory_space<vmem>> -> memref<80xi32, #tpu.memory_space<vmem>>
    %dma_start3A_85 = arith.constant 0 : i32
    %dma_start3A_86 = arith.constant 0 : i32
    %dma_start3A_87 = tpu.memref_slice %arg10[%dma_start3A_85, %dma_start3A_86] : memref<10240x128xf32, #tpu.memory_space<vmem_shared>> -> memref<10240x128xf32, #tpu.memory_space<vmem_shared>>
    %dma_start3A_88 = tpu.memref_slice %arg12[%dma_start3A_77] : memref<3x!tpu.dma_semaphore, #tpu.memory_space<semaphore_mem>> -> memref<1x!tpu.dma_semaphore, #tpu.memory_space<semaphore_mem>>
    %dma_start3A_89 = tpu.memref_squeeze %dma_start3A_88 : memref<1x!tpu.dma_semaphore, #tpu.memory_space<semaphore_mem>> -> memref<!tpu.dma_semaphore, #tpu.memory_space<semaphore_mem>>
    tpu.enqueue_indirect_dma source(%dma_start3A_81 : memref<80x128xf32, #tpu.memory_space<vmem>>) target(%dma_start3A_87 : memref<10240x128xf32, #tpu.memory_space<vmem_shared>>) offsets(%dma_start3A_84 : memref<80xi32, #tpu.memory_space<vmem>>) semaphore(%dma_start3A_89 : memref<!tpu.dma_semaphore, #tpu.memory_space<semaphore_mem>>) {add = true}
    %dma_wait3A_90 = arith.constant 0 : i32
    %dma_wait3A_91 = arith.constant 0 : i32
    %dma_wait3A_92 = arith.constant 0 : i32
    %dma_wait3A_93 = arith.constant 0 : i32
    %dma_wait3A_94 = arith.constant 0 : i32
    %dma_wait3A_95 = tpu.memref_slice %arg9[%dma_wait3A_90, %dma_wait3A_93, %dma_wait3A_94] : memref<3x80x128xf32, #tpu.memory_space<vmem>> -> memref<1x80x128xf32, #tpu.memory_space<vmem>>
    %dma_wait3A_96 = tpu.memref_squeeze %dma_wait3A_95 : memref<1x80x128xf32, #tpu.memory_space<vmem>> -> memref<80x128xf32, #tpu.memory_space<vmem>>
    %dma_wait3A_97 = arith.constant 0 : i32
    %dma_wait3A_98 = tpu.memref_slice %arg8[%dma_wait3A_91, %dma_wait3A_97] : memref<63x80xi32, #tpu.memory_space<vmem>> -> memref<1x80xi32, #tpu.memory_space<vmem>>
    %dma_wait3A_99 = tpu.memref_squeeze %dma_wait3A_98 : memref<1x80xi32, #tpu.memory_space<vmem>> -> memref<80xi32, #tpu.memory_space<vmem>>
    %dma_wait3A_100 = arith.constant 0 : i32
    %dma_wait3A_101 = arith.constant 0 : i32
    %dma_wait3A_102 = tpu.memref_slice %arg10[%dma_wait3A_100, %dma_wait3A_101] : memref<10240x128xf32, #tpu.memory_space<vmem_shared>> -> memref<10240x128xf32, #tpu.memory_space<vmem_shared>>
    %dma_wait3A_103 = tpu.memref_slice %arg12[%dma_wait3A_92] : memref<3x!tpu.dma_semaphore, #tpu.memory_space<semaphore_mem>> -> memref<1x!tpu.dma_semaphore, #tpu.memory_space<semaphore_mem>>
    %dma_wait3A_104 = tpu.memref_squeeze %dma_wait3A_103 : memref<1x!tpu.dma_semaphore, #tpu.memory_space<semaphore_mem>> -> memref<!tpu.dma_semaphore, #tpu.memory_space<semaphore_mem>>
    tpu.wait_indirect_dma semaphore(%dma_wait3A_104 : memref<!tpu.dma_semaphore, #tpu.memory_space<semaphore_mem>>) src(%dma_wait3A_96 : memref<80x128xf32, #tpu.memory_space<vmem>>) dst(%dma_wait3A_102 : memref<10240x128xf32, #tpu.memory_space<vmem_shared>>)
    %dma_wait3A_105 = arith.constant 0 : i32
    %dma_wait3A_106 = arith.constant 1 : i32
    %dma_wait3A_107 = arith.constant 1 : i32
    %dma_wait3A_108 = arith.constant 0 : i32
    %dma_wait3A_109 = arith.constant 0 : i32
    %dma_wait3A_110 = tpu.memref_slice %arg9[%dma_wait3A_106, %dma_wait3A_108, %dma_wait3A_109] : memref<3x80x128xf32, #tpu.memory_space<vmem>> -> memref<1x80x128xf32, #tpu.memory_space<vmem>>
    %dma_wait3A_111 = tpu.memref_squeeze %dma_wait3A_110 : memref<1x80x128xf32, #tpu.memory_space<vmem>> -> memref<80x128xf32, #tpu.memory_space<vmem>>
    %dma_wait3A_112 = arith.constant 0 : i32
    %dma_wait3A_113 = tpu.memref_slice %arg7[%dma_wait3A_105, %dma_wait3A_112] : memref<63x80xi32, #tpu.memory_space<vmem>> -> memref<1x80xi32, #tpu.memory_space<vmem>>
    %dma_wait3A_114 = tpu.memref_squeeze %dma_wait3A_113 : memref<1x80xi32, #tpu.memory_space<vmem>> -> memref<80xi32, #tpu.memory_space<vmem>>
    %dma_wait3A_115 = arith.constant 0 : i32
    %dma_wait3A_116 = arith.constant 0 : i32
    %dma_wait3A_117 = tpu.memref_slice %arg2[%dma_wait3A_115, %dma_wait3A_116] : memref<10240x128xf32, #tpu.memory_space<hbm>> -> memref<10240x128xf32, #tpu.memory_space<hbm>>
    %dma_wait3A_118 = tpu.memref_slice %arg11[%dma_wait3A_107] : memref<3x!tpu.dma_semaphore, #tpu.memory_space<semaphore_mem>> -> memref<1x!tpu.dma_semaphore, #tpu.memory_space<semaphore_mem>>
    %dma_wait3A_119 = tpu.memref_squeeze %dma_wait3A_118 : memref<1x!tpu.dma_semaphore, #tpu.memory_space<semaphore_mem>> -> memref<!tpu.dma_semaphore, #tpu.memory_space<semaphore_mem>>
    tpu.wait_indirect_dma semaphore(%dma_wait3A_119 : memref<!tpu.dma_semaphore, #tpu.memory_space<semaphore_mem>>) src(%dma_wait3A_117 : memref<10240x128xf32, #tpu.memory_space<hbm>>) dst(%dma_wait3A_111 : memref<80x128xf32, #tpu.memory_space<vmem>>)
    %dma_start3A_120 = arith.constant 1 : i32
    %dma_start3A_121 = arith.constant 61 : i32
    %dma_start3A_122 = arith.constant 1 : i32
    %dma_start3A_123 = arith.constant 0 : i32
    %dma_start3A_124 = arith.constant 0 : i32
    %dma_start3A_125 = tpu.memref_slice %arg9[%dma_start3A_120, %dma_start3A_123, %dma_start3A_124] : memref<3x80x128xf32, #tpu.memory_space<vmem>> -> memref<1x80x128xf32, #tpu.memory_space<vmem>>
    %dma_start3A_126 = tpu.memref_squeeze %dma_start3A_125 : memref<1x80x128xf32, #tpu.memory_space<vmem>> -> memref<80x128xf32, #tpu.memory_space<vmem>>
    %dma_start3A_127 = arith.constant 0 : i32
    %dma_start3A_128 = tpu.memref_slice %arg8[%dma_start3A_121, %dma_start3A_127] : memref<63x80xi32, #tpu.memory_space<vmem>> -> memref<1x80xi32, #tpu.memory_space<vmem>>
    %dma_start3A_129 = tpu.memref_squeeze %dma_start3A_128 : memref<1x80xi32, #tpu.memory_space<vmem>> -> memref<80xi32, #tpu.memory_space<vmem>>
    %dma_start3A_130 = arith.constant 0 : i32
    %dma_start3A_131 = arith.constant 0 : i32
    %dma_start3A_132 = tpu.memref_slice %arg10[%dma_start3A_130, %dma_start3A_131] : memref<10240x128xf32, #tpu.memory_space<vmem_shared>> -> memref<10240x128xf32, #tpu.memory_space<vmem_shared>>
    %dma_start3A_133 = tpu.memref_slice %arg12[%dma_start3A_122] : memref<3x!tpu.dma_semaphore, #tpu.memory_space<semaphore_mem>> -> memref<1x!tpu.dma_semaphore, #tpu.memory_space<semaphore_mem>>
    %dma_start3A_134 = tpu.memref_squeeze %dma_start3A_133 : memref<1x!tpu.dma_semaphore, #tpu.memory_space<semaphore_mem>> -> memref<!tpu.dma_semaphore, #tpu.memory_space<semaphore_mem>>
    tpu.enqueue_indirect_dma source(%dma_start3A_126 : memref<80x128xf32, #tpu.memory_space<vmem>>) target(%dma_start3A_132 : memref<10240x128xf32, #tpu.memory_space<vmem_shared>>) offsets(%dma_start3A_129 : memref<80xi32, #tpu.memory_space<vmem>>) semaphore(%dma_start3A_134 : memref<!tpu.dma_semaphore, #tpu.memory_space<semaphore_mem>>) {add = true}
    %dma_wait3A_135 = arith.constant 1 : i32
    %dma_wait3A_136 = arith.constant 0 : i32
    %dma_wait3A_137 = arith.constant 1 : i32
    %dma_wait3A_138 = arith.constant 0 : i32
    %dma_wait3A_139 = arith.constant 0 : i32
    %dma_wait3A_140 = tpu.memref_slice %arg9[%dma_wait3A_135, %dma_wait3A_138, %dma_wait3A_139] : memref<3x80x128xf32, #tpu.memory_space<vmem>> -> memref<1x80x128xf32, #tpu.memory_space<vmem>>
    %dma_wait3A_141 = tpu.memref_squeeze %dma_wait3A_140 : memref<1x80x128xf32, #tpu.memory_space<vmem>> -> memref<80x128xf32, #tpu.memory_space<vmem>>
    %dma_wait3A_142 = arith.constant 0 : i32
    %dma_wait3A_143 = tpu.memref_slice %arg8[%dma_wait3A_136, %dma_wait3A_142] : memref<63x80xi32, #tpu.memory_space<vmem>> -> memref<1x80xi32, #tpu.memory_space<vmem>>
    %dma_wait3A_144 = tpu.memref_squeeze %dma_wait3A_143 : memref<1x80xi32, #tpu.memory_space<vmem>> -> memref<80xi32, #tpu.memory_space<vmem>>
    %dma_wait3A_145 = arith.constant 0 : i32
    %dma_wait3A_146 = arith.constant 0 : i32
    %dma_wait3A_147 = tpu.memref_slice %arg10[%dma_wait3A_145, %dma_wait3A_146] : memref<10240x128xf32, #tpu.memory_space<vmem_shared>> -> memref<10240x128xf32, #tpu.memory_space<vmem_shared>>
    %dma_wait3A_148 = tpu.memref_slice %arg12[%dma_wait3A_137] : memref<3x!tpu.dma_semaphore, #tpu.memory_space<semaphore_mem>> -> memref<1x!tpu.dma_semaphore, #tpu.memory_space<semaphore_mem>>
    %dma_wait3A_149 = tpu.memref_squeeze %dma_wait3A_148 : memref<1x!tpu.dma_semaphore, #tpu.memory_space<semaphore_mem>> -> memref<!tpu.dma_semaphore, #tpu.memory_space<semaphore_mem>>
    tpu.wait_indirect_dma semaphore(%dma_wait3A_149 : memref<!tpu.dma_semaphore, #tpu.memory_space<semaphore_mem>>) src(%dma_wait3A_141 : memref<80x128xf32, #tpu.memory_space<vmem>>) dst(%dma_wait3A_147 : memref<10240x128xf32, #tpu.memory_space<vmem_shared>>)
    %dma_wait3A_150 = arith.constant 0 : i32
    %dma_wait3A_151 = arith.constant 2 : i32
    %dma_wait3A_152 = arith.constant 2 : i32
    %dma_wait3A_153 = arith.constant 0 : i32
    %dma_wait3A_154 = arith.constant 0 : i32
    %dma_wait3A_155 = tpu.memref_slice %arg9[%dma_wait3A_151, %dma_wait3A_153, %dma_wait3A_154] : memref<3x80x128xf32, #tpu.memory_space<vmem>> -> memref<1x80x128xf32, #tpu.memory_space<vmem>>
    %dma_wait3A_156 = tpu.memref_squeeze %dma_wait3A_155 : memref<1x80x128xf32, #tpu.memory_space<vmem>> -> memref<80x128xf32, #tpu.memory_space<vmem>>
    %dma_wait3A_157 = arith.constant 0 : i32
    %dma_wait3A_158 = tpu.memref_slice %arg7[%dma_wait3A_150, %dma_wait3A_157] : memref<63x80xi32, #tpu.memory_space<vmem>> -> memref<1x80xi32, #tpu.memory_space<vmem>>
    %dma_wait3A_159 = tpu.memref_squeeze %dma_wait3A_158 : memref<1x80xi32, #tpu.memory_space<vmem>> -> memref<80xi32, #tpu.memory_space<vmem>>
    %dma_wait3A_160 = arith.constant 0 : i32
    %dma_wait3A_161 = arith.constant 0 : i32
    %dma_wait3A_162 = tpu.memref_slice %arg2[%dma_wait3A_160, %dma_wait3A_161] : memref<10240x128xf32, #tpu.memory_space<hbm>> -> memref<10240x128xf32, #tpu.memory_space<hbm>>
    %dma_wait3A_163 = tpu.memref_slice %arg11[%dma_wait3A_152] : memref<3x!tpu.dma_semaphore, #tpu.memory_space<semaphore_mem>> -> memref<1x!tpu.dma_semaphore, #tpu.memory_space<semaphore_mem>>
    %dma_wait3A_164 = tpu.memref_squeeze %dma_wait3A_163 : memref<1x!tpu.dma_semaphore, #tpu.memory_space<semaphore_mem>> -> memref<!tpu.dma_semaphore, #tpu.memory_space<semaphore_mem>>
    tpu.wait_indirect_dma semaphore(%dma_wait3A_164 : memref<!tpu.dma_semaphore, #tpu.memory_space<semaphore_mem>>) src(%dma_wait3A_162 : memref<10240x128xf32, #tpu.memory_space<hbm>>) dst(%dma_wait3A_156 : memref<80x128xf32, #tpu.memory_space<vmem>>)
    %dma_start3A_165 = arith.constant 2 : i32
    %dma_start3A_166 = arith.constant 62 : i32
    %dma_start3A_167 = arith.constant 2 : i32
    %dma_start3A_168 = arith.constant 0 : i32
    %dma_start3A_169 = arith.constant 0 : i32
    %dma_start3A_170 = tpu.memref_slice %arg9[%dma_start3A_165, %dma_start3A_168, %dma_start3A_169] : memref<3x80x128xf32, #tpu.memory_space<vmem>> -> memref<1x80x128xf32, #tpu.memory_space<vmem>>
    %dma_start3A_171 = tpu.memref_squeeze %dma_start3A_170 : memref<1x80x128xf32, #tpu.memory_space<vmem>> -> memref<80x128xf32, #tpu.memory_space<vmem>>
    %dma_start3A_172 = arith.constant 0 : i32
    %dma_start3A_173 = tpu.memref_slice %arg8[%dma_start3A_166, %dma_start3A_172] : memref<63x80xi32, #tpu.memory_space<vmem>> -> memref<1x80xi32, #tpu.memory_space<vmem>>
    %dma_start3A_174 = tpu.memref_squeeze %dma_start3A_173 : memref<1x80xi32, #tpu.memory_space<vmem>> -> memref<80xi32, #tpu.memory_space<vmem>>
    %dma_start3A_175 = arith.constant 0 : i32
    %dma_start3A_176 = arith.constant 0 : i32
    %dma_start3A_177 = tpu.memref_slice %arg10[%dma_start3A_175, %dma_start3A_176] : memref<10240x128xf32, #tpu.memory_space<vmem_shared>> -> memref<10240x128xf32, #tpu.memory_space<vmem_shared>>
    %dma_start3A_178 = tpu.memref_slice %arg12[%dma_start3A_167] : memref<3x!tpu.dma_semaphore, #tpu.memory_space<semaphore_mem>> -> memref<1x!tpu.dma_semaphore, #tpu.memory_space<semaphore_mem>>
    %dma_start3A_179 = tpu.memref_squeeze %dma_start3A_178 : memref<1x!tpu.dma_semaphore, #tpu.memory_space<semaphore_mem>> -> memref<!tpu.dma_semaphore, #tpu.memory_space<semaphore_mem>>
    tpu.enqueue_indirect_dma source(%dma_start3A_171 : memref<80x128xf32, #tpu.memory_space<vmem>>) target(%dma_start3A_177 : memref<10240x128xf32, #tpu.memory_space<vmem_shared>>) offsets(%dma_start3A_174 : memref<80xi32, #tpu.memory_space<vmem>>) semaphore(%dma_start3A_179 : memref<!tpu.dma_semaphore, #tpu.memory_space<semaphore_mem>>) {add = true}
    %dma_wait3A_180 = arith.constant 2 : i32
    %dma_wait3A_181 = arith.constant 0 : i32
    %dma_wait3A_182 = arith.constant 2 : i32
    %dma_wait3A_183 = arith.constant 0 : i32
    %dma_wait3A_184 = arith.constant 0 : i32
    %dma_wait3A_185 = tpu.memref_slice %arg9[%dma_wait3A_180, %dma_wait3A_183, %dma_wait3A_184] : memref<3x80x128xf32, #tpu.memory_space<vmem>> -> memref<1x80x128xf32, #tpu.memory_space<vmem>>
    %dma_wait3A_186 = tpu.memref_squeeze %dma_wait3A_185 : memref<1x80x128xf32, #tpu.memory_space<vmem>> -> memref<80x128xf32, #tpu.memory_space<vmem>>
    %dma_wait3A_187 = arith.constant 0 : i32
    %dma_wait3A_188 = tpu.memref_slice %arg8[%dma_wait3A_181, %dma_wait3A_187] : memref<63x80xi32, #tpu.memory_space<vmem>> -> memref<1x80xi32, #tpu.memory_space<vmem>>
    %dma_wait3A_189 = tpu.memref_squeeze %dma_wait3A_188 : memref<1x80xi32, #tpu.memory_space<vmem>> -> memref<80xi32, #tpu.memory_space<vmem>>
    %dma_wait3A_190 = arith.constant 0 : i32
    %dma_wait3A_191 = arith.constant 0 : i32
    %dma_wait3A_192 = tpu.memref_slice %arg10[%dma_wait3A_190, %dma_wait3A_191] : memref<10240x128xf32, #tpu.memory_space<vmem_shared>> -> memref<10240x128xf32, #tpu.memory_space<vmem_shared>>
    %dma_wait3A_193 = tpu.memref_slice %arg12[%dma_wait3A_182] : memref<3x!tpu.dma_semaphore, #tpu.memory_space<semaphore_mem>> -> memref<1x!tpu.dma_semaphore, #tpu.memory_space<semaphore_mem>>
    %dma_wait3A_194 = tpu.memref_squeeze %dma_wait3A_193 : memref<1x!tpu.dma_semaphore, #tpu.memory_space<semaphore_mem>> -> memref<!tpu.dma_semaphore, #tpu.memory_space<semaphore_mem>>
    tpu.wait_indirect_dma semaphore(%dma_wait3A_194 : memref<!tpu.dma_semaphore, #tpu.memory_space<semaphore_mem>>) src(%dma_wait3A_186 : memref<80x128xf32, #tpu.memory_space<vmem>>) dst(%dma_wait3A_192 : memref<10240x128xf32, #tpu.memory_space<vmem_shared>>)
    %mul3A_195 = arith.constant 2 : i32
    %mul3A_196 = arith.muli %add3A, %mul3A_195 : i32
    %add3A_197 = arith.constant 1 : i32
    %add3A_198 = arith.addi %mul3A_196, %add3A_197 : i32
    "tpu.region"() ({
      %run_scoped3A = tpu.sem_alloc : memref<!tpu.dma_semaphore, #tpu.memory_space<semaphore_mem>>
      %dma_start3A_388 = arith.constant 0 : i32
      %dma_start3A_389 = arith.constant 0 : i32
      %dma_start3A_390 = tpu.memref_slice %arg3[%add3A_198, %dma_start3A_388, %dma_start3A_389] : memref<64x63x80xi32, #tpu.memory_space<hbm>> -> memref<1x63x80xi32, #tpu.memory_space<hbm>>
      %dma_start3A_391 = tpu.memref_squeeze %dma_start3A_390 : memref<1x63x80xi32, #tpu.memory_space<hbm>> -> memref<63x80xi32, #tpu.memory_space<hbm>>
      %dma_start3A_392 = arith.constant 0 : i32
      %dma_start3A_393 = arith.constant 0 : i32
      %dma_start3A_394 = tpu.memref_slice %arg3[%add3A_198, %dma_start3A_392, %dma_start3A_393] : memref<64x63x80xi32, #tpu.memory_space<hbm>> -> memref<1x63x80xi32, #tpu.memory_space<hbm>>
      %dma_start3A_395 = tpu.memref_squeeze %dma_start3A_394 : memref<1x63x80xi32, #tpu.memory_space<hbm>> -> memref<63x80xi32, #tpu.memory_space<hbm>>
      tpu.enqueue_dma source(%dma_start3A_395 : memref<63x80xi32, #tpu.memory_space<hbm>>) target(%arg7 : memref<63x80xi32, #tpu.memory_space<vmem>>) target_semaphore(%run_scoped3A : memref<!tpu.dma_semaphore, #tpu.memory_space<semaphore_mem>>)
      %dma_wait3A_396 = arith.constant 0 : i32
      %dma_wait3A_397 = arith.constant 0 : i32
      %dma_wait3A_398 = tpu.memref_slice %arg3[%add3A_198, %dma_wait3A_396, %dma_wait3A_397] : memref<64x63x80xi32, #tpu.memory_space<hbm>> -> memref<1x63x80xi32, #tpu.memory_space<hbm>>
      %dma_wait3A_399 = tpu.memref_squeeze %dma_wait3A_398 : memref<1x63x80xi32, #tpu.memory_space<hbm>> -> memref<63x80xi32, #tpu.memory_space<hbm>>
      %dma_wait3A_400 = arith.constant 0 : i32
      %dma_wait3A_401 = arith.constant 0 : i32
      %dma_wait3A_402 = tpu.memref_slice %arg3[%add3A_198, %dma_wait3A_400, %dma_wait3A_401] : memref<64x63x80xi32, #tpu.memory_space<hbm>> -> memref<1x63x80xi32, #tpu.memory_space<hbm>>
      %dma_wait3A_403 = tpu.memref_squeeze %dma_wait3A_402 : memref<1x63x80xi32, #tpu.memory_space<hbm>> -> memref<63x80xi32, #tpu.memory_space<hbm>>
      tpu.wait_dma2 semaphore(%run_scoped3A : memref<!tpu.dma_semaphore, #tpu.memory_space<semaphore_mem>>) src(%dma_wait3A_403 : memref<63x80xi32, #tpu.memory_space<hbm>>) dst(%arg7 : memref<63x80xi32, #tpu.memory_space<vmem>>)
      tpu.yield
    }) : () -> ()
    "tpu.region"() ({
      %run_scoped3A = tpu.sem_alloc : memref<!tpu.dma_semaphore, #tpu.memory_space<semaphore_mem>>
      %dma_start3A_388 = arith.constant 0 : i32
      %dma_start3A_389 = arith.constant 0 : i32
      %dma_start3A_390 = tpu.memref_slice %arg4[%add3A_198, %dma_start3A_388, %dma_start3A_389] : memref<64x63x80xi32, #tpu.memory_space<hbm>> -> memref<1x63x80xi32, #tpu.memory_space<hbm>>
      %dma_start3A_391 = tpu.memref_squeeze %dma_start3A_390 : memref<1x63x80xi32, #tpu.memory_space<hbm>> -> memref<63x80xi32, #tpu.memory_space<hbm>>
      %dma_start3A_392 = arith.constant 0 : i32
      %dma_start3A_393 = arith.constant 0 : i32
      %dma_start3A_394 = tpu.memref_slice %arg4[%add3A_198, %dma_start3A_392, %dma_start3A_393] : memref<64x63x80xi32, #tpu.memory_space<hbm>> -> memref<1x63x80xi32, #tpu.memory_space<hbm>>
      %dma_start3A_395 = tpu.memref_squeeze %dma_start3A_394 : memref<1x63x80xi32, #tpu.memory_space<hbm>> -> memref<63x80xi32, #tpu.memory_space<hbm>>
      tpu.enqueue_dma source(%dma_start3A_395 : memref<63x80xi32, #tpu.memory_space<hbm>>) target(%arg8 : memref<63x80xi32, #tpu.memory_space<vmem>>) target_semaphore(%run_scoped3A : memref<!tpu.dma_semaphore, #tpu.memory_space<semaphore_mem>>)
      %dma_wait3A_396 = arith.constant 0 : i32
      %dma_wait3A_397 = arith.constant 0 : i32
      %dma_wait3A_398 = tpu.memref_slice %arg4[%add3A_198, %dma_wait3A_396, %dma_wait3A_397] : memref<64x63x80xi32, #tpu.memory_space<hbm>> -> memref<1x63x80xi32, #tpu.memory_space<hbm>>
      %dma_wait3A_399 = tpu.memref_squeeze %dma_wait3A_398 : memref<1x63x80xi32, #tpu.memory_space<hbm>> -> memref<63x80xi32, #tpu.memory_space<hbm>>
      %dma_wait3A_400 = arith.constant 0 : i32
      %dma_wait3A_401 = arith.constant 0 : i32
      %dma_wait3A_402 = tpu.memref_slice %arg4[%add3A_198, %dma_wait3A_400, %dma_wait3A_401] : memref<64x63x80xi32, #tpu.memory_space<hbm>> -> memref<1x63x80xi32, #tpu.memory_space<hbm>>
      %dma_wait3A_403 = tpu.memref_squeeze %dma_wait3A_402 : memref<1x63x80xi32, #tpu.memory_space<hbm>> -> memref<63x80xi32, #tpu.memory_space<hbm>>
      tpu.wait_dma2 semaphore(%run_scoped3A : memref<!tpu.dma_semaphore, #tpu.memory_space<semaphore_mem>>) src(%dma_wait3A_403 : memref<63x80xi32, #tpu.memory_space<hbm>>) dst(%arg8 : memref<63x80xi32, #tpu.memory_space<vmem>>)
      tpu.yield
    }) : () -> ()
    %dma_start3A_199 = arith.constant 0 : i32
    %dma_start3A_200 = arith.constant 0 : i32
    %dma_start3A_201 = arith.constant 0 : i32
    %dma_start3A_202 = arith.constant 0 : i32
    %dma_start3A_203 = arith.constant 0 : i32
    %dma_start3A_204 = tpu.memref_slice %arg9[%dma_start3A_200, %dma_start3A_202, %dma_start3A_203] : memref<3x80x128xf32, #tpu.memory_space<vmem>> -> memref<1x80x128xf32, #tpu.memory_space<vmem>>
    %dma_start3A_205 = tpu.memref_squeeze %dma_start3A_204 : memref<1x80x128xf32, #tpu.memory_space<vmem>> -> memref<80x128xf32, #tpu.memory_space<vmem>>
    %dma_start3A_206 = arith.constant 0 : i32
    %dma_start3A_207 = tpu.memref_slice %arg7[%dma_start3A_199, %dma_start3A_206] : memref<63x80xi32, #tpu.memory_space<vmem>> -> memref<1x80xi32, #tpu.memory_space<vmem>>
    %dma_start3A_208 = tpu.memref_squeeze %dma_start3A_207 : memref<1x80xi32, #tpu.memory_space<vmem>> -> memref<80xi32, #tpu.memory_space<vmem>>
    %dma_start3A_209 = arith.constant 0 : i32
    %dma_start3A_210 = arith.constant 0 : i32
    %dma_start3A_211 = tpu.memref_slice %arg2[%dma_start3A_209, %dma_start3A_210] : memref<10240x128xf32, #tpu.memory_space<hbm>> -> memref<10240x128xf32, #tpu.memory_space<hbm>>
    %dma_start3A_212 = tpu.memref_slice %arg11[%dma_start3A_201] : memref<3x!tpu.dma_semaphore, #tpu.memory_space<semaphore_mem>> -> memref<1x!tpu.dma_semaphore, #tpu.memory_space<semaphore_mem>>
    %dma_start3A_213 = tpu.memref_squeeze %dma_start3A_212 : memref<1x!tpu.dma_semaphore, #tpu.memory_space<semaphore_mem>> -> memref<!tpu.dma_semaphore, #tpu.memory_space<semaphore_mem>>
    tpu.enqueue_indirect_dma source(%dma_start3A_211 : memref<10240x128xf32, #tpu.memory_space<hbm>>) target(%dma_start3A_205 : memref<80x128xf32, #tpu.memory_space<vmem>>) offsets(%dma_start3A_208 : memref<80xi32, #tpu.memory_space<vmem>>) semaphore(%dma_start3A_213 : memref<!tpu.dma_semaphore, #tpu.memory_space<semaphore_mem>>)
    %dma_start3A_214 = arith.constant 1 : i32
    %dma_start3A_215 = arith.constant 1 : i32
    %dma_start3A_216 = arith.constant 1 : i32
    %dma_start3A_217 = arith.constant 0 : i32
    %dma_start3A_218 = arith.constant 0 : i32
    %dma_start3A_219 = tpu.memref_slice %arg9[%dma_start3A_215, %dma_start3A_217, %dma_start3A_218] : memref<3x80x128xf32, #tpu.memory_space<vmem>> -> memref<1x80x128xf32, #tpu.memory_space<vmem>>
    %dma_start3A_220 = tpu.memref_squeeze %dma_start3A_219 : memref<1x80x128xf32, #tpu.memory_space<vmem>> -> memref<80x128xf32, #tpu.memory_space<vmem>>
    %dma_start3A_221 = arith.constant 0 : i32
    %dma_start3A_222 = tpu.memref_slice %arg7[%dma_start3A_214, %dma_start3A_221] : memref<63x80xi32, #tpu.memory_space<vmem>> -> memref<1x80xi32, #tpu.memory_space<vmem>>
    %dma_start3A_223 = tpu.memref_squeeze %dma_start3A_222 : memref<1x80xi32, #tpu.memory_space<vmem>> -> memref<80xi32, #tpu.memory_space<vmem>>
    %dma_start3A_224 = arith.constant 0 : i32
    %dma_start3A_225 = arith.constant 0 : i32
    %dma_start3A_226 = tpu.memref_slice %arg2[%dma_start3A_224, %dma_start3A_225] : memref<10240x128xf32, #tpu.memory_space<hbm>> -> memref<10240x128xf32, #tpu.memory_space<hbm>>
    %dma_start3A_227 = tpu.memref_slice %arg11[%dma_start3A_216] : memref<3x!tpu.dma_semaphore, #tpu.memory_space<semaphore_mem>> -> memref<1x!tpu.dma_semaphore, #tpu.memory_space<semaphore_mem>>
    %dma_start3A_228 = tpu.memref_squeeze %dma_start3A_227 : memref<1x!tpu.dma_semaphore, #tpu.memory_space<semaphore_mem>> -> memref<!tpu.dma_semaphore, #tpu.memory_space<semaphore_mem>>
    tpu.enqueue_indirect_dma source(%dma_start3A_226 : memref<10240x128xf32, #tpu.memory_space<hbm>>) target(%dma_start3A_220 : memref<80x128xf32, #tpu.memory_space<vmem>>) offsets(%dma_start3A_223 : memref<80xi32, #tpu.memory_space<vmem>>) semaphore(%dma_start3A_228 : memref<!tpu.dma_semaphore, #tpu.memory_space<semaphore_mem>>)
    %dma_start3A_229 = arith.constant 2 : i32
    %dma_start3A_230 = arith.constant 2 : i32
    %dma_start3A_231 = arith.constant 2 : i32
    %dma_start3A_232 = arith.constant 0 : i32
    %dma_start3A_233 = arith.constant 0 : i32
    %dma_start3A_234 = tpu.memref_slice %arg9[%dma_start3A_230, %dma_start3A_232, %dma_start3A_233] : memref<3x80x128xf32, #tpu.memory_space<vmem>> -> memref<1x80x128xf32, #tpu.memory_space<vmem>>
    %dma_start3A_235 = tpu.memref_squeeze %dma_start3A_234 : memref<1x80x128xf32, #tpu.memory_space<vmem>> -> memref<80x128xf32, #tpu.memory_space<vmem>>
    %dma_start3A_236 = arith.constant 0 : i32
    %dma_start3A_237 = tpu.memref_slice %arg7[%dma_start3A_229, %dma_start3A_236] : memref<63x80xi32, #tpu.memory_space<vmem>> -> memref<1x80xi32, #tpu.memory_space<vmem>>
    %dma_start3A_238 = tpu.memref_squeeze %dma_start3A_237 : memref<1x80xi32, #tpu.memory_space<vmem>> -> memref<80xi32, #tpu.memory_space<vmem>>
    %dma_start3A_239 = arith.constant 0 : i32
    %dma_start3A_240 = arith.constant 0 : i32
    %dma_start3A_241 = tpu.memref_slice %arg2[%dma_start3A_239, %dma_start3A_240] : memref<10240x128xf32, #tpu.memory_space<hbm>> -> memref<10240x128xf32, #tpu.memory_space<hbm>>
    %dma_start3A_242 = tpu.memref_slice %arg11[%dma_start3A_231] : memref<3x!tpu.dma_semaphore, #tpu.memory_space<semaphore_mem>> -> memref<1x!tpu.dma_semaphore, #tpu.memory_space<semaphore_mem>>
    %dma_start3A_243 = tpu.memref_squeeze %dma_start3A_242 : memref<1x!tpu.dma_semaphore, #tpu.memory_space<semaphore_mem>> -> memref<!tpu.dma_semaphore, #tpu.memory_space<semaphore_mem>>
    tpu.enqueue_indirect_dma source(%dma_start3A_241 : memref<10240x128xf32, #tpu.memory_space<hbm>>) target(%dma_start3A_235 : memref<80x128xf32, #tpu.memory_space<vmem>>) offsets(%dma_start3A_238 : memref<80xi32, #tpu.memory_space<vmem>>) semaphore(%dma_start3A_243 : memref<!tpu.dma_semaphore, #tpu.memory_space<semaphore_mem>>)
    %scan3A_244 = arith.constant 0 : i32
    %scan3A_245 = arith.constant 0 : i32
    %scan3A_246 = arith.constant 20 : i32
    %scan3A_247 = arith.addi %scan3A_245, %scan3A_246 : i32
    %scan3A_248 = arith.constant 1 : i32
    scf.for %scan3A_388 = %scan3A_245 to %scan3A_247 step %scan3A_248  : i32 {
      %mul3A_389 = arith.constant 3 : i32
      %mul3A_390 = arith.muli %mul3A_389, %scan3A_388 : i32
      %add3A_391 = arith.constant 0 : i32
      %add3A_392 = arith.addi %mul3A_390, %add3A_391 : i32
      %dma_wait3A_393 = arith.constant 0 : i32
      %dma_wait3A_394 = arith.constant 0 : i32
      %dma_wait3A_395 = arith.constant 0 : i32
      %dma_wait3A_396 = arith.constant 0 : i32
      %dma_wait3A_397 = arith.constant 0 : i32
      %dma_wait3A_398 = tpu.memref_slice %arg9[%dma_wait3A_394, %dma_wait3A_396, %dma_wait3A_397] : memref<3x80x128xf32, #tpu.memory_space<vmem>> -> memref<1x80x128xf32, #tpu.memory_space<vmem>>
      %dma_wait3A_399 = tpu.memref_squeeze %dma_wait3A_398 : memref<1x80x128xf32, #tpu.memory_space<vmem>> -> memref<80x128xf32, #tpu.memory_space<vmem>>
      %dma_wait3A_400 = arith.constant 0 : i32
      %dma_wait3A_401 = tpu.memref_slice %arg7[%dma_wait3A_393, %dma_wait3A_400] : memref<63x80xi32, #tpu.memory_space<vmem>> -> memref<1x80xi32, #tpu.memory_space<vmem>>
      %dma_wait3A_402 = tpu.memref_squeeze %dma_wait3A_401 : memref<1x80xi32, #tpu.memory_space<vmem>> -> memref<80xi32, #tpu.memory_space<vmem>>
      %dma_wait3A_403 = arith.constant 0 : i32
      %dma_wait3A_404 = arith.constant 0 : i32
      %dma_wait3A_405 = tpu.memref_slice %arg2[%dma_wait3A_403, %dma_wait3A_404] : memref<10240x128xf32, #tpu.memory_space<hbm>> -> memref<10240x128xf32, #tpu.memory_space<hbm>>
      %dma_wait3A_406 = tpu.memref_slice %arg11[%dma_wait3A_395] : memref<3x!tpu.dma_semaphore, #tpu.memory_space<semaphore_mem>> -> memref<1x!tpu.dma_semaphore, #tpu.memory_space<semaphore_mem>>
      %dma_wait3A_407 = tpu.memref_squeeze %dma_wait3A_406 : memref<1x!tpu.dma_semaphore, #tpu.memory_space<semaphore_mem>> -> memref<!tpu.dma_semaphore, #tpu.memory_space<semaphore_mem>>
      tpu.wait_indirect_dma semaphore(%dma_wait3A_407 : memref<!tpu.dma_semaphore, #tpu.memory_space<semaphore_mem>>) src(%dma_wait3A_405 : memref<10240x128xf32, #tpu.memory_space<hbm>>) dst(%dma_wait3A_399 : memref<80x128xf32, #tpu.memory_space<vmem>>)
      %dma_start3A_408 = arith.constant 0 : i32
      %dma_start3A_409 = arith.constant 0 : i32
      %dma_start3A_410 = arith.constant 0 : i32
      %dma_start3A_411 = arith.constant 0 : i32
      %dma_start3A_412 = tpu.memref_slice %arg9[%dma_start3A_408, %dma_start3A_410, %dma_start3A_411] : memref<3x80x128xf32, #tpu.memory_space<vmem>> -> memref<1x80x128xf32, #tpu.memory_space<vmem>>
      %dma_start3A_413 = tpu.memref_squeeze %dma_start3A_412 : memref<1x80x128xf32, #tpu.memory_space<vmem>> -> memref<80x128xf32, #tpu.memory_space<vmem>>
      %dma_start3A_414 = arith.constant 0 : i32
      %dma_start3A_415 = tpu.memref_slice %arg8[%add3A_392, %dma_start3A_414] : memref<63x80xi32, #tpu.memory_space<vmem>> -> memref<1x80xi32, #tpu.memory_space<vmem>>
      %dma_start3A_416 = tpu.memref_squeeze %dma_start3A_415 : memref<1x80xi32, #tpu.memory_space<vmem>> -> memref<80xi32, #tpu.memory_space<vmem>>
      %dma_start3A_417 = arith.constant 0 : i32
      %dma_start3A_418 = arith.constant 0 : i32
      %dma_start3A_419 = tpu.memref_slice %arg10[%dma_start3A_417, %dma_start3A_418] : memref<10240x128xf32, #tpu.memory_space<vmem_shared>> -> memref<10240x128xf32, #tpu.memory_space<vmem_shared>>
      %dma_start3A_420 = tpu.memref_slice %arg12[%dma_start3A_409] : memref<3x!tpu.dma_semaphore, #tpu.memory_space<semaphore_mem>> -> memref<1x!tpu.dma_semaphore, #tpu.memory_space<semaphore_mem>>
      %dma_start3A_421 = tpu.memref_squeeze %dma_start3A_420 : memref<1x!tpu.dma_semaphore, #tpu.memory_space<semaphore_mem>> -> memref<!tpu.dma_semaphore, #tpu.memory_space<semaphore_mem>>
      tpu.enqueue_indirect_dma source(%dma_start3A_413 : memref<80x128xf32, #tpu.memory_space<vmem>>) target(%dma_start3A_419 : memref<10240x128xf32, #tpu.memory_space<vmem_shared>>) offsets(%dma_start3A_416 : memref<80xi32, #tpu.memory_space<vmem>>) semaphore(%dma_start3A_421 : memref<!tpu.dma_semaphore, #tpu.memory_space<semaphore_mem>>) {add = true}
      %dma_wait3A_422 = arith.constant 0 : i32
      %dma_wait3A_423 = arith.constant 0 : i32
      %dma_wait3A_424 = arith.constant 0 : i32
      %dma_wait3A_425 = arith.constant 0 : i32
      %dma_wait3A_426 = arith.constant 0 : i32
      %dma_wait3A_427 = tpu.memref_slice %arg9[%dma_wait3A_422, %dma_wait3A_425, %dma_wait3A_426] : memref<3x80x128xf32, #tpu.memory_space<vmem>> -> memref<1x80x128xf32, #tpu.memory_space<vmem>>
      %dma_wait3A_428 = tpu.memref_squeeze %dma_wait3A_427 : memref<1x80x128xf32, #tpu.memory_space<vmem>> -> memref<80x128xf32, #tpu.memory_space<vmem>>
      %dma_wait3A_429 = arith.constant 0 : i32
      %dma_wait3A_430 = tpu.memref_slice %arg8[%dma_wait3A_423, %dma_wait3A_429] : memref<63x80xi32, #tpu.memory_space<vmem>> -> memref<1x80xi32, #tpu.memory_space<vmem>>
      %dma_wait3A_431 = tpu.memref_squeeze %dma_wait3A_430 : memref<1x80xi32, #tpu.memory_space<vmem>> -> memref<80xi32, #tpu.memory_space<vmem>>
      %dma_wait3A_432 = arith.constant 0 : i32
      %dma_wait3A_433 = arith.constant 0 : i32
      %dma_wait3A_434 = tpu.memref_slice %arg10[%dma_wait3A_432, %dma_wait3A_433] : memref<10240x128xf32, #tpu.memory_space<vmem_shared>> -> memref<10240x128xf32, #tpu.memory_space<vmem_shared>>
      %dma_wait3A_435 = tpu.memref_slice %arg12[%dma_wait3A_424] : memref<3x!tpu.dma_semaphore, #tpu.memory_space<semaphore_mem>> -> memref<1x!tpu.dma_semaphore, #tpu.memory_space<semaphore_mem>>
      %dma_wait3A_436 = tpu.memref_squeeze %dma_wait3A_435 : memref<1x!tpu.dma_semaphore, #tpu.memory_space<semaphore_mem>> -> memref<!tpu.dma_semaphore, #tpu.memory_space<semaphore_mem>>
      tpu.wait_indirect_dma semaphore(%dma_wait3A_436 : memref<!tpu.dma_semaphore, #tpu.memory_space<semaphore_mem>>) src(%dma_wait3A_428 : memref<80x128xf32, #tpu.memory_space<vmem>>) dst(%dma_wait3A_434 : memref<10240x128xf32, #tpu.memory_space<vmem_shared>>)
      %add3A_437 = arith.constant 3 : i32
      %add3A_438 = arith.addi %add3A_392, %add3A_437 : i32
      %dma_start3A_439 = arith.constant 0 : i32
      %dma_start3A_440 = arith.constant 0 : i32
      %dma_start3A_441 = arith.constant 0 : i32
      %dma_start3A_442 = arith.constant 0 : i32
      %dma_start3A_443 = tpu.memref_slice %arg9[%dma_start3A_439, %dma_start3A_441, %dma_start3A_442] : memref<3x80x128xf32, #tpu.memory_space<vmem>> -> memref<1x80x128xf32, #tpu.memory_space<vmem>>
      %dma_start3A_444 = tpu.memref_squeeze %dma_start3A_443 : memref<1x80x128xf32, #tpu.memory_space<vmem>> -> memref<80x128xf32, #tpu.memory_space<vmem>>
      %dma_start3A_445 = arith.constant 0 : i32
      %dma_start3A_446 = tpu.memref_slice %arg7[%add3A_438, %dma_start3A_445] : memref<63x80xi32, #tpu.memory_space<vmem>> -> memref<1x80xi32, #tpu.memory_space<vmem>>
      %dma_start3A_447 = tpu.memref_squeeze %dma_start3A_446 : memref<1x80xi32, #tpu.memory_space<vmem>> -> memref<80xi32, #tpu.memory_space<vmem>>
      %dma_start3A_448 = arith.constant 0 : i32
      %dma_start3A_449 = arith.constant 0 : i32
      %dma_start3A_450 = tpu.memref_slice %arg2[%dma_start3A_448, %dma_start3A_449] : memref<10240x128xf32, #tpu.memory_space<hbm>> -> memref<10240x128xf32, #tpu.memory_space<hbm>>
      %dma_start3A_451 = tpu.memref_slice %arg11[%dma_start3A_440] : memref<3x!tpu.dma_semaphore, #tpu.memory_space<semaphore_mem>> -> memref<1x!tpu.dma_semaphore, #tpu.memory_space<semaphore_mem>>
      %dma_start3A_452 = tpu.memref_squeeze %dma_start3A_451 : memref<1x!tpu.dma_semaphore, #tpu.memory_space<semaphore_mem>> -> memref<!tpu.dma_semaphore, #tpu.memory_space<semaphore_mem>>
      tpu.enqueue_indirect_dma source(%dma_start3A_450 : memref<10240x128xf32, #tpu.memory_space<hbm>>) target(%dma_start3A_444 : memref<80x128xf32, #tpu.memory_space<vmem>>) offsets(%dma_start3A_447 : memref<80xi32, #tpu.memory_space<vmem>>) semaphore(%dma_start3A_452 : memref<!tpu.dma_semaphore, #tpu.memory_space<semaphore_mem>>)
      %mul3A_453 = arith.constant 3 : i32
      %mul3A_454 = arith.muli %mul3A_453, %scan3A_388 : i32
      %add3A_455 = arith.constant 1 : i32
      %add3A_456 = arith.addi %mul3A_454, %add3A_455 : i32
      %dma_wait3A_457 = arith.constant 0 : i32
      %dma_wait3A_458 = arith.constant 1 : i32
      %dma_wait3A_459 = arith.constant 1 : i32
      %dma_wait3A_460 = arith.constant 0 : i32
      %dma_wait3A_461 = arith.constant 0 : i32
      %dma_wait3A_462 = tpu.memref_slice %arg9[%dma_wait3A_458, %dma_wait3A_460, %dma_wait3A_461] : memref<3x80x128xf32, #tpu.memory_space<vmem>> -> memref<1x80x128xf32, #tpu.memory_space<vmem>>
      %dma_wait3A_463 = tpu.memref_squeeze %dma_wait3A_462 : memref<1x80x128xf32, #tpu.memory_space<vmem>> -> memref<80x128xf32, #tpu.memory_space<vmem>>
      %dma_wait3A_464 = arith.constant 0 : i32
      %dma_wait3A_465 = tpu.memref_slice %arg7[%dma_wait3A_457, %dma_wait3A_464] : memref<63x80xi32, #tpu.memory_space<vmem>> -> memref<1x80xi32, #tpu.memory_space<vmem>>
      %dma_wait3A_466 = tpu.memref_squeeze %dma_wait3A_465 : memref<1x80xi32, #tpu.memory_space<vmem>> -> memref<80xi32, #tpu.memory_space<vmem>>
      %dma_wait3A_467 = arith.constant 0 : i32
      %dma_wait3A_468 = arith.constant 0 : i32
      %dma_wait3A_469 = tpu.memref_slice %arg2[%dma_wait3A_467, %dma_wait3A_468] : memref<10240x128xf32, #tpu.memory_space<hbm>> -> memref<10240x128xf32, #tpu.memory_space<hbm>>
      %dma_wait3A_470 = tpu.memref_slice %arg11[%dma_wait3A_459] : memref<3x!tpu.dma_semaphore, #tpu.memory_space<semaphore_mem>> -> memref<1x!tpu.dma_semaphore, #tpu.memory_space<semaphore_mem>>
      %dma_wait3A_471 = tpu.memref_squeeze %dma_wait3A_470 : memref<1x!tpu.dma_semaphore, #tpu.memory_space<semaphore_mem>> -> memref<!tpu.dma_semaphore, #tpu.memory_space<semaphore_mem>>
      tpu.wait_indirect_dma semaphore(%dma_wait3A_471 : memref<!tpu.dma_semaphore, #tpu.memory_space<semaphore_mem>>) src(%dma_wait3A_469 : memref<10240x128xf32, #tpu.memory_space<hbm>>) dst(%dma_wait3A_463 : memref<80x128xf32, #tpu.memory_space<vmem>>)
      %dma_start3A_472 = arith.constant 1 : i32
      %dma_start3A_473 = arith.constant 1 : i32
      %dma_start3A_474 = arith.constant 0 : i32
      %dma_start3A_475 = arith.constant 0 : i32
      %dma_start3A_476 = tpu.memref_slice %arg9[%dma_start3A_472, %dma_start3A_474, %dma_start3A_475] : memref<3x80x128xf32, #tpu.memory_space<vmem>> -> memref<1x80x128xf32, #tpu.memory_space<vmem>>
      %dma_start3A_477 = tpu.memref_squeeze %dma_start3A_476 : memref<1x80x128xf32, #tpu.memory_space<vmem>> -> memref<80x128xf32, #tpu.memory_space<vmem>>
      %dma_start3A_478 = arith.constant 0 : i32
      %dma_start3A_479 = tpu.memref_slice %arg8[%add3A_456, %dma_start3A_478] : memref<63x80xi32, #tpu.memory_space<vmem>> -> memref<1x80xi32, #tpu.memory_space<vmem>>
      %dma_start3A_480 = tpu.memref_squeeze %dma_start3A_479 : memref<1x80xi32, #tpu.memory_space<vmem>> -> memref<80xi32, #tpu.memory_space<vmem>>
      %dma_start3A_481 = arith.constant 0 : i32
      %dma_start3A_482 = arith.constant 0 : i32
      %dma_start3A_483 = tpu.memref_slice %arg10[%dma_start3A_481, %dma_start3A_482] : memref<10240x128xf32, #tpu.memory_space<vmem_shared>> -> memref<10240x128xf32, #tpu.memory_space<vmem_shared>>
      %dma_start3A_484 = tpu.memref_slice %arg12[%dma_start3A_473] : memref<3x!tpu.dma_semaphore, #tpu.memory_space<semaphore_mem>> -> memref<1x!tpu.dma_semaphore, #tpu.memory_space<semaphore_mem>>
      %dma_start3A_485 = tpu.memref_squeeze %dma_start3A_484 : memref<1x!tpu.dma_semaphore, #tpu.memory_space<semaphore_mem>> -> memref<!tpu.dma_semaphore, #tpu.memory_space<semaphore_mem>>
      tpu.enqueue_indirect_dma source(%dma_start3A_477 : memref<80x128xf32, #tpu.memory_space<vmem>>) target(%dma_start3A_483 : memref<10240x128xf32, #tpu.memory_space<vmem_shared>>) offsets(%dma_start3A_480 : memref<80xi32, #tpu.memory_space<vmem>>) semaphore(%dma_start3A_485 : memref<!tpu.dma_semaphore, #tpu.memory_space<semaphore_mem>>) {add = true}
      %dma_wait3A_486 = arith.constant 1 : i32
      %dma_wait3A_487 = arith.constant 0 : i32
      %dma_wait3A_488 = arith.constant 1 : i32
      %dma_wait3A_489 = arith.constant 0 : i32
      %dma_wait3A_490 = arith.constant 0 : i32
      %dma_wait3A_491 = tpu.memref_slice %arg9[%dma_wait3A_486, %dma_wait3A_489, %dma_wait3A_490] : memref<3x80x128xf32, #tpu.memory_space<vmem>> -> memref<1x80x128xf32, #tpu.memory_space<vmem>>
      %dma_wait3A_492 = tpu.memref_squeeze %dma_wait3A_491 : memref<1x80x128xf32, #tpu.memory_space<vmem>> -> memref<80x128xf32, #tpu.memory_space<vmem>>
      %dma_wait3A_493 = arith.constant 0 : i32
      %dma_wait3A_494 = tpu.memref_slice %arg8[%dma_wait3A_487, %dma_wait3A_493] : memref<63x80xi32, #tpu.memory_space<vmem>> -> memref<1x80xi32, #tpu.memory_space<vmem>>
      %dma_wait3A_495 = tpu.memref_squeeze %dma_wait3A_494 : memref<1x80xi32, #tpu.memory_space<vmem>> -> memref<80xi32, #tpu.memory_space<vmem>>
      %dma_wait3A_496 = arith.constant 0 : i32
      %dma_wait3A_497 = arith.constant 0 : i32
      %dma_wait3A_498 = tpu.memref_slice %arg10[%dma_wait3A_496, %dma_wait3A_497] : memref<10240x128xf32, #tpu.memory_space<vmem_shared>> -> memref<10240x128xf32, #tpu.memory_space<vmem_shared>>
      %dma_wait3A_499 = tpu.memref_slice %arg12[%dma_wait3A_488] : memref<3x!tpu.dma_semaphore, #tpu.memory_space<semaphore_mem>> -> memref<1x!tpu.dma_semaphore, #tpu.memory_space<semaphore_mem>>
      %dma_wait3A_500 = tpu.memref_squeeze %dma_wait3A_499 : memref<1x!tpu.dma_semaphore, #tpu.memory_space<semaphore_mem>> -> memref<!tpu.dma_semaphore, #tpu.memory_space<semaphore_mem>>
      tpu.wait_indirect_dma semaphore(%dma_wait3A_500 : memref<!tpu.dma_semaphore, #tpu.memory_space<semaphore_mem>>) src(%dma_wait3A_492 : memref<80x128xf32, #tpu.memory_space<vmem>>) dst(%dma_wait3A_498 : memref<10240x128xf32, #tpu.memory_space<vmem_shared>>)
      %add3A_501 = arith.constant 3 : i32
      %add3A_502 = arith.addi %add3A_456, %add3A_501 : i32
      %dma_start3A_503 = arith.constant 1 : i32
      %dma_start3A_504 = arith.constant 1 : i32
      %dma_start3A_505 = arith.constant 0 : i32
      %dma_start3A_506 = arith.constant 0 : i32
      %dma_start3A_507 = tpu.memref_slice %arg9[%dma_start3A_503, %dma_start3A_505, %dma_start3A_506] : memref<3x80x128xf32, #tpu.memory_space<vmem>> -> memref<1x80x128xf32, #tpu.memory_space<vmem>>
      %dma_start3A_508 = tpu.memref_squeeze %dma_start3A_507 : memref<1x80x128xf32, #tpu.memory_space<vmem>> -> memref<80x128xf32, #tpu.memory_space<vmem>>
      %dma_start3A_509 = arith.constant 0 : i32
      %dma_start3A_510 = tpu.memref_slice %arg7[%add3A_502, %dma_start3A_509] : memref<63x80xi32, #tpu.memory_space<vmem>> -> memref<1x80xi32, #tpu.memory_space<vmem>>
      %dma_start3A_511 = tpu.memref_squeeze %dma_start3A_510 : memref<1x80xi32, #tpu.memory_space<vmem>> -> memref<80xi32, #tpu.memory_space<vmem>>
      %dma_start3A_512 = arith.constant 0 : i32
      %dma_start3A_513 = arith.constant 0 : i32
      %dma_start3A_514 = tpu.memref_slice %arg2[%dma_start3A_512, %dma_start3A_513] : memref<10240x128xf32, #tpu.memory_space<hbm>> -> memref<10240x128xf32, #tpu.memory_space<hbm>>
      %dma_start3A_515 = tpu.memref_slice %arg11[%dma_start3A_504] : memref<3x!tpu.dma_semaphore, #tpu.memory_space<semaphore_mem>> -> memref<1x!tpu.dma_semaphore, #tpu.memory_space<semaphore_mem>>
      %dma_start3A_516 = tpu.memref_squeeze %dma_start3A_515 : memref<1x!tpu.dma_semaphore, #tpu.memory_space<semaphore_mem>> -> memref<!tpu.dma_semaphore, #tpu.memory_space<semaphore_mem>>
      tpu.enqueue_indirect_dma source(%dma_start3A_514 : memref<10240x128xf32, #tpu.memory_space<hbm>>) target(%dma_start3A_508 : memref<80x128xf32, #tpu.memory_space<vmem>>) offsets(%dma_start3A_511 : memref<80xi32, #tpu.memory_space<vmem>>) semaphore(%dma_start3A_516 : memref<!tpu.dma_semaphore, #tpu.memory_space<semaphore_mem>>)
      %mul3A_517 = arith.constant 3 : i32
      %mul3A_518 = arith.muli %mul3A_517, %scan3A_388 : i32
      %add3A_519 = arith.constant 2 : i32
      %add3A_520 = arith.addi %mul3A_518, %add3A_519 : i32
      %dma_wait3A_521 = arith.constant 0 : i32
      %dma_wait3A_522 = arith.constant 2 : i32
      %dma_wait3A_523 = arith.constant 2 : i32
      %dma_wait3A_524 = arith.constant 0 : i32
      %dma_wait3A_525 = arith.constant 0 : i32
      %dma_wait3A_526 = tpu.memref_slice %arg9[%dma_wait3A_522, %dma_wait3A_524, %dma_wait3A_525] : memref<3x80x128xf32, #tpu.memory_space<vmem>> -> memref<1x80x128xf32, #tpu.memory_space<vmem>>
      %dma_wait3A_527 = tpu.memref_squeeze %dma_wait3A_526 : memref<1x80x128xf32, #tpu.memory_space<vmem>> -> memref<80x128xf32, #tpu.memory_space<vmem>>
      %dma_wait3A_528 = arith.constant 0 : i32
      %dma_wait3A_529 = tpu.memref_slice %arg7[%dma_wait3A_521, %dma_wait3A_528] : memref<63x80xi32, #tpu.memory_space<vmem>> -> memref<1x80xi32, #tpu.memory_space<vmem>>
      %dma_wait3A_530 = tpu.memref_squeeze %dma_wait3A_529 : memref<1x80xi32, #tpu.memory_space<vmem>> -> memref<80xi32, #tpu.memory_space<vmem>>
      %dma_wait3A_531 = arith.constant 0 : i32
      %dma_wait3A_532 = arith.constant 0 : i32
      %dma_wait3A_533 = tpu.memref_slice %arg2[%dma_wait3A_531, %dma_wait3A_532] : memref<10240x128xf32, #tpu.memory_space<hbm>> -> memref<10240x128xf32, #tpu.memory_space<hbm>>
      %dma_wait3A_534 = tpu.memref_slice %arg11[%dma_wait3A_523] : memref<3x!tpu.dma_semaphore, #tpu.memory_space<semaphore_mem>> -> memref<1x!tpu.dma_semaphore, #tpu.memory_space<semaphore_mem>>
      %dma_wait3A_535 = tpu.memref_squeeze %dma_wait3A_534 : memref<1x!tpu.dma_semaphore, #tpu.memory_space<semaphore_mem>> -> memref<!tpu.dma_semaphore, #tpu.memory_space<semaphore_mem>>
      tpu.wait_indirect_dma semaphore(%dma_wait3A_535 : memref<!tpu.dma_semaphore, #tpu.memory_space<semaphore_mem>>) src(%dma_wait3A_533 : memref<10240x128xf32, #tpu.memory_space<hbm>>) dst(%dma_wait3A_527 : memref<80x128xf32, #tpu.memory_space<vmem>>)
      %dma_start3A_536 = arith.constant 2 : i32
      %dma_start3A_537 = arith.constant 2 : i32
      %dma_start3A_538 = arith.constant 0 : i32
      %dma_start3A_539 = arith.constant 0 : i32
      %dma_start3A_540 = tpu.memref_slice %arg9[%dma_start3A_536, %dma_start3A_538, %dma_start3A_539] : memref<3x80x128xf32, #tpu.memory_space<vmem>> -> memref<1x80x128xf32, #tpu.memory_space<vmem>>
      %dma_start3A_541 = tpu.memref_squeeze %dma_start3A_540 : memref<1x80x128xf32, #tpu.memory_space<vmem>> -> memref<80x128xf32, #tpu.memory_space<vmem>>
      %dma_start3A_542 = arith.constant 0 : i32
      %dma_start3A_543 = tpu.memref_slice %arg8[%add3A_520, %dma_start3A_542] : memref<63x80xi32, #tpu.memory_space<vmem>> -> memref<1x80xi32, #tpu.memory_space<vmem>>
      %dma_start3A_544 = tpu.memref_squeeze %dma_start3A_543 : memref<1x80xi32, #tpu.memory_space<vmem>> -> memref<80xi32, #tpu.memory_space<vmem>>
      %dma_start3A_545 = arith.constant 0 : i32
      %dma_start3A_546 = arith.constant 0 : i32
      %dma_start3A_547 = tpu.memref_slice %arg10[%dma_start3A_545, %dma_start3A_546] : memref<10240x128xf32, #tpu.memory_space<vmem_shared>> -> memref<10240x128xf32, #tpu.memory_space<vmem_shared>>
      %dma_start3A_548 = tpu.memref_slice %arg12[%dma_start3A_537] : memref<3x!tpu.dma_semaphore, #tpu.memory_space<semaphore_mem>> -> memref<1x!tpu.dma_semaphore, #tpu.memory_space<semaphore_mem>>
      %dma_start3A_549 = tpu.memref_squeeze %dma_start3A_548 : memref<1x!tpu.dma_semaphore, #tpu.memory_space<semaphore_mem>> -> memref<!tpu.dma_semaphore, #tpu.memory_space<semaphore_mem>>
      tpu.enqueue_indirect_dma source(%dma_start3A_541 : memref<80x128xf32, #tpu.memory_space<vmem>>) target(%dma_start3A_547 : memref<10240x128xf32, #tpu.memory_space<vmem_shared>>) offsets(%dma_start3A_544 : memref<80xi32, #tpu.memory_space<vmem>>) semaphore(%dma_start3A_549 : memref<!tpu.dma_semaphore, #tpu.memory_space<semaphore_mem>>) {add = true}
      %dma_wait3A_550 = arith.constant 2 : i32
      %dma_wait3A_551 = arith.constant 0 : i32
      %dma_wait3A_552 = arith.constant 2 : i32
      %dma_wait3A_553 = arith.constant 0 : i32
      %dma_wait3A_554 = arith.constant 0 : i32
      %dma_wait3A_555 = tpu.memref_slice %arg9[%dma_wait3A_550, %dma_wait3A_553, %dma_wait3A_554] : memref<3x80x128xf32, #tpu.memory_space<vmem>> -> memref<1x80x128xf32, #tpu.memory_space<vmem>>
      %dma_wait3A_556 = tpu.memref_squeeze %dma_wait3A_555 : memref<1x80x128xf32, #tpu.memory_space<vmem>> -> memref<80x128xf32, #tpu.memory_space<vmem>>
      %dma_wait3A_557 = arith.constant 0 : i32
      %dma_wait3A_558 = tpu.memref_slice %arg8[%dma_wait3A_551, %dma_wait3A_557] : memref<63x80xi32, #tpu.memory_space<vmem>> -> memref<1x80xi32, #tpu.memory_space<vmem>>
      %dma_wait3A_559 = tpu.memref_squeeze %dma_wait3A_558 : memref<1x80xi32, #tpu.memory_space<vmem>> -> memref<80xi32, #tpu.memory_space<vmem>>
      %dma_wait3A_560 = arith.constant 0 : i32
      %dma_wait3A_561 = arith.constant 0 : i32
      %dma_wait3A_562 = tpu.memref_slice %arg10[%dma_wait3A_560, %dma_wait3A_561] : memref<10240x128xf32, #tpu.memory_space<vmem_shared>> -> memref<10240x128xf32, #tpu.memory_space<vmem_shared>>
      %dma_wait3A_563 = tpu.memref_slice %arg12[%dma_wait3A_552] : memref<3x!tpu.dma_semaphore, #tpu.memory_space<semaphore_mem>> -> memref<1x!tpu.dma_semaphore, #tpu.memory_space<semaphore_mem>>
      %dma_wait3A_564 = tpu.memref_squeeze %dma_wait3A_563 : memref<1x!tpu.dma_semaphore, #tpu.memory_space<semaphore_mem>> -> memref<!tpu.dma_semaphore, #tpu.memory_space<semaphore_mem>>
      tpu.wait_indirect_dma semaphore(%dma_wait3A_564 : memref<!tpu.dma_semaphore, #tpu.memory_space<semaphore_mem>>) src(%dma_wait3A_556 : memref<80x128xf32, #tpu.memory_space<vmem>>) dst(%dma_wait3A_562 : memref<10240x128xf32, #tpu.memory_space<vmem_shared>>)
      %add3A_565 = arith.constant 3 : i32
      %add3A_566 = arith.addi %add3A_520, %add3A_565 : i32
      %dma_start3A_567 = arith.constant 2 : i32
      %dma_start3A_568 = arith.constant 2 : i32
      %dma_start3A_569 = arith.constant 0 : i32
      %dma_start3A_570 = arith.constant 0 : i32
      %dma_start3A_571 = tpu.memref_slice %arg9[%dma_start3A_567, %dma_start3A_569, %dma_start3A_570] : memref<3x80x128xf32, #tpu.memory_space<vmem>> -> memref<1x80x128xf32, #tpu.memory_space<vmem>>
      %dma_start3A_572 = tpu.memref_squeeze %dma_start3A_571 : memref<1x80x128xf32, #tpu.memory_space<vmem>> -> memref<80x128xf32, #tpu.memory_space<vmem>>
      %dma_start3A_573 = arith.constant 0 : i32
      %dma_start3A_574 = tpu.memref_slice %arg7[%add3A_566, %dma_start3A_573] : memref<63x80xi32, #tpu.memory_space<vmem>> -> memref<1x80xi32, #tpu.memory_space<vmem>>
      %dma_start3A_575 = tpu.memref_squeeze %dma_start3A_574 : memref<1x80xi32, #tpu.memory_space<vmem>> -> memref<80xi32, #tpu.memory_space<vmem>>
      %dma_start3A_576 = arith.constant 0 : i32
      %dma_start3A_577 = arith.constant 0 : i32
      %dma_start3A_578 = tpu.memref_slice %arg2[%dma_start3A_576, %dma_start3A_577] : memref<10240x128xf32, #tpu.memory_space<hbm>> -> memref<10240x128xf32, #tpu.memory_space<hbm>>
      %dma_start3A_579 = tpu.memref_slice %arg11[%dma_start3A_568] : memref<3x!tpu.dma_semaphore, #tpu.memory_space<semaphore_mem>> -> memref<1x!tpu.dma_semaphore, #tpu.memory_space<semaphore_mem>>
      %dma_start3A_580 = tpu.memref_squeeze %dma_start3A_579 : memref<1x!tpu.dma_semaphore, #tpu.memory_space<semaphore_mem>> -> memref<!tpu.dma_semaphore, #tpu.memory_space<semaphore_mem>>
      tpu.enqueue_indirect_dma source(%dma_start3A_578 : memref<10240x128xf32, #tpu.memory_space<hbm>>) target(%dma_start3A_572 : memref<80x128xf32, #tpu.memory_space<vmem>>) offsets(%dma_start3A_575 : memref<80xi32, #tpu.memory_space<vmem>>) semaphore(%dma_start3A_580 : memref<!tpu.dma_semaphore, #tpu.memory_space<semaphore_mem>>)
    }
    %scan3A_249 = arith.constant 20 : i32
    %dma_wait3A_250 = arith.constant 0 : i32
    %dma_wait3A_251 = arith.constant 0 : i32
    %dma_wait3A_252 = arith.constant 0 : i32
    %dma_wait3A_253 = arith.constant 0 : i32
    %dma_wait3A_254 = arith.constant 0 : i32
    %dma_wait3A_255 = tpu.memref_slice %arg9[%dma_wait3A_251, %dma_wait3A_253, %dma_wait3A_254] : memref<3x80x128xf32, #tpu.memory_space<vmem>> -> memref<1x80x128xf32, #tpu.memory_space<vmem>>
    %dma_wait3A_256 = tpu.memref_squeeze %dma_wait3A_255 : memref<1x80x128xf32, #tpu.memory_space<vmem>> -> memref<80x128xf32, #tpu.memory_space<vmem>>
    %dma_wait3A_257 = arith.constant 0 : i32
    %dma_wait3A_258 = tpu.memref_slice %arg7[%dma_wait3A_250, %dma_wait3A_257] : memref<63x80xi32, #tpu.memory_space<vmem>> -> memref<1x80xi32, #tpu.memory_space<vmem>>
    %dma_wait3A_259 = tpu.memref_squeeze %dma_wait3A_258 : memref<1x80xi32, #tpu.memory_space<vmem>> -> memref<80xi32, #tpu.memory_space<vmem>>
    %dma_wait3A_260 = arith.constant 0 : i32
    %dma_wait3A_261 = arith.constant 0 : i32
    %dma_wait3A_262 = tpu.memref_slice %arg2[%dma_wait3A_260, %dma_wait3A_261] : memref<10240x128xf32, #tpu.memory_space<hbm>> -> memref<10240x128xf32, #tpu.memory_space<hbm>>
    %dma_wait3A_263 = tpu.memref_slice %arg11[%dma_wait3A_252] : memref<3x!tpu.dma_semaphore, #tpu.memory_space<semaphore_mem>> -> memref<1x!tpu.dma_semaphore, #tpu.memory_space<semaphore_mem>>
    %dma_wait3A_264 = tpu.memref_squeeze %dma_wait3A_263 : memref<1x!tpu.dma_semaphore, #tpu.memory_space<semaphore_mem>> -> memref<!tpu.dma_semaphore, #tpu.memory_space<semaphore_mem>>
    tpu.wait_indirect_dma semaphore(%dma_wait3A_264 : memref<!tpu.dma_semaphore, #tpu.memory_space<semaphore_mem>>) src(%dma_wait3A_262 : memref<10240x128xf32, #tpu.memory_space<hbm>>) dst(%dma_wait3A_256 : memref<80x128xf32, #tpu.memory_space<vmem>>)
    %dma_start3A_265 = arith.constant 0 : i32
    %dma_start3A_266 = arith.constant 60 : i32
    %dma_start3A_267 = arith.constant 0 : i32
    %dma_start3A_268 = arith.constant 0 : i32
    %dma_start3A_269 = arith.constant 0 : i32
    %dma_start3A_270 = tpu.memref_slice %arg9[%dma_start3A_265, %dma_start3A_268, %dma_start3A_269] : memref<3x80x128xf32, #tpu.memory_space<vmem>> -> memref<1x80x128xf32, #tpu.memory_space<vmem>>
    %dma_start3A_271 = tpu.memref_squeeze %dma_start3A_270 : memref<1x80x128xf32, #tpu.memory_space<vmem>> -> memref<80x128xf32, #tpu.memory_space<vmem>>
    %dma_start3A_272 = arith.constant 0 : i32
    %dma_start3A_273 = tpu.memref_slice %arg8[%dma_start3A_266, %dma_start3A_272] : memref<63x80xi32, #tpu.memory_space<vmem>> -> memref<1x80xi32, #tpu.memory_space<vmem>>
    %dma_start3A_274 = tpu.memref_squeeze %dma_start3A_273 : memref<1x80xi32, #tpu.memory_space<vmem>> -> memref<80xi32, #tpu.memory_space<vmem>>
    %dma_start3A_275 = arith.constant 0 : i32
    %dma_start3A_276 = arith.constant 0 : i32
    %dma_start3A_277 = tpu.memref_slice %arg10[%dma_start3A_275, %dma_start3A_276] : memref<10240x128xf32, #tpu.memory_space<vmem_shared>> -> memref<10240x128xf32, #tpu.memory_space<vmem_shared>>
    %dma_start3A_278 = tpu.memref_slice %arg12[%dma_start3A_267] : memref<3x!tpu.dma_semaphore, #tpu.memory_space<semaphore_mem>> -> memref<1x!tpu.dma_semaphore, #tpu.memory_space<semaphore_mem>>
    %dma_start3A_279 = tpu.memref_squeeze %dma_start3A_278 : memref<1x!tpu.dma_semaphore, #tpu.memory_space<semaphore_mem>> -> memref<!tpu.dma_semaphore, #tpu.memory_space<semaphore_mem>>
    tpu.enqueue_indirect_dma source(%dma_start3A_271 : memref<80x128xf32, #tpu.memory_space<vmem>>) target(%dma_start3A_277 : memref<10240x128xf32, #tpu.memory_space<vmem_shared>>) offsets(%dma_start3A_274 : memref<80xi32, #tpu.memory_space<vmem>>) semaphore(%dma_start3A_279 : memref<!tpu.dma_semaphore, #tpu.memory_space<semaphore_mem>>) {add = true}
    %dma_wait3A_280 = arith.constant 0 : i32
    %dma_wait3A_281 = arith.constant 0 : i32
    %dma_wait3A_282 = arith.constant 0 : i32
    %dma_wait3A_283 = arith.constant 0 : i32
    %dma_wait3A_284 = arith.constant 0 : i32
    %dma_wait3A_285 = tpu.memref_slice %arg9[%dma_wait3A_280, %dma_wait3A_283, %dma_wait3A_284] : memref<3x80x128xf32, #tpu.memory_space<vmem>> -> memref<1x80x128xf32, #tpu.memory_space<vmem>>
    %dma_wait3A_286 = tpu.memref_squeeze %dma_wait3A_285 : memref<1x80x128xf32, #tpu.memory_space<vmem>> -> memref<80x128xf32, #tpu.memory_space<vmem>>
    %dma_wait3A_287 = arith.constant 0 : i32
    %dma_wait3A_288 = tpu.memref_slice %arg8[%dma_wait3A_281, %dma_wait3A_287] : memref<63x80xi32, #tpu.memory_space<vmem>> -> memref<1x80xi32, #tpu.memory_space<vmem>>
    %dma_wait3A_289 = tpu.memref_squeeze %dma_wait3A_288 : memref<1x80xi32, #tpu.memory_space<vmem>> -> memref<80xi32, #tpu.memory_space<vmem>>
    %dma_wait3A_290 = arith.constant 0 : i32
    %dma_wait3A_291 = arith.constant 0 : i32
    %dma_wait3A_292 = tpu.memref_slice %arg10[%dma_wait3A_290, %dma_wait3A_291] : memref<10240x128xf32, #tpu.memory_space<vmem_shared>> -> memref<10240x128xf32, #tpu.memory_space<vmem_shared>>
    %dma_wait3A_293 = tpu.memref_slice %arg12[%dma_wait3A_282] : memref<3x!tpu.dma_semaphore, #tpu.memory_space<semaphore_mem>> -> memref<1x!tpu.dma_semaphore, #tpu.memory_space<semaphore_mem>>
    %dma_wait3A_294 = tpu.memref_squeeze %dma_wait3A_293 : memref<1x!tpu.dma_semaphore, #tpu.memory_space<semaphore_mem>> -> memref<!tpu.dma_semaphore, #tpu.memory_space<semaphore_mem>>
    tpu.wait_indirect_dma semaphore(%dma_wait3A_294 : memref<!tpu.dma_semaphore, #tpu.memory_space<semaphore_mem>>) src(%dma_wait3A_286 : memref<80x128xf32, #tpu.memory_space<vmem>>) dst(%dma_wait3A_292 : memref<10240x128xf32, #tpu.memory_space<vmem_shared>>)
    %dma_wait3A_295 = arith.constant 0 : i32
    %dma_wait3A_296 = arith.constant 1 : i32
    %dma_wait3A_297 = arith.constant 1 : i32
    %dma_wait3A_298 = arith.constant 0 : i32
    %dma_wait3A_299 = arith.constant 0 : i32
    %dma_wait3A_300 = tpu.memref_slice %arg9[%dma_wait3A_296, %dma_wait3A_298, %dma_wait3A_299] : memref<3x80x128xf32, #tpu.memory_space<vmem>> -> memref<1x80x128xf32, #tpu.memory_space<vmem>>
    %dma_wait3A_301 = tpu.memref_squeeze %dma_wait3A_300 : memref<1x80x128xf32, #tpu.memory_space<vmem>> -> memref<80x128xf32, #tpu.memory_space<vmem>>
    %dma_wait3A_302 = arith.constant 0 : i32
    %dma_wait3A_303 = tpu.memref_slice %arg7[%dma_wait3A_295, %dma_wait3A_302] : memref<63x80xi32, #tpu.memory_space<vmem>> -> memref<1x80xi32, #tpu.memory_space<vmem>>
    %dma_wait3A_304 = tpu.memref_squeeze %dma_wait3A_303 : memref<1x80xi32, #tpu.memory_space<vmem>> -> memref<80xi32, #tpu.memory_space<vmem>>
    %dma_wait3A_305 = arith.constant 0 : i32
    %dma_wait3A_306 = arith.constant 0 : i32
    %dma_wait3A_307 = tpu.memref_slice %arg2[%dma_wait3A_305, %dma_wait3A_306] : memref<10240x128xf32, #tpu.memory_space<hbm>> -> memref<10240x128xf32, #tpu.memory_space<hbm>>
    %dma_wait3A_308 = tpu.memref_slice %arg11[%dma_wait3A_297] : memref<3x!tpu.dma_semaphore, #tpu.memory_space<semaphore_mem>> -> memref<1x!tpu.dma_semaphore, #tpu.memory_space<semaphore_mem>>
    %dma_wait3A_309 = tpu.memref_squeeze %dma_wait3A_308 : memref<1x!tpu.dma_semaphore, #tpu.memory_space<semaphore_mem>> -> memref<!tpu.dma_semaphore, #tpu.memory_space<semaphore_mem>>
    tpu.wait_indirect_dma semaphore(%dma_wait3A_309 : memref<!tpu.dma_semaphore, #tpu.memory_space<semaphore_mem>>) src(%dma_wait3A_307 : memref<10240x128xf32, #tpu.memory_space<hbm>>) dst(%dma_wait3A_301 : memref<80x128xf32, #tpu.memory_space<vmem>>)
    %dma_start3A_310 = arith.constant 1 : i32
    %dma_start3A_311 = arith.constant 61 : i32
    %dma_start3A_312 = arith.constant 1 : i32
    %dma_start3A_313 = arith.constant 0 : i32
    %dma_start3A_314 = arith.constant 0 : i32
    %dma_start3A_315 = tpu.memref_slice %arg9[%dma_start3A_310, %dma_start3A_313, %dma_start3A_314] : memref<3x80x128xf32, #tpu.memory_space<vmem>> -> memref<1x80x128xf32, #tpu.memory_space<vmem>>
    %dma_start3A_316 = tpu.memref_squeeze %dma_start3A_315 : memref<1x80x128xf32, #tpu.memory_space<vmem>> -> memref<80x128xf32, #tpu.memory_space<vmem>>
    %dma_start3A_317 = arith.constant 0 : i32
    %dma_start3A_318 = tpu.memref_slice %arg8[%dma_start3A_311, %dma_start3A_317] : memref<63x80xi32, #tpu.memory_space<vmem>> -> memref<1x80xi32, #tpu.memory_space<vmem>>
    %dma_start3A_319 = tpu.memref_squeeze %dma_start3A_318 : memref<1x80xi32, #tpu.memory_space<vmem>> -> memref<80xi32, #tpu.memory_space<vmem>>
    %dma_start3A_320 = arith.constant 0 : i32
    %dma_start3A_321 = arith.constant 0 : i32
    %dma_start3A_322 = tpu.memref_slice %arg10[%dma_start3A_320, %dma_start3A_321] : memref<10240x128xf32, #tpu.memory_space<vmem_shared>> -> memref<10240x128xf32, #tpu.memory_space<vmem_shared>>
    %dma_start3A_323 = tpu.memref_slice %arg12[%dma_start3A_312] : memref<3x!tpu.dma_semaphore, #tpu.memory_space<semaphore_mem>> -> memref<1x!tpu.dma_semaphore, #tpu.memory_space<semaphore_mem>>
    %dma_start3A_324 = tpu.memref_squeeze %dma_start3A_323 : memref<1x!tpu.dma_semaphore, #tpu.memory_space<semaphore_mem>> -> memref<!tpu.dma_semaphore, #tpu.memory_space<semaphore_mem>>
    tpu.enqueue_indirect_dma source(%dma_start3A_316 : memref<80x128xf32, #tpu.memory_space<vmem>>) target(%dma_start3A_322 : memref<10240x128xf32, #tpu.memory_space<vmem_shared>>) offsets(%dma_start3A_319 : memref<80xi32, #tpu.memory_space<vmem>>) semaphore(%dma_start3A_324 : memref<!tpu.dma_semaphore, #tpu.memory_space<semaphore_mem>>) {add = true}
    %dma_wait3A_325 = arith.constant 1 : i32
    %dma_wait3A_326 = arith.constant 0 : i32
    %dma_wait3A_327 = arith.constant 1 : i32
    %dma_wait3A_328 = arith.constant 0 : i32
    %dma_wait3A_329 = arith.constant 0 : i32
    %dma_wait3A_330 = tpu.memref_slice %arg9[%dma_wait3A_325, %dma_wait3A_328, %dma_wait3A_329] : memref<3x80x128xf32, #tpu.memory_space<vmem>> -> memref<1x80x128xf32, #tpu.memory_space<vmem>>
    %dma_wait3A_331 = tpu.memref_squeeze %dma_wait3A_330 : memref<1x80x128xf32, #tpu.memory_space<vmem>> -> memref<80x128xf32, #tpu.memory_space<vmem>>
    %dma_wait3A_332 = arith.constant 0 : i32
    %dma_wait3A_333 = tpu.memref_slice %arg8[%dma_wait3A_326, %dma_wait3A_332] : memref<63x80xi32, #tpu.memory_space<vmem>> -> memref<1x80xi32, #tpu.memory_space<vmem>>
    %dma_wait3A_334 = tpu.memref_squeeze %dma_wait3A_333 : memref<1x80xi32, #tpu.memory_space<vmem>> -> memref<80xi32, #tpu.memory_space<vmem>>
    %dma_wait3A_335 = arith.constant 0 : i32
    %dma_wait3A_336 = arith.constant 0 : i32
    %dma_wait3A_337 = tpu.memref_slice %arg10[%dma_wait3A_335, %dma_wait3A_336] : memref<10240x128xf32, #tpu.memory_space<vmem_shared>> -> memref<10240x128xf32, #tpu.memory_space<vmem_shared>>
    %dma_wait3A_338 = tpu.memref_slice %arg12[%dma_wait3A_327] : memref<3x!tpu.dma_semaphore, #tpu.memory_space<semaphore_mem>> -> memref<1x!tpu.dma_semaphore, #tpu.memory_space<semaphore_mem>>
    %dma_wait3A_339 = tpu.memref_squeeze %dma_wait3A_338 : memref<1x!tpu.dma_semaphore, #tpu.memory_space<semaphore_mem>> -> memref<!tpu.dma_semaphore, #tpu.memory_space<semaphore_mem>>
    tpu.wait_indirect_dma semaphore(%dma_wait3A_339 : memref<!tpu.dma_semaphore, #tpu.memory_space<semaphore_mem>>) src(%dma_wait3A_331 : memref<80x128xf32, #tpu.memory_space<vmem>>) dst(%dma_wait3A_337 : memref<10240x128xf32, #tpu.memory_space<vmem_shared>>)
    %dma_wait3A_340 = arith.constant 0 : i32
    %dma_wait3A_341 = arith.constant 2 : i32
    %dma_wait3A_342 = arith.constant 2 : i32
    %dma_wait3A_343 = arith.constant 0 : i32
    %dma_wait3A_344 = arith.constant 0 : i32
    %dma_wait3A_345 = tpu.memref_slice %arg9[%dma_wait3A_341, %dma_wait3A_343, %dma_wait3A_344] : memref<3x80x128xf32, #tpu.memory_space<vmem>> -> memref<1x80x128xf32, #tpu.memory_space<vmem>>
    %dma_wait3A_346 = tpu.memref_squeeze %dma_wait3A_345 : memref<1x80x128xf32, #tpu.memory_space<vmem>> -> memref<80x128xf32, #tpu.memory_space<vmem>>
    %dma_wait3A_347 = arith.constant 0 : i32
    %dma_wait3A_348 = tpu.memref_slice %arg7[%dma_wait3A_340, %dma_wait3A_347] : memref<63x80xi32, #tpu.memory_space<vmem>> -> memref<1x80xi32, #tpu.memory_space<vmem>>
    %dma_wait3A_349 = tpu.memref_squeeze %dma_wait3A_348 : memref<1x80xi32, #tpu.memory_space<vmem>> -> memref<80xi32, #tpu.memory_space<vmem>>
    %dma_wait3A_350 = arith.constant 0 : i32
    %dma_wait3A_351 = arith.constant 0 : i32
    %dma_wait3A_352 = tpu.memref_slice %arg2[%dma_wait3A_350, %dma_wait3A_351] : memref<10240x128xf32, #tpu.memory_space<hbm>> -> memref<10240x128xf32, #tpu.memory_space<hbm>>
    %dma_wait3A_353 = tpu.memref_slice %arg11[%dma_wait3A_342] : memref<3x!tpu.dma_semaphore, #tpu.memory_space<semaphore_mem>> -> memref<1x!tpu.dma_semaphore, #tpu.memory_space<semaphore_mem>>
    %dma_wait3A_354 = tpu.memref_squeeze %dma_wait3A_353 : memref<1x!tpu.dma_semaphore, #tpu.memory_space<semaphore_mem>> -> memref<!tpu.dma_semaphore, #tpu.memory_space<semaphore_mem>>
    tpu.wait_indirect_dma semaphore(%dma_wait3A_354 : memref<!tpu.dma_semaphore, #tpu.memory_space<semaphore_mem>>) src(%dma_wait3A_352 : memref<10240x128xf32, #tpu.memory_space<hbm>>) dst(%dma_wait3A_346 : memref<80x128xf32, #tpu.memory_space<vmem>>)
    %dma_start3A_355 = arith.constant 2 : i32
    %dma_start3A_356 = arith.constant 62 : i32
    %dma_start3A_357 = arith.constant 2 : i32
    %dma_start3A_358 = arith.constant 0 : i32
    %dma_start3A_359 = arith.constant 0 : i32
    %dma_start3A_360 = tpu.memref_slice %arg9[%dma_start3A_355, %dma_start3A_358, %dma_start3A_359] : memref<3x80x128xf32, #tpu.memory_space<vmem>> -> memref<1x80x128xf32, #tpu.memory_space<vmem>>
    %dma_start3A_361 = tpu.memref_squeeze %dma_start3A_360 : memref<1x80x128xf32, #tpu.memory_space<vmem>> -> memref<80x128xf32, #tpu.memory_space<vmem>>
    %dma_start3A_362 = arith.constant 0 : i32
    %dma_start3A_363 = tpu.memref_slice %arg8[%dma_start3A_356, %dma_start3A_362] : memref<63x80xi32, #tpu.memory_space<vmem>> -> memref<1x80xi32, #tpu.memory_space<vmem>>
    %dma_start3A_364 = tpu.memref_squeeze %dma_start3A_363 : memref<1x80xi32, #tpu.memory_space<vmem>> -> memref<80xi32, #tpu.memory_space<vmem>>
    %dma_start3A_365 = arith.constant 0 : i32
    %dma_start3A_366 = arith.constant 0 : i32
    %dma_start3A_367 = tpu.memref_slice %arg10[%dma_start3A_365, %dma_start3A_366] : memref<10240x128xf32, #tpu.memory_space<vmem_shared>> -> memref<10240x128xf32, #tpu.memory_space<vmem_shared>>
    %dma_start3A_368 = tpu.memref_slice %arg12[%dma_start3A_357] : memref<3x!tpu.dma_semaphore, #tpu.memory_space<semaphore_mem>> -> memref<1x!tpu.dma_semaphore, #tpu.memory_space<semaphore_mem>>
    %dma_start3A_369 = tpu.memref_squeeze %dma_start3A_368 : memref<1x!tpu.dma_semaphore, #tpu.memory_space<semaphore_mem>> -> memref<!tpu.dma_semaphore, #tpu.memory_space<semaphore_mem>>
    tpu.enqueue_indirect_dma source(%dma_start3A_361 : memref<80x128xf32, #tpu.memory_space<vmem>>) target(%dma_start3A_367 : memref<10240x128xf32, #tpu.memory_space<vmem_shared>>) offsets(%dma_start3A_364 : memref<80xi32, #tpu.memory_space<vmem>>) semaphore(%dma_start3A_369 : memref<!tpu.dma_semaphore, #tpu.memory_space<semaphore_mem>>) {add = true}
    %dma_wait3A_370 = arith.constant 2 : i32
    %dma_wait3A_371 = arith.constant 0 : i32
    %dma_wait3A_372 = arith.constant 2 : i32
    %dma_wait3A_373 = arith.constant 0 : i32
    %dma_wait3A_374 = arith.constant 0 : i32
    %dma_wait3A_375 = tpu.memref_slice %arg9[%dma_wait3A_370, %dma_wait3A_373, %dma_wait3A_374] : memref<3x80x128xf32, #tpu.memory_space<vmem>> -> memref<1x80x128xf32, #tpu.memory_space<vmem>>
    %dma_wait3A_376 = tpu.memref_squeeze %dma_wait3A_375 : memref<1x80x128xf32, #tpu.memory_space<vmem>> -> memref<80x128xf32, #tpu.memory_space<vmem>>
    %dma_wait3A_377 = arith.constant 0 : i32
    %dma_wait3A_378 = tpu.memref_slice %arg8[%dma_wait3A_371, %dma_wait3A_377] : memref<63x80xi32, #tpu.memory_space<vmem>> -> memref<1x80xi32, #tpu.memory_space<vmem>>
    %dma_wait3A_379 = tpu.memref_squeeze %dma_wait3A_378 : memref<1x80xi32, #tpu.memory_space<vmem>> -> memref<80xi32, #tpu.memory_space<vmem>>
    %dma_wait3A_380 = arith.constant 0 : i32
    %dma_wait3A_381 = arith.constant 0 : i32
    %dma_wait3A_382 = tpu.memref_slice %arg10[%dma_wait3A_380, %dma_wait3A_381] : memref<10240x128xf32, #tpu.memory_space<vmem_shared>> -> memref<10240x128xf32, #tpu.memory_space<vmem_shared>>
    %dma_wait3A_383 = tpu.memref_slice %arg12[%dma_wait3A_372] : memref<3x!tpu.dma_semaphore, #tpu.memory_space<semaphore_mem>> -> memref<1x!tpu.dma_semaphore, #tpu.memory_space<semaphore_mem>>
    %dma_wait3A_384 = tpu.memref_squeeze %dma_wait3A_383 : memref<1x!tpu.dma_semaphore, #tpu.memory_space<semaphore_mem>> -> memref<!tpu.dma_semaphore, #tpu.memory_space<semaphore_mem>>
    tpu.wait_indirect_dma semaphore(%dma_wait3A_384 : memref<!tpu.dma_semaphore, #tpu.memory_space<semaphore_mem>>) src(%dma_wait3A_376 : memref<80x128xf32, #tpu.memory_space<vmem>>) dst(%dma_wait3A_382 : memref<10240x128xf32, #tpu.memory_space<vmem_shared>>)
    %barrier3A_385 = arith.constant 0 : index
    tpu.barrier barrier_id(%barrier3A_385)
    %mul3A_386 = arith.constant 640 : i32
    %mul3A_387 = arith.muli %arg1, %mul3A_386 : i32
    "tpu.region"() ({
      %run_scoped3A = tpu.sem_alloc : memref<!tpu.dma_semaphore, #tpu.memory_space<semaphore_mem>>
      %dma_start3A_388 = arith.constant 0 : i32
      %dma_start3A_389 = tpu.memref_slice %arg6[%add3A_5, %dma_start3A_388] : memref<20480x128xf32, #tpu.memory_space<hbm>> -> memref<640x128xf32, #tpu.memory_space<hbm>>
      %dma_start3A_390 = arith.constant 0 : i32
      %dma_start3A_391 = tpu.memref_slice %arg10[%mul3A_387, %dma_start3A_390] : memref<10240x128xf32, #tpu.memory_space<vmem_shared>> -> memref<640x128xf32, #tpu.memory_space<vmem_shared>>
      tpu.enqueue_dma source(%dma_start3A_391 : memref<640x128xf32, #tpu.memory_space<vmem_shared>>) target(%dma_start3A_389 : memref<640x128xf32, #tpu.memory_space<hbm>>) target_semaphore(%run_scoped3A : memref<!tpu.dma_semaphore, #tpu.memory_space<semaphore_mem>>)
      %dma_wait3A_392 = arith.constant 0 : i32
      %dma_wait3A_393 = tpu.memref_slice %arg6[%add3A_5, %dma_wait3A_392] : memref<20480x128xf32, #tpu.memory_space<hbm>> -> memref<640x128xf32, #tpu.memory_space<hbm>>
      %dma_wait3A_394 = arith.constant 0 : i32
      %dma_wait3A_395 = tpu.memref_slice %arg10[%mul3A_387, %dma_wait3A_394] : memref<10240x128xf32, #tpu.memory_space<vmem_shared>> -> memref<640x128xf32, #tpu.memory_space<vmem_shared>>
      tpu.wait_dma2 semaphore(%run_scoped3A : memref<!tpu.dma_semaphore, #tpu.memory_space<semaphore_mem>>) src(%dma_wait3A_395 : memref<640x128xf32, #tpu.memory_space<vmem_shared>>) dst(%dma_wait3A_393 : memref<640x128xf32, #tpu.memory_space<hbm>>)
      tpu.yield
    }) : () -> ()
    return
  }
}

#map = affine_map<(d0, d1) -> (0, 0)>
#map1 = affine_map<(d0, d1) -> (0, 0, 0)>
module attributes {stable_mosaic.version = 14 : i64} {
  func.func @body(%arg0: i32, %arg1: i32, %arg2: memref<10240x128xf32, #tpu.memory_space<hbm>>, %arg3: memref<64x63x80xi32, #tpu.memory_space<hbm>>, %arg4: memref<64x63x80xi32, #tpu.memory_space<hbm>>, %arg5: memref<640x128xf32, #tpu.memory_space<hbm>>, %arg6: memref<20480x128xf32, #tpu.memory_space<hbm>>, %arg7: memref<63x80xi32, #tpu.memory_space<vmem>>, %arg8: memref<63x80xi32, #tpu.memory_space<vmem>>, %arg9: memref<3x80x128xf32, #tpu.memory_space<vmem>>, %arg10: memref<10240x128xf32, #tpu.memory_space<vmem_shared>>, %arg11: memref<3x!tpu.dma_semaphore, #tpu.memory_space<semaphore_mem>>, %arg12: memref<3x!tpu.dma_semaphore, #tpu.memory_space<semaphore_mem>>) attributes {dimension_semantics = [#tpu.dimension_semantics<core_parallel>, #tpu.dimension_semantics<subcore_parallel>], iteration_bounds = array<i64: 2, 16>, scalar_prefetch = 0 : i64, scratch_operands = 6 : i64, tpu.core_type = #tpu.core_type<sc_vector_subcore>, window_params = [{transform_indices = #map}, {transform_indices = #map1}, {transform_indices = #map1}, {transform_indices = #map}, {transform_indices = #map}]} {
    %mul3A = arith.constant 16 : i32
    %mul3A_0 = arith.muli %arg0, %mul3A : i32
    %add3A = arith.addi %mul3A_0, %arg1 : i32
    %mul3A_1 = arith.constant 10240 : i32
    %mul3A_2 = arith.muli %arg0, %mul3A_1 : i32
    %mul3A_3 = arith.constant 640 : i32
    %mul3A_4 = arith.muli %arg1, %mul3A_3 : i32
    %add3A_5 = arith.addi %mul3A_2, %mul3A_4 : i32
    %mul3A_6 = arith.constant 640 : i32
    %mul3A_7 = arith.muli %arg1, %mul3A_6 : i32
    "tpu.region"() ({
      %run_scoped3A = tpu.sem_alloc : memref<!tpu.dma_semaphore, #tpu.memory_space<semaphore_mem>>
      %dma_start3A_388 = arith.constant 0 : i32
      %dma_start3A_389 = tpu.memref_slice %arg10[%mul3A_7, %dma_start3A_388] : memref<10240x128xf32, #tpu.memory_space<vmem_shared>> -> memref<640x128xf32, #tpu.memory_space<vmem_shared>>
      tpu.enqueue_dma source(%arg5 : memref<640x128xf32, #tpu.memory_space<hbm>>) target(%dma_start3A_389 : memref<640x128xf32, #tpu.memory_space<vmem_shared>>) target_semaphore(%run_scoped3A : memref<!tpu.dma_semaphore, #tpu.memory_space<semaphore_mem>>)
      %dma_wait3A_390 = arith.constant 0 : i32
      %dma_wait3A_391 = tpu.memref_slice %arg10[%mul3A_7, %dma_wait3A_390] : memref<10240x128xf32, #tpu.memory_space<vmem_shared>> -> memref<640x128xf32, #tpu.memory_space<vmem_shared>>
      tpu.wait_dma2 semaphore(%run_scoped3A : memref<!tpu.dma_semaphore, #tpu.memory_space<semaphore_mem>>) src(%arg5 : memref<640x128xf32, #tpu.memory_space<hbm>>) dst(%dma_wait3A_391 : memref<640x128xf32, #tpu.memory_space<vmem_shared>>)
      tpu.yield
    }) : () -> ()
    %barrier3A = arith.constant 0 : index
    tpu.barrier barrier_id(%barrier3A)
    %mul3A_8 = arith.constant 2 : i32
    %mul3A_9 = arith.muli %add3A, %mul3A_8 : i32
    %add3A_10 = arith.constant 0 : i32
    %add3A_11 = arith.addi %mul3A_9, %add3A_10 : i32
    "tpu.region"() ({
      %run_scoped3A = tpu.sem_alloc : memref<!tpu.dma_semaphore, #tpu.memory_space<semaphore_mem>>
      %dma_start3A_388 = arith.constant 0 : i32
      %dma_start3A_389 = arith.constant 0 : i32
      %dma_start3A_390 = tpu.memref_slice %arg3[%add3A_11, %dma_start3A_388, %dma_start3A_389] : memref<64x63x80xi32, #tpu.memory_space<hbm>> -> memref<1x63x80xi32, #tpu.memory_space<hbm>>
      %dma_start3A_391 = tpu.memref_squeeze %dma_start3A_390 : memref<1x63x80xi32, #tpu.memory_space<hbm>> -> memref<63x80xi32, #tpu.memory_space<hbm>>
      %dma_start3A_392 = arith.constant 0 : i32
      %dma_start3A_393 = arith.constant 0 : i32
      %dma_start3A_394 = tpu.memref_slice %arg3[%add3A_11, %dma_start3A_392, %dma_start3A_393] : memref<64x63x80xi32, #tpu.memory_space<hbm>> -> memref<1x63x80xi32, #tpu.memory_space<hbm>>
      %dma_start3A_395 = tpu.memref_squeeze %dma_start3A_394 : memref<1x63x80xi32, #tpu.memory_space<hbm>> -> memref<63x80xi32, #tpu.memory_space<hbm>>
      tpu.enqueue_dma source(%dma_start3A_395 : memref<63x80xi32, #tpu.memory_space<hbm>>) target(%arg7 : memref<63x80xi32, #tpu.memory_space<vmem>>) target_semaphore(%run_scoped3A : memref<!tpu.dma_semaphore, #tpu.memory_space<semaphore_mem>>)
      %dma_wait3A_396 = arith.constant 0 : i32
      %dma_wait3A_397 = arith.constant 0 : i32
      %dma_wait3A_398 = tpu.memref_slice %arg3[%add3A_11, %dma_wait3A_396, %dma_wait3A_397] : memref<64x63x80xi32, #tpu.memory_space<hbm>> -> memref<1x63x80xi32, #tpu.memory_space<hbm>>
      %dma_wait3A_399 = tpu.memref_squeeze %dma_wait3A_398 : memref<1x63x80xi32, #tpu.memory_space<hbm>> -> memref<63x80xi32, #tpu.memory_space<hbm>>
      %dma_wait3A_400 = arith.constant 0 : i32
      %dma_wait3A_401 = arith.constant 0 : i32
      %dma_wait3A_402 = tpu.memref_slice %arg3[%add3A_11, %dma_wait3A_400, %dma_wait3A_401] : memref<64x63x80xi32, #tpu.memory_space<hbm>> -> memref<1x63x80xi32, #tpu.memory_space<hbm>>
      %dma_wait3A_403 = tpu.memref_squeeze %dma_wait3A_402 : memref<1x63x80xi32, #tpu.memory_space<hbm>> -> memref<63x80xi32, #tpu.memory_space<hbm>>
      tpu.wait_dma2 semaphore(%run_scoped3A : memref<!tpu.dma_semaphore, #tpu.memory_space<semaphore_mem>>) src(%dma_wait3A_403 : memref<63x80xi32, #tpu.memory_space<hbm>>) dst(%arg7 : memref<63x80xi32, #tpu.memory_space<vmem>>)
      tpu.yield
    }) : () -> ()
    "tpu.region"() ({
      %run_scoped3A = tpu.sem_alloc : memref<!tpu.dma_semaphore, #tpu.memory_space<semaphore_mem>>
      %dma_start3A_388 = arith.constant 0 : i32
      %dma_start3A_389 = arith.constant 0 : i32
      %dma_start3A_390 = tpu.memref_slice %arg4[%add3A_11, %dma_start3A_388, %dma_start3A_389] : memref<64x63x80xi32, #tpu.memory_space<hbm>> -> memref<1x63x80xi32, #tpu.memory_space<hbm>>
      %dma_start3A_391 = tpu.memref_squeeze %dma_start3A_390 : memref<1x63x80xi32, #tpu.memory_space<hbm>> -> memref<63x80xi32, #tpu.memory_space<hbm>>
      %dma_start3A_392 = arith.constant 0 : i32
      %dma_start3A_393 = arith.constant 0 : i32
      %dma_start3A_394 = tpu.memref_slice %arg4[%add3A_11, %dma_start3A_392, %dma_start3A_393] : memref<64x63x80xi32, #tpu.memory_space<hbm>> -> memref<1x63x80xi32, #tpu.memory_space<hbm>>
      %dma_start3A_395 = tpu.memref_squeeze %dma_start3A_394 : memref<1x63x80xi32, #tpu.memory_space<hbm>> -> memref<63x80xi32, #tpu.memory_space<hbm>>
      tpu.enqueue_dma source(%dma_start3A_395 : memref<63x80xi32, #tpu.memory_space<hbm>>) target(%arg8 : memref<63x80xi32, #tpu.memory_space<vmem>>) target_semaphore(%run_scoped3A : memref<!tpu.dma_semaphore, #tpu.memory_space<semaphore_mem>>)
      %dma_wait3A_396 = arith.constant 0 : i32
      %dma_wait3A_397 = arith.constant 0 : i32
      %dma_wait3A_398 = tpu.memref_slice %arg4[%add3A_11, %dma_wait3A_396, %dma_wait3A_397] : memref<64x63x80xi32, #tpu.memory_space<hbm>> -> memref<1x63x80xi32, #tpu.memory_space<hbm>>
      %dma_wait3A_399 = tpu.memref_squeeze %dma_wait3A_398 : memref<1x63x80xi32, #tpu.memory_space<hbm>> -> memref<63x80xi32, #tpu.memory_space<hbm>>
      %dma_wait3A_400 = arith.constant 0 : i32
      %dma_wait3A_401 = arith.constant 0 : i32
      %dma_wait3A_402 = tpu.memref_slice %arg4[%add3A_11, %dma_wait3A_400, %dma_wait3A_401] : memref<64x63x80xi32, #tpu.memory_space<hbm>> -> memref<1x63x80xi32, #tpu.memory_space<hbm>>
      %dma_wait3A_403 = tpu.memref_squeeze %dma_wait3A_402 : memref<1x63x80xi32, #tpu.memory_space<hbm>> -> memref<63x80xi32, #tpu.memory_space<hbm>>
      tpu.wait_dma2 semaphore(%run_scoped3A : memref<!tpu.dma_semaphore, #tpu.memory_space<semaphore_mem>>) src(%dma_wait3A_403 : memref<63x80xi32, #tpu.memory_space<hbm>>) dst(%arg8 : memref<63x80xi32, #tpu.memory_space<vmem>>)
      tpu.yield
    }) : () -> ()
    %dma_start3A = arith.constant 0 : i32
    %dma_start3A_12 = arith.constant 0 : i32
    %dma_start3A_13 = arith.constant 0 : i32
    %dma_start3A_14 = arith.constant 0 : i32
    %dma_start3A_15 = arith.constant 0 : i32
    %dma_start3A_16 = tpu.memref_slice %arg9[%dma_start3A_12, %dma_start3A_14, %dma_start3A_15] : memref<3x80x128xf32, #tpu.memory_space<vmem>> -> memref<1x80x128xf32, #tpu.memory_space<vmem>>
    %dma_start3A_17 = tpu.memref_squeeze %dma_start3A_16 : memref<1x80x128xf32, #tpu.memory_space<vmem>> -> memref<80x128xf32, #tpu.memory_space<vmem>>
    %dma_start3A_18 = arith.constant 0 : i32
    %dma_start3A_19 = tpu.memref_slice %arg7[%dma_start3A, %dma_start3A_18] : memref<63x80xi32, #tpu.memory_space<vmem>> -> memref<1x80xi32, #tpu.memory_space<vmem>>
    %dma_start3A_20 = tpu.memref_squeeze %dma_start3A_19 : memref<1x80xi32, #tpu.memory_space<vmem>> -> memref<80xi32, #tpu.memory_space<vmem>>
    %dma_start3A_21 = arith.constant 0 : i32
    %dma_start3A_22 = arith.constant 0 : i32
    %dma_start3A_23 = tpu.memref_slice %arg2[%dma_start3A_21, %dma_start3A_22] : memref<10240x128xf32, #tpu.memory_space<hbm>> -> memref<10240x128xf32, #tpu.memory_space<hbm>>
    %dma_start3A_24 = tpu.memref_slice %arg11[%dma_start3A_13] : memref<3x!tpu.dma_semaphore, #tpu.memory_space<semaphore_mem>> -> memref<1x!tpu.dma_semaphore, #tpu.memory_space<semaphore_mem>>
    %dma_start3A_25 = tpu.memref_squeeze %dma_start3A_24 : memref<1x!tpu.dma_semaphore, #tpu.memory_space<semaphore_mem>> -> memref<!tpu.dma_semaphore, #tpu.memory_space<semaphore_mem>>
    tpu.enqueue_indirect_dma source(%dma_start3A_23 : memref<10240x128xf32, #tpu.memory_space<hbm>>) target(%dma_start3A_17 : memref<80x128xf32, #tpu.memory_space<vmem>>) offsets(%dma_start3A_20 : memref<80xi32, #tpu.memory_space<vmem>>) semaphore(%dma_start3A_25 : memref<!tpu.dma_semaphore, #tpu.memory_space<semaphore_mem>>)
    %dma_start3A_26 = arith.constant 1 : i32
    %dma_start3A_27 = arith.constant 1 : i32
    %dma_start3A_28 = arith.constant 1 : i32
    %dma_start3A_29 = arith.constant 0 : i32
    %dma_start3A_30 = arith.constant 0 : i32
    %dma_start3A_31 = tpu.memref_slice %arg9[%dma_start3A_27, %dma_start3A_29, %dma_start3A_30] : memref<3x80x128xf32, #tpu.memory_space<vmem>> -> memref<1x80x128xf32, #tpu.memory_space<vmem>>
    %dma_start3A_32 = tpu.memref_squeeze %dma_start3A_31 : memref<1x80x128xf32, #tpu.memory_space<vmem>> -> memref<80x128xf32, #tpu.memory_space<vmem>>
    %dma_start3A_33 = arith.constant 0 : i32
    %dma_start3A_34 = tpu.memref_slice %arg7[%dma_start3A_26, %dma_start3A_33] : memref<63x80xi32, #tpu.memory_space<vmem>> -> memref<1x80xi32, #tpu.memory_space<vmem>>
    %dma_start3A_35 = tpu.memref_squeeze %dma_start3A_34 : memref<1x80xi32, #tpu.memory_space<vmem>> -> memref<80xi32, #tpu.memory_space<vmem>>
    %dma_start3A_36 = arith.constant 0 : i32
    %dma_start3A_37 = arith.constant 0 : i32
    %dma_start3A_38 = tpu.memref_slice %arg2[%dma_start3A_36, %dma_start3A_37] : memref<10240x128xf32, #tpu.memory_space<hbm>> -> memref<10240x128xf32, #tpu.memory_space<hbm>>
    %dma_start3A_39 = tpu.memref_slice %arg11[%dma_start3A_28] : memref<3x!tpu.dma_semaphore, #tpu.memory_space<semaphore_mem>> -> memref<1x!tpu.dma_semaphore, #tpu.memory_space<semaphore_mem>>
    %dma_start3A_40 = tpu.memref_squeeze %dma_start3A_39 : memref<1x!tpu.dma_semaphore, #tpu.memory_space<semaphore_mem>> -> memref<!tpu.dma_semaphore, #tpu.memory_space<semaphore_mem>>
    tpu.enqueue_indirect_dma source(%dma_start3A_38 : memref<10240x128xf32, #tpu.memory_space<hbm>>) target(%dma_start3A_32 : memref<80x128xf32, #tpu.memory_space<vmem>>) offsets(%dma_start3A_35 : memref<80xi32, #tpu.memory_space<vmem>>) semaphore(%dma_start3A_40 : memref<!tpu.dma_semaphore, #tpu.memory_space<semaphore_mem>>)
    %dma_start3A_41 = arith.constant 2 : i32
    %dma_start3A_42 = arith.constant 2 : i32
    %dma_start3A_43 = arith.constant 2 : i32
    %dma_start3A_44 = arith.constant 0 : i32
    %dma_start3A_45 = arith.constant 0 : i32
    %dma_start3A_46 = tpu.memref_slice %arg9[%dma_start3A_42, %dma_start3A_44, %dma_start3A_45] : memref<3x80x128xf32, #tpu.memory_space<vmem>> -> memref<1x80x128xf32, #tpu.memory_space<vmem>>
    %dma_start3A_47 = tpu.memref_squeeze %dma_start3A_46 : memref<1x80x128xf32, #tpu.memory_space<vmem>> -> memref<80x128xf32, #tpu.memory_space<vmem>>
    %dma_start3A_48 = arith.constant 0 : i32
    %dma_start3A_49 = tpu.memref_slice %arg7[%dma_start3A_41, %dma_start3A_48] : memref<63x80xi32, #tpu.memory_space<vmem>> -> memref<1x80xi32, #tpu.memory_space<vmem>>
    %dma_start3A_50 = tpu.memref_squeeze %dma_start3A_49 : memref<1x80xi32, #tpu.memory_space<vmem>> -> memref<80xi32, #tpu.memory_space<vmem>>
    %dma_start3A_51 = arith.constant 0 : i32
    %dma_start3A_52 = arith.constant 0 : i32
    %dma_start3A_53 = tpu.memref_slice %arg2[%dma_start3A_51, %dma_start3A_52] : memref<10240x128xf32, #tpu.memory_space<hbm>> -> memref<10240x128xf32, #tpu.memory_space<hbm>>
    %dma_start3A_54 = tpu.memref_slice %arg11[%dma_start3A_43] : memref<3x!tpu.dma_semaphore, #tpu.memory_space<semaphore_mem>> -> memref<1x!tpu.dma_semaphore, #tpu.memory_space<semaphore_mem>>
    %dma_start3A_55 = tpu.memref_squeeze %dma_start3A_54 : memref<1x!tpu.dma_semaphore, #tpu.memory_space<semaphore_mem>> -> memref<!tpu.dma_semaphore, #tpu.memory_space<semaphore_mem>>
    tpu.enqueue_indirect_dma source(%dma_start3A_53 : memref<10240x128xf32, #tpu.memory_space<hbm>>) target(%dma_start3A_47 : memref<80x128xf32, #tpu.memory_space<vmem>>) offsets(%dma_start3A_50 : memref<80xi32, #tpu.memory_space<vmem>>) semaphore(%dma_start3A_55 : memref<!tpu.dma_semaphore, #tpu.memory_space<semaphore_mem>>)
    %scan3A = arith.constant 0 : i32
    %scan3A_56 = arith.constant 0 : i32
    %scan3A_57 = arith.constant 20 : i32
    %scan3A_58 = arith.addi %scan3A_56, %scan3A_57 : i32
    %scan3A_59 = arith.constant 1 : i32
    scf.for %scan3A_388 = %scan3A_56 to %scan3A_58 step %scan3A_59  : i32 {
      %mul3A_389 = arith.constant 3 : i32
      %mul3A_390 = arith.muli %mul3A_389, %scan3A_388 : i32
      %add3A_391 = arith.constant 0 : i32
      %add3A_392 = arith.addi %mul3A_390, %add3A_391 : i32
      %dma_wait3A_393 = arith.constant 0 : i32
      %dma_wait3A_394 = arith.constant 0 : i32
      %dma_wait3A_395 = arith.constant 0 : i32
      %dma_wait3A_396 = arith.constant 0 : i32
      %dma_wait3A_397 = arith.constant 0 : i32
      %dma_wait3A_398 = tpu.memref_slice %arg9[%dma_wait3A_394, %dma_wait3A_396, %dma_wait3A_397] : memref<3x80x128xf32, #tpu.memory_space<vmem>> -> memref<1x80x128xf32, #tpu.memory_space<vmem>>
      %dma_wait3A_399 = tpu.memref_squeeze %dma_wait3A_398 : memref<1x80x128xf32, #tpu.memory_space<vmem>> -> memref<80x128xf32, #tpu.memory_space<vmem>>
      %dma_wait3A_400 = arith.constant 0 : i32
      %dma_wait3A_401 = tpu.memref_slice %arg7[%dma_wait3A_393, %dma_wait3A_400] : memref<63x80xi32, #tpu.memory_space<vmem>> -> memref<1x80xi32, #tpu.memory_space<vmem>>
      %dma_wait3A_402 = tpu.memref_squeeze %dma_wait3A_401 : memref<1x80xi32, #tpu.memory_space<vmem>> -> memref<80xi32, #tpu.memory_space<vmem>>
      %dma_wait3A_403 = arith.constant 0 : i32
      %dma_wait3A_404 = arith.constant 0 : i32
      %dma_wait3A_405 = tpu.memref_slice %arg2[%dma_wait3A_403, %dma_wait3A_404] : memref<10240x128xf32, #tpu.memory_space<hbm>> -> memref<10240x128xf32, #tpu.memory_space<hbm>>
      %dma_wait3A_406 = tpu.memref_slice %arg11[%dma_wait3A_395] : memref<3x!tpu.dma_semaphore, #tpu.memory_space<semaphore_mem>> -> memref<1x!tpu.dma_semaphore, #tpu.memory_space<semaphore_mem>>
      %dma_wait3A_407 = tpu.memref_squeeze %dma_wait3A_406 : memref<1x!tpu.dma_semaphore, #tpu.memory_space<semaphore_mem>> -> memref<!tpu.dma_semaphore, #tpu.memory_space<semaphore_mem>>
      tpu.wait_indirect_dma semaphore(%dma_wait3A_407 : memref<!tpu.dma_semaphore, #tpu.memory_space<semaphore_mem>>) src(%dma_wait3A_405 : memref<10240x128xf32, #tpu.memory_space<hbm>>) dst(%dma_wait3A_399 : memref<80x128xf32, #tpu.memory_space<vmem>>)
      %dma_start3A_408 = arith.constant 0 : i32
      %dma_start3A_409 = arith.constant 0 : i32
      %dma_start3A_410 = arith.constant 0 : i32
      %dma_start3A_411 = arith.constant 0 : i32
      %dma_start3A_412 = tpu.memref_slice %arg9[%dma_start3A_408, %dma_start3A_410, %dma_start3A_411] : memref<3x80x128xf32, #tpu.memory_space<vmem>> -> memref<1x80x128xf32, #tpu.memory_space<vmem>>
      %dma_start3A_413 = tpu.memref_squeeze %dma_start3A_412 : memref<1x80x128xf32, #tpu.memory_space<vmem>> -> memref<80x128xf32, #tpu.memory_space<vmem>>
      %dma_start3A_414 = arith.constant 0 : i32
      %dma_start3A_415 = tpu.memref_slice %arg8[%add3A_392, %dma_start3A_414] : memref<63x80xi32, #tpu.memory_space<vmem>> -> memref<1x80xi32, #tpu.memory_space<vmem>>
      %dma_start3A_416 = tpu.memref_squeeze %dma_start3A_415 : memref<1x80xi32, #tpu.memory_space<vmem>> -> memref<80xi32, #tpu.memory_space<vmem>>
      %dma_start3A_417 = arith.constant 0 : i32
      %dma_start3A_418 = arith.constant 0 : i32
      %dma_start3A_419 = tpu.memref_slice %arg10[%dma_start3A_417, %dma_start3A_418] : memref<10240x128xf32, #tpu.memory_space<vmem_shared>> -> memref<10240x128xf32, #tpu.memory_space<vmem_shared>>
      %dma_start3A_420 = tpu.memref_slice %arg12[%dma_start3A_409] : memref<3x!tpu.dma_semaphore, #tpu.memory_space<semaphore_mem>> -> memref<1x!tpu.dma_semaphore, #tpu.memory_space<semaphore_mem>>
      %dma_start3A_421 = tpu.memref_squeeze %dma_start3A_420 : memref<1x!tpu.dma_semaphore, #tpu.memory_space<semaphore_mem>> -> memref<!tpu.dma_semaphore, #tpu.memory_space<semaphore_mem>>
      tpu.enqueue_indirect_dma source(%dma_start3A_413 : memref<80x128xf32, #tpu.memory_space<vmem>>) target(%dma_start3A_419 : memref<10240x128xf32, #tpu.memory_space<vmem_shared>>) offsets(%dma_start3A_416 : memref<80xi32, #tpu.memory_space<vmem>>) semaphore(%dma_start3A_421 : memref<!tpu.dma_semaphore, #tpu.memory_space<semaphore_mem>>) {add = true}
      %dma_wait3A_422 = arith.constant 0 : i32
      %dma_wait3A_423 = arith.constant 0 : i32
      %dma_wait3A_424 = arith.constant 0 : i32
      %dma_wait3A_425 = arith.constant 0 : i32
      %dma_wait3A_426 = arith.constant 0 : i32
      %dma_wait3A_427 = tpu.memref_slice %arg9[%dma_wait3A_422, %dma_wait3A_425, %dma_wait3A_426] : memref<3x80x128xf32, #tpu.memory_space<vmem>> -> memref<1x80x128xf32, #tpu.memory_space<vmem>>
      %dma_wait3A_428 = tpu.memref_squeeze %dma_wait3A_427 : memref<1x80x128xf32, #tpu.memory_space<vmem>> -> memref<80x128xf32, #tpu.memory_space<vmem>>
      %dma_wait3A_429 = arith.constant 0 : i32
      %dma_wait3A_430 = tpu.memref_slice %arg8[%dma_wait3A_423, %dma_wait3A_429] : memref<63x80xi32, #tpu.memory_space<vmem>> -> memref<1x80xi32, #tpu.memory_space<vmem>>
      %dma_wait3A_431 = tpu.memref_squeeze %dma_wait3A_430 : memref<1x80xi32, #tpu.memory_space<vmem>> -> memref<80xi32, #tpu.memory_space<vmem>>
      %dma_wait3A_432 = arith.constant 0 : i32
      %dma_wait3A_433 = arith.constant 0 : i32
      %dma_wait3A_434 = tpu.memref_slice %arg10[%dma_wait3A_432, %dma_wait3A_433] : memref<10240x128xf32, #tpu.memory_space<vmem_shared>> -> memref<10240x128xf32, #tpu.memory_space<vmem_shared>>
      %dma_wait3A_435 = tpu.memref_slice %arg12[%dma_wait3A_424] : memref<3x!tpu.dma_semaphore, #tpu.memory_space<semaphore_mem>> -> memref<1x!tpu.dma_semaphore, #tpu.memory_space<semaphore_mem>>
      %dma_wait3A_436 = tpu.memref_squeeze %dma_wait3A_435 : memref<1x!tpu.dma_semaphore, #tpu.memory_space<semaphore_mem>> -> memref<!tpu.dma_semaphore, #tpu.memory_space<semaphore_mem>>
      tpu.wait_indirect_dma semaphore(%dma_wait3A_436 : memref<!tpu.dma_semaphore, #tpu.memory_space<semaphore_mem>>) src(%dma_wait3A_428 : memref<80x128xf32, #tpu.memory_space<vmem>>) dst(%dma_wait3A_434 : memref<10240x128xf32, #tpu.memory_space<vmem_shared>>)
      %add3A_437 = arith.constant 3 : i32
      %add3A_438 = arith.addi %add3A_392, %add3A_437 : i32
      %dma_start3A_439 = arith.constant 0 : i32
      %dma_start3A_440 = arith.constant 0 : i32
      %dma_start3A_441 = arith.constant 0 : i32
      %dma_start3A_442 = arith.constant 0 : i32
      %dma_start3A_443 = tpu.memref_slice %arg9[%dma_start3A_439, %dma_start3A_441, %dma_start3A_442] : memref<3x80x128xf32, #tpu.memory_space<vmem>> -> memref<1x80x128xf32, #tpu.memory_space<vmem>>
      %dma_start3A_444 = tpu.memref_squeeze %dma_start3A_443 : memref<1x80x128xf32, #tpu.memory_space<vmem>> -> memref<80x128xf32, #tpu.memory_space<vmem>>
      %dma_start3A_445 = arith.constant 0 : i32
      %dma_start3A_446 = tpu.memref_slice %arg7[%add3A_438, %dma_start3A_445] : memref<63x80xi32, #tpu.memory_space<vmem>> -> memref<1x80xi32, #tpu.memory_space<vmem>>
      %dma_start3A_447 = tpu.memref_squeeze %dma_start3A_446 : memref<1x80xi32, #tpu.memory_space<vmem>> -> memref<80xi32, #tpu.memory_space<vmem>>
      %dma_start3A_448 = arith.constant 0 : i32
      %dma_start3A_449 = arith.constant 0 : i32
      %dma_start3A_450 = tpu.memref_slice %arg2[%dma_start3A_448, %dma_start3A_449] : memref<10240x128xf32, #tpu.memory_space<hbm>> -> memref<10240x128xf32, #tpu.memory_space<hbm>>
      %dma_start3A_451 = tpu.memref_slice %arg11[%dma_start3A_440] : memref<3x!tpu.dma_semaphore, #tpu.memory_space<semaphore_mem>> -> memref<1x!tpu.dma_semaphore, #tpu.memory_space<semaphore_mem>>
      %dma_start3A_452 = tpu.memref_squeeze %dma_start3A_451 : memref<1x!tpu.dma_semaphore, #tpu.memory_space<semaphore_mem>> -> memref<!tpu.dma_semaphore, #tpu.memory_space<semaphore_mem>>
      tpu.enqueue_indirect_dma source(%dma_start3A_450 : memref<10240x128xf32, #tpu.memory_space<hbm>>) target(%dma_start3A_444 : memref<80x128xf32, #tpu.memory_space<vmem>>) offsets(%dma_start3A_447 : memref<80xi32, #tpu.memory_space<vmem>>) semaphore(%dma_start3A_452 : memref<!tpu.dma_semaphore, #tpu.memory_space<semaphore_mem>>)
      %mul3A_453 = arith.constant 3 : i32
      %mul3A_454 = arith.muli %mul3A_453, %scan3A_388 : i32
      %add3A_455 = arith.constant 1 : i32
      %add3A_456 = arith.addi %mul3A_454, %add3A_455 : i32
      %dma_wait3A_457 = arith.constant 0 : i32
      %dma_wait3A_458 = arith.constant 1 : i32
      %dma_wait3A_459 = arith.constant 1 : i32
      %dma_wait3A_460 = arith.constant 0 : i32
      %dma_wait3A_461 = arith.constant 0 : i32
      %dma_wait3A_462 = tpu.memref_slice %arg9[%dma_wait3A_458, %dma_wait3A_460, %dma_wait3A_461] : memref<3x80x128xf32, #tpu.memory_space<vmem>> -> memref<1x80x128xf32, #tpu.memory_space<vmem>>
      %dma_wait3A_463 = tpu.memref_squeeze %dma_wait3A_462 : memref<1x80x128xf32, #tpu.memory_space<vmem>> -> memref<80x128xf32, #tpu.memory_space<vmem>>
      %dma_wait3A_464 = arith.constant 0 : i32
      %dma_wait3A_465 = tpu.memref_slice %arg7[%dma_wait3A_457, %dma_wait3A_464] : memref<63x80xi32, #tpu.memory_space<vmem>> -> memref<1x80xi32, #tpu.memory_space<vmem>>
      %dma_wait3A_466 = tpu.memref_squeeze %dma_wait3A_465 : memref<1x80xi32, #tpu.memory_space<vmem>> -> memref<80xi32, #tpu.memory_space<vmem>>
      %dma_wait3A_467 = arith.constant 0 : i32
      %dma_wait3A_468 = arith.constant 0 : i32
      %dma_wait3A_469 = tpu.memref_slice %arg2[%dma_wait3A_467, %dma_wait3A_468] : memref<10240x128xf32, #tpu.memory_space<hbm>> -> memref<10240x128xf32, #tpu.memory_space<hbm>>
      %dma_wait3A_470 = tpu.memref_slice %arg11[%dma_wait3A_459] : memref<3x!tpu.dma_semaphore, #tpu.memory_space<semaphore_mem>> -> memref<1x!tpu.dma_semaphore, #tpu.memory_space<semaphore_mem>>
      %dma_wait3A_471 = tpu.memref_squeeze %dma_wait3A_470 : memref<1x!tpu.dma_semaphore, #tpu.memory_space<semaphore_mem>> -> memref<!tpu.dma_semaphore, #tpu.memory_space<semaphore_mem>>
      tpu.wait_indirect_dma semaphore(%dma_wait3A_471 : memref<!tpu.dma_semaphore, #tpu.memory_space<semaphore_mem>>) src(%dma_wait3A_469 : memref<10240x128xf32, #tpu.memory_space<hbm>>) dst(%dma_wait3A_463 : memref<80x128xf32, #tpu.memory_space<vmem>>)
      %dma_start3A_472 = arith.constant 1 : i32
      %dma_start3A_473 = arith.constant 1 : i32
      %dma_start3A_474 = arith.constant 0 : i32
      %dma_start3A_475 = arith.constant 0 : i32
      %dma_start3A_476 = tpu.memref_slice %arg9[%dma_start3A_472, %dma_start3A_474, %dma_start3A_475] : memref<3x80x128xf32, #tpu.memory_space<vmem>> -> memref<1x80x128xf32, #tpu.memory_space<vmem>>
      %dma_start3A_477 = tpu.memref_squeeze %dma_start3A_476 : memref<1x80x128xf32, #tpu.memory_space<vmem>> -> memref<80x128xf32, #tpu.memory_space<vmem>>
      %dma_start3A_478 = arith.constant 0 : i32
      %dma_start3A_479 = tpu.memref_slice %arg8[%add3A_456, %dma_start3A_478] : memref<63x80xi32, #tpu.memory_space<vmem>> -> memref<1x80xi32, #tpu.memory_space<vmem>>
      %dma_start3A_480 = tpu.memref_squeeze %dma_start3A_479 : memref<1x80xi32, #tpu.memory_space<vmem>> -> memref<80xi32, #tpu.memory_space<vmem>>
      %dma_start3A_481 = arith.constant 0 : i32
      %dma_start3A_482 = arith.constant 0 : i32
      %dma_start3A_483 = tpu.memref_slice %arg10[%dma_start3A_481, %dma_start3A_482] : memref<10240x128xf32, #tpu.memory_space<vmem_shared>> -> memref<10240x128xf32, #tpu.memory_space<vmem_shared>>
      %dma_start3A_484 = tpu.memref_slice %arg12[%dma_start3A_473] : memref<3x!tpu.dma_semaphore, #tpu.memory_space<semaphore_mem>> -> memref<1x!tpu.dma_semaphore, #tpu.memory_space<semaphore_mem>>
      %dma_start3A_485 = tpu.memref_squeeze %dma_start3A_484 : memref<1x!tpu.dma_semaphore, #tpu.memory_space<semaphore_mem>> -> memref<!tpu.dma_semaphore, #tpu.memory_space<semaphore_mem>>
      tpu.enqueue_indirect_dma source(%dma_start3A_477 : memref<80x128xf32, #tpu.memory_space<vmem>>) target(%dma_start3A_483 : memref<10240x128xf32, #tpu.memory_space<vmem_shared>>) offsets(%dma_start3A_480 : memref<80xi32, #tpu.memory_space<vmem>>) semaphore(%dma_start3A_485 : memref<!tpu.dma_semaphore, #tpu.memory_space<semaphore_mem>>) {add = true}
      %dma_wait3A_486 = arith.constant 1 : i32
      %dma_wait3A_487 = arith.constant 0 : i32
      %dma_wait3A_488 = arith.constant 1 : i32
      %dma_wait3A_489 = arith.constant 0 : i32
      %dma_wait3A_490 = arith.constant 0 : i32
      %dma_wait3A_491 = tpu.memref_slice %arg9[%dma_wait3A_486, %dma_wait3A_489, %dma_wait3A_490] : memref<3x80x128xf32, #tpu.memory_space<vmem>> -> memref<1x80x128xf32, #tpu.memory_space<vmem>>
      %dma_wait3A_492 = tpu.memref_squeeze %dma_wait3A_491 : memref<1x80x128xf32, #tpu.memory_space<vmem>> -> memref<80x128xf32, #tpu.memory_space<vmem>>
      %dma_wait3A_493 = arith.constant 0 : i32
      %dma_wait3A_494 = tpu.memref_slice %arg8[%dma_wait3A_487, %dma_wait3A_493] : memref<63x80xi32, #tpu.memory_space<vmem>> -> memref<1x80xi32, #tpu.memory_space<vmem>>
      %dma_wait3A_495 = tpu.memref_squeeze %dma_wait3A_494 : memref<1x80xi32, #tpu.memory_space<vmem>> -> memref<80xi32, #tpu.memory_space<vmem>>
      %dma_wait3A_496 = arith.constant 0 : i32
      %dma_wait3A_497 = arith.constant 0 : i32
      %dma_wait3A_498 = tpu.memref_slice %arg10[%dma_wait3A_496, %dma_wait3A_497] : memref<10240x128xf32, #tpu.memory_space<vmem_shared>> -> memref<10240x128xf32, #tpu.memory_space<vmem_shared>>
      %dma_wait3A_499 = tpu.memref_slice %arg12[%dma_wait3A_488] : memref<3x!tpu.dma_semaphore, #tpu.memory_space<semaphore_mem>> -> memref<1x!tpu.dma_semaphore, #tpu.memory_space<semaphore_mem>>
      %dma_wait3A_500 = tpu.memref_squeeze %dma_wait3A_499 : memref<1x!tpu.dma_semaphore, #tpu.memory_space<semaphore_mem>> -> memref<!tpu.dma_semaphore, #tpu.memory_space<semaphore_mem>>
      tpu.wait_indirect_dma semaphore(%dma_wait3A_500 : memref<!tpu.dma_semaphore, #tpu.memory_space<semaphore_mem>>) src(%dma_wait3A_492 : memref<80x128xf32, #tpu.memory_space<vmem>>) dst(%dma_wait3A_498 : memref<10240x128xf32, #tpu.memory_space<vmem_shared>>)
      %add3A_501 = arith.constant 3 : i32
      %add3A_502 = arith.addi %add3A_456, %add3A_501 : i32
      %dma_start3A_503 = arith.constant 1 : i32
      %dma_start3A_504 = arith.constant 1 : i32
      %dma_start3A_505 = arith.constant 0 : i32
      %dma_start3A_506 = arith.constant 0 : i32
      %dma_start3A_507 = tpu.memref_slice %arg9[%dma_start3A_503, %dma_start3A_505, %dma_start3A_506] : memref<3x80x128xf32, #tpu.memory_space<vmem>> -> memref<1x80x128xf32, #tpu.memory_space<vmem>>
      %dma_start3A_508 = tpu.memref_squeeze %dma_start3A_507 : memref<1x80x128xf32, #tpu.memory_space<vmem>> -> memref<80x128xf32, #tpu.memory_space<vmem>>
      %dma_start3A_509 = arith.constant 0 : i32
      %dma_start3A_510 = tpu.memref_slice %arg7[%add3A_502, %dma_start3A_509] : memref<63x80xi32, #tpu.memory_space<vmem>> -> memref<1x80xi32, #tpu.memory_space<vmem>>
      %dma_start3A_511 = tpu.memref_squeeze %dma_start3A_510 : memref<1x80xi32, #tpu.memory_space<vmem>> -> memref<80xi32, #tpu.memory_space<vmem>>
      %dma_start3A_512 = arith.constant 0 : i32
      %dma_start3A_513 = arith.constant 0 : i32
      %dma_start3A_514 = tpu.memref_slice %arg2[%dma_start3A_512, %dma_start3A_513] : memref<10240x128xf32, #tpu.memory_space<hbm>> -> memref<10240x128xf32, #tpu.memory_space<hbm>>
      %dma_start3A_515 = tpu.memref_slice %arg11[%dma_start3A_504] : memref<3x!tpu.dma_semaphore, #tpu.memory_space<semaphore_mem>> -> memref<1x!tpu.dma_semaphore, #tpu.memory_space<semaphore_mem>>
      %dma_start3A_516 = tpu.memref_squeeze %dma_start3A_515 : memref<1x!tpu.dma_semaphore, #tpu.memory_space<semaphore_mem>> -> memref<!tpu.dma_semaphore, #tpu.memory_space<semaphore_mem>>
      tpu.enqueue_indirect_dma source(%dma_start3A_514 : memref<10240x128xf32, #tpu.memory_space<hbm>>) target(%dma_start3A_508 : memref<80x128xf32, #tpu.memory_space<vmem>>) offsets(%dma_start3A_511 : memref<80xi32, #tpu.memory_space<vmem>>) semaphore(%dma_start3A_516 : memref<!tpu.dma_semaphore, #tpu.memory_space<semaphore_mem>>)
      %mul3A_517 = arith.constant 3 : i32
      %mul3A_518 = arith.muli %mul3A_517, %scan3A_388 : i32
      %add3A_519 = arith.constant 2 : i32
      %add3A_520 = arith.addi %mul3A_518, %add3A_519 : i32
      %dma_wait3A_521 = arith.constant 0 : i32
      %dma_wait3A_522 = arith.constant 2 : i32
      %dma_wait3A_523 = arith.constant 2 : i32
      %dma_wait3A_524 = arith.constant 0 : i32
      %dma_wait3A_525 = arith.constant 0 : i32
      %dma_wait3A_526 = tpu.memref_slice %arg9[%dma_wait3A_522, %dma_wait3A_524, %dma_wait3A_525] : memref<3x80x128xf32, #tpu.memory_space<vmem>> -> memref<1x80x128xf32, #tpu.memory_space<vmem>>
      %dma_wait3A_527 = tpu.memref_squeeze %dma_wait3A_526 : memref<1x80x128xf32, #tpu.memory_space<vmem>> -> memref<80x128xf32, #tpu.memory_space<vmem>>
      %dma_wait3A_528 = arith.constant 0 : i32
      %dma_wait3A_529 = tpu.memref_slice %arg7[%dma_wait3A_521, %dma_wait3A_528] : memref<63x80xi32, #tpu.memory_space<vmem>> -> memref<1x80xi32, #tpu.memory_space<vmem>>
      %dma_wait3A_530 = tpu.memref_squeeze %dma_wait3A_529 : memref<1x80xi32, #tpu.memory_space<vmem>> -> memref<80xi32, #tpu.memory_space<vmem>>
      %dma_wait3A_531 = arith.constant 0 : i32
      %dma_wait3A_532 = arith.constant 0 : i32
      %dma_wait3A_533 = tpu.memref_slice %arg2[%dma_wait3A_531, %dma_wait3A_532] : memref<10240x128xf32, #tpu.memory_space<hbm>> -> memref<10240x128xf32, #tpu.memory_space<hbm>>
      %dma_wait3A_534 = tpu.memref_slice %arg11[%dma_wait3A_523] : memref<3x!tpu.dma_semaphore, #tpu.memory_space<semaphore_mem>> -> memref<1x!tpu.dma_semaphore, #tpu.memory_space<semaphore_mem>>
      %dma_wait3A_535 = tpu.memref_squeeze %dma_wait3A_534 : memref<1x!tpu.dma_semaphore, #tpu.memory_space<semaphore_mem>> -> memref<!tpu.dma_semaphore, #tpu.memory_space<semaphore_mem>>
      tpu.wait_indirect_dma semaphore(%dma_wait3A_535 : memref<!tpu.dma_semaphore, #tpu.memory_space<semaphore_mem>>) src(%dma_wait3A_533 : memref<10240x128xf32, #tpu.memory_space<hbm>>) dst(%dma_wait3A_527 : memref<80x128xf32, #tpu.memory_space<vmem>>)
      %dma_start3A_536 = arith.constant 2 : i32
      %dma_start3A_537 = arith.constant 2 : i32
      %dma_start3A_538 = arith.constant 0 : i32
      %dma_start3A_539 = arith.constant 0 : i32
      %dma_start3A_540 = tpu.memref_slice %arg9[%dma_start3A_536, %dma_start3A_538, %dma_start3A_539] : memref<3x80x128xf32, #tpu.memory_space<vmem>> -> memref<1x80x128xf32, #tpu.memory_space<vmem>>
      %dma_start3A_541 = tpu.memref_squeeze %dma_start3A_540 : memref<1x80x128xf32, #tpu.memory_space<vmem>> -> memref<80x128xf32, #tpu.memory_space<vmem>>
      %dma_start3A_542 = arith.constant 0 : i32
      %dma_start3A_543 = tpu.memref_slice %arg8[%add3A_520, %dma_start3A_542] : memref<63x80xi32, #tpu.memory_space<vmem>> -> memref<1x80xi32, #tpu.memory_space<vmem>>
      %dma_start3A_544 = tpu.memref_squeeze %dma_start3A_543 : memref<1x80xi32, #tpu.memory_space<vmem>> -> memref<80xi32, #tpu.memory_space<vmem>>
      %dma_start3A_545 = arith.constant 0 : i32
      %dma_start3A_546 = arith.constant 0 : i32
      %dma_start3A_547 = tpu.memref_slice %arg10[%dma_start3A_545, %dma_start3A_546] : memref<10240x128xf32, #tpu.memory_space<vmem_shared>> -> memref<10240x128xf32, #tpu.memory_space<vmem_shared>>
      %dma_start3A_548 = tpu.memref_slice %arg12[%dma_start3A_537] : memref<3x!tpu.dma_semaphore, #tpu.memory_space<semaphore_mem>> -> memref<1x!tpu.dma_semaphore, #tpu.memory_space<semaphore_mem>>
      %dma_start3A_549 = tpu.memref_squeeze %dma_start3A_548 : memref<1x!tpu.dma_semaphore, #tpu.memory_space<semaphore_mem>> -> memref<!tpu.dma_semaphore, #tpu.memory_space<semaphore_mem>>
      tpu.enqueue_indirect_dma source(%dma_start3A_541 : memref<80x128xf32, #tpu.memory_space<vmem>>) target(%dma_start3A_547 : memref<10240x128xf32, #tpu.memory_space<vmem_shared>>) offsets(%dma_start3A_544 : memref<80xi32, #tpu.memory_space<vmem>>) semaphore(%dma_start3A_549 : memref<!tpu.dma_semaphore, #tpu.memory_space<semaphore_mem>>) {add = true}
      %dma_wait3A_550 = arith.constant 2 : i32
      %dma_wait3A_551 = arith.constant 0 : i32
      %dma_wait3A_552 = arith.constant 2 : i32
      %dma_wait3A_553 = arith.constant 0 : i32
      %dma_wait3A_554 = arith.constant 0 : i32
      %dma_wait3A_555 = tpu.memref_slice %arg9[%dma_wait3A_550, %dma_wait3A_553, %dma_wait3A_554] : memref<3x80x128xf32, #tpu.memory_space<vmem>> -> memref<1x80x128xf32, #tpu.memory_space<vmem>>
      %dma_wait3A_556 = tpu.memref_squeeze %dma_wait3A_555 : memref<1x80x128xf32, #tpu.memory_space<vmem>> -> memref<80x128xf32, #tpu.memory_space<vmem>>
      %dma_wait3A_557 = arith.constant 0 : i32
      %dma_wait3A_558 = tpu.memref_slice %arg8[%dma_wait3A_551, %dma_wait3A_557] : memref<63x80xi32, #tpu.memory_space<vmem>> -> memref<1x80xi32, #tpu.memory_space<vmem>>
      %dma_wait3A_559 = tpu.memref_squeeze %dma_wait3A_558 : memref<1x80xi32, #tpu.memory_space<vmem>> -> memref<80xi32, #tpu.memory_space<vmem>>
      %dma_wait3A_560 = arith.constant 0 : i32
      %dma_wait3A_561 = arith.constant 0 : i32
      %dma_wait3A_562 = tpu.memref_slice %arg10[%dma_wait3A_560, %dma_wait3A_561] : memref<10240x128xf32, #tpu.memory_space<vmem_shared>> -> memref<10240x128xf32, #tpu.memory_space<vmem_shared>>
      %dma_wait3A_563 = tpu.memref_slice %arg12[%dma_wait3A_552] : memref<3x!tpu.dma_semaphore, #tpu.memory_space<semaphore_mem>> -> memref<1x!tpu.dma_semaphore, #tpu.memory_space<semaphore_mem>>
      %dma_wait3A_564 = tpu.memref_squeeze %dma_wait3A_563 : memref<1x!tpu.dma_semaphore, #tpu.memory_space<semaphore_mem>> -> memref<!tpu.dma_semaphore, #tpu.memory_space<semaphore_mem>>
      tpu.wait_indirect_dma semaphore(%dma_wait3A_564 : memref<!tpu.dma_semaphore, #tpu.memory_space<semaphore_mem>>) src(%dma_wait3A_556 : memref<80x128xf32, #tpu.memory_space<vmem>>) dst(%dma_wait3A_562 : memref<10240x128xf32, #tpu.memory_space<vmem_shared>>)
      %add3A_565 = arith.constant 3 : i32
      %add3A_566 = arith.addi %add3A_520, %add3A_565 : i32
      %dma_start3A_567 = arith.constant 2 : i32
      %dma_start3A_568 = arith.constant 2 : i32
      %dma_start3A_569 = arith.constant 0 : i32
      %dma_start3A_570 = arith.constant 0 : i32
      %dma_start3A_571 = tpu.memref_slice %arg9[%dma_start3A_567, %dma_start3A_569, %dma_start3A_570] : memref<3x80x128xf32, #tpu.memory_space<vmem>> -> memref<1x80x128xf32, #tpu.memory_space<vmem>>
      %dma_start3A_572 = tpu.memref_squeeze %dma_start3A_571 : memref<1x80x128xf32, #tpu.memory_space<vmem>> -> memref<80x128xf32, #tpu.memory_space<vmem>>
      %dma_start3A_573 = arith.constant 0 : i32
      %dma_start3A_574 = tpu.memref_slice %arg7[%add3A_566, %dma_start3A_573] : memref<63x80xi32, #tpu.memory_space<vmem>> -> memref<1x80xi32, #tpu.memory_space<vmem>>
      %dma_start3A_575 = tpu.memref_squeeze %dma_start3A_574 : memref<1x80xi32, #tpu.memory_space<vmem>> -> memref<80xi32, #tpu.memory_space<vmem>>
      %dma_start3A_576 = arith.constant 0 : i32
      %dma_start3A_577 = arith.constant 0 : i32
      %dma_start3A_578 = tpu.memref_slice %arg2[%dma_start3A_576, %dma_start3A_577] : memref<10240x128xf32, #tpu.memory_space<hbm>> -> memref<10240x128xf32, #tpu.memory_space<hbm>>
      %dma_start3A_579 = tpu.memref_slice %arg11[%dma_start3A_568] : memref<3x!tpu.dma_semaphore, #tpu.memory_space<semaphore_mem>> -> memref<1x!tpu.dma_semaphore, #tpu.memory_space<semaphore_mem>>
      %dma_start3A_580 = tpu.memref_squeeze %dma_start3A_579 : memref<1x!tpu.dma_semaphore, #tpu.memory_space<semaphore_mem>> -> memref<!tpu.dma_semaphore, #tpu.memory_space<semaphore_mem>>
      tpu.enqueue_indirect_dma source(%dma_start3A_578 : memref<10240x128xf32, #tpu.memory_space<hbm>>) target(%dma_start3A_572 : memref<80x128xf32, #tpu.memory_space<vmem>>) offsets(%dma_start3A_575 : memref<80xi32, #tpu.memory_space<vmem>>) semaphore(%dma_start3A_580 : memref<!tpu.dma_semaphore, #tpu.memory_space<semaphore_mem>>)
    }
    %scan3A_60 = arith.constant 20 : i32
    %dma_wait3A = arith.constant 0 : i32
    %dma_wait3A_61 = arith.constant 0 : i32
    %dma_wait3A_62 = arith.constant 0 : i32
    %dma_wait3A_63 = arith.constant 0 : i32
    %dma_wait3A_64 = arith.constant 0 : i32
    %dma_wait3A_65 = tpu.memref_slice %arg9[%dma_wait3A_61, %dma_wait3A_63, %dma_wait3A_64] : memref<3x80x128xf32, #tpu.memory_space<vmem>> -> memref<1x80x128xf32, #tpu.memory_space<vmem>>
    %dma_wait3A_66 = tpu.memref_squeeze %dma_wait3A_65 : memref<1x80x128xf32, #tpu.memory_space<vmem>> -> memref<80x128xf32, #tpu.memory_space<vmem>>
    %dma_wait3A_67 = arith.constant 0 : i32
    %dma_wait3A_68 = tpu.memref_slice %arg7[%dma_wait3A, %dma_wait3A_67] : memref<63x80xi32, #tpu.memory_space<vmem>> -> memref<1x80xi32, #tpu.memory_space<vmem>>
    %dma_wait3A_69 = tpu.memref_squeeze %dma_wait3A_68 : memref<1x80xi32, #tpu.memory_space<vmem>> -> memref<80xi32, #tpu.memory_space<vmem>>
    %dma_wait3A_70 = arith.constant 0 : i32
    %dma_wait3A_71 = arith.constant 0 : i32
    %dma_wait3A_72 = tpu.memref_slice %arg2[%dma_wait3A_70, %dma_wait3A_71] : memref<10240x128xf32, #tpu.memory_space<hbm>> -> memref<10240x128xf32, #tpu.memory_space<hbm>>
    %dma_wait3A_73 = tpu.memref_slice %arg11[%dma_wait3A_62] : memref<3x!tpu.dma_semaphore, #tpu.memory_space<semaphore_mem>> -> memref<1x!tpu.dma_semaphore, #tpu.memory_space<semaphore_mem>>
    %dma_wait3A_74 = tpu.memref_squeeze %dma_wait3A_73 : memref<1x!tpu.dma_semaphore, #tpu.memory_space<semaphore_mem>> -> memref<!tpu.dma_semaphore, #tpu.memory_space<semaphore_mem>>
    tpu.wait_indirect_dma semaphore(%dma_wait3A_74 : memref<!tpu.dma_semaphore, #tpu.memory_space<semaphore_mem>>) src(%dma_wait3A_72 : memref<10240x128xf32, #tpu.memory_space<hbm>>) dst(%dma_wait3A_66 : memref<80x128xf32, #tpu.memory_space<vmem>>)
    %dma_start3A_75 = arith.constant 0 : i32
    %dma_start3A_76 = arith.constant 60 : i32
    %dma_start3A_77 = arith.constant 0 : i32
    %dma_start3A_78 = arith.constant 0 : i32
    %dma_start3A_79 = arith.constant 0 : i32
    %dma_start3A_80 = tpu.memref_slice %arg9[%dma_start3A_75, %dma_start3A_78, %dma_start3A_79] : memref<3x80x128xf32, #tpu.memory_space<vmem>> -> memref<1x80x128xf32, #tpu.memory_space<vmem>>
    %dma_start3A_81 = tpu.memref_squeeze %dma_start3A_80 : memref<1x80x128xf32, #tpu.memory_space<vmem>> -> memref<80x128xf32, #tpu.memory_space<vmem>>
    %dma_start3A_82 = arith.constant 0 : i32
    %dma_start3A_83 = tpu.memref_slice %arg8[%dma_start3A_76, %dma_start3A_82] : memref<63x80xi32, #tpu.memory_space<vmem>> -> memref<1x80xi32, #tpu.memory_space<vmem>>
    %dma_start3A_84 = tpu.memref_squeeze %dma_start3A_83 : memref<1x80xi32, #tpu.memory_space<vmem>> -> memref<80xi32, #tpu.memory_space<vmem>>
    %dma_start3A_85 = arith.constant 0 : i32
    %dma_start3A_86 = arith.constant 0 : i32
    %dma_start3A_87 = tpu.memref_slice %arg10[%dma_start3A_85, %dma_start3A_86] : memref<10240x128xf32, #tpu.memory_space<vmem_shared>> -> memref<10240x128xf32, #tpu.memory_space<vmem_shared>>
    %dma_start3A_88 = tpu.memref_slice %arg12[%dma_start3A_77] : memref<3x!tpu.dma_semaphore, #tpu.memory_space<semaphore_mem>> -> memref<1x!tpu.dma_semaphore, #tpu.memory_space<semaphore_mem>>
    %dma_start3A_89 = tpu.memref_squeeze %dma_start3A_88 : memref<1x!tpu.dma_semaphore, #tpu.memory_space<semaphore_mem>> -> memref<!tpu.dma_semaphore, #tpu.memory_space<semaphore_mem>>
    tpu.enqueue_indirect_dma source(%dma_start3A_81 : memref<80x128xf32, #tpu.memory_space<vmem>>) target(%dma_start3A_87 : memref<10240x128xf32, #tpu.memory_space<vmem_shared>>) offsets(%dma_start3A_84 : memref<80xi32, #tpu.memory_space<vmem>>) semaphore(%dma_start3A_89 : memref<!tpu.dma_semaphore, #tpu.memory_space<semaphore_mem>>) {add = true}
    %dma_wait3A_90 = arith.constant 0 : i32
    %dma_wait3A_91 = arith.constant 0 : i32
    %dma_wait3A_92 = arith.constant 0 : i32
    %dma_wait3A_93 = arith.constant 0 : i32
    %dma_wait3A_94 = arith.constant 0 : i32
    %dma_wait3A_95 = tpu.memref_slice %arg9[%dma_wait3A_90, %dma_wait3A_93, %dma_wait3A_94] : memref<3x80x128xf32, #tpu.memory_space<vmem>> -> memref<1x80x128xf32, #tpu.memory_space<vmem>>
    %dma_wait3A_96 = tpu.memref_squeeze %dma_wait3A_95 : memref<1x80x128xf32, #tpu.memory_space<vmem>> -> memref<80x128xf32, #tpu.memory_space<vmem>>
    %dma_wait3A_97 = arith.constant 0 : i32
    %dma_wait3A_98 = tpu.memref_slice %arg8[%dma_wait3A_91, %dma_wait3A_97] : memref<63x80xi32, #tpu.memory_space<vmem>> -> memref<1x80xi32, #tpu.memory_space<vmem>>
    %dma_wait3A_99 = tpu.memref_squeeze %dma_wait3A_98 : memref<1x80xi32, #tpu.memory_space<vmem>> -> memref<80xi32, #tpu.memory_space<vmem>>
    %dma_wait3A_100 = arith.constant 0 : i32
    %dma_wait3A_101 = arith.constant 0 : i32
    %dma_wait3A_102 = tpu.memref_slice %arg10[%dma_wait3A_100, %dma_wait3A_101] : memref<10240x128xf32, #tpu.memory_space<vmem_shared>> -> memref<10240x128xf32, #tpu.memory_space<vmem_shared>>
    %dma_wait3A_103 = tpu.memref_slice %arg12[%dma_wait3A_92] : memref<3x!tpu.dma_semaphore, #tpu.memory_space<semaphore_mem>> -> memref<1x!tpu.dma_semaphore, #tpu.memory_space<semaphore_mem>>
    %dma_wait3A_104 = tpu.memref_squeeze %dma_wait3A_103 : memref<1x!tpu.dma_semaphore, #tpu.memory_space<semaphore_mem>> -> memref<!tpu.dma_semaphore, #tpu.memory_space<semaphore_mem>>
    tpu.wait_indirect_dma semaphore(%dma_wait3A_104 : memref<!tpu.dma_semaphore, #tpu.memory_space<semaphore_mem>>) src(%dma_wait3A_96 : memref<80x128xf32, #tpu.memory_space<vmem>>) dst(%dma_wait3A_102 : memref<10240x128xf32, #tpu.memory_space<vmem_shared>>)
    %dma_wait3A_105 = arith.constant 0 : i32
    %dma_wait3A_106 = arith.constant 1 : i32
    %dma_wait3A_107 = arith.constant 1 : i32
    %dma_wait3A_108 = arith.constant 0 : i32
    %dma_wait3A_109 = arith.constant 0 : i32
    %dma_wait3A_110 = tpu.memref_slice %arg9[%dma_wait3A_106, %dma_wait3A_108, %dma_wait3A_109] : memref<3x80x128xf32, #tpu.memory_space<vmem>> -> memref<1x80x128xf32, #tpu.memory_space<vmem>>
    %dma_wait3A_111 = tpu.memref_squeeze %dma_wait3A_110 : memref<1x80x128xf32, #tpu.memory_space<vmem>> -> memref<80x128xf32, #tpu.memory_space<vmem>>
    %dma_wait3A_112 = arith.constant 0 : i32
    %dma_wait3A_113 = tpu.memref_slice %arg7[%dma_wait3A_105, %dma_wait3A_112] : memref<63x80xi32, #tpu.memory_space<vmem>> -> memref<1x80xi32, #tpu.memory_space<vmem>>
    %dma_wait3A_114 = tpu.memref_squeeze %dma_wait3A_113 : memref<1x80xi32, #tpu.memory_space<vmem>> -> memref<80xi32, #tpu.memory_space<vmem>>
    %dma_wait3A_115 = arith.constant 0 : i32
    %dma_wait3A_116 = arith.constant 0 : i32
    %dma_wait3A_117 = tpu.memref_slice %arg2[%dma_wait3A_115, %dma_wait3A_116] : memref<10240x128xf32, #tpu.memory_space<hbm>> -> memref<10240x128xf32, #tpu.memory_space<hbm>>
    %dma_wait3A_118 = tpu.memref_slice %arg11[%dma_wait3A_107] : memref<3x!tpu.dma_semaphore, #tpu.memory_space<semaphore_mem>> -> memref<1x!tpu.dma_semaphore, #tpu.memory_space<semaphore_mem>>
    %dma_wait3A_119 = tpu.memref_squeeze %dma_wait3A_118 : memref<1x!tpu.dma_semaphore, #tpu.memory_space<semaphore_mem>> -> memref<!tpu.dma_semaphore, #tpu.memory_space<semaphore_mem>>
    tpu.wait_indirect_dma semaphore(%dma_wait3A_119 : memref<!tpu.dma_semaphore, #tpu.memory_space<semaphore_mem>>) src(%dma_wait3A_117 : memref<10240x128xf32, #tpu.memory_space<hbm>>) dst(%dma_wait3A_111 : memref<80x128xf32, #tpu.memory_space<vmem>>)
    %dma_start3A_120 = arith.constant 1 : i32
    %dma_start3A_121 = arith.constant 61 : i32
    %dma_start3A_122 = arith.constant 1 : i32
    %dma_start3A_123 = arith.constant 0 : i32
    %dma_start3A_124 = arith.constant 0 : i32
    %dma_start3A_125 = tpu.memref_slice %arg9[%dma_start3A_120, %dma_start3A_123, %dma_start3A_124] : memref<3x80x128xf32, #tpu.memory_space<vmem>> -> memref<1x80x128xf32, #tpu.memory_space<vmem>>
    %dma_start3A_126 = tpu.memref_squeeze %dma_start3A_125 : memref<1x80x128xf32, #tpu.memory_space<vmem>> -> memref<80x128xf32, #tpu.memory_space<vmem>>
    %dma_start3A_127 = arith.constant 0 : i32
    %dma_start3A_128 = tpu.memref_slice %arg8[%dma_start3A_121, %dma_start3A_127] : memref<63x80xi32, #tpu.memory_space<vmem>> -> memref<1x80xi32, #tpu.memory_space<vmem>>
    %dma_start3A_129 = tpu.memref_squeeze %dma_start3A_128 : memref<1x80xi32, #tpu.memory_space<vmem>> -> memref<80xi32, #tpu.memory_space<vmem>>
    %dma_start3A_130 = arith.constant 0 : i32
    %dma_start3A_131 = arith.constant 0 : i32
    %dma_start3A_132 = tpu.memref_slice %arg10[%dma_start3A_130, %dma_start3A_131] : memref<10240x128xf32, #tpu.memory_space<vmem_shared>> -> memref<10240x128xf32, #tpu.memory_space<vmem_shared>>
    %dma_start3A_133 = tpu.memref_slice %arg12[%dma_start3A_122] : memref<3x!tpu.dma_semaphore, #tpu.memory_space<semaphore_mem>> -> memref<1x!tpu.dma_semaphore, #tpu.memory_space<semaphore_mem>>
    %dma_start3A_134 = tpu.memref_squeeze %dma_start3A_133 : memref<1x!tpu.dma_semaphore, #tpu.memory_space<semaphore_mem>> -> memref<!tpu.dma_semaphore, #tpu.memory_space<semaphore_mem>>
    tpu.enqueue_indirect_dma source(%dma_start3A_126 : memref<80x128xf32, #tpu.memory_space<vmem>>) target(%dma_start3A_132 : memref<10240x128xf32, #tpu.memory_space<vmem_shared>>) offsets(%dma_start3A_129 : memref<80xi32, #tpu.memory_space<vmem>>) semaphore(%dma_start3A_134 : memref<!tpu.dma_semaphore, #tpu.memory_space<semaphore_mem>>) {add = true}
    %dma_wait3A_135 = arith.constant 1 : i32
    %dma_wait3A_136 = arith.constant 0 : i32
    %dma_wait3A_137 = arith.constant 1 : i32
    %dma_wait3A_138 = arith.constant 0 : i32
    %dma_wait3A_139 = arith.constant 0 : i32
    %dma_wait3A_140 = tpu.memref_slice %arg9[%dma_wait3A_135, %dma_wait3A_138, %dma_wait3A_139] : memref<3x80x128xf32, #tpu.memory_space<vmem>> -> memref<1x80x128xf32, #tpu.memory_space<vmem>>
    %dma_wait3A_141 = tpu.memref_squeeze %dma_wait3A_140 : memref<1x80x128xf32, #tpu.memory_space<vmem>> -> memref<80x128xf32, #tpu.memory_space<vmem>>
    %dma_wait3A_142 = arith.constant 0 : i32
    %dma_wait3A_143 = tpu.memref_slice %arg8[%dma_wait3A_136, %dma_wait3A_142] : memref<63x80xi32, #tpu.memory_space<vmem>> -> memref<1x80xi32, #tpu.memory_space<vmem>>
    %dma_wait3A_144 = tpu.memref_squeeze %dma_wait3A_143 : memref<1x80xi32, #tpu.memory_space<vmem>> -> memref<80xi32, #tpu.memory_space<vmem>>
    %dma_wait3A_145 = arith.constant 0 : i32
    %dma_wait3A_146 = arith.constant 0 : i32
    %dma_wait3A_147 = tpu.memref_slice %arg10[%dma_wait3A_145, %dma_wait3A_146] : memref<10240x128xf32, #tpu.memory_space<vmem_shared>> -> memref<10240x128xf32, #tpu.memory_space<vmem_shared>>
    %dma_wait3A_148 = tpu.memref_slice %arg12[%dma_wait3A_137] : memref<3x!tpu.dma_semaphore, #tpu.memory_space<semaphore_mem>> -> memref<1x!tpu.dma_semaphore, #tpu.memory_space<semaphore_mem>>
    %dma_wait3A_149 = tpu.memref_squeeze %dma_wait3A_148 : memref<1x!tpu.dma_semaphore, #tpu.memory_space<semaphore_mem>> -> memref<!tpu.dma_semaphore, #tpu.memory_space<semaphore_mem>>
    tpu.wait_indirect_dma semaphore(%dma_wait3A_149 : memref<!tpu.dma_semaphore, #tpu.memory_space<semaphore_mem>>) src(%dma_wait3A_141 : memref<80x128xf32, #tpu.memory_space<vmem>>) dst(%dma_wait3A_147 : memref<10240x128xf32, #tpu.memory_space<vmem_shared>>)
    %dma_wait3A_150 = arith.constant 0 : i32
    %dma_wait3A_151 = arith.constant 2 : i32
    %dma_wait3A_152 = arith.constant 2 : i32
    %dma_wait3A_153 = arith.constant 0 : i32
    %dma_wait3A_154 = arith.constant 0 : i32
    %dma_wait3A_155 = tpu.memref_slice %arg9[%dma_wait3A_151, %dma_wait3A_153, %dma_wait3A_154] : memref<3x80x128xf32, #tpu.memory_space<vmem>> -> memref<1x80x128xf32, #tpu.memory_space<vmem>>
    %dma_wait3A_156 = tpu.memref_squeeze %dma_wait3A_155 : memref<1x80x128xf32, #tpu.memory_space<vmem>> -> memref<80x128xf32, #tpu.memory_space<vmem>>
    %dma_wait3A_157 = arith.constant 0 : i32
    %dma_wait3A_158 = tpu.memref_slice %arg7[%dma_wait3A_150, %dma_wait3A_157] : memref<63x80xi32, #tpu.memory_space<vmem>> -> memref<1x80xi32, #tpu.memory_space<vmem>>
    %dma_wait3A_159 = tpu.memref_squeeze %dma_wait3A_158 : memref<1x80xi32, #tpu.memory_space<vmem>> -> memref<80xi32, #tpu.memory_space<vmem>>
    %dma_wait3A_160 = arith.constant 0 : i32
    %dma_wait3A_161 = arith.constant 0 : i32
    %dma_wait3A_162 = tpu.memref_slice %arg2[%dma_wait3A_160, %dma_wait3A_161] : memref<10240x128xf32, #tpu.memory_space<hbm>> -> memref<10240x128xf32, #tpu.memory_space<hbm>>
    %dma_wait3A_163 = tpu.memref_slice %arg11[%dma_wait3A_152] : memref<3x!tpu.dma_semaphore, #tpu.memory_space<semaphore_mem>> -> memref<1x!tpu.dma_semaphore, #tpu.memory_space<semaphore_mem>>
    %dma_wait3A_164 = tpu.memref_squeeze %dma_wait3A_163 : memref<1x!tpu.dma_semaphore, #tpu.memory_space<semaphore_mem>> -> memref<!tpu.dma_semaphore, #tpu.memory_space<semaphore_mem>>
    tpu.wait_indirect_dma semaphore(%dma_wait3A_164 : memref<!tpu.dma_semaphore, #tpu.memory_space<semaphore_mem>>) src(%dma_wait3A_162 : memref<10240x128xf32, #tpu.memory_space<hbm>>) dst(%dma_wait3A_156 : memref<80x128xf32, #tpu.memory_space<vmem>>)
    %dma_start3A_165 = arith.constant 2 : i32
    %dma_start3A_166 = arith.constant 62 : i32
    %dma_start3A_167 = arith.constant 2 : i32
    %dma_start3A_168 = arith.constant 0 : i32
    %dma_start3A_169 = arith.constant 0 : i32
    %dma_start3A_170 = tpu.memref_slice %arg9[%dma_start3A_165, %dma_start3A_168, %dma_start3A_169] : memref<3x80x128xf32, #tpu.memory_space<vmem>> -> memref<1x80x128xf32, #tpu.memory_space<vmem>>
    %dma_start3A_171 = tpu.memref_squeeze %dma_start3A_170 : memref<1x80x128xf32, #tpu.memory_space<vmem>> -> memref<80x128xf32, #tpu.memory_space<vmem>>
    %dma_start3A_172 = arith.constant 0 : i32
    %dma_start3A_173 = tpu.memref_slice %arg8[%dma_start3A_166, %dma_start3A_172] : memref<63x80xi32, #tpu.memory_space<vmem>> -> memref<1x80xi32, #tpu.memory_space<vmem>>
    %dma_start3A_174 = tpu.memref_squeeze %dma_start3A_173 : memref<1x80xi32, #tpu.memory_space<vmem>> -> memref<80xi32, #tpu.memory_space<vmem>>
    %dma_start3A_175 = arith.constant 0 : i32
    %dma_start3A_176 = arith.constant 0 : i32
    %dma_start3A_177 = tpu.memref_slice %arg10[%dma_start3A_175, %dma_start3A_176] : memref<10240x128xf32, #tpu.memory_space<vmem_shared>> -> memref<10240x128xf32, #tpu.memory_space<vmem_shared>>
    %dma_start3A_178 = tpu.memref_slice %arg12[%dma_start3A_167] : memref<3x!tpu.dma_semaphore, #tpu.memory_space<semaphore_mem>> -> memref<1x!tpu.dma_semaphore, #tpu.memory_space<semaphore_mem>>
    %dma_start3A_179 = tpu.memref_squeeze %dma_start3A_178 : memref<1x!tpu.dma_semaphore, #tpu.memory_space<semaphore_mem>> -> memref<!tpu.dma_semaphore, #tpu.memory_space<semaphore_mem>>
    tpu.enqueue_indirect_dma source(%dma_start3A_171 : memref<80x128xf32, #tpu.memory_space<vmem>>) target(%dma_start3A_177 : memref<10240x128xf32, #tpu.memory_space<vmem_shared>>) offsets(%dma_start3A_174 : memref<80xi32, #tpu.memory_space<vmem>>) semaphore(%dma_start3A_179 : memref<!tpu.dma_semaphore, #tpu.memory_space<semaphore_mem>>) {add = true}
    %dma_wait3A_180 = arith.constant 2 : i32
    %dma_wait3A_181 = arith.constant 0 : i32
    %dma_wait3A_182 = arith.constant 2 : i32
    %dma_wait3A_183 = arith.constant 0 : i32
    %dma_wait3A_184 = arith.constant 0 : i32
    %dma_wait3A_185 = tpu.memref_slice %arg9[%dma_wait3A_180, %dma_wait3A_183, %dma_wait3A_184] : memref<3x80x128xf32, #tpu.memory_space<vmem>> -> memref<1x80x128xf32, #tpu.memory_space<vmem>>
    %dma_wait3A_186 = tpu.memref_squeeze %dma_wait3A_185 : memref<1x80x128xf32, #tpu.memory_space<vmem>> -> memref<80x128xf32, #tpu.memory_space<vmem>>
    %dma_wait3A_187 = arith.constant 0 : i32
    %dma_wait3A_188 = tpu.memref_slice %arg8[%dma_wait3A_181, %dma_wait3A_187] : memref<63x80xi32, #tpu.memory_space<vmem>> -> memref<1x80xi32, #tpu.memory_space<vmem>>
    %dma_wait3A_189 = tpu.memref_squeeze %dma_wait3A_188 : memref<1x80xi32, #tpu.memory_space<vmem>> -> memref<80xi32, #tpu.memory_space<vmem>>
    %dma_wait3A_190 = arith.constant 0 : i32
    %dma_wait3A_191 = arith.constant 0 : i32
    %dma_wait3A_192 = tpu.memref_slice %arg10[%dma_wait3A_190, %dma_wait3A_191] : memref<10240x128xf32, #tpu.memory_space<vmem_shared>> -> memref<10240x128xf32, #tpu.memory_space<vmem_shared>>
    %dma_wait3A_193 = tpu.memref_slice %arg12[%dma_wait3A_182] : memref<3x!tpu.dma_semaphore, #tpu.memory_space<semaphore_mem>> -> memref<1x!tpu.dma_semaphore, #tpu.memory_space<semaphore_mem>>
    %dma_wait3A_194 = tpu.memref_squeeze %dma_wait3A_193 : memref<1x!tpu.dma_semaphore, #tpu.memory_space<semaphore_mem>> -> memref<!tpu.dma_semaphore, #tpu.memory_space<semaphore_mem>>
    tpu.wait_indirect_dma semaphore(%dma_wait3A_194 : memref<!tpu.dma_semaphore, #tpu.memory_space<semaphore_mem>>) src(%dma_wait3A_186 : memref<80x128xf32, #tpu.memory_space<vmem>>) dst(%dma_wait3A_192 : memref<10240x128xf32, #tpu.memory_space<vmem_shared>>)
    %mul3A_195 = arith.constant 2 : i32
    %mul3A_196 = arith.muli %add3A, %mul3A_195 : i32
    %add3A_197 = arith.constant 1 : i32
    %add3A_198 = arith.addi %mul3A_196, %add3A_197 : i32
    "tpu.region"() ({
      %run_scoped3A = tpu.sem_alloc : memref<!tpu.dma_semaphore, #tpu.memory_space<semaphore_mem>>
      %dma_start3A_388 = arith.constant 0 : i32
      %dma_start3A_389 = arith.constant 0 : i32
      %dma_start3A_390 = tpu.memref_slice %arg3[%add3A_198, %dma_start3A_388, %dma_start3A_389] : memref<64x63x80xi32, #tpu.memory_space<hbm>> -> memref<1x63x80xi32, #tpu.memory_space<hbm>>
      %dma_start3A_391 = tpu.memref_squeeze %dma_start3A_390 : memref<1x63x80xi32, #tpu.memory_space<hbm>> -> memref<63x80xi32, #tpu.memory_space<hbm>>
      %dma_start3A_392 = arith.constant 0 : i32
      %dma_start3A_393 = arith.constant 0 : i32
      %dma_start3A_394 = tpu.memref_slice %arg3[%add3A_198, %dma_start3A_392, %dma_start3A_393] : memref<64x63x80xi32, #tpu.memory_space<hbm>> -> memref<1x63x80xi32, #tpu.memory_space<hbm>>
      %dma_start3A_395 = tpu.memref_squeeze %dma_start3A_394 : memref<1x63x80xi32, #tpu.memory_space<hbm>> -> memref<63x80xi32, #tpu.memory_space<hbm>>
      tpu.enqueue_dma source(%dma_start3A_395 : memref<63x80xi32, #tpu.memory_space<hbm>>) target(%arg7 : memref<63x80xi32, #tpu.memory_space<vmem>>) target_semaphore(%run_scoped3A : memref<!tpu.dma_semaphore, #tpu.memory_space<semaphore_mem>>)
      %dma_wait3A_396 = arith.constant 0 : i32
      %dma_wait3A_397 = arith.constant 0 : i32
      %dma_wait3A_398 = tpu.memref_slice %arg3[%add3A_198, %dma_wait3A_396, %dma_wait3A_397] : memref<64x63x80xi32, #tpu.memory_space<hbm>> -> memref<1x63x80xi32, #tpu.memory_space<hbm>>
      %dma_wait3A_399 = tpu.memref_squeeze %dma_wait3A_398 : memref<1x63x80xi32, #tpu.memory_space<hbm>> -> memref<63x80xi32, #tpu.memory_space<hbm>>
      %dma_wait3A_400 = arith.constant 0 : i32
      %dma_wait3A_401 = arith.constant 0 : i32
      %dma_wait3A_402 = tpu.memref_slice %arg3[%add3A_198, %dma_wait3A_400, %dma_wait3A_401] : memref<64x63x80xi32, #tpu.memory_space<hbm>> -> memref<1x63x80xi32, #tpu.memory_space<hbm>>
      %dma_wait3A_403 = tpu.memref_squeeze %dma_wait3A_402 : memref<1x63x80xi32, #tpu.memory_space<hbm>> -> memref<63x80xi32, #tpu.memory_space<hbm>>
      tpu.wait_dma2 semaphore(%run_scoped3A : memref<!tpu.dma_semaphore, #tpu.memory_space<semaphore_mem>>) src(%dma_wait3A_403 : memref<63x80xi32, #tpu.memory_space<hbm>>) dst(%arg7 : memref<63x80xi32, #tpu.memory_space<vmem>>)
      tpu.yield
    }) : () -> ()
    "tpu.region"() ({
      %run_scoped3A = tpu.sem_alloc : memref<!tpu.dma_semaphore, #tpu.memory_space<semaphore_mem>>
      %dma_start3A_388 = arith.constant 0 : i32
      %dma_start3A_389 = arith.constant 0 : i32
      %dma_start3A_390 = tpu.memref_slice %arg4[%add3A_198, %dma_start3A_388, %dma_start3A_389] : memref<64x63x80xi32, #tpu.memory_space<hbm>> -> memref<1x63x80xi32, #tpu.memory_space<hbm>>
      %dma_start3A_391 = tpu.memref_squeeze %dma_start3A_390 : memref<1x63x80xi32, #tpu.memory_space<hbm>> -> memref<63x80xi32, #tpu.memory_space<hbm>>
      %dma_start3A_392 = arith.constant 0 : i32
      %dma_start3A_393 = arith.constant 0 : i32
      %dma_start3A_394 = tpu.memref_slice %arg4[%add3A_198, %dma_start3A_392, %dma_start3A_393] : memref<64x63x80xi32, #tpu.memory_space<hbm>> -> memref<1x63x80xi32, #tpu.memory_space<hbm>>
      %dma_start3A_395 = tpu.memref_squeeze %dma_start3A_394 : memref<1x63x80xi32, #tpu.memory_space<hbm>> -> memref<63x80xi32, #tpu.memory_space<hbm>>
      tpu.enqueue_dma source(%dma_start3A_395 : memref<63x80xi32, #tpu.memory_space<hbm>>) target(%arg8 : memref<63x80xi32, #tpu.memory_space<vmem>>) target_semaphore(%run_scoped3A : memref<!tpu.dma_semaphore, #tpu.memory_space<semaphore_mem>>)
      %dma_wait3A_396 = arith.constant 0 : i32
      %dma_wait3A_397 = arith.constant 0 : i32
      %dma_wait3A_398 = tpu.memref_slice %arg4[%add3A_198, %dma_wait3A_396, %dma_wait3A_397] : memref<64x63x80xi32, #tpu.memory_space<hbm>> -> memref<1x63x80xi32, #tpu.memory_space<hbm>>
      %dma_wait3A_399 = tpu.memref_squeeze %dma_wait3A_398 : memref<1x63x80xi32, #tpu.memory_space<hbm>> -> memref<63x80xi32, #tpu.memory_space<hbm>>
      %dma_wait3A_400 = arith.constant 0 : i32
      %dma_wait3A_401 = arith.constant 0 : i32
      %dma_wait3A_402 = tpu.memref_slice %arg4[%add3A_198, %dma_wait3A_400, %dma_wait3A_401] : memref<64x63x80xi32, #tpu.memory_space<hbm>> -> memref<1x63x80xi32, #tpu.memory_space<hbm>>
      %dma_wait3A_403 = tpu.memref_squeeze %dma_wait3A_402 : memref<1x63x80xi32, #tpu.memory_space<hbm>> -> memref<63x80xi32, #tpu.memory_space<hbm>>
      tpu.wait_dma2 semaphore(%run_scoped3A : memref<!tpu.dma_semaphore, #tpu.memory_space<semaphore_mem>>) src(%dma_wait3A_403 : memref<63x80xi32, #tpu.memory_space<hbm>>) dst(%arg8 : memref<63x80xi32, #tpu.memory_space<vmem>>)
      tpu.yield
    }) : () -> ()
    %dma_start3A_199 = arith.constant 0 : i32
    %dma_start3A_200 = arith.constant 0 : i32
    %dma_start3A_201 = arith.constant 0 : i32
    %dma_start3A_202 = arith.constant 0 : i32
    %dma_start3A_203 = arith.constant 0 : i32
    %dma_start3A_204 = tpu.memref_slice %arg9[%dma_start3A_200, %dma_start3A_202, %dma_start3A_203] : memref<3x80x128xf32, #tpu.memory_space<vmem>> -> memref<1x80x128xf32, #tpu.memory_space<vmem>>
    %dma_start3A_205 = tpu.memref_squeeze %dma_start3A_204 : memref<1x80x128xf32, #tpu.memory_space<vmem>> -> memref<80x128xf32, #tpu.memory_space<vmem>>
    %dma_start3A_206 = arith.constant 0 : i32
    %dma_start3A_207 = tpu.memref_slice %arg7[%dma_start3A_199, %dma_start3A_206] : memref<63x80xi32, #tpu.memory_space<vmem>> -> memref<1x80xi32, #tpu.memory_space<vmem>>
    %dma_start3A_208 = tpu.memref_squeeze %dma_start3A_207 : memref<1x80xi32, #tpu.memory_space<vmem>> -> memref<80xi32, #tpu.memory_space<vmem>>
    %dma_start3A_209 = arith.constant 0 : i32
    %dma_start3A_210 = arith.constant 0 : i32
    %dma_start3A_211 = tpu.memref_slice %arg2[%dma_start3A_209, %dma_start3A_210] : memref<10240x128xf32, #tpu.memory_space<hbm>> -> memref<10240x128xf32, #tpu.memory_space<hbm>>
    %dma_start3A_212 = tpu.memref_slice %arg11[%dma_start3A_201] : memref<3x!tpu.dma_semaphore, #tpu.memory_space<semaphore_mem>> -> memref<1x!tpu.dma_semaphore, #tpu.memory_space<semaphore_mem>>
    %dma_start3A_213 = tpu.memref_squeeze %dma_start3A_212 : memref<1x!tpu.dma_semaphore, #tpu.memory_space<semaphore_mem>> -> memref<!tpu.dma_semaphore, #tpu.memory_space<semaphore_mem>>
    tpu.enqueue_indirect_dma source(%dma_start3A_211 : memref<10240x128xf32, #tpu.memory_space<hbm>>) target(%dma_start3A_205 : memref<80x128xf32, #tpu.memory_space<vmem>>) offsets(%dma_start3A_208 : memref<80xi32, #tpu.memory_space<vmem>>) semaphore(%dma_start3A_213 : memref<!tpu.dma_semaphore, #tpu.memory_space<semaphore_mem>>)
    %dma_start3A_214 = arith.constant 1 : i32
    %dma_start3A_215 = arith.constant 1 : i32
    %dma_start3A_216 = arith.constant 1 : i32
    %dma_start3A_217 = arith.constant 0 : i32
    %dma_start3A_218 = arith.constant 0 : i32
    %dma_start3A_219 = tpu.memref_slice %arg9[%dma_start3A_215, %dma_start3A_217, %dma_start3A_218] : memref<3x80x128xf32, #tpu.memory_space<vmem>> -> memref<1x80x128xf32, #tpu.memory_space<vmem>>
    %dma_start3A_220 = tpu.memref_squeeze %dma_start3A_219 : memref<1x80x128xf32, #tpu.memory_space<vmem>> -> memref<80x128xf32, #tpu.memory_space<vmem>>
    %dma_start3A_221 = arith.constant 0 : i32
    %dma_start3A_222 = tpu.memref_slice %arg7[%dma_start3A_214, %dma_start3A_221] : memref<63x80xi32, #tpu.memory_space<vmem>> -> memref<1x80xi32, #tpu.memory_space<vmem>>
    %dma_start3A_223 = tpu.memref_squeeze %dma_start3A_222 : memref<1x80xi32, #tpu.memory_space<vmem>> -> memref<80xi32, #tpu.memory_space<vmem>>
    %dma_start3A_224 = arith.constant 0 : i32
    %dma_start3A_225 = arith.constant 0 : i32
    %dma_start3A_226 = tpu.memref_slice %arg2[%dma_start3A_224, %dma_start3A_225] : memref<10240x128xf32, #tpu.memory_space<hbm>> -> memref<10240x128xf32, #tpu.memory_space<hbm>>
    %dma_start3A_227 = tpu.memref_slice %arg11[%dma_start3A_216] : memref<3x!tpu.dma_semaphore, #tpu.memory_space<semaphore_mem>> -> memref<1x!tpu.dma_semaphore, #tpu.memory_space<semaphore_mem>>
    %dma_start3A_228 = tpu.memref_squeeze %dma_start3A_227 : memref<1x!tpu.dma_semaphore, #tpu.memory_space<semaphore_mem>> -> memref<!tpu.dma_semaphore, #tpu.memory_space<semaphore_mem>>
    tpu.enqueue_indirect_dma source(%dma_start3A_226 : memref<10240x128xf32, #tpu.memory_space<hbm>>) target(%dma_start3A_220 : memref<80x128xf32, #tpu.memory_space<vmem>>) offsets(%dma_start3A_223 : memref<80xi32, #tpu.memory_space<vmem>>) semaphore(%dma_start3A_228 : memref<!tpu.dma_semaphore, #tpu.memory_space<semaphore_mem>>)
    %dma_start3A_229 = arith.constant 2 : i32
    %dma_start3A_230 = arith.constant 2 : i32
    %dma_start3A_231 = arith.constant 2 : i32
    %dma_start3A_232 = arith.constant 0 : i32
    %dma_start3A_233 = arith.constant 0 : i32
    %dma_start3A_234 = tpu.memref_slice %arg9[%dma_start3A_230, %dma_start3A_232, %dma_start3A_233] : memref<3x80x128xf32, #tpu.memory_space<vmem>> -> memref<1x80x128xf32, #tpu.memory_space<vmem>>
    %dma_start3A_235 = tpu.memref_squeeze %dma_start3A_234 : memref<1x80x128xf32, #tpu.memory_space<vmem>> -> memref<80x128xf32, #tpu.memory_space<vmem>>
    %dma_start3A_236 = arith.constant 0 : i32
    %dma_start3A_237 = tpu.memref_slice %arg7[%dma_start3A_229, %dma_start3A_236] : memref<63x80xi32, #tpu.memory_space<vmem>> -> memref<1x80xi32, #tpu.memory_space<vmem>>
    %dma_start3A_238 = tpu.memref_squeeze %dma_start3A_237 : memref<1x80xi32, #tpu.memory_space<vmem>> -> memref<80xi32, #tpu.memory_space<vmem>>
    %dma_start3A_239 = arith.constant 0 : i32
    %dma_start3A_240 = arith.constant 0 : i32
    %dma_start3A_241 = tpu.memref_slice %arg2[%dma_start3A_239, %dma_start3A_240] : memref<10240x128xf32, #tpu.memory_space<hbm>> -> memref<10240x128xf32, #tpu.memory_space<hbm>>
    %dma_start3A_242 = tpu.memref_slice %arg11[%dma_start3A_231] : memref<3x!tpu.dma_semaphore, #tpu.memory_space<semaphore_mem>> -> memref<1x!tpu.dma_semaphore, #tpu.memory_space<semaphore_mem>>
    %dma_start3A_243 = tpu.memref_squeeze %dma_start3A_242 : memref<1x!tpu.dma_semaphore, #tpu.memory_space<semaphore_mem>> -> memref<!tpu.dma_semaphore, #tpu.memory_space<semaphore_mem>>
    tpu.enqueue_indirect_dma source(%dma_start3A_241 : memref<10240x128xf32, #tpu.memory_space<hbm>>) target(%dma_start3A_235 : memref<80x128xf32, #tpu.memory_space<vmem>>) offsets(%dma_start3A_238 : memref<80xi32, #tpu.memory_space<vmem>>) semaphore(%dma_start3A_243 : memref<!tpu.dma_semaphore, #tpu.memory_space<semaphore_mem>>)
    %scan3A_244 = arith.constant 0 : i32
    %scan3A_245 = arith.constant 0 : i32
    %scan3A_246 = arith.constant 20 : i32
    %scan3A_247 = arith.addi %scan3A_245, %scan3A_246 : i32
    %scan3A_248 = arith.constant 1 : i32
    scf.for %scan3A_388 = %scan3A_245 to %scan3A_247 step %scan3A_248  : i32 {
      %mul3A_389 = arith.constant 3 : i32
      %mul3A_390 = arith.muli %mul3A_389, %scan3A_388 : i32
      %add3A_391 = arith.constant 0 : i32
      %add3A_392 = arith.addi %mul3A_390, %add3A_391 : i32
      %dma_wait3A_393 = arith.constant 0 : i32
      %dma_wait3A_394 = arith.constant 0 : i32
      %dma_wait3A_395 = arith.constant 0 : i32
      %dma_wait3A_396 = arith.constant 0 : i32
      %dma_wait3A_397 = arith.constant 0 : i32
      %dma_wait3A_398 = tpu.memref_slice %arg9[%dma_wait3A_394, %dma_wait3A_396, %dma_wait3A_397] : memref<3x80x128xf32, #tpu.memory_space<vmem>> -> memref<1x80x128xf32, #tpu.memory_space<vmem>>
      %dma_wait3A_399 = tpu.memref_squeeze %dma_wait3A_398 : memref<1x80x128xf32, #tpu.memory_space<vmem>> -> memref<80x128xf32, #tpu.memory_space<vmem>>
      %dma_wait3A_400 = arith.constant 0 : i32
      %dma_wait3A_401 = tpu.memref_slice %arg7[%dma_wait3A_393, %dma_wait3A_400] : memref<63x80xi32, #tpu.memory_space<vmem>> -> memref<1x80xi32, #tpu.memory_space<vmem>>
      %dma_wait3A_402 = tpu.memref_squeeze %dma_wait3A_401 : memref<1x80xi32, #tpu.memory_space<vmem>> -> memref<80xi32, #tpu.memory_space<vmem>>
      %dma_wait3A_403 = arith.constant 0 : i32
      %dma_wait3A_404 = arith.constant 0 : i32
      %dma_wait3A_405 = tpu.memref_slice %arg2[%dma_wait3A_403, %dma_wait3A_404] : memref<10240x128xf32, #tpu.memory_space<hbm>> -> memref<10240x128xf32, #tpu.memory_space<hbm>>
      %dma_wait3A_406 = tpu.memref_slice %arg11[%dma_wait3A_395] : memref<3x!tpu.dma_semaphore, #tpu.memory_space<semaphore_mem>> -> memref<1x!tpu.dma_semaphore, #tpu.memory_space<semaphore_mem>>
      %dma_wait3A_407 = tpu.memref_squeeze %dma_wait3A_406 : memref<1x!tpu.dma_semaphore, #tpu.memory_space<semaphore_mem>> -> memref<!tpu.dma_semaphore, #tpu.memory_space<semaphore_mem>>
      tpu.wait_indirect_dma semaphore(%dma_wait3A_407 : memref<!tpu.dma_semaphore, #tpu.memory_space<semaphore_mem>>) src(%dma_wait3A_405 : memref<10240x128xf32, #tpu.memory_space<hbm>>) dst(%dma_wait3A_399 : memref<80x128xf32, #tpu.memory_space<vmem>>)
      %dma_start3A_408 = arith.constant 0 : i32
      %dma_start3A_409 = arith.constant 0 : i32
      %dma_start3A_410 = arith.constant 0 : i32
      %dma_start3A_411 = arith.constant 0 : i32
      %dma_start3A_412 = tpu.memref_slice %arg9[%dma_start3A_408, %dma_start3A_410, %dma_start3A_411] : memref<3x80x128xf32, #tpu.memory_space<vmem>> -> memref<1x80x128xf32, #tpu.memory_space<vmem>>
      %dma_start3A_413 = tpu.memref_squeeze %dma_start3A_412 : memref<1x80x128xf32, #tpu.memory_space<vmem>> -> memref<80x128xf32, #tpu.memory_space<vmem>>
      %dma_start3A_414 = arith.constant 0 : i32
      %dma_start3A_415 = tpu.memref_slice %arg8[%add3A_392, %dma_start3A_414] : memref<63x80xi32, #tpu.memory_space<vmem>> -> memref<1x80xi32, #tpu.memory_space<vmem>>
      %dma_start3A_416 = tpu.memref_squeeze %dma_start3A_415 : memref<1x80xi32, #tpu.memory_space<vmem>> -> memref<80xi32, #tpu.memory_space<vmem>>
      %dma_start3A_417 = arith.constant 0 : i32
      %dma_start3A_418 = arith.constant 0 : i32
      %dma_start3A_419 = tpu.memref_slice %arg10[%dma_start3A_417, %dma_start3A_418] : memref<10240x128xf32, #tpu.memory_space<vmem_shared>> -> memref<10240x128xf32, #tpu.memory_space<vmem_shared>>
      %dma_start3A_420 = tpu.memref_slice %arg12[%dma_start3A_409] : memref<3x!tpu.dma_semaphore, #tpu.memory_space<semaphore_mem>> -> memref<1x!tpu.dma_semaphore, #tpu.memory_space<semaphore_mem>>
      %dma_start3A_421 = tpu.memref_squeeze %dma_start3A_420 : memref<1x!tpu.dma_semaphore, #tpu.memory_space<semaphore_mem>> -> memref<!tpu.dma_semaphore, #tpu.memory_space<semaphore_mem>>
      tpu.enqueue_indirect_dma source(%dma_start3A_413 : memref<80x128xf32, #tpu.memory_space<vmem>>) target(%dma_start3A_419 : memref<10240x128xf32, #tpu.memory_space<vmem_shared>>) offsets(%dma_start3A_416 : memref<80xi32, #tpu.memory_space<vmem>>) semaphore(%dma_start3A_421 : memref<!tpu.dma_semaphore, #tpu.memory_space<semaphore_mem>>) {add = true}
      %dma_wait3A_422 = arith.constant 0 : i32
      %dma_wait3A_423 = arith.constant 0 : i32
      %dma_wait3A_424 = arith.constant 0 : i32
      %dma_wait3A_425 = arith.constant 0 : i32
      %dma_wait3A_426 = arith.constant 0 : i32
      %dma_wait3A_427 = tpu.memref_slice %arg9[%dma_wait3A_422, %dma_wait3A_425, %dma_wait3A_426] : memref<3x80x128xf32, #tpu.memory_space<vmem>> -> memref<1x80x128xf32, #tpu.memory_space<vmem>>
      %dma_wait3A_428 = tpu.memref_squeeze %dma_wait3A_427 : memref<1x80x128xf32, #tpu.memory_space<vmem>> -> memref<80x128xf32, #tpu.memory_space<vmem>>
      %dma_wait3A_429 = arith.constant 0 : i32
      %dma_wait3A_430 = tpu.memref_slice %arg8[%dma_wait3A_423, %dma_wait3A_429] : memref<63x80xi32, #tpu.memory_space<vmem>> -> memref<1x80xi32, #tpu.memory_space<vmem>>
      %dma_wait3A_431 = tpu.memref_squeeze %dma_wait3A_430 : memref<1x80xi32, #tpu.memory_space<vmem>> -> memref<80xi32, #tpu.memory_space<vmem>>
      %dma_wait3A_432 = arith.constant 0 : i32
      %dma_wait3A_433 = arith.constant 0 : i32
      %dma_wait3A_434 = tpu.memref_slice %arg10[%dma_wait3A_432, %dma_wait3A_433] : memref<10240x128xf32, #tpu.memory_space<vmem_shared>> -> memref<10240x128xf32, #tpu.memory_space<vmem_shared>>
      %dma_wait3A_435 = tpu.memref_slice %arg12[%dma_wait3A_424] : memref<3x!tpu.dma_semaphore, #tpu.memory_space<semaphore_mem>> -> memref<1x!tpu.dma_semaphore, #tpu.memory_space<semaphore_mem>>
      %dma_wait3A_436 = tpu.memref_squeeze %dma_wait3A_435 : memref<1x!tpu.dma_semaphore, #tpu.memory_space<semaphore_mem>> -> memref<!tpu.dma_semaphore, #tpu.memory_space<semaphore_mem>>
      tpu.wait_indirect_dma semaphore(%dma_wait3A_436 : memref<!tpu.dma_semaphore, #tpu.memory_space<semaphore_mem>>) src(%dma_wait3A_428 : memref<80x128xf32, #tpu.memory_space<vmem>>) dst(%dma_wait3A_434 : memref<10240x128xf32, #tpu.memory_space<vmem_shared>>)
      %add3A_437 = arith.constant 3 : i32
      %add3A_438 = arith.addi %add3A_392, %add3A_437 : i32
      %dma_start3A_439 = arith.constant 0 : i32
      %dma_start3A_440 = arith.constant 0 : i32
      %dma_start3A_441 = arith.constant 0 : i32
      %dma_start3A_442 = arith.constant 0 : i32
      %dma_start3A_443 = tpu.memref_slice %arg9[%dma_start3A_439, %dma_start3A_441, %dma_start3A_442] : memref<3x80x128xf32, #tpu.memory_space<vmem>> -> memref<1x80x128xf32, #tpu.memory_space<vmem>>
      %dma_start3A_444 = tpu.memref_squeeze %dma_start3A_443 : memref<1x80x128xf32, #tpu.memory_space<vmem>> -> memref<80x128xf32, #tpu.memory_space<vmem>>
      %dma_start3A_445 = arith.constant 0 : i32
      %dma_start3A_446 = tpu.memref_slice %arg7[%add3A_438, %dma_start3A_445] : memref<63x80xi32, #tpu.memory_space<vmem>> -> memref<1x80xi32, #tpu.memory_space<vmem>>
      %dma_start3A_447 = tpu.memref_squeeze %dma_start3A_446 : memref<1x80xi32, #tpu.memory_space<vmem>> -> memref<80xi32, #tpu.memory_space<vmem>>
      %dma_start3A_448 = arith.constant 0 : i32
      %dma_start3A_449 = arith.constant 0 : i32
      %dma_start3A_450 = tpu.memref_slice %arg2[%dma_start3A_448, %dma_start3A_449] : memref<10240x128xf32, #tpu.memory_space<hbm>> -> memref<10240x128xf32, #tpu.memory_space<hbm>>
      %dma_start3A_451 = tpu.memref_slice %arg11[%dma_start3A_440] : memref<3x!tpu.dma_semaphore, #tpu.memory_space<semaphore_mem>> -> memref<1x!tpu.dma_semaphore, #tpu.memory_space<semaphore_mem>>
      %dma_start3A_452 = tpu.memref_squeeze %dma_start3A_451 : memref<1x!tpu.dma_semaphore, #tpu.memory_space<semaphore_mem>> -> memref<!tpu.dma_semaphore, #tpu.memory_space<semaphore_mem>>
      tpu.enqueue_indirect_dma source(%dma_start3A_450 : memref<10240x128xf32, #tpu.memory_space<hbm>>) target(%dma_start3A_444 : memref<80x128xf32, #tpu.memory_space<vmem>>) offsets(%dma_start3A_447 : memref<80xi32, #tpu.memory_space<vmem>>) semaphore(%dma_start3A_452 : memref<!tpu.dma_semaphore, #tpu.memory_space<semaphore_mem>>)
      %mul3A_453 = arith.constant 3 : i32
      %mul3A_454 = arith.muli %mul3A_453, %scan3A_388 : i32
      %add3A_455 = arith.constant 1 : i32
      %add3A_456 = arith.addi %mul3A_454, %add3A_455 : i32
      %dma_wait3A_457 = arith.constant 0 : i32
      %dma_wait3A_458 = arith.constant 1 : i32
      %dma_wait3A_459 = arith.constant 1 : i32
      %dma_wait3A_460 = arith.constant 0 : i32
      %dma_wait3A_461 = arith.constant 0 : i32
      %dma_wait3A_462 = tpu.memref_slice %arg9[%dma_wait3A_458, %dma_wait3A_460, %dma_wait3A_461] : memref<3x80x128xf32, #tpu.memory_space<vmem>> -> memref<1x80x128xf32, #tpu.memory_space<vmem>>
      %dma_wait3A_463 = tpu.memref_squeeze %dma_wait3A_462 : memref<1x80x128xf32, #tpu.memory_space<vmem>> -> memref<80x128xf32, #tpu.memory_space<vmem>>
      %dma_wait3A_464 = arith.constant 0 : i32
      %dma_wait3A_465 = tpu.memref_slice %arg7[%dma_wait3A_457, %dma_wait3A_464] : memref<63x80xi32, #tpu.memory_space<vmem>> -> memref<1x80xi32, #tpu.memory_space<vmem>>
      %dma_wait3A_466 = tpu.memref_squeeze %dma_wait3A_465 : memref<1x80xi32, #tpu.memory_space<vmem>> -> memref<80xi32, #tpu.memory_space<vmem>>
      %dma_wait3A_467 = arith.constant 0 : i32
      %dma_wait3A_468 = arith.constant 0 : i32
      %dma_wait3A_469 = tpu.memref_slice %arg2[%dma_wait3A_467, %dma_wait3A_468] : memref<10240x128xf32, #tpu.memory_space<hbm>> -> memref<10240x128xf32, #tpu.memory_space<hbm>>
      %dma_wait3A_470 = tpu.memref_slice %arg11[%dma_wait3A_459] : memref<3x!tpu.dma_semaphore, #tpu.memory_space<semaphore_mem>> -> memref<1x!tpu.dma_semaphore, #tpu.memory_space<semaphore_mem>>
      %dma_wait3A_471 = tpu.memref_squeeze %dma_wait3A_470 : memref<1x!tpu.dma_semaphore, #tpu.memory_space<semaphore_mem>> -> memref<!tpu.dma_semaphore, #tpu.memory_space<semaphore_mem>>
      tpu.wait_indirect_dma semaphore(%dma_wait3A_471 : memref<!tpu.dma_semaphore, #tpu.memory_space<semaphore_mem>>) src(%dma_wait3A_469 : memref<10240x128xf32, #tpu.memory_space<hbm>>) dst(%dma_wait3A_463 : memref<80x128xf32, #tpu.memory_space<vmem>>)
      %dma_start3A_472 = arith.constant 1 : i32
      %dma_start3A_473 = arith.constant 1 : i32
      %dma_start3A_474 = arith.constant 0 : i32
      %dma_start3A_475 = arith.constant 0 : i32
      %dma_start3A_476 = tpu.memref_slice %arg9[%dma_start3A_472, %dma_start3A_474, %dma_start3A_475] : memref<3x80x128xf32, #tpu.memory_space<vmem>> -> memref<1x80x128xf32, #tpu.memory_space<vmem>>
      %dma_start3A_477 = tpu.memref_squeeze %dma_start3A_476 : memref<1x80x128xf32, #tpu.memory_space<vmem>> -> memref<80x128xf32, #tpu.memory_space<vmem>>
      %dma_start3A_478 = arith.constant 0 : i32
      %dma_start3A_479 = tpu.memref_slice %arg8[%add3A_456, %dma_start3A_478] : memref<63x80xi32, #tpu.memory_space<vmem>> -> memref<1x80xi32, #tpu.memory_space<vmem>>
      %dma_start3A_480 = tpu.memref_squeeze %dma_start3A_479 : memref<1x80xi32, #tpu.memory_space<vmem>> -> memref<80xi32, #tpu.memory_space<vmem>>
      %dma_start3A_481 = arith.constant 0 : i32
      %dma_start3A_482 = arith.constant 0 : i32
      %dma_start3A_483 = tpu.memref_slice %arg10[%dma_start3A_481, %dma_start3A_482] : memref<10240x128xf32, #tpu.memory_space<vmem_shared>> -> memref<10240x128xf32, #tpu.memory_space<vmem_shared>>
      %dma_start3A_484 = tpu.memref_slice %arg12[%dma_start3A_473] : memref<3x!tpu.dma_semaphore, #tpu.memory_space<semaphore_mem>> -> memref<1x!tpu.dma_semaphore, #tpu.memory_space<semaphore_mem>>
      %dma_start3A_485 = tpu.memref_squeeze %dma_start3A_484 : memref<1x!tpu.dma_semaphore, #tpu.memory_space<semaphore_mem>> -> memref<!tpu.dma_semaphore, #tpu.memory_space<semaphore_mem>>
      tpu.enqueue_indirect_dma source(%dma_start3A_477 : memref<80x128xf32, #tpu.memory_space<vmem>>) target(%dma_start3A_483 : memref<10240x128xf32, #tpu.memory_space<vmem_shared>>) offsets(%dma_start3A_480 : memref<80xi32, #tpu.memory_space<vmem>>) semaphore(%dma_start3A_485 : memref<!tpu.dma_semaphore, #tpu.memory_space<semaphore_mem>>) {add = true}
      %dma_wait3A_486 = arith.constant 1 : i32
      %dma_wait3A_487 = arith.constant 0 : i32
      %dma_wait3A_488 = arith.constant 1 : i32
      %dma_wait3A_489 = arith.constant 0 : i32
      %dma_wait3A_490 = arith.constant 0 : i32
      %dma_wait3A_491 = tpu.memref_slice %arg9[%dma_wait3A_486, %dma_wait3A_489, %dma_wait3A_490] : memref<3x80x128xf32, #tpu.memory_space<vmem>> -> memref<1x80x128xf32, #tpu.memory_space<vmem>>
      %dma_wait3A_492 = tpu.memref_squeeze %dma_wait3A_491 : memref<1x80x128xf32, #tpu.memory_space<vmem>> -> memref<80x128xf32, #tpu.memory_space<vmem>>
      %dma_wait3A_493 = arith.constant 0 : i32
      %dma_wait3A_494 = tpu.memref_slice %arg8[%dma_wait3A_487, %dma_wait3A_493] : memref<63x80xi32, #tpu.memory_space<vmem>> -> memref<1x80xi32, #tpu.memory_space<vmem>>
      %dma_wait3A_495 = tpu.memref_squeeze %dma_wait3A_494 : memref<1x80xi32, #tpu.memory_space<vmem>> -> memref<80xi32, #tpu.memory_space<vmem>>
      %dma_wait3A_496 = arith.constant 0 : i32
      %dma_wait3A_497 = arith.constant 0 : i32
      %dma_wait3A_498 = tpu.memref_slice %arg10[%dma_wait3A_496, %dma_wait3A_497] : memref<10240x128xf32, #tpu.memory_space<vmem_shared>> -> memref<10240x128xf32, #tpu.memory_space<vmem_shared>>
      %dma_wait3A_499 = tpu.memref_slice %arg12[%dma_wait3A_488] : memref<3x!tpu.dma_semaphore, #tpu.memory_space<semaphore_mem>> -> memref<1x!tpu.dma_semaphore, #tpu.memory_space<semaphore_mem>>
      %dma_wait3A_500 = tpu.memref_squeeze %dma_wait3A_499 : memref<1x!tpu.dma_semaphore, #tpu.memory_space<semaphore_mem>> -> memref<!tpu.dma_semaphore, #tpu.memory_space<semaphore_mem>>
      tpu.wait_indirect_dma semaphore(%dma_wait3A_500 : memref<!tpu.dma_semaphore, #tpu.memory_space<semaphore_mem>>) src(%dma_wait3A_492 : memref<80x128xf32, #tpu.memory_space<vmem>>) dst(%dma_wait3A_498 : memref<10240x128xf32, #tpu.memory_space<vmem_shared>>)
      %add3A_501 = arith.constant 3 : i32
      %add3A_502 = arith.addi %add3A_456, %add3A_501 : i32
      %dma_start3A_503 = arith.constant 1 : i32
      %dma_start3A_504 = arith.constant 1 : i32
      %dma_start3A_505 = arith.constant 0 : i32
      %dma_start3A_506 = arith.constant 0 : i32
      %dma_start3A_507 = tpu.memref_slice %arg9[%dma_start3A_503, %dma_start3A_505, %dma_start3A_506] : memref<3x80x128xf32, #tpu.memory_space<vmem>> -> memref<1x80x128xf32, #tpu.memory_space<vmem>>
      %dma_start3A_508 = tpu.memref_squeeze %dma_start3A_507 : memref<1x80x128xf32, #tpu.memory_space<vmem>> -> memref<80x128xf32, #tpu.memory_space<vmem>>
      %dma_start3A_509 = arith.constant 0 : i32
      %dma_start3A_510 = tpu.memref_slice %arg7[%add3A_502, %dma_start3A_509] : memref<63x80xi32, #tpu.memory_space<vmem>> -> memref<1x80xi32, #tpu.memory_space<vmem>>
      %dma_start3A_511 = tpu.memref_squeeze %dma_start3A_510 : memref<1x80xi32, #tpu.memory_space<vmem>> -> memref<80xi32, #tpu.memory_space<vmem>>
      %dma_start3A_512 = arith.constant 0 : i32
      %dma_start3A_513 = arith.constant 0 : i32
      %dma_start3A_514 = tpu.memref_slice %arg2[%dma_start3A_512, %dma_start3A_513] : memref<10240x128xf32, #tpu.memory_space<hbm>> -> memref<10240x128xf32, #tpu.memory_space<hbm>>
      %dma_start3A_515 = tpu.memref_slice %arg11[%dma_start3A_504] : memref<3x!tpu.dma_semaphore, #tpu.memory_space<semaphore_mem>> -> memref<1x!tpu.dma_semaphore, #tpu.memory_space<semaphore_mem>>
      %dma_start3A_516 = tpu.memref_squeeze %dma_start3A_515 : memref<1x!tpu.dma_semaphore, #tpu.memory_space<semaphore_mem>> -> memref<!tpu.dma_semaphore, #tpu.memory_space<semaphore_mem>>
      tpu.enqueue_indirect_dma source(%dma_start3A_514 : memref<10240x128xf32, #tpu.memory_space<hbm>>) target(%dma_start3A_508 : memref<80x128xf32, #tpu.memory_space<vmem>>) offsets(%dma_start3A_511 : memref<80xi32, #tpu.memory_space<vmem>>) semaphore(%dma_start3A_516 : memref<!tpu.dma_semaphore, #tpu.memory_space<semaphore_mem>>)
      %mul3A_517 = arith.constant 3 : i32
      %mul3A_518 = arith.muli %mul3A_517, %scan3A_388 : i32
      %add3A_519 = arith.constant 2 : i32
      %add3A_520 = arith.addi %mul3A_518, %add3A_519 : i32
      %dma_wait3A_521 = arith.constant 0 : i32
      %dma_wait3A_522 = arith.constant 2 : i32
      %dma_wait3A_523 = arith.constant 2 : i32
      %dma_wait3A_524 = arith.constant 0 : i32
      %dma_wait3A_525 = arith.constant 0 : i32
      %dma_wait3A_526 = tpu.memref_slice %arg9[%dma_wait3A_522, %dma_wait3A_524, %dma_wait3A_525] : memref<3x80x128xf32, #tpu.memory_space<vmem>> -> memref<1x80x128xf32, #tpu.memory_space<vmem>>
      %dma_wait3A_527 = tpu.memref_squeeze %dma_wait3A_526 : memref<1x80x128xf32, #tpu.memory_space<vmem>> -> memref<80x128xf32, #tpu.memory_space<vmem>>
      %dma_wait3A_528 = arith.constant 0 : i32
      %dma_wait3A_529 = tpu.memref_slice %arg7[%dma_wait3A_521, %dma_wait3A_528] : memref<63x80xi32, #tpu.memory_space<vmem>> -> memref<1x80xi32, #tpu.memory_space<vmem>>
      %dma_wait3A_530 = tpu.memref_squeeze %dma_wait3A_529 : memref<1x80xi32, #tpu.memory_space<vmem>> -> memref<80xi32, #tpu.memory_space<vmem>>
      %dma_wait3A_531 = arith.constant 0 : i32
      %dma_wait3A_532 = arith.constant 0 : i32
      %dma_wait3A_533 = tpu.memref_slice %arg2[%dma_wait3A_531, %dma_wait3A_532] : memref<10240x128xf32, #tpu.memory_space<hbm>> -> memref<10240x128xf32, #tpu.memory_space<hbm>>
      %dma_wait3A_534 = tpu.memref_slice %arg11[%dma_wait3A_523] : memref<3x!tpu.dma_semaphore, #tpu.memory_space<semaphore_mem>> -> memref<1x!tpu.dma_semaphore, #tpu.memory_space<semaphore_mem>>
      %dma_wait3A_535 = tpu.memref_squeeze %dma_wait3A_534 : memref<1x!tpu.dma_semaphore, #tpu.memory_space<semaphore_mem>> -> memref<!tpu.dma_semaphore, #tpu.memory_space<semaphore_mem>>
      tpu.wait_indirect_dma semaphore(%dma_wait3A_535 : memref<!tpu.dma_semaphore, #tpu.memory_space<semaphore_mem>>) src(%dma_wait3A_533 : memref<10240x128xf32, #tpu.memory_space<hbm>>) dst(%dma_wait3A_527 : memref<80x128xf32, #tpu.memory_space<vmem>>)
      %dma_start3A_536 = arith.constant 2 : i32
      %dma_start3A_537 = arith.constant 2 : i32
      %dma_start3A_538 = arith.constant 0 : i32
      %dma_start3A_539 = arith.constant 0 : i32
      %dma_start3A_540 = tpu.memref_slice %arg9[%dma_start3A_536, %dma_start3A_538, %dma_start3A_539] : memref<3x80x128xf32, #tpu.memory_space<vmem>> -> memref<1x80x128xf32, #tpu.memory_space<vmem>>
      %dma_start3A_541 = tpu.memref_squeeze %dma_start3A_540 : memref<1x80x128xf32, #tpu.memory_space<vmem>> -> memref<80x128xf32, #tpu.memory_space<vmem>>
      %dma_start3A_542 = arith.constant 0 : i32
      %dma_start3A_543 = tpu.memref_slice %arg8[%add3A_520, %dma_start3A_542] : memref<63x80xi32, #tpu.memory_space<vmem>> -> memref<1x80xi32, #tpu.memory_space<vmem>>
      %dma_start3A_544 = tpu.memref_squeeze %dma_start3A_543 : memref<1x80xi32, #tpu.memory_space<vmem>> -> memref<80xi32, #tpu.memory_space<vmem>>
      %dma_start3A_545 = arith.constant 0 : i32
      %dma_start3A_546 = arith.constant 0 : i32
      %dma_start3A_547 = tpu.memref_slice %arg10[%dma_start3A_545, %dma_start3A_546] : memref<10240x128xf32, #tpu.memory_space<vmem_shared>> -> memref<10240x128xf32, #tpu.memory_space<vmem_shared>>
      %dma_start3A_548 = tpu.memref_slice %arg12[%dma_start3A_537] : memref<3x!tpu.dma_semaphore, #tpu.memory_space<semaphore_mem>> -> memref<1x!tpu.dma_semaphore, #tpu.memory_space<semaphore_mem>>
      %dma_start3A_549 = tpu.memref_squeeze %dma_start3A_548 : memref<1x!tpu.dma_semaphore, #tpu.memory_space<semaphore_mem>> -> memref<!tpu.dma_semaphore, #tpu.memory_space<semaphore_mem>>
      tpu.enqueue_indirect_dma source(%dma_start3A_541 : memref<80x128xf32, #tpu.memory_space<vmem>>) target(%dma_start3A_547 : memref<10240x128xf32, #tpu.memory_space<vmem_shared>>) offsets(%dma_start3A_544 : memref<80xi32, #tpu.memory_space<vmem>>) semaphore(%dma_start3A_549 : memref<!tpu.dma_semaphore, #tpu.memory_space<semaphore_mem>>) {add = true}
      %dma_wait3A_550 = arith.constant 2 : i32
      %dma_wait3A_551 = arith.constant 0 : i32
      %dma_wait3A_552 = arith.constant 2 : i32
      %dma_wait3A_553 = arith.constant 0 : i32
      %dma_wait3A_554 = arith.constant 0 : i32
      %dma_wait3A_555 = tpu.memref_slice %arg9[%dma_wait3A_550, %dma_wait3A_553, %dma_wait3A_554] : memref<3x80x128xf32, #tpu.memory_space<vmem>> -> memref<1x80x128xf32, #tpu.memory_space<vmem>>
      %dma_wait3A_556 = tpu.memref_squeeze %dma_wait3A_555 : memref<1x80x128xf32, #tpu.memory_space<vmem>> -> memref<80x128xf32, #tpu.memory_space<vmem>>
      %dma_wait3A_557 = arith.constant 0 : i32
      %dma_wait3A_558 = tpu.memref_slice %arg8[%dma_wait3A_551, %dma_wait3A_557] : memref<63x80xi32, #tpu.memory_space<vmem>> -> memref<1x80xi32, #tpu.memory_space<vmem>>
      %dma_wait3A_559 = tpu.memref_squeeze %dma_wait3A_558 : memref<1x80xi32, #tpu.memory_space<vmem>> -> memref<80xi32, #tpu.memory_space<vmem>>
      %dma_wait3A_560 = arith.constant 0 : i32
      %dma_wait3A_561 = arith.constant 0 : i32
      %dma_wait3A_562 = tpu.memref_slice %arg10[%dma_wait3A_560, %dma_wait3A_561] : memref<10240x128xf32, #tpu.memory_space<vmem_shared>> -> memref<10240x128xf32, #tpu.memory_space<vmem_shared>>
      %dma_wait3A_563 = tpu.memref_slice %arg12[%dma_wait3A_552] : memref<3x!tpu.dma_semaphore, #tpu.memory_space<semaphore_mem>> -> memref<1x!tpu.dma_semaphore, #tpu.memory_space<semaphore_mem>>
      %dma_wait3A_564 = tpu.memref_squeeze %dma_wait3A_563 : memref<1x!tpu.dma_semaphore, #tpu.memory_space<semaphore_mem>> -> memref<!tpu.dma_semaphore, #tpu.memory_space<semaphore_mem>>
      tpu.wait_indirect_dma semaphore(%dma_wait3A_564 : memref<!tpu.dma_semaphore, #tpu.memory_space<semaphore_mem>>) src(%dma_wait3A_556 : memref<80x128xf32, #tpu.memory_space<vmem>>) dst(%dma_wait3A_562 : memref<10240x128xf32, #tpu.memory_space<vmem_shared>>)
      %add3A_565 = arith.constant 3 : i32
      %add3A_566 = arith.addi %add3A_520, %add3A_565 : i32
      %dma_start3A_567 = arith.constant 2 : i32
      %dma_start3A_568 = arith.constant 2 : i32
      %dma_start3A_569 = arith.constant 0 : i32
      %dma_start3A_570 = arith.constant 0 : i32
      %dma_start3A_571 = tpu.memref_slice %arg9[%dma_start3A_567, %dma_start3A_569, %dma_start3A_570] : memref<3x80x128xf32, #tpu.memory_space<vmem>> -> memref<1x80x128xf32, #tpu.memory_space<vmem>>
      %dma_start3A_572 = tpu.memref_squeeze %dma_start3A_571 : memref<1x80x128xf32, #tpu.memory_space<vmem>> -> memref<80x128xf32, #tpu.memory_space<vmem>>
      %dma_start3A_573 = arith.constant 0 : i32
      %dma_start3A_574 = tpu.memref_slice %arg7[%add3A_566, %dma_start3A_573] : memref<63x80xi32, #tpu.memory_space<vmem>> -> memref<1x80xi32, #tpu.memory_space<vmem>>
      %dma_start3A_575 = tpu.memref_squeeze %dma_start3A_574 : memref<1x80xi32, #tpu.memory_space<vmem>> -> memref<80xi32, #tpu.memory_space<vmem>>
      %dma_start3A_576 = arith.constant 0 : i32
      %dma_start3A_577 = arith.constant 0 : i32
      %dma_start3A_578 = tpu.memref_slice %arg2[%dma_start3A_576, %dma_start3A_577] : memref<10240x128xf32, #tpu.memory_space<hbm>> -> memref<10240x128xf32, #tpu.memory_space<hbm>>
      %dma_start3A_579 = tpu.memref_slice %arg11[%dma_start3A_568] : memref<3x!tpu.dma_semaphore, #tpu.memory_space<semaphore_mem>> -> memref<1x!tpu.dma_semaphore, #tpu.memory_space<semaphore_mem>>
      %dma_start3A_580 = tpu.memref_squeeze %dma_start3A_579 : memref<1x!tpu.dma_semaphore, #tpu.memory_space<semaphore_mem>> -> memref<!tpu.dma_semaphore, #tpu.memory_space<semaphore_mem>>
      tpu.enqueue_indirect_dma source(%dma_start3A_578 : memref<10240x128xf32, #tpu.memory_space<hbm>>) target(%dma_start3A_572 : memref<80x128xf32, #tpu.memory_space<vmem>>) offsets(%dma_start3A_575 : memref<80xi32, #tpu.memory_space<vmem>>) semaphore(%dma_start3A_580 : memref<!tpu.dma_semaphore, #tpu.memory_space<semaphore_mem>>)
    }
    %scan3A_249 = arith.constant 20 : i32
    %dma_wait3A_250 = arith.constant 0 : i32
    %dma_wait3A_251 = arith.constant 0 : i32
    %dma_wait3A_252 = arith.constant 0 : i32
    %dma_wait3A_253 = arith.constant 0 : i32
    %dma_wait3A_254 = arith.constant 0 : i32
    %dma_wait3A_255 = tpu.memref_slice %arg9[%dma_wait3A_251, %dma_wait3A_253, %dma_wait3A_254] : memref<3x80x128xf32, #tpu.memory_space<vmem>> -> memref<1x80x128xf32, #tpu.memory_space<vmem>>
    %dma_wait3A_256 = tpu.memref_squeeze %dma_wait3A_255 : memref<1x80x128xf32, #tpu.memory_space<vmem>> -> memref<80x128xf32, #tpu.memory_space<vmem>>
    %dma_wait3A_257 = arith.constant 0 : i32
    %dma_wait3A_258 = tpu.memref_slice %arg7[%dma_wait3A_250, %dma_wait3A_257] : memref<63x80xi32, #tpu.memory_space<vmem>> -> memref<1x80xi32, #tpu.memory_space<vmem>>
    %dma_wait3A_259 = tpu.memref_squeeze %dma_wait3A_258 : memref<1x80xi32, #tpu.memory_space<vmem>> -> memref<80xi32, #tpu.memory_space<vmem>>
    %dma_wait3A_260 = arith.constant 0 : i32
    %dma_wait3A_261 = arith.constant 0 : i32
    %dma_wait3A_262 = tpu.memref_slice %arg2[%dma_wait3A_260, %dma_wait3A_261] : memref<10240x128xf32, #tpu.memory_space<hbm>> -> memref<10240x128xf32, #tpu.memory_space<hbm>>
    %dma_wait3A_263 = tpu.memref_slice %arg11[%dma_wait3A_252] : memref<3x!tpu.dma_semaphore, #tpu.memory_space<semaphore_mem>> -> memref<1x!tpu.dma_semaphore, #tpu.memory_space<semaphore_mem>>
    %dma_wait3A_264 = tpu.memref_squeeze %dma_wait3A_263 : memref<1x!tpu.dma_semaphore, #tpu.memory_space<semaphore_mem>> -> memref<!tpu.dma_semaphore, #tpu.memory_space<semaphore_mem>>
    tpu.wait_indirect_dma semaphore(%dma_wait3A_264 : memref<!tpu.dma_semaphore, #tpu.memory_space<semaphore_mem>>) src(%dma_wait3A_262 : memref<10240x128xf32, #tpu.memory_space<hbm>>) dst(%dma_wait3A_256 : memref<80x128xf32, #tpu.memory_space<vmem>>)
    %dma_start3A_265 = arith.constant 0 : i32
    %dma_start3A_266 = arith.constant 60 : i32
    %dma_start3A_267 = arith.constant 0 : i32
    %dma_start3A_268 = arith.constant 0 : i32
    %dma_start3A_269 = arith.constant 0 : i32
    %dma_start3A_270 = tpu.memref_slice %arg9[%dma_start3A_265, %dma_start3A_268, %dma_start3A_269] : memref<3x80x128xf32, #tpu.memory_space<vmem>> -> memref<1x80x128xf32, #tpu.memory_space<vmem>>
    %dma_start3A_271 = tpu.memref_squeeze %dma_start3A_270 : memref<1x80x128xf32, #tpu.memory_space<vmem>> -> memref<80x128xf32, #tpu.memory_space<vmem>>
    %dma_start3A_272 = arith.constant 0 : i32
    %dma_start3A_273 = tpu.memref_slice %arg8[%dma_start3A_266, %dma_start3A_272] : memref<63x80xi32, #tpu.memory_space<vmem>> -> memref<1x80xi32, #tpu.memory_space<vmem>>
    %dma_start3A_274 = tpu.memref_squeeze %dma_start3A_273 : memref<1x80xi32, #tpu.memory_space<vmem>> -> memref<80xi32, #tpu.memory_space<vmem>>
    %dma_start3A_275 = arith.constant 0 : i32
    %dma_start3A_276 = arith.constant 0 : i32
    %dma_start3A_277 = tpu.memref_slice %arg10[%dma_start3A_275, %dma_start3A_276] : memref<10240x128xf32, #tpu.memory_space<vmem_shared>> -> memref<10240x128xf32, #tpu.memory_space<vmem_shared>>
    %dma_start3A_278 = tpu.memref_slice %arg12[%dma_start3A_267] : memref<3x!tpu.dma_semaphore, #tpu.memory_space<semaphore_mem>> -> memref<1x!tpu.dma_semaphore, #tpu.memory_space<semaphore_mem>>
    %dma_start3A_279 = tpu.memref_squeeze %dma_start3A_278 : memref<1x!tpu.dma_semaphore, #tpu.memory_space<semaphore_mem>> -> memref<!tpu.dma_semaphore, #tpu.memory_space<semaphore_mem>>
    tpu.enqueue_indirect_dma source(%dma_start3A_271 : memref<80x128xf32, #tpu.memory_space<vmem>>) target(%dma_start3A_277 : memref<10240x128xf32, #tpu.memory_space<vmem_shared>>) offsets(%dma_start3A_274 : memref<80xi32, #tpu.memory_space<vmem>>) semaphore(%dma_start3A_279 : memref<!tpu.dma_semaphore, #tpu.memory_space<semaphore_mem>>) {add = true}
    %dma_wait3A_280 = arith.constant 0 : i32
    %dma_wait3A_281 = arith.constant 0 : i32
    %dma_wait3A_282 = arith.constant 0 : i32
    %dma_wait3A_283 = arith.constant 0 : i32
    %dma_wait3A_284 = arith.constant 0 : i32
    %dma_wait3A_285 = tpu.memref_slice %arg9[%dma_wait3A_280, %dma_wait3A_283, %dma_wait3A_284] : memref<3x80x128xf32, #tpu.memory_space<vmem>> -> memref<1x80x128xf32, #tpu.memory_space<vmem>>
    %dma_wait3A_286 = tpu.memref_squeeze %dma_wait3A_285 : memref<1x80x128xf32, #tpu.memory_space<vmem>> -> memref<80x128xf32, #tpu.memory_space<vmem>>
    %dma_wait3A_287 = arith.constant 0 : i32
    %dma_wait3A_288 = tpu.memref_slice %arg8[%dma_wait3A_281, %dma_wait3A_287] : memref<63x80xi32, #tpu.memory_space<vmem>> -> memref<1x80xi32, #tpu.memory_space<vmem>>
    %dma_wait3A_289 = tpu.memref_squeeze %dma_wait3A_288 : memref<1x80xi32, #tpu.memory_space<vmem>> -> memref<80xi32, #tpu.memory_space<vmem>>
    %dma_wait3A_290 = arith.constant 0 : i32
    %dma_wait3A_291 = arith.constant 0 : i32
    %dma_wait3A_292 = tpu.memref_slice %arg10[%dma_wait3A_290, %dma_wait3A_291] : memref<10240x128xf32, #tpu.memory_space<vmem_shared>> -> memref<10240x128xf32, #tpu.memory_space<vmem_shared>>
    %dma_wait3A_293 = tpu.memref_slice %arg12[%dma_wait3A_282] : memref<3x!tpu.dma_semaphore, #tpu.memory_space<semaphore_mem>> -> memref<1x!tpu.dma_semaphore, #tpu.memory_space<semaphore_mem>>
    %dma_wait3A_294 = tpu.memref_squeeze %dma_wait3A_293 : memref<1x!tpu.dma_semaphore, #tpu.memory_space<semaphore_mem>> -> memref<!tpu.dma_semaphore, #tpu.memory_space<semaphore_mem>>
    tpu.wait_indirect_dma semaphore(%dma_wait3A_294 : memref<!tpu.dma_semaphore, #tpu.memory_space<semaphore_mem>>) src(%dma_wait3A_286 : memref<80x128xf32, #tpu.memory_space<vmem>>) dst(%dma_wait3A_292 : memref<10240x128xf32, #tpu.memory_space<vmem_shared>>)
    %dma_wait3A_295 = arith.constant 0 : i32
    %dma_wait3A_296 = arith.constant 1 : i32
    %dma_wait3A_297 = arith.constant 1 : i32
    %dma_wait3A_298 = arith.constant 0 : i32
    %dma_wait3A_299 = arith.constant 0 : i32
    %dma_wait3A_300 = tpu.memref_slice %arg9[%dma_wait3A_296, %dma_wait3A_298, %dma_wait3A_299] : memref<3x80x128xf32, #tpu.memory_space<vmem>> -> memref<1x80x128xf32, #tpu.memory_space<vmem>>
    %dma_wait3A_301 = tpu.memref_squeeze %dma_wait3A_300 : memref<1x80x128xf32, #tpu.memory_space<vmem>> -> memref<80x128xf32, #tpu.memory_space<vmem>>
    %dma_wait3A_302 = arith.constant 0 : i32
    %dma_wait3A_303 = tpu.memref_slice %arg7[%dma_wait3A_295, %dma_wait3A_302] : memref<63x80xi32, #tpu.memory_space<vmem>> -> memref<1x80xi32, #tpu.memory_space<vmem>>
    %dma_wait3A_304 = tpu.memref_squeeze %dma_wait3A_303 : memref<1x80xi32, #tpu.memory_space<vmem>> -> memref<80xi32, #tpu.memory_space<vmem>>
    %dma_wait3A_305 = arith.constant 0 : i32
    %dma_wait3A_306 = arith.constant 0 : i32
    %dma_wait3A_307 = tpu.memref_slice %arg2[%dma_wait3A_305, %dma_wait3A_306] : memref<10240x128xf32, #tpu.memory_space<hbm>> -> memref<10240x128xf32, #tpu.memory_space<hbm>>
    %dma_wait3A_308 = tpu.memref_slice %arg11[%dma_wait3A_297] : memref<3x!tpu.dma_semaphore, #tpu.memory_space<semaphore_mem>> -> memref<1x!tpu.dma_semaphore, #tpu.memory_space<semaphore_mem>>
    %dma_wait3A_309 = tpu.memref_squeeze %dma_wait3A_308 : memref<1x!tpu.dma_semaphore, #tpu.memory_space<semaphore_mem>> -> memref<!tpu.dma_semaphore, #tpu.memory_space<semaphore_mem>>
    tpu.wait_indirect_dma semaphore(%dma_wait3A_309 : memref<!tpu.dma_semaphore, #tpu.memory_space<semaphore_mem>>) src(%dma_wait3A_307 : memref<10240x128xf32, #tpu.memory_space<hbm>>) dst(%dma_wait3A_301 : memref<80x128xf32, #tpu.memory_space<vmem>>)
    %dma_start3A_310 = arith.constant 1 : i32
    %dma_start3A_311 = arith.constant 61 : i32
    %dma_start3A_312 = arith.constant 1 : i32
    %dma_start3A_313 = arith.constant 0 : i32
    %dma_start3A_314 = arith.constant 0 : i32
    %dma_start3A_315 = tpu.memref_slice %arg9[%dma_start3A_310, %dma_start3A_313, %dma_start3A_314] : memref<3x80x128xf32, #tpu.memory_space<vmem>> -> memref<1x80x128xf32, #tpu.memory_space<vmem>>
    %dma_start3A_316 = tpu.memref_squeeze %dma_start3A_315 : memref<1x80x128xf32, #tpu.memory_space<vmem>> -> memref<80x128xf32, #tpu.memory_space<vmem>>
    %dma_start3A_317 = arith.constant 0 : i32
    %dma_start3A_318 = tpu.memref_slice %arg8[%dma_start3A_311, %dma_start3A_317] : memref<63x80xi32, #tpu.memory_space<vmem>> -> memref<1x80xi32, #tpu.memory_space<vmem>>
    %dma_start3A_319 = tpu.memref_squeeze %dma_start3A_318 : memref<1x80xi32, #tpu.memory_space<vmem>> -> memref<80xi32, #tpu.memory_space<vmem>>
    %dma_start3A_320 = arith.constant 0 : i32
    %dma_start3A_321 = arith.constant 0 : i32
    %dma_start3A_322 = tpu.memref_slice %arg10[%dma_start3A_320, %dma_start3A_321] : memref<10240x128xf32, #tpu.memory_space<vmem_shared>> -> memref<10240x128xf32, #tpu.memory_space<vmem_shared>>
    %dma_start3A_323 = tpu.memref_slice %arg12[%dma_start3A_312] : memref<3x!tpu.dma_semaphore, #tpu.memory_space<semaphore_mem>> -> memref<1x!tpu.dma_semaphore, #tpu.memory_space<semaphore_mem>>
    %dma_start3A_324 = tpu.memref_squeeze %dma_start3A_323 : memref<1x!tpu.dma_semaphore, #tpu.memory_space<semaphore_mem>> -> memref<!tpu.dma_semaphore, #tpu.memory_space<semaphore_mem>>
    tpu.enqueue_indirect_dma source(%dma_start3A_316 : memref<80x128xf32, #tpu.memory_space<vmem>>) target(%dma_start3A_322 : memref<10240x128xf32, #tpu.memory_space<vmem_shared>>) offsets(%dma_start3A_319 : memref<80xi32, #tpu.memory_space<vmem>>) semaphore(%dma_start3A_324 : memref<!tpu.dma_semaphore, #tpu.memory_space<semaphore_mem>>) {add = true}
    %dma_wait3A_325 = arith.constant 1 : i32
    %dma_wait3A_326 = arith.constant 0 : i32
    %dma_wait3A_327 = arith.constant 1 : i32
    %dma_wait3A_328 = arith.constant 0 : i32
    %dma_wait3A_329 = arith.constant 0 : i32
    %dma_wait3A_330 = tpu.memref_slice %arg9[%dma_wait3A_325, %dma_wait3A_328, %dma_wait3A_329] : memref<3x80x128xf32, #tpu.memory_space<vmem>> -> memref<1x80x128xf32, #tpu.memory_space<vmem>>
    %dma_wait3A_331 = tpu.memref_squeeze %dma_wait3A_330 : memref<1x80x128xf32, #tpu.memory_space<vmem>> -> memref<80x128xf32, #tpu.memory_space<vmem>>
    %dma_wait3A_332 = arith.constant 0 : i32
    %dma_wait3A_333 = tpu.memref_slice %arg8[%dma_wait3A_326, %dma_wait3A_332] : memref<63x80xi32, #tpu.memory_space<vmem>> -> memref<1x80xi32, #tpu.memory_space<vmem>>
    %dma_wait3A_334 = tpu.memref_squeeze %dma_wait3A_333 : memref<1x80xi32, #tpu.memory_space<vmem>> -> memref<80xi32, #tpu.memory_space<vmem>>
    %dma_wait3A_335 = arith.constant 0 : i32
    %dma_wait3A_336 = arith.constant 0 : i32
    %dma_wait3A_337 = tpu.memref_slice %arg10[%dma_wait3A_335, %dma_wait3A_336] : memref<10240x128xf32, #tpu.memory_space<vmem_shared>> -> memref<10240x128xf32, #tpu.memory_space<vmem_shared>>
    %dma_wait3A_338 = tpu.memref_slice %arg12[%dma_wait3A_327] : memref<3x!tpu.dma_semaphore, #tpu.memory_space<semaphore_mem>> -> memref<1x!tpu.dma_semaphore, #tpu.memory_space<semaphore_mem>>
    %dma_wait3A_339 = tpu.memref_squeeze %dma_wait3A_338 : memref<1x!tpu.dma_semaphore, #tpu.memory_space<semaphore_mem>> -> memref<!tpu.dma_semaphore, #tpu.memory_space<semaphore_mem>>
    tpu.wait_indirect_dma semaphore(%dma_wait3A_339 : memref<!tpu.dma_semaphore, #tpu.memory_space<semaphore_mem>>) src(%dma_wait3A_331 : memref<80x128xf32, #tpu.memory_space<vmem>>) dst(%dma_wait3A_337 : memref<10240x128xf32, #tpu.memory_space<vmem_shared>>)
    %dma_wait3A_340 = arith.constant 0 : i32
    %dma_wait3A_341 = arith.constant 2 : i32
    %dma_wait3A_342 = arith.constant 2 : i32
    %dma_wait3A_343 = arith.constant 0 : i32
    %dma_wait3A_344 = arith.constant 0 : i32
    %dma_wait3A_345 = tpu.memref_slice %arg9[%dma_wait3A_341, %dma_wait3A_343, %dma_wait3A_344] : memref<3x80x128xf32, #tpu.memory_space<vmem>> -> memref<1x80x128xf32, #tpu.memory_space<vmem>>
    %dma_wait3A_346 = tpu.memref_squeeze %dma_wait3A_345 : memref<1x80x128xf32, #tpu.memory_space<vmem>> -> memref<80x128xf32, #tpu.memory_space<vmem>>
    %dma_wait3A_347 = arith.constant 0 : i32
    %dma_wait3A_348 = tpu.memref_slice %arg7[%dma_wait3A_340, %dma_wait3A_347] : memref<63x80xi32, #tpu.memory_space<vmem>> -> memref<1x80xi32, #tpu.memory_space<vmem>>
    %dma_wait3A_349 = tpu.memref_squeeze %dma_wait3A_348 : memref<1x80xi32, #tpu.memory_space<vmem>> -> memref<80xi32, #tpu.memory_space<vmem>>
    %dma_wait3A_350 = arith.constant 0 : i32
    %dma_wait3A_351 = arith.constant 0 : i32
    %dma_wait3A_352 = tpu.memref_slice %arg2[%dma_wait3A_350, %dma_wait3A_351] : memref<10240x128xf32, #tpu.memory_space<hbm>> -> memref<10240x128xf32, #tpu.memory_space<hbm>>
    %dma_wait3A_353 = tpu.memref_slice %arg11[%dma_wait3A_342] : memref<3x!tpu.dma_semaphore, #tpu.memory_space<semaphore_mem>> -> memref<1x!tpu.dma_semaphore, #tpu.memory_space<semaphore_mem>>
    %dma_wait3A_354 = tpu.memref_squeeze %dma_wait3A_353 : memref<1x!tpu.dma_semaphore, #tpu.memory_space<semaphore_mem>> -> memref<!tpu.dma_semaphore, #tpu.memory_space<semaphore_mem>>
    tpu.wait_indirect_dma semaphore(%dma_wait3A_354 : memref<!tpu.dma_semaphore, #tpu.memory_space<semaphore_mem>>) src(%dma_wait3A_352 : memref<10240x128xf32, #tpu.memory_space<hbm>>) dst(%dma_wait3A_346 : memref<80x128xf32, #tpu.memory_space<vmem>>)
    %dma_start3A_355 = arith.constant 2 : i32
    %dma_start3A_356 = arith.constant 62 : i32
    %dma_start3A_357 = arith.constant 2 : i32
    %dma_start3A_358 = arith.constant 0 : i32
    %dma_start3A_359 = arith.constant 0 : i32
    %dma_start3A_360 = tpu.memref_slice %arg9[%dma_start3A_355, %dma_start3A_358, %dma_start3A_359] : memref<3x80x128xf32, #tpu.memory_space<vmem>> -> memref<1x80x128xf32, #tpu.memory_space<vmem>>
    %dma_start3A_361 = tpu.memref_squeeze %dma_start3A_360 : memref<1x80x128xf32, #tpu.memory_space<vmem>> -> memref<80x128xf32, #tpu.memory_space<vmem>>
    %dma_start3A_362 = arith.constant 0 : i32
    %dma_start3A_363 = tpu.memref_slice %arg8[%dma_start3A_356, %dma_start3A_362] : memref<63x80xi32, #tpu.memory_space<vmem>> -> memref<1x80xi32, #tpu.memory_space<vmem>>
    %dma_start3A_364 = tpu.memref_squeeze %dma_start3A_363 : memref<1x80xi32, #tpu.memory_space<vmem>> -> memref<80xi32, #tpu.memory_space<vmem>>
    %dma_start3A_365 = arith.constant 0 : i32
    %dma_start3A_366 = arith.constant 0 : i32
    %dma_start3A_367 = tpu.memref_slice %arg10[%dma_start3A_365, %dma_start3A_366] : memref<10240x128xf32, #tpu.memory_space<vmem_shared>> -> memref<10240x128xf32, #tpu.memory_space<vmem_shared>>
    %dma_start3A_368 = tpu.memref_slice %arg12[%dma_start3A_357] : memref<3x!tpu.dma_semaphore, #tpu.memory_space<semaphore_mem>> -> memref<1x!tpu.dma_semaphore, #tpu.memory_space<semaphore_mem>>
    %dma_start3A_369 = tpu.memref_squeeze %dma_start3A_368 : memref<1x!tpu.dma_semaphore, #tpu.memory_space<semaphore_mem>> -> memref<!tpu.dma_semaphore, #tpu.memory_space<semaphore_mem>>
    tpu.enqueue_indirect_dma source(%dma_start3A_361 : memref<80x128xf32, #tpu.memory_space<vmem>>) target(%dma_start3A_367 : memref<10240x128xf32, #tpu.memory_space<vmem_shared>>) offsets(%dma_start3A_364 : memref<80xi32, #tpu.memory_space<vmem>>) semaphore(%dma_start3A_369 : memref<!tpu.dma_semaphore, #tpu.memory_space<semaphore_mem>>) {add = true}
    %dma_wait3A_370 = arith.constant 2 : i32
    %dma_wait3A_371 = arith.constant 0 : i32
    %dma_wait3A_372 = arith.constant 2 : i32
    %dma_wait3A_373 = arith.constant 0 : i32
    %dma_wait3A_374 = arith.constant 0 : i32
    %dma_wait3A_375 = tpu.memref_slice %arg9[%dma_wait3A_370, %dma_wait3A_373, %dma_wait3A_374] : memref<3x80x128xf32, #tpu.memory_space<vmem>> -> memref<1x80x128xf32, #tpu.memory_space<vmem>>
    %dma_wait3A_376 = tpu.memref_squeeze %dma_wait3A_375 : memref<1x80x128xf32, #tpu.memory_space<vmem>> -> memref<80x128xf32, #tpu.memory_space<vmem>>
    %dma_wait3A_377 = arith.constant 0 : i32
    %dma_wait3A_378 = tpu.memref_slice %arg8[%dma_wait3A_371, %dma_wait3A_377] : memref<63x80xi32, #tpu.memory_space<vmem>> -> memref<1x80xi32, #tpu.memory_space<vmem>>
    %dma_wait3A_379 = tpu.memref_squeeze %dma_wait3A_378 : memref<1x80xi32, #tpu.memory_space<vmem>> -> memref<80xi32, #tpu.memory_space<vmem>>
    %dma_wait3A_380 = arith.constant 0 : i32
    %dma_wait3A_381 = arith.constant 0 : i32
    %dma_wait3A_382 = tpu.memref_slice %arg10[%dma_wait3A_380, %dma_wait3A_381] : memref<10240x128xf32, #tpu.memory_space<vmem_shared>> -> memref<10240x128xf32, #tpu.memory_space<vmem_shared>>
    %dma_wait3A_383 = tpu.memref_slice %arg12[%dma_wait3A_372] : memref<3x!tpu.dma_semaphore, #tpu.memory_space<semaphore_mem>> -> memref<1x!tpu.dma_semaphore, #tpu.memory_space<semaphore_mem>>
    %dma_wait3A_384 = tpu.memref_squeeze %dma_wait3A_383 : memref<1x!tpu.dma_semaphore, #tpu.memory_space<semaphore_mem>> -> memref<!tpu.dma_semaphore, #tpu.memory_space<semaphore_mem>>
    tpu.wait_indirect_dma semaphore(%dma_wait3A_384 : memref<!tpu.dma_semaphore, #tpu.memory_space<semaphore_mem>>) src(%dma_wait3A_376 : memref<80x128xf32, #tpu.memory_space<vmem>>) dst(%dma_wait3A_382 : memref<10240x128xf32, #tpu.memory_space<vmem_shared>>)
    %barrier3A_385 = arith.constant 0 : index
    tpu.barrier barrier_id(%barrier3A_385)
    %mul3A_386 = arith.constant 640 : i32
    %mul3A_387 = arith.muli %arg1, %mul3A_386 : i32
    "tpu.region"() ({
      %run_scoped3A = tpu.sem_alloc : memref<!tpu.dma_semaphore, #tpu.memory_space<semaphore_mem>>
      %dma_start3A_388 = arith.constant 0 : i32
      %dma_start3A_389 = tpu.memref_slice %arg6[%add3A_5, %dma_start3A_388] : memref<20480x128xf32, #tpu.memory_space<hbm>> -> memref<640x128xf32, #tpu.memory_space<hbm>>
      %dma_start3A_390 = arith.constant 0 : i32
      %dma_start3A_391 = tpu.memref_slice %arg10[%mul3A_387, %dma_start3A_390] : memref<10240x128xf32, #tpu.memory_space<vmem_shared>> -> memref<640x128xf32, #tpu.memory_space<vmem_shared>>
      tpu.enqueue_dma source(%dma_start3A_391 : memref<640x128xf32, #tpu.memory_space<vmem_shared>>) target(%dma_start3A_389 : memref<640x128xf32, #tpu.memory_space<hbm>>) target_semaphore(%run_scoped3A : memref<!tpu.dma_semaphore, #tpu.memory_space<semaphore_mem>>)
      %dma_wait3A_392 = arith.constant 0 : i32
      %dma_wait3A_393 = tpu.memref_slice %arg6[%add3A_5, %dma_wait3A_392] : memref<20480x128xf32, #tpu.memory_space<hbm>> -> memref<640x128xf32, #tpu.memory_space<hbm>>
      %dma_wait3A_394 = arith.constant 0 : i32
      %dma_wait3A_395 = tpu.memref_slice %arg10[%mul3A_387, %dma_wait3A_394] : memref<10240x128xf32, #tpu.memory_space<vmem_shared>> -> memref<640x128xf32, #tpu.memory_space<vmem_shared>>
      tpu.wait_dma2 semaphore(%run_scoped3A : memref<!tpu.dma_semaphore, #tpu.memory_space<semaphore_mem>>) src(%dma_wait3A_395 : memref<640x128xf32, #tpu.memory_space<vmem_shared>>) dst(%dma_wait3A_393 : memref<640x128xf32, #tpu.memory_space<hbm>>)
      tpu.yield
    }) : () -> ()
    return
  }
}

#map = affine_map<(d0, d1) -> (0, 0)>
#map1 = affine_map<(d0, d1) -> (0)>
module attributes {stable_mosaic.version = 14 : i64} {
  func.func @body(%arg0: i32, %arg1: i32, %arg2: memref<32x10000xi32, #tpu.memory_space<hbm>>, %arg3: memref<10240xf32, #tpu.memory_space<hbm>>, %arg4: memref<32x10240xf32, #tpu.memory_space<hbm>>, %arg5: memref<10000xi32, #tpu.memory_space<vmem>>, %arg6: memref<10240xf32, #tpu.memory_space<vmem>>) attributes {dimension_semantics = [#tpu.dimension_semantics<core_parallel>, #tpu.dimension_semantics<subcore_parallel>], iteration_bounds = array<i64: 2, 16>, scalar_prefetch = 0 : i64, scratch_operands = 2 : i64, tpu.core_type = #tpu.core_type<sc_vector_subcore>, window_params = [{transform_indices = #map}, {transform_indices = #map1}, {transform_indices = #map}]} {
    %mul3A = arith.constant 16 : i32
    %mul3A_0 = arith.muli %arg0, %mul3A : i32
    %add3A = arith.addi %mul3A_0, %arg1 : i32
    "tpu.region"() ({
      %run_scoped3A = tpu.sem_alloc : memref<!tpu.dma_semaphore, #tpu.memory_space<semaphore_mem>>
      tpu.enqueue_dma source(%arg3 : memref<10240xf32, #tpu.memory_space<hbm>>) target(%arg6 : memref<10240xf32, #tpu.memory_space<vmem>>) target_semaphore(%run_scoped3A : memref<!tpu.dma_semaphore, #tpu.memory_space<semaphore_mem>>)
      tpu.wait_dma2 semaphore(%run_scoped3A : memref<!tpu.dma_semaphore, #tpu.memory_space<semaphore_mem>>) src(%arg3 : memref<10240xf32, #tpu.memory_space<hbm>>) dst(%arg6 : memref<10240xf32, #tpu.memory_space<vmem>>)
      tpu.yield
    }) : () -> ()
    "tpu.region"() ({
      %run_scoped3A = tpu.sem_alloc : memref<!tpu.dma_semaphore, #tpu.memory_space<semaphore_mem>>
      %dma_start3A = arith.constant 0 : i32
      %dma_start3A_7 = tpu.memref_slice %arg2[%add3A, %dma_start3A] : memref<32x10000xi32, #tpu.memory_space<hbm>> -> memref<1x10000xi32, #tpu.memory_space<hbm>>
      %dma_start3A_8 = tpu.memref_squeeze %dma_start3A_7 : memref<1x10000xi32, #tpu.memory_space<hbm>> -> memref<10000xi32, #tpu.memory_space<hbm>>
      %dma_start3A_9 = arith.constant 0 : i32
      %dma_start3A_10 = tpu.memref_slice %arg2[%add3A, %dma_start3A_9] : memref<32x10000xi32, #tpu.memory_space<hbm>> -> memref<1x10000xi32, #tpu.memory_space<hbm>>
      %dma_start3A_11 = tpu.memref_squeeze %dma_start3A_10 : memref<1x10000xi32, #tpu.memory_space<hbm>> -> memref<10000xi32, #tpu.memory_space<hbm>>
      tpu.enqueue_dma source(%dma_start3A_11 : memref<10000xi32, #tpu.memory_space<hbm>>) target(%arg5 : memref<10000xi32, #tpu.memory_space<vmem>>) target_semaphore(%run_scoped3A : memref<!tpu.dma_semaphore, #tpu.memory_space<semaphore_mem>>)
      %dma_wait3A = arith.constant 0 : i32
      %dma_wait3A_12 = tpu.memref_slice %arg2[%add3A, %dma_wait3A] : memref<32x10000xi32, #tpu.memory_space<hbm>> -> memref<1x10000xi32, #tpu.memory_space<hbm>>
      %dma_wait3A_13 = tpu.memref_squeeze %dma_wait3A_12 : memref<1x10000xi32, #tpu.memory_space<hbm>> -> memref<10000xi32, #tpu.memory_space<hbm>>
      %dma_wait3A_14 = arith.constant 0 : i32
      %dma_wait3A_15 = tpu.memref_slice %arg2[%add3A, %dma_wait3A_14] : memref<32x10000xi32, #tpu.memory_space<hbm>> -> memref<1x10000xi32, #tpu.memory_space<hbm>>
      %dma_wait3A_16 = tpu.memref_squeeze %dma_wait3A_15 : memref<1x10000xi32, #tpu.memory_space<hbm>> -> memref<10000xi32, #tpu.memory_space<hbm>>
      tpu.wait_dma2 semaphore(%run_scoped3A : memref<!tpu.dma_semaphore, #tpu.memory_space<semaphore_mem>>) src(%dma_wait3A_16 : memref<10000xi32, #tpu.memory_space<hbm>>) dst(%arg5 : memref<10000xi32, #tpu.memory_space<vmem>>)
      tpu.yield
    }) : () -> ()
    %broadcast_in_dim3A = arith.constant 1.000000e+00 : f32
    %broadcast_in_dim3A_1 = vector.broadcast %broadcast_in_dim3A : f32 to vector<16xf32>
    %scan3A = arith.constant 0 : i32
    %scan3A_2 = arith.constant 0 : i32
    %scan3A_3 = arith.constant 625 : i32
    %scan3A_4 = arith.addi %scan3A_2, %scan3A_3 : i32
    %scan3A_5 = arith.constant 1 : i32
    scf.for %scan3A_7 = %scan3A_2 to %scan3A_4 step %scan3A_5  : i32 {
      %mul3A_8 = arith.constant 16 : i32
      %mul3A_9 = arith.muli %scan3A_7, %mul3A_8 : i32
      %get3A = arith.index_cast %mul3A_9 : i32 to index
      %get3A_10 = tpu.vector_load %arg5[%get3A] {strides = array<i32>} : memref<10000xi32, #tpu.memory_space<vmem>>, vector<16xi32>,
      tpu.vector_store_idx %arg6[%get3A_10], %broadcast_in_dim3A_1 {add = true} : memref<10240xf32, #tpu.memory_space<vmem>>[vector<16xi32>], vector<16xf32>,
    }
    %scan3A_6 = arith.constant 625 : i32
    "tpu.region"() ({
      %run_scoped3A = tpu.sem_alloc : memref<!tpu.dma_semaphore, #tpu.memory_space<semaphore_mem>>
      %dma_start3A = arith.constant 0 : i32
      %dma_start3A_7 = tpu.memref_slice %arg4[%add3A, %dma_start3A] : memref<32x10240xf32, #tpu.memory_space<hbm>> -> memref<1x10240xf32, #tpu.memory_space<hbm>>
      %dma_start3A_8 = tpu.memref_squeeze %dma_start3A_7 : memref<1x10240xf32, #tpu.memory_space<hbm>> -> memref<10240xf32, #tpu.memory_space<hbm>>
      %dma_start3A_9 = arith.constant 0 : i32
      %dma_start3A_10 = tpu.memref_slice %arg4[%add3A, %dma_start3A_9] : memref<32x10240xf32, #tpu.memory_space<hbm>> -> memref<1x10240xf32, #tpu.memory_space<hbm>>
      %dma_start3A_11 = tpu.memref_squeeze %dma_start3A_10 : memref<1x10240xf32, #tpu.memory_space<hbm>> -> memref<10240xf32, #tpu.memory_space<hbm>>
      tpu.enqueue_dma source(%arg6 : memref<10240xf32, #tpu.memory_space<vmem>>) target(%dma_start3A_11 : memref<10240xf32, #tpu.memory_space<hbm>>) target_semaphore(%run_scoped3A : memref<!tpu.dma_semaphore, #tpu.memory_space<semaphore_mem>>)
      %dma_wait3A = arith.constant 0 : i32
      %dma_wait3A_12 = tpu.memref_slice %arg4[%add3A, %dma_wait3A] : memref<32x10240xf32, #tpu.memory_space<hbm>> -> memref<1x10240xf32, #tpu.memory_space<hbm>>
      %dma_wait3A_13 = tpu.memref_squeeze %dma_wait3A_12 : memref<1x10240xf32, #tpu.memory_space<hbm>> -> memref<10240xf32, #tpu.memory_space<hbm>>
      %dma_wait3A_14 = arith.constant 0 : i32
      %dma_wait3A_15 = tpu.memref_slice %arg4[%add3A, %dma_wait3A_14] : memref<32x10240xf32, #tpu.memory_space<hbm>> -> memref<1x10240xf32, #tpu.memory_space<hbm>>
      %dma_wait3A_16 = tpu.memref_squeeze %dma_wait3A_15 : memref<1x10240xf32, #tpu.memory_space<hbm>> -> memref<10240xf32, #tpu.memory_space<hbm>>
      tpu.wait_dma2 semaphore(%run_scoped3A : memref<!tpu.dma_semaphore, #tpu.memory_space<semaphore_mem>>) src(%arg6 : memref<10240xf32, #tpu.memory_space<vmem>>) dst(%dma_wait3A_16 : memref<10240xf32, #tpu.memory_space<hbm>>)
      tpu.yield
    }) : () -> ()
    return
  }
}

module attributes {stable_mosaic.version = 14 : i64} {
  func.func @_mm_body(%arg0: i32, %arg1: memref<1024x128xf32, #tpu.memory_space<vmem>>, %arg2: memref<128x128xf32, #tpu.memory_space<vmem>>, %arg3: memref<1024x128xf32, #tpu.memory_space<vmem>>) attributes {dimension_semantics = [#tpu.dimension_semantics<arbitrary>], iteration_bounds = array<i64: 10>, scalar_prefetch = 0 : i64, scratch_operands = 0 : i64, tpu.core_type = #tpu.core_type<tc>, window_params = [{transform_indices = @transform_0, window_bounds = array<i64: 1024, 128>}, {pipeline_mode = #tpu.pipeline_mode<synchronous>, transform_indices = @transform_1, window_bounds = array<i64: 128, 128>}, {transform_indices = @transform_2, window_bounds = array<i64: 1024, 128>}]} {
    %get3A = arith.constant 0 : index
    %get3A_0 = arith.constant 0 : index
    %get3A_1 = vector.load %arg1[%get3A, %get3A_0] : memref<1024x128xf32, #tpu.memory_space<vmem>>, vector<1024x128xf32>
    %get3A_2 = arith.constant 0 : index
    %get3A_3 = arith.constant 0 : index
    %get3A_4 = vector.load %arg2[%get3A_2, %get3A_3] : memref<128x128xf32, #tpu.memory_space<vmem>>, vector<128x128xf32>
    %dot_general3A = arith.constant dense<0.000000e+00> : vector<1024x128xf32>
    %dot_general3A_5 = tpu.matmul %get3A_1, %get3A_4, %dot_general3A {dimension_numbers = #tpu.dot_dimension_numbers<[1], [0], [0], [1], [0, 0, 1, 1], [], []>, transpose_lhs_hint = false} : vector<1024x128xf32>, vector<128x128xf32>, vector<1024x128xf32> -> vector<1024x128xf32>
    %swap3A = arith.constant 0 : index
    %swap3A_6 = arith.constant 0 : index
    %swap3A_7 = vector.load %arg3[%swap3A, %swap3A_6] : memref<1024x128xf32, #tpu.memory_space<vmem>>, vector<1024x128xf32>
    tpu.vector_store %arg3[%swap3A, %swap3A_6], %dot_general3A_5 {strides = array<i32>} : memref<1024x128xf32, #tpu.memory_space<vmem>>, vector<1024x128xf32>,
    return
  }
  func.func @transform_0(%arg0: i32) -> (i32, i32) {
    %c0_i32 = arith.constant 0 : i32
    %c0_i32_0 = arith.constant 0 : i32
    return %arg0, %c0_i32 : i32, i32
  }
  func.func @transform_1(%arg0: i32) -> (i32, i32) {
    %c0_i32 = arith.constant 0 : i32
    %c0_i32_0 = arith.constant 0 : i32
    %c0_i32_1 = arith.constant 0 : i32
    return %c0_i32, %c0_i32_0 : i32, i32
  }
  func.func @transform_2(%arg0: i32) -> (i32, i32) {
    %c0_i32 = arith.constant 0 : i32
    %c0_i32_0 = arith.constant 0 : i32
    return %arg0, %c0_i32 : i32, i32
  }
}

module attributes {stable_mosaic.version = 14 : i64} {
  func.func @_dis_scale_body(%arg0: i32, %arg1: memref<32x1024xf32, #tpu.memory_space<vmem>>, %arg2: memref<1024x128xf32, #tpu.memory_space<vmem>>, %arg3: memref<1024x1xf32, #tpu.memory_space<vmem>>, %arg4: memref<1024x128xf32, #tpu.memory_space<vmem>>) attributes {dimension_semantics = [#tpu.dimension_semantics<arbitrary>], iteration_bounds = array<i64: 10>, scalar_prefetch = 0 : i64, scratch_operands = 0 : i64, tpu.core_type = #tpu.core_type<tc>, window_params = [{transform_indices = @transform_0, window_bounds = array<i64: 32, 1024>}, {transform_indices = @transform_1, window_bounds = array<i64: 1024, 128>}, {transform_indices = @transform_2, window_bounds = array<i64: 1024, 1>}, {transform_indices = @transform_3, window_bounds = array<i64: 1024, 128>}]} {
    %broadcast_in_dim3A = arith.constant 1.000000e+00 : f32
    %broadcast_in_dim3A_0 = vector.broadcast %broadcast_in_dim3A : f32 to vector<32x1xf32>
    %get3A = arith.constant 0 : index
    %get3A_1 = arith.constant 0 : index
    %get3A_2 = vector.load %arg1[%get3A, %get3A_1] : memref<32x1024xf32, #tpu.memory_space<vmem>>, vector<32x1024xf32>
    %dot_general3A = arith.constant dense<0.000000e+00> : vector<1024x1xf32>
    %dot_general3A_3 = tpu.matmul %get3A_2, %broadcast_in_dim3A_0, %dot_general3A {dimension_numbers = #tpu.dot_dimension_numbers<[0], [0], [1], [1], [0, 1, 1, 1], [], []>, transpose_lhs_hint = false} : vector<32x1024xf32>, vector<32x1xf32>, vector<1024x1xf32> -> vector<1024x1xf32>
    %add3A = arith.constant 1.000000e+00 : f32
    %add3A_4 = vector.broadcast %add3A : f32 to vector<1024x1xf32>
    %add3A_5 = arith.addf %dot_general3A_3, %add3A_4 : vector<1024x1xf32>
    %rsqrt3A = math.rsqrt %add3A_5 : vector<1024x1xf32>
    %swap3A = arith.constant 0 : index
    %swap3A_6 = arith.constant 0 : index
    %swap3A_7 = vector.load %arg3[%swap3A, %swap3A_6] : memref<1024x1xf32, #tpu.memory_space<vmem>>, vector<1024x1xf32>
    tpu.vector_store %arg3[%swap3A, %swap3A_6], %rsqrt3A {strides = array<i32>} : memref<1024x1xf32, #tpu.memory_space<vmem>>, vector<1024x1xf32>,
    %get3A_8 = arith.constant 0 : index
    %get3A_9 = arith.constant 0 : index
    %get3A_10 = vector.load %arg2[%get3A_8, %get3A_9] : memref<1024x128xf32, #tpu.memory_space<vmem>>, vector<1024x128xf32>
    %mul3A = vector.broadcast %rsqrt3A : vector<1024x1xf32> to vector<1024x128xf32>
    %mul3A_11 = arith.mulf %get3A_10, %mul3A : vector<1024x128xf32>
    %swap3A_12 = arith.constant 0 : index
    %swap3A_13 = arith.constant 0 : index
    %swap3A_14 = vector.load %arg4[%swap3A_12, %swap3A_13] : memref<1024x128xf32, #tpu.memory_space<vmem>>, vector<1024x128xf32>
    tpu.vector_store %arg4[%swap3A_12, %swap3A_13], %mul3A_11 {strides = array<i32>} : memref<1024x128xf32, #tpu.memory_space<vmem>>, vector<1024x128xf32>,
    return
  }
  func.func @transform_0(%arg0: i32) -> (i32, i32) {
    %c0_i32 = arith.constant 0 : i32
    %c0_i32_0 = arith.constant 0 : i32
    return %c0_i32, %arg0 : i32, i32
  }
  func.func @transform_1(%arg0: i32) -> (i32, i32) {
    %c0_i32 = arith.constant 0 : i32
    %c0_i32_0 = arith.constant 0 : i32
    return %arg0, %c0_i32 : i32, i32
  }
  func.func @transform_2(%arg0: i32) -> (i32, i32) {
    %c0_i32 = arith.constant 0 : i32
    %c0_i32_0 = arith.constant 0 : i32
    return %arg0, %c0_i32 : i32, i32
  }
  func.func @transform_3(%arg0: i32) -> (i32, i32) {
    %c0_i32 = arith.constant 0 : i32
    %c0_i32_0 = arith.constant 0 : i32
    return %arg0, %c0_i32 : i32, i32
  }
}

module attributes {stable_mosaic.version = 14 : i64} {
  func.func @_mid_body(%arg0: i32, %arg1: memref<1024x128xf32, #tpu.memory_space<vmem>>, %arg2: memref<1024x128xf32, #tpu.memory_space<vmem>>, %arg3: memref<1024x128xf32, #tpu.memory_space<vmem>>, %arg4: memref<1024x1xf32, #tpu.memory_space<vmem>>, %arg5: memref<1x128xf32, #tpu.memory_space<vmem>>, %arg6: memref<128x128xf32, #tpu.memory_space<vmem>>, %arg7: memref<1024x128xf32, #tpu.memory_space<vmem>>) attributes {dimension_semantics = [#tpu.dimension_semantics<arbitrary>], iteration_bounds = array<i64: 10>, scalar_prefetch = 0 : i64, scratch_operands = 0 : i64, tpu.core_type = #tpu.core_type<tc>, window_params = [{transform_indices = @transform_0, window_bounds = array<i64: 1024, 128>}, {transform_indices = @transform_1, window_bounds = array<i64: 1024, 128>}, {transform_indices = @transform_2, window_bounds = array<i64: 1024, 128>}, {transform_indices = @transform_3, window_bounds = array<i64: 1024, 1>}, {pipeline_mode = #tpu.pipeline_mode<synchronous>, transform_indices = @transform_4, window_bounds = array<i64: 1, 128>}, {pipeline_mode = #tpu.pipeline_mode<synchronous>, transform_indices = @transform_5, window_bounds = array<i64: 128, 128>}, {transform_indices = @transform_6, window_bounds = array<i64: 1024, 128>}]} {
    %get3A = arith.constant 0 : index
    %get3A_0 = arith.constant 0 : index
    %get3A_1 = vector.load %arg4[%get3A, %get3A_0] : memref<1024x1xf32, #tpu.memory_space<vmem>>, vector<1024x1xf32>
    %get3A_2 = arith.constant 0 : index
    %get3A_3 = arith.constant 0 : index
    %get3A_4 = vector.load %arg1[%get3A_2, %get3A_3] : memref<1024x128xf32, #tpu.memory_space<vmem>>, vector<1024x128xf32>
    %get3A_5 = arith.constant 0 : index
    %get3A_6 = arith.constant 0 : index
    %get3A_7 = vector.load %arg2[%get3A_5, %get3A_6] : memref<1024x128xf32, #tpu.memory_space<vmem>>, vector<1024x128xf32>
    %add3A = arith.addf %get3A_4, %get3A_7 : vector<1024x128xf32>
    %get3A_8 = arith.constant 0 : index
    %get3A_9 = arith.constant 0 : index
    %get3A_10 = vector.load %arg3[%get3A_8, %get3A_9] : memref<1024x128xf32, #tpu.memory_space<vmem>>, vector<1024x128xf32>
    %add3A_11 = arith.addf %add3A, %get3A_10 : vector<1024x128xf32>
    %mul3A = vector.broadcast %get3A_1 : vector<1024x1xf32> to vector<1024x128xf32>
    %mul3A_12 = arith.mulf %add3A_11, %mul3A : vector<1024x128xf32>
    %get3A_13 = arith.constant 0 : index
    %get3A_14 = arith.constant 0 : index
    %get3A_15 = vector.load %arg5[%get3A_13, %get3A_14] : memref<1x128xf32, #tpu.memory_space<vmem>>, vector<1x128xf32>
    %add3A_16 = vector.broadcast %get3A_15 : vector<1x128xf32> to vector<1024x128xf32>
    %add3A_17 = arith.addf %mul3A_12, %add3A_16 : vector<1024x128xf32>
    %max3A = arith.constant 0.000000e+00 : f32
    %max3A_18 = vector.broadcast %max3A : f32 to vector<1024x128xf32>
    %max3A_19 = arith.maximumf %add3A_17, %max3A_18 : vector<1024x128xf32>
    %get3A_20 = arith.constant 0 : index
    %get3A_21 = arith.constant 0 : index
    %get3A_22 = vector.load %arg6[%get3A_20, %get3A_21] : memref<128x128xf32, #tpu.memory_space<vmem>>, vector<128x128xf32>
    %dot_general3A = arith.constant dense<0.000000e+00> : vector<1024x128xf32>
    %dot_general3A_23 = tpu.matmul %max3A_19, %get3A_22, %dot_general3A {dimension_numbers = #tpu.dot_dimension_numbers<[1], [0], [0], [1], [0, 0, 1, 1], [], []>, transpose_lhs_hint = false} : vector<1024x128xf32>, vector<128x128xf32>, vector<1024x128xf32> -> vector<1024x128xf32>
    %mul3A_24 = vector.broadcast %get3A_1 : vector<1024x1xf32> to vector<1024x128xf32>
    %mul3A_25 = arith.mulf %dot_general3A_23, %mul3A_24 : vector<1024x128xf32>
    %swap3A = arith.constant 0 : index
    %swap3A_26 = arith.constant 0 : index
    %swap3A_27 = vector.load %arg7[%swap3A, %swap3A_26] : memref<1024x128xf32, #tpu.memory_space<vmem>>, vector<1024x128xf32>
    tpu.vector_store %arg7[%swap3A, %swap3A_26], %mul3A_25 {strides = array<i32>} : memref<1024x128xf32, #tpu.memory_space<vmem>>, vector<1024x128xf32>,
    return
  }
  func.func @transform_0(%arg0: i32) -> (i32, i32) {
    %c0_i32 = arith.constant 0 : i32
    %c0_i32_0 = arith.constant 0 : i32
    return %arg0, %c0_i32 : i32, i32
  }
  func.func @transform_1(%arg0: i32) -> (i32, i32) {
    %add3A = arith.constant 10 : i32
    %add3A_0 = arith.addi %add3A, %arg0 : i32
    %c0_i32 = arith.constant 0 : i32
    %c0_i32_1 = arith.constant 0 : i32
    return %add3A_0, %c0_i32 : i32, i32
  }
  func.func @transform_2(%arg0: i32) -> (i32, i32) {
    %c0_i32 = arith.constant 0 : i32
    %c0_i32_0 = arith.constant 0 : i32
    return %arg0, %c0_i32 : i32, i32
  }
  func.func @transform_3(%arg0: i32) -> (i32, i32) {
    %c0_i32 = arith.constant 0 : i32
    %c0_i32_0 = arith.constant 0 : i32
    return %arg0, %c0_i32 : i32, i32
  }
  func.func @transform_4(%arg0: i32) -> (i32, i32) {
    %c0_i32 = arith.constant 0 : i32
    %c0_i32_0 = arith.constant 0 : i32
    %c0_i32_1 = arith.constant 0 : i32
    return %c0_i32, %c0_i32_0 : i32, i32
  }
  func.func @transform_5(%arg0: i32) -> (i32, i32) {
    %c0_i32 = arith.constant 0 : i32
    %c0_i32_0 = arith.constant 0 : i32
    %c0_i32_1 = arith.constant 0 : i32
    return %c0_i32, %c0_i32_0 : i32, i32
  }
  func.func @transform_6(%arg0: i32) -> (i32, i32) {
    %c0_i32 = arith.constant 0 : i32
    %c0_i32_0 = arith.constant 0 : i32
    return %arg0, %c0_i32 : i32, i32
  }
}

module attributes {stable_mosaic.version = 14 : i64} {
  func.func @_fin_body(%arg0: i32, %arg1: memref<1024x128xf32, #tpu.memory_space<vmem>>, %arg2: memref<1024x128xf32, #tpu.memory_space<vmem>>, %arg3: memref<1024x128xf32, #tpu.memory_space<vmem>>, %arg4: memref<1024x1xf32, #tpu.memory_space<vmem>>, %arg5: memref<1x128xf32, #tpu.memory_space<vmem>>, %arg6: memref<128x16xf32, #tpu.memory_space<vmem>>, %arg7: memref<1x16xf32, #tpu.memory_space<vmem>>, %arg8: memref<1024x16xf32, #tpu.memory_space<vmem>>) attributes {dimension_semantics = [#tpu.dimension_semantics<arbitrary>], iteration_bounds = array<i64: 10>, scalar_prefetch = 0 : i64, scratch_operands = 0 : i64, tpu.core_type = #tpu.core_type<tc>, window_params = [{transform_indices = @transform_0, window_bounds = array<i64: 1024, 128>}, {transform_indices = @transform_1, window_bounds = array<i64: 1024, 128>}, {transform_indices = @transform_2, window_bounds = array<i64: 1024, 128>}, {transform_indices = @transform_3, window_bounds = array<i64: 1024, 1>}, {pipeline_mode = #tpu.pipeline_mode<synchronous>, transform_indices = @transform_4, window_bounds = array<i64: 1, 128>}, {pipeline_mode = #tpu.pipeline_mode<synchronous>, transform_indices = @transform_5, window_bounds = array<i64: 128, 16>}, {pipeline_mode = #tpu.pipeline_mode<synchronous>, transform_indices = @transform_6, window_bounds = array<i64: 1, 16>}, {transform_indices = @transform_7, window_bounds = array<i64: 1024, 16>}]} {
    %get3A = arith.constant 0 : index
    %get3A_0 = arith.constant 0 : index
    %get3A_1 = vector.load %arg1[%get3A, %get3A_0] : memref<1024x128xf32, #tpu.memory_space<vmem>>, vector<1024x128xf32>
    %get3A_2 = arith.constant 0 : index
    %get3A_3 = arith.constant 0 : index
    %get3A_4 = vector.load %arg2[%get3A_2, %get3A_3] : memref<1024x128xf32, #tpu.memory_space<vmem>>, vector<1024x128xf32>
    %add3A = arith.addf %get3A_1, %get3A_4 : vector<1024x128xf32>
    %get3A_5 = arith.constant 0 : index
    %get3A_6 = arith.constant 0 : index
    %get3A_7 = vector.load %arg3[%get3A_5, %get3A_6] : memref<1024x128xf32, #tpu.memory_space<vmem>>, vector<1024x128xf32>
    %add3A_8 = arith.addf %add3A, %get3A_7 : vector<1024x128xf32>
    %get3A_9 = arith.constant 0 : index
    %get3A_10 = arith.constant 0 : index
    %get3A_11 = vector.load %arg4[%get3A_9, %get3A_10] : memref<1024x1xf32, #tpu.memory_space<vmem>>, vector<1024x1xf32>
    %mul3A = vector.broadcast %get3A_11 : vector<1024x1xf32> to vector<1024x128xf32>
    %mul3A_12 = arith.mulf %add3A_8, %mul3A : vector<1024x128xf32>
    %get3A_13 = arith.constant 0 : index
    %get3A_14 = arith.constant 0 : index
    %get3A_15 = vector.load %arg5[%get3A_13, %get3A_14] : memref<1x128xf32, #tpu.memory_space<vmem>>, vector<1x128xf32>
    %add3A_16 = vector.broadcast %get3A_15 : vector<1x128xf32> to vector<1024x128xf32>
    %add3A_17 = arith.addf %mul3A_12, %add3A_16 : vector<1024x128xf32>
    %max3A = arith.constant 0.000000e+00 : f32
    %max3A_18 = vector.broadcast %max3A : f32 to vector<1024x128xf32>
    %max3A_19 = arith.maximumf %add3A_17, %max3A_18 : vector<1024x128xf32>
    %get3A_20 = arith.constant 0 : index
    %get3A_21 = arith.constant 0 : index
    %get3A_22 = vector.load %arg6[%get3A_20, %get3A_21] : memref<128x16xf32, #tpu.memory_space<vmem>>, vector<128x16xf32>
    %dot_general3A = arith.constant dense<0.000000e+00> : vector<1024x16xf32>
    %dot_general3A_23 = tpu.matmul %max3A_19, %get3A_22, %dot_general3A {dimension_numbers = #tpu.dot_dimension_numbers<[1], [0], [0], [1], [0, 0, 1, 1], [], []>, transpose_lhs_hint = false} : vector<1024x128xf32>, vector<128x16xf32>, vector<1024x16xf32> -> vector<1024x16xf32>
    %get3A_24 = arith.constant 0 : index
    %get3A_25 = arith.constant 0 : index
    %get3A_26 = vector.load %arg7[%get3A_24, %get3A_25] : memref<1x16xf32, #tpu.memory_space<vmem>>, vector<1x16xf32>
    %add3A_27 = vector.broadcast %get3A_26 : vector<1x16xf32> to vector<1024x16xf32>
    %add3A_28 = arith.addf %dot_general3A_23, %add3A_27 : vector<1024x16xf32>
    %swap3A = arith.constant 0 : index
    %swap3A_29 = arith.constant 0 : index
    %swap3A_30 = vector.load %arg8[%swap3A, %swap3A_29] : memref<1024x16xf32, #tpu.memory_space<vmem>>, vector<1024x16xf32>
    tpu.vector_store %arg8[%swap3A, %swap3A_29], %add3A_28 {strides = array<i32>} : memref<1024x16xf32, #tpu.memory_space<vmem>>, vector<1024x16xf32>,
    return
  }
  func.func @transform_0(%arg0: i32) -> (i32, i32) {
    %c0_i32 = arith.constant 0 : i32
    %c0_i32_0 = arith.constant 0 : i32
    return %arg0, %c0_i32 : i32, i32
  }
  func.func @transform_1(%arg0: i32) -> (i32, i32) {
    %add3A = arith.constant 10 : i32
    %add3A_0 = arith.addi %add3A, %arg0 : i32
    %c0_i32 = arith.constant 0 : i32
    %c0_i32_1 = arith.constant 0 : i32
    return %add3A_0, %c0_i32 : i32, i32
  }
  func.func @transform_2(%arg0: i32) -> (i32, i32) {
    %c0_i32 = arith.constant 0 : i32
    %c0_i32_0 = arith.constant 0 : i32
    return %arg0, %c0_i32 : i32, i32
  }
  func.func @transform_3(%arg0: i32) -> (i32, i32) {
    %c0_i32 = arith.constant 0 : i32
    %c0_i32_0 = arith.constant 0 : i32
    return %arg0, %c0_i32 : i32, i32
  }
  func.func @transform_4(%arg0: i32) -> (i32, i32) {
    %c0_i32 = arith.constant 0 : i32
    %c0_i32_0 = arith.constant 0 : i32
    %c0_i32_1 = arith.constant 0 : i32
    return %c0_i32, %c0_i32_0 : i32, i32
  }
  func.func @transform_5(%arg0: i32) -> (i32, i32) {
    %c0_i32 = arith.constant 0 : i32
    %c0_i32_0 = arith.constant 0 : i32
    %c0_i32_1 = arith.constant 0 : i32
    return %c0_i32, %c0_i32_0 : i32, i32
  }
  func.func @transform_6(%arg0: i32) -> (i32, i32) {
    %c0_i32 = arith.constant 0 : i32
    %c0_i32_0 = arith.constant 0 : i32
    %c0_i32_1 = arith.constant 0 : i32
    return %c0_i32, %c0_i32_0 : i32, i32
  }
  func.func @transform_7(%arg0: i32) -> (i32, i32) {
    %c0_i32 = arith.constant 0 : i32
    %c0_i32_0 = arith.constant 0 : i32
    return %arg0, %c0_i32 : i32, i32
  }
}

</mosaic_0001>

<sc_bundles>
// kernel: kernel.12.cloned.1.call-start
scs
__scs_entry_jumppad:
0x0: {  	(pc) =	sbr.rel $0x88, $3  }
0x1: {  	(tag) =	ssettag $0x0;
	lr =	simm.s32 $0x1  }
0x2: {  	[smem:$0x3F99] =	sst lr;
	_ =	strace $0xD0000000  }
0x3: {  	_ = 	snop  }
0x4: {  	_ = 	snop  }
0x5: {  	_ = 	snop  }
0x6: {  	_ = 	snop  }
0x7: {  	_ = 	snop  }
__scs_overlays_trampoline_lowered:
0x8: {  	[smem:$0x3FA8] =	sst s0  }
0x9: {  	[smem:$0x3FA9] =	sst s1  }
0xa: {  	[smem:$0x3FAA] =	sst s2  }
0xb: {  	[smem:$0x3FAB] =	sst s3  }
0xc: {  	[smem:$0x3FAC] =	sst s4  }
0xd: {  	[smem:$0x3FAD] =	sst s5  }
0xe: {  	[smem:$0x3FAE] =	sst s6  }
0xf: {  	[smem:$0x3FAF] =	sst s7  }
0x10: {  	[smem:$0x3FB0] =	sst s8  }
0x11: {  	[smem:$0x3FB1] =	sst s9;
	s0 =	simm.s32 @!p0 $0x0  }
0x12: {  	s1 =	sld [smem:$0x3F97];
	s0 =	simm.s32 @p0 $0x1  }
0x13: {  	[smem:$0x3FB2] =	sst s0;
	s0 =	simm.s32 @!p1 $0x0  }
0x14: {  	s2 =	sld [smem:$0x3F96];
	s0 =	simm.s32 @p1 $0x1  }
0x15: {  	[smem:$0x3FB3] =	sst s0;
	s0 =	simm.s32 @!p2 $0x0  }
0x16: {  	s3 =	sld [smem:$0x3FDB];
	s0 =	simm.s32 @p2 $0x1  }
0x17: {  	s4 =	simm.s32 $0x1BF5;
	[smem:$0x3FB5] =	sst s0  }
0x18: {  	s0 =	sld [smem:$0x3F98];
	_ =	swait.ge [sflag:s4], $0x0  }
0x19: {  	s7 =	sld [smem:$0x3F99]  }
0x1a: {  	s8 =	sadd.s32 $0xFFFFE003, lr  }
0x1b: {  	s9 =	sadd.s32 $0xFFFFFEF7, lr;
	s5 =	simm.s32 $0xFFFFFFFF;
	p2 =	slt.u32 s8, $0xFFFFF086  }
0x1c: {  	p1 =	slt.u32 s9, $0xF7A;
	s5 =	simm.s32 @!p2 $0x0  }
0x1d: {  	s5 =	simm.s32 @p1 $0x1;
	p0 =	seq.s32 s7, s2  }
0x1e: {  	s7 =	smul.u32 @!p0 $0xF7A, s2;
	p2 =	seq.s32 @!p0 s5, $0x0  }
0x1f: {  	s9 =	smul.u32 $0xF7A, s1;
	s8 =	simm.s32 @!p0 $0x1BF5;
	p2 =	por !p2, p0  }
0x20: {  	[sflag:s8] =	ssyncset.s32 @!p0 $0xFFFFF086;
	s6 =	sadd.s32 @!p0 s3, s7;
	s7 =	simm.s32 @!p0 $0x108  }
0x21: {  	s3 =	sadd.s32 s3, s9;
	s6 =	sadd.s32 @!p0 $0x88, s6;
	s7 =	simm.s32 @p2 $0x1082  }
0x22: {  	[simem:s7], [sflag:s8] =	dma.local @!p0 [hbm:s6], $0xF7A  }
0x23: {  	s9 =	sor.u32 $0xD0000000, s2;
	s6 =	simm.s32 $0x108;
	_ =	swait.ge @!p0 [sflag:s8], $0x0  }
0x24: {  	s3 =	sadd.s32 $0x88, s3;
	s6 =	simm.s32 @!p1 $0x1082;
	[sflag:s4] =	ssyncset.s32 $0xFFFFF086  }
0x25: {  	[simem:s6], [sflag:s4] =	dma.local [hbm:s3], $0xF7A  }
0x26: {  	[smem:$0x3F99] =	sst s1;
	(tag) =	ssettag s2;
	_ =	strace s9  }
0x27: {  	s1 =	sld [smem:$0x3FA9]  }
0x28: {  	s2 =	sld [smem:$0x3FAA]  }
0x29: {  	s4 =	sld [smem:$0x3FAC]  }
0x2a: {  	p0 =	seq.s32 s5, $0x0;
	s5 =	sld [smem:$0x3FAD]  }
0x2b: {  	s6 =	sld [smem:$0x3FAE]  }
0x2c: {  	s7 =	sld [smem:$0x3FAF]  }
0x2d: {  	s3 =	simm.s32 $0x108;
	s8 =	sld [smem:$0x3FB0]  }
0x2e: {  	s3 =	simm.s32 @!p0 $0x1082;
	s9 =	sld [smem:$0x3FB1]  }
0x2f: {  	lr =	sadd.s32 s0, s3;
	s0 =	sld [smem:$0x3FA8]  }
0x30: {  	s3 =	sld [smem:$0x3FAB]  }
0x31: {  	[smem:$0x3FB4] =	sst s10  }
0x32: {  	s10 =	sld [smem:$0x3FB2];
	_ =	sdelay $0x3  }
0x33: {  	p0 =	seq.s32 s10, $0x1;
	s10 =	sld [smem:$0x3FB4];
	_ =	sdelay $0x3  }
0x34: {  	[smem:$0x3FB4] =	sst s10  }
0x35: {  	s10 =	sld [smem:$0x3FB3];
	_ =	sdelay $0x3  }
0x36: {  	p1 =	seq.s32 s10, $0x1;
	s10 =	sld [smem:$0x3FB4];
	_ =	sdelay $0x3  }
0x37: {  	[smem:$0x3FB4] =	sst s10  }
0x38: {  	s10 =	sld [smem:$0x3FB5]  }
0x39: {  	_ = 	snop;
	(pc) =	sbr.ind lr, $3  }
0x3a: {  	_ = 	snop  }
0x3b: {  	_ = 	snop  }
0x3c: {  	p2 =	seq.s32 s10, $0x1;
	s10 =	sld [smem:$0x3FB4]  }
0x3d: {  	_ =	shalt  }
0x3e: {  	_ =	shalt  }
0x3f: {  	_ =	shalt  }
0x40: {  	_ =	shalt  }
0x41: {  	_ =	shalt  }
0x42: {  	_ =	shalt  }
0x43: {  	_ =	shalt  }
0x44: {  	_ =	shalt  }
0x45: {  	_ =	shalt  }
0x46: {  	_ =	shalt  }
0x47: {  	_ =	shalt  }
0x48: {  	_ =	shalt  }
0x49: {  	_ =	shalt  }
0x4a: {  	_ =	shalt  }
0x4b: {  	_ =	shalt  }
0x4c: {  	_ =	shalt  }
0x4d: {  	_ =	shalt  }
0x4e: {  	_ =	shalt  }
0x4f: {  	_ =	shalt  }
0x50: {  	_ =	shalt  }
0x51: {  	_ =	shalt  }
0x52: {  	_ =	shalt  }
0x53: {  	_ =	shalt  }
0x54: {  	_ =	shalt  }
0x55: {  	_ =	shalt  }
0x56: {  	_ =	shalt  }
0x57: {  	_ =	shalt  }
0x58: {  	_ =	shalt  }
0x59: {  	_ =	shalt  }
0x5a: {  	_ =	shalt  }
0x5b: {  	_ =	shalt  }
0x5c: {  	_ =	shalt  }
0x5d: {  	_ =	shalt  }
0x5e: {  	_ =	shalt  }
0x5f: {  	_ =	shalt  }
0x60: {  	_ =	shalt  }
0x61: {  	_ =	shalt  }
0x62: {  	_ =	shalt  }
0x63: {  	_ =	shalt  }
0x64: {  	_ =	shalt  }
0x65: {  	_ =	shalt  }
0x66: {  	_ =	shalt  }
0x67: {  	_ =	shalt  }
0x68: {  	_ =	shalt  }
0x69: {  	_ =	shalt  }
0x6a: {  	_ =	shalt  }
0x6b: {  	_ =	shalt  }
0x6c: {  	_ =	shalt  }
0x6d: {  	_ =	shalt  }
0x6e: {  	_ =	shalt  }
0x6f: {  	_ =	shalt  }
0x70: {  	_ =	shalt  }
0x71: {  	_ =	shalt  }
0x72: {  	_ =	shalt  }
0x73: {  	_ =	shalt  }
0x74: {  	_ =	shalt  }
0x75: {  	_ =	shalt  }
0x76: {  	_ =	shalt  }
0x77: {  	_ =	shalt  }
0x78: {  	_ =	shalt  }
0x79: {  	_ =	shalt  }
0x7a: {  	_ =	shalt  }
0x7b: {  	_ =	shalt  }
0x7c: {  	_ =	shalt  }
0x7d: {  	_ =	shalt  }
0x7e: {  	_ =	shalt  }
0x7f: {  	_ =	shalt  }
0x80: {  	_ =	shalt  }
0x81: {  	_ =	shalt  }
0x82: {  	_ =	shalt  }
0x83: {  	_ =	shalt  }
0x84: {  	_ =	shalt  }
0x85: {  	_ =	shalt  }
0x86: {  	_ =	shalt  }
0x87: {  	_ =	shalt  }
.Lfunc_end0:
.L_simem_size_0:
called_computation.1_lowered:
.L_overlay_start_0:
0x88: {  	s2 =	sld [smem:$0x3FD9]  }
0x89: {  	s3 =	sld [smem:$0x3FFE];
	_ =	sdelay $0x1  }
0x8a: {  	s1 =	srdreg.scid  }
0x8b: {  	s0 =	sand.u32 $0x1, s1  }
0x8c: {  	s17 =	sshll.u32 s0, $0xA;
	s2 =	sadd.s32 s3, s2  }
0x8d: {  	s2 =	sadd.s32 s2, s17  }
0x8e: {  	[smem:$0x3FC0] =	sst s2  }
0x8f: {  	_ = 	snop  }
0x90: {  	s2 =	sld [smem:$0x3FD0];
	(tm) =	ssettm $0x1  }
0x91: {  	s18 =	sld [smem:$0x3FFB];
	_ =	sdelay $0x3  }
0x92: {  	_ =	strace s18  }
0x93: {  	s3 =	sld [smem:$0x3FFC];
	_ =	sdelay $0x3  }
0x94: {  	_ =	strace s3  }
0x95: {  	s3 =	sld [smem:$0x3FFD];
	_ =	sdelay $0x3  }
0x96: {  	_ =	strace s3  }
0x97: {  	_ =	strace $0x8FFFFFFF  }
0x98: {  	s19 =	sld [smem:$0x3FDB];
	_ =	sdelay $0x1  }
0x99: {  	s4 =	simm.s32 $_scs_section_size  }
0x9a: {  	s5 =	simm.s32 $_size__tile_overlayer_lowered;
	s6 =	simm.s32 $_tile_overlayer_lowered  }
0x9b: {  	s22 =	simm.s32 $0x1BFF;
	s21 =	sshll.u32 s6, $0x1;
	s3 =	sadd.s32 s4, s19  }
0x9c: {  	s7 =	simm.s32 $0x0;
	s20 =	sshll.u32 s5, $0x1;
	s5 =	sadd.s32 s21, s3  }
0x9d: {  	[timem:s7], [sflag:s22] =	dma.local [hbm:s5], s20  }
0x9e: {  	_ =	swait.ge [sflag:s22], s20  }
0x9f: {  	s4 =	ssub.s32 $0x0, s20;
	[sflag:s22] =	ssyncset.done $0x0  }
0xa0: {  	[sflag:s22] =	ssyncadd.s32 s4;
	_ =	sdelay $0x1  }
0xa1: {  	s23 =	simm.s32 $0x1B8B  }
0xa2: {  	_ =	swait.ge [sflag:s23], $0x1  }
0xa3: {  	[sflag:s23] =	ssyncset.done $0x0  }
0xa4: {  	s25 =	simm.s32 $0x1B8E;
	s24 =	sld [smem:$0x3FFE];
	[sflag:s23] =	ssyncadd.s32 $0xFFFFFFFF  }
0xa5: {  	s26 =	simm.s32 $execute0_lowered;
	[smem:$0x3FD2] =	sst s25  }
0xa6: {  	s5 =	sshll.u32 s26, $0x1;
	_ =	strace $0x80000049;
	[dreg:$0x1] =	wrdreg $0xFFFFFFFF  }
0xa7: {  	s28 =	simm.s32 $_size_execute0_lowered;
	s3 =	sadd.s32 s3, s5;
	[dreg:$0x0] =	wrdreg $0x0  }
0xa8: {  	s5 =	sshll.u32 s28, $0x1;
	[dreg:$0x2] =	wrdreg s3  }
0xa9: {  	[dreg:$0x3] =	wrdreg s5  }
0xaa: {  	[dreg:$0x4] =	wrdreg $0xC0  }
0xab: {  	_ =	task [dreg:s7], $0x5FFFF  }
0xac: {  	[dreg:$0x1] =	wrdreg $0xFFFFFFFF  }
0xad: {  	[dreg:$0x0] =	wrdreg $0x60  }
0xae: {  	[dreg:$0x2] =	wrdreg s24  }
0xaf: {  	[dreg:$0x3] =	wrdreg s2  }
0xb0: {  	[dreg:$0x4] =	wrdreg $0xB8000  }
0xb1: {  	[dreg:$0x5] =	wrdreg $0x9  }
0xb2: {  	_ =	task.clear_ibuf [dreg:s7], $0x6FFFF;
	_ =	strace $0x90000049  }
0xb3: {  	s29 =	simm.s32 $0x9;
	_ =	strace $0x8000004B  }
0xb4: {  	_ =	swait.ge [sflag:s29], $0x1  }
0xb5: {  	[sflag:s29] =	ssyncadd.s32 $0xFFFFFFFF  }
0xb6: {  	_ =	strace $0x9000004B  }
0xb7: {  	_ =	sfence  }
0xb8: {  	s30 =	sld [smem:$0x0];
	_ =	sdelay $0x2  }
0xb9: {  	s31 =	sshll.u32 s1, $0xD;
	s1 =	sshrl.u32 s1, $0x2  }
0xba: {  	s3 =	sand.u32 $0x4000, s31;
	s1 =	sadd.s32 s1, s30  }
0xbb: {  	s0 =	sor.u32 s3, s0;
	s1 =	sshll.u32 s1, $0x11  }
0xbc: {  	s0 =	sor.u32 s1, s0  }
0xbd: {  	s0 =	sadd.s32 $0x8F2B, s0  }
0xbe: {  	[sflag:s0] =	ssyncadd.remote.s32 $0x1  }
0xbf: {  	_ =	sfence.sel $0xFFFF  }
0xc0: {  	[dreg:$0x0] =	wrdreg $0xFFFFFFFF;
	(pc) =	sbr.abs _section_cstart, $3  }
0xc1: {  	[dreg:$0x1] =	wrdreg $0xFFFFFFFF  }
0xc2: {  	_ =	task.clear_ibuf [dreg:s7], $0x2FFFF;
	_ =	strace $0x9FFFFFFF  }
0xc3: {  	(tm) =	ssettm $0x7FFFFFFF  }
tec
execute0_lowered:
.L_overlay_start_1:
0x0: {  	(tag) =	ssettag $0x1  }
0x1: {  	s0 =	rddreg [dreg:$0x0]  }
0x2: {  	s2 =	rddreg [dreg:$0x2]  }
0x3: {  	s4 =	simm.s32 $0x0;
	s1 =	srdreg.scid;
	s11 =	stileid.u32  }
0x4: {  	s14 =	simm.s32 $0x7;
	s15 =	simm.s32 $0x2000;
	s16 =	simm.s32 $0x50  }
0x5: {  	s17 =	simm.s32 $0x4000;
	s18 =	simm.s32 $0x80;
	s19 =	simm.s32 $0x6800  }
0x6: {  	s20 =	simm.s32 $0x100;
	s28 =	simm.s32 $0x6;
	s29 =	simm.s32 $0x3E00  }
0x7: {  	s30 =	simm.s32 $0x3E80;
	s31 =	simm.s32 $0x3F00;
	[smem:$0x7FF] =	sst s4  }
0x8: {  	s1 =	sand.u32 $0x1, s1;
	s6 =	smul.u32 $0x2800, s11;
	s5 =	sadd.s32 $0x36A00, s0  }
0x9: {  	s9 =	sadd.s32 $0x26A00, s0;
	s8 =	smul.u32 $0x50000, s11;
	s10 =	sadd.s32 $0x16A00, s0  }
0xa: {  	s24 =	sshll.u32 s11, $0xB;
	s25 =	sshll.u32 s11, $0x6;
	s3 =	smul.u32 $0x28000, s1  }
0xb: {  	_ =	strace $0x8000004A;
	s7 =	ssub.s32 $0x2, s1;
	s1 =	sshll.u32 s1, $0xF  }
0xc: {  	s21 =	sshrl.u32 s7, $0x1;
	s23 =	sshrl.u32 s8, $0x2;
	s1 =	sor.u32 s24, s1  }
0xd: {  	s24 =	simm.s32 $0x2;
	s3 =	sadd.s32 s6, s3;
	s22 =	ssub.s32 s7, s21  }
0xe: {  	s13 =	sadd.s32 s23, s2;
	s6 =	sor.u32 $0x1C07, s25;
	s7 =	sadd.s32 s9, s1  }
0xf: {  	s26 =	sor.u32 $0x400, s1;
	s8 =	sadd.s32 s10, s1;
	s21 =	simm.s32 $0x9000  }
0x10: {  	s23 =	simm.s32 $0x4;
	s25 =	simm.s32 $0x5;
	s0 =	sadd.s32 s3, s0  }
0x11: {  	[dreg:$0x4] =	wrdreg s7;
	s9 =	sadd.s32 s9, s26;
	s10 =	sadd.s32 s10, s26  }
0x12: {  	s12 =	smax.u32 s22, $0x1;
	s13 =	sshrl.u32 s13, $0x3;
	s22 =	simm.s32 $0x1  }
0x13: {  	s26 =	simm.s32 $0x3;
	s11 =	sadd.s32 $0x5EA00, s0;
	s0 =	simm.s32 $0x0  }
.LBB2_1:
0x14: {  	s1 =	rddreg [dreg:$0x1]  }
0x15: {  	[spmem:s13], [sflag:s6] =	dma.local [hbm:s1], $0x2800  }
0x16: {  	_ =	swait.ge [sflag:s14], $0x2800  }
0x17: {  	[sflag:s14] =	ssyncset.done $0x0  }
0x18: {  	[sflag:s14] =	ssyncadd.s32 $0xFFFFD800  }
0x19: {  	[bflag:$0x0] =	sbarrier.arrive $0xFFFF  }
0x1a: {  	s3 =	rddreg [dreg:$0x4]  }
0x1b: {  	[tilespmem:s4], [sflag:$0x7] =	stream.linear.gather [hbm4b:s3+s4], $0x1F80, $0x38;
	[tilespmem:$0x1F800] =	vst v63  }
0x1c: {  	_ =	swait.ge [sflag:s14], $0x1F80  }
0x1d: {  	[sflag:s14] =	ssyncset.done $0x0  }
0x1e: {  	[sflag:s14] =	ssyncadd.s32 $0xFFFFE080  }
0x1f: {  	[tilespmem:s15], [sflag:$0x7] =	stream.linear.gather [hbm4b:s8+s4], $0x1F80, $0x38;
	[tilespmem:$0x1F800] =	vst v63  }
0x20: {  	_ =	swait.ge [sflag:s14], $0x1F80  }
0x21: {  	[sflag:s14] =	ssyncset.done $0x0  }
0x22: {  	[sflag:s14] =	ssyncadd.s32 $0xFFFFE080  }
0x23: {  	[tilespmem:s17], [sflag:$0x1] =	stream.indirect.gather [hbm4b:s5+s16], $0x80, s4, s16, $0xb8;
	[tilespmem:$0x1F800] =	vst v63  }
0x24: {  	_ = 	snop  }
0x25: {  	[tilespmem:s19], [sflag:$0x2] =	stream.indirect.gather [hbm4b:s5+s16], $0x80, s18, s16, $0xb8;
	[tilespmem:$0x1F800] =	vst v63  }
0x26: {  	_ = 	snop  }
0x27: {  	[tilespmem:s21], [sflag:$0x3] =	stream.indirect.gather [hbm4b:s5+s16], $0x80, s20, s16, $0xb8;
	[tilespmem:$0x1F800] =	vst v63  }
0x28: {  	_ =	swait.ge [sflag:s22], $0x2800  }
0x29: {  	[sflag:s22] =	ssyncset.done $0x0  }
0x2a: {  	s7 =	simm.s32 $0x2000;
	[sflag:s22] =	ssyncadd.s32 $0xFFFFD800  }
0x2b: {  	[spmem:s2] =	stream.indirect.scatter.add.f32 [tilespmem:s17], [sflag:$0x4], $0x80, s7, s16, $0xb8;
	[tilespmem:$0x1F800] =	vst v63  }
0x2c: {  	_ =	swait.ge [sflag:s23], $0x2800  }
0x2d: {  	[sflag:s23] =	ssyncset.done $0x0  }
0x2e: {  	s3 =	simm.s32 $0x180;
	[sflag:s23] =	ssyncadd.s32 $0xFFFFD800  }
0x2f: {  	[tilespmem:s17], [sflag:$0x1] =	stream.indirect.gather [hbm4b:s5+s16], $0x80, s3, s16, $0xb8;
	[tilespmem:$0x1F800] =	vst v63  }
0x30: {  	_ =	swait.ge [sflag:s24], $0x2800  }
0x31: {  	[sflag:s24] =	ssyncset.done $0x0  }
0x32: {  	s7 =	simm.s32 $0x2080;
	[sflag:s24] =	ssyncadd.s32 $0xFFFFD800  }
0x33: {  	[spmem:s2] =	stream.indirect.scatter.add.f32 [tilespmem:s19], [sflag:$0x5], $0x80, s7, s16, $0xb8;
	[tilespmem:$0x1F800] =	vst v63  }
0x34: {  	_ =	swait.ge [sflag:s25], $0x2800  }
0x35: {  	[sflag:s25] =	ssyncset.done $0x0  }
0x36: {  	s3 =	simm.s32 $0x200;
	[sflag:s25] =	ssyncadd.s32 $0xFFFFD800  }
0x37: {  	[tilespmem:s19], [sflag:$0x2] =	stream.indirect.gather [hbm4b:s5+s16], $0x80, s3, s16, $0xb8;
	[tilespmem:$0x1F800] =	vst v63  }
0x38: {  	_ =	swait.ge [sflag:s26], $0x2800  }
0x39: {  	[sflag:s26] =	ssyncset.done $0x0  }
0x3a: {  	s7 =	simm.s32 $0x2100;
	[sflag:s26] =	ssyncadd.s32 $0xFFFFD800  }
0x3b: {  	[spmem:s2] =	stream.indirect.scatter.add.f32 [tilespmem:s21], [sflag:$0x6], $0x80, s7, s16, $0xb8;
	[tilespmem:$0x1F800] =	vst v63  }
0x3c: {  	_ =	swait.ge [sflag:s28], $0x2800  }
0x3d: {  	[sflag:s28] =	ssyncset.done $0x0  }
0x3e: {  	s1 =	simm.s32 $0x280;
	s3 =	simm.s32 $0x600;
	[sflag:s28] =	ssyncadd.s32 $0xFFFFD800  }
.LBB2_2:
0x3f: {  	[tilespmem:s21], [sflag:$0x3] =	stream.indirect.gather [hbm4b:s5+s16], $0x80, s1, s16, $0xb8;
	[tilespmem:$0x1F800] =	vst v63  }
0x40: {  	s1 =	smov.u32 s3  }
0x41: {  	p0 =	sne.s32 s3, $0x7200;
	s3 =	sadd.s32 $0x600, s3;
	_ =	swait.ge [sflag:s22], $0x2800  }
0x42: {  	s1 =	sshra.s32 s1, $0x2;
	[sflag:s22] =	ssyncset.done $0x0  }
0x43: {  	s7 =	sadd.s32 $0x2000, s1;
	[sflag:s22] =	ssyncadd.s32 $0xFFFFD800  }
0x44: {  	[spmem:s2] =	stream.indirect.scatter.add.f32 [tilespmem:s17], [sflag:$0x4], $0x80, s7, s16, $0xb8;
	[tilespmem:$0x1F800] =	vst v63  }
0x45: {  	_ =	swait.ge [sflag:s23], $0x2800  }
0x46: {  	[sflag:s23] =	ssyncset.done $0x0  }
0x47: {  	s7 =	sadd.s32 $0x180, s1;
	[sflag:s23] =	ssyncadd.s32 $0xFFFFD800  }
0x48: {  	[tilespmem:s17], [sflag:$0x1] =	stream.indirect.gather [hbm4b:s5+s16], $0x80, s7, s16, $0xb8;
	[tilespmem:$0x1F800] =	vst v63  }
0x49: {  	_ =	swait.ge [sflag:s24], $0x2800  }
0x4a: {  	[sflag:s24] =	ssyncset.done $0x0  }
0x4b: {  	s7 =	sadd.s32 $0x2080, s1;
	[sflag:s24] =	ssyncadd.s32 $0xFFFFD800  }
0x4c: {  	[spmem:s2] =	stream.indirect.scatter.add.f32 [tilespmem:s19], [sflag:$0x5], $0x80, s7, s16, $0xb8;
	[tilespmem:$0x1F800] =	vst v63  }
0x4d: {  	_ =	swait.ge [sflag:s25], $0x2800  }
0x4e: {  	[sflag:s25] =	ssyncset.done $0x0  }
0x4f: {  	s7 =	sadd.s32 $0x200, s1;
	[sflag:s25] =	ssyncadd.s32 $0xFFFFD800  }
0x50: {  	[tilespmem:s19], [sflag:$0x2] =	stream.indirect.gather [hbm4b:s5+s16], $0x80, s7, s16, $0xb8;
	[tilespmem:$0x1F800] =	vst v63  }
0x51: {  	_ =	swait.ge [sflag:s26], $0x2800  }
0x52: {  	[sflag:s26] =	ssyncset.done $0x0  }
.Ltmp0:
0x53: {  	s7 =	sadd.s32 $0x2100, s1;
	[sflag:s26] =	ssyncadd.s32 $0xFFFFD800;
	(pc) =	sbr.rel @p0 .LBB2_2-.Ltmp0, $4  }
0x54: {  	[spmem:s2] =	stream.indirect.scatter.add.f32 [tilespmem:s21], [sflag:$0x6], $0x80, s7, s16, $0xb8;
	[tilespmem:$0x1F800] =	vst v63  }
0x55: {  	_ =	swait.ge [sflag:s28], $0x2800  }
0x56: {  	[sflag:s28] =	ssyncset.done $0x0  }
0x57: {  	s1 =	sadd.s32 $0x280, s1;
	[sflag:s28] =	ssyncadd.s32 $0xFFFFD800  }
0x58: {  	[tilespmem:s21], [sflag:$0x3] =	stream.indirect.gather [hbm4b:s5+s16], $0x80, s1, s16, $0xb8;
	[tilespmem:$0x1F800] =	vst v63  }
0x59: {  	_ =	swait.ge [sflag:s22], $0x2800  }
0x5a: {  	[sflag:s22] =	ssyncset.done $0x0  }
0x5b: {  	[sflag:s22] =	ssyncadd.s32 $0xFFFFD800  }
0x5c: {  	[spmem:s2] =	stream.indirect.scatter.add.f32 [tilespmem:s17], [sflag:$0x4], $0x80, s29, s16, $0xb8;
	[tilespmem:$0x1F800] =	vst v63  }
0x5d: {  	_ =	swait.ge [sflag:s23], $0x2800  }
0x5e: {  	[sflag:s23] =	ssyncset.done $0x0  }
0x5f: {  	[sflag:s23] =	ssyncadd.s32 $0xFFFFD800  }
0x60: {  	_ =	swait.ge [sflag:s24], $0x2800  }
0x61: {  	[sflag:s24] =	ssyncset.done $0x0  }
0x62: {  	[sflag:s24] =	ssyncadd.s32 $0xFFFFD800  }
0x63: {  	[spmem:s2] =	stream.indirect.scatter.add.f32 [tilespmem:s19], [sflag:$0x5], $0x80, s30, s16, $0xb8;
	[tilespmem:$0x1F800] =	vst v63  }
0x64: {  	_ =	swait.ge [sflag:s25], $0x2800  }
0x65: {  	[sflag:s25] =	ssyncset.done $0x0  }
0x66: {  	[sflag:s25] =	ssyncadd.s32 $0xFFFFD800  }
0x67: {  	_ =	swait.ge [sflag:s26], $0x2800  }
0x68: {  	[sflag:s26] =	ssyncset.done $0x0  }
0x69: {  	[sflag:s26] =	ssyncadd.s32 $0xFFFFD800  }
0x6a: {  	[spmem:s2] =	stream.indirect.scatter.add.f32 [tilespmem:s21], [sflag:$0x6], $0x80, s31, s16, $0xb8;
	[tilespmem:$0x1F800] =	vst v63  }
0x6b: {  	_ =	swait.ge [sflag:s28], $0x2800  }
0x6c: {  	[sflag:s28] =	ssyncset.done $0x0  }
0x6d: {  	s3 =	simm.s32 $0x0;
	[sflag:s28] =	ssyncadd.s32 $0xFFFFD800  }
0x6e: {  	[tilespmem:s3], [sflag:$0x7] =	stream.linear.gather [hbm4b:s9+s3], $0x1F80, $0x38;
	[tilespmem:$0x1F800] =	vst v63  }
0x6f: {  	_ =	swait.ge [sflag:s14], $0x1F80  }
0x70: {  	[sflag:s14] =	ssyncset.done $0x0  }
0x71: {  	[sflag:s14] =	ssyncadd.s32 $0xFFFFE080  }
0x72: {  	[tilespmem:s15], [sflag:$0x7] =	stream.linear.gather [hbm4b:s10+s3], $0x1F80, $0x38;
	[tilespmem:$0x1F800] =	vst v63  }
0x73: {  	_ =	swait.ge [sflag:s14], $0x1F80  }
0x74: {  	[sflag:s14] =	ssyncset.done $0x0  }
0x75: {  	[sflag:s14] =	ssyncadd.s32 $0xFFFFE080  }
0x76: {  	[tilespmem:s17], [sflag:$0x1] =	stream.indirect.gather [hbm4b:s5+s16], $0x80, s3, s16, $0xb8;
	[tilespmem:$0x1F800] =	vst v63  }
0x77: {  	_ = 	snop  }
0x78: {  	[tilespmem:s19], [sflag:$0x2] =	stream.indirect.gather [hbm4b:s5+s16], $0x80, s18, s16, $0xb8;
	[tilespmem:$0x1F800] =	vst v63  }
0x79: {  	_ = 	snop  }
0x7a: {  	[tilespmem:s21], [sflag:$0x3] =	stream.indirect.gather [hbm4b:s5+s16], $0x80, s20, s16, $0xb8;
	[tilespmem:$0x1F800] =	vst v63  }
0x7b: {  	_ =	swait.ge [sflag:s22], $0x2800  }
0x7c: {  	[sflag:s22] =	ssyncset.done $0x0  }
0x7d: {  	s7 =	simm.s32 $0x2000;
	[sflag:s22] =	ssyncadd.s32 $0xFFFFD800  }
0x7e: {  	[spmem:s2] =	stream.indirect.scatter.add.f32 [tilespmem:s17], [sflag:$0x4], $0x80, s7, s16, $0xb8;
	[tilespmem:$0x1F800] =	vst v63  }
0x7f: {  	_ =	swait.ge [sflag:s23], $0x2800  }
0x80: {  	[sflag:s23] =	ssyncset.done $0x0  }
0x81: {  	s3 =	simm.s32 $0x180;
	[sflag:s23] =	ssyncadd.s32 $0xFFFFD800  }
0x82: {  	[tilespmem:s17], [sflag:$0x1] =	stream.indirect.gather [hbm4b:s5+s16], $0x80, s3, s16, $0xb8;
	[tilespmem:$0x1F800] =	vst v63  }
0x83: {  	_ =	swait.ge [sflag:s24], $0x2800  }
0x84: {  	[sflag:s24] =	ssyncset.done $0x0  }
0x85: {  	s7 =	simm.s32 $0x2080;
	[sflag:s24] =	ssyncadd.s32 $0xFFFFD800  }
0x86: {  	[spmem:s2] =	stream.indirect.scatter.add.f32 [tilespmem:s19], [sflag:$0x5], $0x80, s7, s16, $0xb8;
	[tilespmem:$0x1F800] =	vst v63  }
0x87: {  	_ =	swait.ge [sflag:s25], $0x2800  }
0x88: {  	[sflag:s25] =	ssyncset.done $0x0  }
0x89: {  	s3 =	simm.s32 $0x200;
	[sflag:s25] =	ssyncadd.s32 $0xFFFFD800  }
0x8a: {  	[tilespmem:s19], [sflag:$0x2] =	stream.indirect.gather [hbm4b:s5+s16], $0x80, s3, s16, $0xb8;
	[tilespmem:$0x1F800] =	vst v63  }
0x8b: {  	_ =	swait.ge [sflag:s26], $0x2800  }
0x8c: {  	[sflag:s26] =	ssyncset.done $0x0  }
0x8d: {  	s7 =	simm.s32 $0x2100;
	[sflag:s26] =	ssyncadd.s32 $0xFFFFD800  }
0x8e: {  	[spmem:s2] =	stream.indirect.scatter.add.f32 [tilespmem:s21], [sflag:$0x6], $0x80, s7, s16, $0xb8;
	[tilespmem:$0x1F800] =	vst v63  }
0x8f: {  	_ =	swait.ge [sflag:s28], $0x2800  }
0x90: {  	[sflag:s28] =	ssyncset.done $0x0  }
0x91: {  	s1 =	simm.s32 $0x280;
	s3 =	simm.s32 $0x600;
	[sflag:s28] =	ssyncadd.s32 $0xFFFFD800  }
.LBB2_4:
0x92: {  	[tilespmem:s21], [sflag:$0x3] =	stream.indirect.gather [hbm4b:s5+s16], $0x80, s1, s16, $0xb8;
	[tilespmem:$0x1F800] =	vst v63  }
0x93: {  	s1 =	smov.u32 s3  }
0x94: {  	p0 =	sne.s32 s3, $0x7200;
	s3 =	sadd.s32 $0x600, s3;
	_ =	swait.ge [sflag:s22], $0x2800  }
0x95: {  	s1 =	sshra.s32 s1, $0x2;
	[sflag:s22] =	ssyncset.done $0x0  }
0x96: {  	s7 =	sadd.s32 $0x2000, s1;
	[sflag:s22] =	ssyncadd.s32 $0xFFFFD800  }
0x97: {  	[spmem:s2] =	stream.indirect.scatter.add.f32 [tilespmem:s17], [sflag:$0x4], $0x80, s7, s16, $0xb8;
	[tilespmem:$0x1F800] =	vst v63  }
0x98: {  	_ =	swait.ge [sflag:s23], $0x2800  }
0x99: {  	[sflag:s23] =	ssyncset.done $0x0  }
0x9a: {  	s7 =	sadd.s32 $0x180, s1;
	[sflag:s23] =	ssyncadd.s32 $0xFFFFD800  }
0x9b: {  	[tilespmem:s17], [sflag:$0x1] =	stream.indirect.gather [hbm4b:s5+s16], $0x80, s7, s16, $0xb8;
	[tilespmem:$0x1F800] =	vst v63  }
0x9c: {  	_ =	swait.ge [sflag:s24], $0x2800  }
0x9d: {  	[sflag:s24] =	ssyncset.done $0x0  }
0x9e: {  	s7 =	sadd.s32 $0x2080, s1;
	[sflag:s24] =	ssyncadd.s32 $0xFFFFD800  }
0x9f: {  	[spmem:s2] =	stream.indirect.scatter.add.f32 [tilespmem:s19], [sflag:$0x5], $0x80, s7, s16, $0xb8;
	[tilespmem:$0x1F800] =	vst v63  }
0xa0: {  	_ =	swait.ge [sflag:s25], $0x2800  }
0xa1: {  	[sflag:s25] =	ssyncset.done $0x0  }
0xa2: {  	s7 =	sadd.s32 $0x200, s1;
	[sflag:s25] =	ssyncadd.s32 $0xFFFFD800  }
0xa3: {  	[tilespmem:s19], [sflag:$0x2] =	stream.indirect.gather [hbm4b:s5+s16], $0x80, s7, s16, $0xb8;
	[tilespmem:$0x1F800] =	vst v63  }
0xa4: {  	_ =	swait.ge [sflag:s26], $0x2800  }
0xa5: {  	[sflag:s26] =	ssyncset.done $0x0  }
.Ltmp1:
0xa6: {  	s7 =	sadd.s32 $0x2100, s1;
	[sflag:s26] =	ssyncadd.s32 $0xFFFFD800;
	(pc) =	sbr.rel @p0 .LBB2_4-.Ltmp1, $4  }
0xa7: {  	[spmem:s2] =	stream.indirect.scatter.add.f32 [tilespmem:s21], [sflag:$0x6], $0x80, s7, s16, $0xb8;
	[tilespmem:$0x1F800] =	vst v63  }
0xa8: {  	_ =	swait.ge [sflag:s28], $0x2800  }
0xa9: {  	[sflag:s28] =	ssyncset.done $0x0  }
0xaa: {  	s1 =	sadd.s32 $0x280, s1;
	[sflag:s28] =	ssyncadd.s32 $0xFFFFD800  }
0xab: {  	[tilespmem:s21], [sflag:$0x3] =	stream.indirect.gather [hbm4b:s5+s16], $0x80, s1, s16, $0xb8;
	[tilespmem:$0x1F800] =	vst v63  }
0xac: {  	_ =	swait.ge [sflag:s22], $0x2800  }
0xad: {  	[sflag:s22] =	ssyncset.done $0x0  }
0xae: {  	[sflag:s22] =	ssyncadd.s32 $0xFFFFD800  }
0xaf: {  	[spmem:s2] =	stream.indirect.scatter.add.f32 [tilespmem:s17], [sflag:$0x4], $0x80, s29, s16, $0xb8;
	[tilespmem:$0x1F800] =	vst v63  }
0xb0: {  	_ =	swait.ge [sflag:s23], $0x2800  }
0xb1: {  	[sflag:s23] =	ssyncset.done $0x0  }
0xb2: {  	[sflag:s23] =	ssyncadd.s32 $0xFFFFD800  }
0xb3: {  	_ =	swait.ge [sflag:s24], $0x2800  }
0xb4: {  	[sflag:s24] =	ssyncset.done $0x0  }
0xb5: {  	[sflag:s24] =	ssyncadd.s32 $0xFFFFD800  }
0xb6: {  	[spmem:s2] =	stream.indirect.scatter.add.f32 [tilespmem:s19], [sflag:$0x5], $0x80, s30, s16, $0xb8;
	[tilespmem:$0x1F800] =	vst v63  }
0xb7: {  	_ =	swait.ge [sflag:s25], $0x2800  }
0xb8: {  	[sflag:s25] =	ssyncset.done $0x0  }
0xb9: {  	[sflag:s25] =	ssyncadd.s32 $0xFFFFD800  }
0xba: {  	_ =	swait.ge [sflag:s26], $0x2800  }
0xbb: {  	[sflag:s26] =	ssyncset.done $0x0  }
0xbc: {  	[sflag:s26] =	ssyncadd.s32 $0xFFFFD800  }
0xbd: {  	[spmem:s2] =	stream.indirect.scatter.add.f32 [tilespmem:s21], [sflag:$0x6], $0x80, s31, s16, $0xb8;
	[tilespmem:$0x1F800] =	vst v63  }
0xbe: {  	_ =	swait.ge [sflag:s28], $0x2800  }
0xbf: {  	s0 =	sadd.s32 $0x1, s0;
	[sflag:s28] =	ssyncset.done $0x0  }
0xc0: {  	p0 =	sne.s32 s0, s12;
	[sflag:s28] =	ssyncadd.s32 $0xFFFFD800  }
.Ltmp2:
0xc1: {  	[bflag:$0x0] =	sbarrier.arrive $0xFFFF;
	(pc) =	sbr.rel @p0 .LBB2_1-.Ltmp2, $4  }
0xc2: {  	[hbm:s11], [sflag:s6] =	dma.local [spmem:s13], $0x2800  }
0xc3: {  	_ =	swait.ge [sflag:s14], $0x2800  }
0xc4: {  	[sflag:s14] =	ssyncset.done $0x0  }
0xc5: {  	[sflag:s14] =	ssyncadd.s32 $0xFFFFD800  }
0xc6: {  	_ =	sfence.sel $0x180000  }
0xc7: {  	[bflag:$0x0] =	sbarrier.arrive $0xFFFF  }
0xc8: {  	_ =	strace $0x9000004A  }
0xc9: {  	s0 =	stileid.u32;
	[bflag:$0x2] =	sbarrier.arrive $0xFFFF  }
0xca: {  	p0 =	sne.s32 s0, $0x0;
	s0 =	rddreg [dreg:$0x3]  }
0xcb: {  	s0 =	sadd.s32 @!p0 $0x100000, s0  }
0xcc: {  	[sflag:s0] =	ssyncadd.tile.s32 @!p0 $0x1;
	_ =	shalt  }
.Lfunc_end2:
_tile_overlayer_lowered:
.L_overlay_start_2:
0xcd: {  	(tag) =	ssettag $0x2  }
0xce: {  	s0 =	rddreg [dreg:$0x0];
	s2 =	stileid.u32  }
0xcf: {  	s1 =	rddreg [dreg:$0x1];
	p0 =	sne.s32 s2, $0x0  }
0xd0: {  	s3 =	rddreg [dreg:$0x2];
	[bflag:$0x3] =	sbarrier.arrive $0xFFFF;
	s2 =	simm.s32 @!p0 $0x1C07  }
0xd1: {  	[timem:s3], [sflag:s2] =	dma.local @!p0 [hbm:s0], s1  }
0xd2: {  	s0 =	simm.s32 @!p0 $0x7  }
0xd3: {  	_ =	swait.ge @!p0 [sflag:s0], s1  }
0xd4: {  	s1 =	ssub.s32 @!p0 $0x0, s1;
	[sflag:s0] =	ssyncset.done @!p0 $0x0  }
0xd5: {  	[sflag:s0] =	ssyncadd.s32 @!p0 s1  }
0xd6: {  	[bflag:$0x3] =	sbarrier.arrive $0xFFFF  }
0xd7: {  	_ =	shalt  }

// kernel: kernel.15.cloned.1.call-start
scs
__scs_entry_jumppad:
0x0: {  	(pc) =	sbr.rel $0x88, $3  }
0x1: {  	(tag) =	ssettag $0x0;
	lr =	simm.s32 $0x1  }
0x2: {  	[smem:$0x3F99] =	sst lr;
	_ =	strace $0xD0000000  }
0x3: {  	_ = 	snop  }
0x4: {  	_ = 	snop  }
0x5: {  	_ = 	snop  }
0x6: {  	_ = 	snop  }
0x7: {  	_ = 	snop  }
__scs_overlays_trampoline_lowered:
0x8: {  	[smem:$0x3FA8] =	sst s0  }
0x9: {  	[smem:$0x3FA9] =	sst s1  }
0xa: {  	[smem:$0x3FAA] =	sst s2  }
0xb: {  	[smem:$0x3FAB] =	sst s3  }
0xc: {  	[smem:$0x3FAC] =	sst s4  }
0xd: {  	[smem:$0x3FAD] =	sst s5  }
0xe: {  	[smem:$0x3FAE] =	sst s6  }
0xf: {  	[smem:$0x3FAF] =	sst s7  }
0x10: {  	[smem:$0x3FB0] =	sst s8  }
0x11: {  	[smem:$0x3FB1] =	sst s9;
	s0 =	simm.s32 @!p0 $0x0  }
0x12: {  	s1 =	sld [smem:$0x3F97];
	s0 =	simm.s32 @p0 $0x1  }
0x13: {  	[smem:$0x3FB2] =	sst s0;
	s0 =	simm.s32 @!p1 $0x0  }
0x14: {  	s2 =	sld [smem:$0x3F96];
	s0 =	simm.s32 @p1 $0x1  }
0x15: {  	[smem:$0x3FB3] =	sst s0;
	s0 =	simm.s32 @!p2 $0x0  }
0x16: {  	s3 =	sld [smem:$0x3FDB];
	s0 =	simm.s32 @p2 $0x1  }
0x17: {  	s4 =	simm.s32 $0x1BF5;
	[smem:$0x3FB5] =	sst s0  }
0x18: {  	s0 =	sld [smem:$0x3F98];
	_ =	swait.ge [sflag:s4], $0x0  }
0x19: {  	s7 =	sld [smem:$0x3F99]  }
0x1a: {  	s8 =	sadd.s32 $0xFFFFE003, lr  }
0x1b: {  	s9 =	sadd.s32 $0xFFFFFEF7, lr;
	s5 =	simm.s32 $0xFFFFFFFF;
	p2 =	slt.u32 s8, $0xFFFFF086  }
0x1c: {  	p1 =	slt.u32 s9, $0xF7A;
	s5 =	simm.s32 @!p2 $0x0  }
0x1d: {  	s5 =	simm.s32 @p1 $0x1;
	p0 =	seq.s32 s7, s2  }
0x1e: {  	s7 =	smul.u32 @!p0 $0xF7A, s2;
	p2 =	seq.s32 @!p0 s5, $0x0  }
0x1f: {  	s9 =	smul.u32 $0xF7A, s1;
	s8 =	simm.s32 @!p0 $0x1BF5;
	p2 =	por !p2, p0  }
0x20: {  	[sflag:s8] =	ssyncset.s32 @!p0 $0xFFFFF086;
	s6 =	sadd.s32 @!p0 s3, s7;
	s7 =	simm.s32 @!p0 $0x108  }
0x21: {  	s3 =	sadd.s32 s3, s9;
	s6 =	sadd.s32 @!p0 $0x88, s6;
	s7 =	simm.s32 @p2 $0x1082  }
0x22: {  	[simem:s7], [sflag:s8] =	dma.local @!p0 [hbm:s6], $0xF7A  }
0x23: {  	s9 =	sor.u32 $0xD0000000, s2;
	s6 =	simm.s32 $0x108;
	_ =	swait.ge @!p0 [sflag:s8], $0x0  }
0x24: {  	s3 =	sadd.s32 $0x88, s3;
	s6 =	simm.s32 @!p1 $0x1082;
	[sflag:s4] =	ssyncset.s32 $0xFFFFF086  }
0x25: {  	[simem:s6], [sflag:s4] =	dma.local [hbm:s3], $0xF7A  }
0x26: {  	[smem:$0x3F99] =	sst s1;
	(tag) =	ssettag s2;
	_ =	strace s9  }
0x27: {  	s1 =	sld [smem:$0x3FA9]  }
0x28: {  	s2 =	sld [smem:$0x3FAA]  }
0x29: {  	s4 =	sld [smem:$0x3FAC]  }
0x2a: {  	p0 =	seq.s32 s5, $0x0;
	s5 =	sld [smem:$0x3FAD]  }
0x2b: {  	s6 =	sld [smem:$0x3FAE]  }
0x2c: {  	s7 =	sld [smem:$0x3FAF]  }
0x2d: {  	s3 =	simm.s32 $0x108;
	s8 =	sld [smem:$0x3FB0]  }
0x2e: {  	s3 =	simm.s32 @!p0 $0x1082;
	s9 =	sld [smem:$0x3FB1]  }
0x2f: {  	lr =	sadd.s32 s0, s3;
	s0 =	sld [smem:$0x3FA8]  }
0x30: {  	s3 =	sld [smem:$0x3FAB]  }
0x31: {  	[smem:$0x3FB4] =	sst s10  }
0x32: {  	s10 =	sld [smem:$0x3FB2];
	_ =	sdelay $0x3  }
0x33: {  	p0 =	seq.s32 s10, $0x1;
	s10 =	sld [smem:$0x3FB4];
	_ =	sdelay $0x3  }
0x34: {  	[smem:$0x3FB4] =	sst s10  }
0x35: {  	s10 =	sld [smem:$0x3FB3];
	_ =	sdelay $0x3  }
0x36: {  	p1 =	seq.s32 s10, $0x1;
	s10 =	sld [smem:$0x3FB4];
	_ =	sdelay $0x3  }
0x37: {  	[smem:$0x3FB4] =	sst s10  }
0x38: {  	s10 =	sld [smem:$0x3FB5]  }
0x39: {  	_ = 	snop;
	(pc) =	sbr.ind lr, $3  }
0x3a: {  	_ = 	snop  }
0x3b: {  	_ = 	snop  }
0x3c: {  	p2 =	seq.s32 s10, $0x1;
	s10 =	sld [smem:$0x3FB4]  }
0x3d: {  	_ =	shalt  }
0x3e: {  	_ =	shalt  }
0x3f: {  	_ =	shalt  }
0x40: {  	_ =	shalt  }
0x41: {  	_ =	shalt  }
0x42: {  	_ =	shalt  }
0x43: {  	_ =	shalt  }
0x44: {  	_ =	shalt  }
0x45: {  	_ =	shalt  }
0x46: {  	_ =	shalt  }
0x47: {  	_ =	shalt  }
0x48: {  	_ =	shalt  }
0x49: {  	_ =	shalt  }
0x4a: {  	_ =	shalt  }
0x4b: {  	_ =	shalt  }
0x4c: {  	_ =	shalt  }
0x4d: {  	_ =	shalt  }
0x4e: {  	_ =	shalt  }
0x4f: {  	_ =	shalt  }
0x50: {  	_ =	shalt  }
0x51: {  	_ =	shalt  }
0x52: {  	_ =	shalt  }
0x53: {  	_ =	shalt  }
0x54: {  	_ =	shalt  }
0x55: {  	_ =	shalt  }
0x56: {  	_ =	shalt  }
0x57: {  	_ =	shalt  }
0x58: {  	_ =	shalt  }
0x59: {  	_ =	shalt  }
0x5a: {  	_ =	shalt  }
0x5b: {  	_ =	shalt  }
0x5c: {  	_ =	shalt  }
0x5d: {  	_ =	shalt  }
0x5e: {  	_ =	shalt  }
0x5f: {  	_ =	shalt  }
0x60: {  	_ =	shalt  }
0x61: {  	_ =	shalt  }
0x62: {  	_ =	shalt  }
0x63: {  	_ =	shalt  }
0x64: {  	_ =	shalt  }
0x65: {  	_ =	shalt  }
0x66: {  	_ =	shalt  }
0x67: {  	_ =	shalt  }
0x68: {  	_ =	shalt  }
0x69: {  	_ =	shalt  }
0x6a: {  	_ =	shalt  }
0x6b: {  	_ =	shalt  }
0x6c: {  	_ =	shalt  }
0x6d: {  	_ =	shalt  }
0x6e: {  	_ =	shalt  }
0x6f: {  	_ =	shalt  }
0x70: {  	_ =	shalt  }
0x71: {  	_ =	shalt  }
0x72: {  	_ =	shalt  }
0x73: {  	_ =	shalt  }
0x74: {  	_ =	shalt  }
0x75: {  	_ =	shalt  }
0x76: {  	_ =	shalt  }
0x77: {  	_ =	shalt  }
0x78: {  	_ =	shalt  }
0x79: {  	_ =	shalt  }
0x7a: {  	_ =	shalt  }
0x7b: {  	_ =	shalt  }
0x7c: {  	_ =	shalt  }
0x7d: {  	_ =	shalt  }
0x7e: {  	_ =	shalt  }
0x7f: {  	_ =	shalt  }
0x80: {  	_ =	shalt  }
0x81: {  	_ =	shalt  }
0x82: {  	_ =	shalt  }
0x83: {  	_ =	shalt  }
0x84: {  	_ =	shalt  }
0x85: {  	_ =	shalt  }
0x86: {  	_ =	shalt  }
0x87: {  	_ =	shalt  }
.Lfunc_end0:
.L_simem_size_0:
called_computation.2_lowered:
.L_overlay_start_0:
0x88: {  	s2 =	sld [smem:$0x3FD9]  }
0x89: {  	s3 =	sld [smem:$0x3FFE];
	_ =	sdelay $0x1  }
0x8a: {  	s1 =	srdreg.scid  }
0x8b: {  	s0 =	sand.u32 $0x1, s1  }
0x8c: {  	s17 =	sshll.u32 s0, $0xA;
	s2 =	sadd.s32 s3, s2  }
0x8d: {  	s2 =	sadd.s32 s2, s17  }
0x8e: {  	[smem:$0x3FC0] =	sst s2  }
0x8f: {  	_ = 	snop  }
0x90: {  	s2 =	sld [smem:$0x3FD0];
	(tm) =	ssettm $0x1  }
0x91: {  	s18 =	sld [smem:$0x3FFB];
	_ =	sdelay $0x3  }
0x92: {  	_ =	strace s18  }
0x93: {  	s3 =	sld [smem:$0x3FFC];
	_ =	sdelay $0x3  }
0x94: {  	_ =	strace s3  }
0x95: {  	s3 =	sld [smem:$0x3FFD];
	_ =	sdelay $0x3  }
0x96: {  	_ =	strace s3  }
0x97: {  	_ =	strace $0x8FFFFFFF  }
0x98: {  	s19 =	sld [smem:$0x3FDB];
	_ =	sdelay $0x1  }
0x99: {  	s4 =	simm.s32 $_scs_section_size  }
0x9a: {  	s5 =	simm.s32 $_size__tile_overlayer_lowered;
	s6 =	simm.s32 $_tile_overlayer_lowered  }
0x9b: {  	s22 =	simm.s32 $0x1BFF;
	s21 =	sshll.u32 s6, $0x1;
	s3 =	sadd.s32 s4, s19  }
0x9c: {  	s7 =	simm.s32 $0x0;
	s20 =	sshll.u32 s5, $0x1;
	s5 =	sadd.s32 s21, s3  }
0x9d: {  	[timem:s7], [sflag:s22] =	dma.local [hbm:s5], s20  }
0x9e: {  	_ =	swait.ge [sflag:s22], s20  }
0x9f: {  	s4 =	ssub.s32 $0x0, s20;
	[sflag:s22] =	ssyncset.done $0x0  }
0xa0: {  	[sflag:s22] =	ssyncadd.s32 s4;
	_ =	sdelay $0x1  }
0xa1: {  	s23 =	simm.s32 $0x1B8B  }
0xa2: {  	_ =	swait.ge [sflag:s23], $0x1  }
0xa3: {  	[sflag:s23] =	ssyncset.done $0x0  }
0xa4: {  	s25 =	simm.s32 $0x1B8E;
	s24 =	sld [smem:$0x3FFE];
	[sflag:s23] =	ssyncadd.s32 $0xFFFFFFFF  }
0xa5: {  	s26 =	simm.s32 $execute0_lowered;
	[smem:$0x3FD2] =	sst s25  }
0xa6: {  	s5 =	sshll.u32 s26, $0x1;
	_ =	strace $0x8000004C;
	[dreg:$0x1] =	wrdreg $0xFFFFFFFF  }
0xa7: {  	s28 =	simm.s32 $_size_execute0_lowered;
	s3 =	sadd.s32 s3, s5;
	[dreg:$0x0] =	wrdreg $0x0  }
0xa8: {  	s5 =	sshll.u32 s28, $0x1;
	[dreg:$0x2] =	wrdreg s3  }
0xa9: {  	[dreg:$0x3] =	wrdreg s5  }
0xaa: {  	[dreg:$0x4] =	wrdreg $0xC0  }
0xab: {  	_ =	task [dreg:s7], $0x5FFFF  }
0xac: {  	[dreg:$0x1] =	wrdreg $0xFFFFFFFF  }
0xad: {  	[dreg:$0x0] =	wrdreg $0x60  }
0xae: {  	[dreg:$0x2] =	wrdreg s24  }
0xaf: {  	[dreg:$0x3] =	wrdreg s2  }
0xb0: {  	[dreg:$0x4] =	wrdreg $0xB8000  }
0xb1: {  	[dreg:$0x5] =	wrdreg $0x9  }
0xb2: {  	_ =	task.clear_ibuf [dreg:s7], $0x6FFFF;
	_ =	strace $0x9000004C  }
0xb3: {  	s29 =	simm.s32 $0x9;
	_ =	strace $0x8000004E  }
0xb4: {  	_ =	swait.ge [sflag:s29], $0x1  }
0xb5: {  	[sflag:s29] =	ssyncadd.s32 $0xFFFFFFFF  }
0xb6: {  	_ =	strace $0x9000004E  }
0xb7: {  	_ =	sfence  }
0xb8: {  	s30 =	sld [smem:$0x0];
	_ =	sdelay $0x2  }
0xb9: {  	s31 =	sshll.u32 s1, $0xD;
	s1 =	sshrl.u32 s1, $0x2  }
0xba: {  	s3 =	sand.u32 $0x4000, s31;
	s1 =	sadd.s32 s1, s30  }
0xbb: {  	s0 =	sor.u32 s3, s0;
	s1 =	sshll.u32 s1, $0x11  }
0xbc: {  	s0 =	sor.u32 s1, s0  }
0xbd: {  	s0 =	sadd.s32 $0x8F2B, s0  }
0xbe: {  	[sflag:s0] =	ssyncadd.remote.s32 $0x1  }
0xbf: {  	_ =	sfence.sel $0xFFFF  }
0xc0: {  	[dreg:$0x0] =	wrdreg $0xFFFFFFFF;
	(pc) =	sbr.abs _section_cstart, $3  }
0xc1: {  	[dreg:$0x1] =	wrdreg $0xFFFFFFFF  }
0xc2: {  	_ =	task.clear_ibuf [dreg:s7], $0x2FFFF;
	_ =	strace $0x9FFFFFFF  }
0xc3: {  	(tm) =	ssettm $0x7FFFFFFF  }
tec
execute0_lowered:
.L_overlay_start_1:
0x0: {  	(tag) =	ssettag $0x1  }
0x1: {  	s0 =	rddreg [dreg:$0x0]  }
0x2: {  	s2 =	rddreg [dreg:$0x2]  }
0x3: {  	s4 =	simm.s32 $0x0;
	s1 =	srdreg.scid;
	s11 =	stileid.u32  }
0x4: {  	s14 =	simm.s32 $0x7;
	s15 =	simm.s32 $0x2000;
	s16 =	simm.s32 $0x50  }
0x5: {  	s17 =	simm.s32 $0x4000;
	s18 =	simm.s32 $0x80;
	s19 =	simm.s32 $0x6800  }
0x6: {  	s20 =	simm.s32 $0x100;
	s28 =	simm.s32 $0x6;
	s29 =	simm.s32 $0x3E00  }
0x7: {  	s30 =	simm.s32 $0x3E80;
	s31 =	simm.s32 $0x3F00;
	[smem:$0x7FF] =	sst s4  }
0x8: {  	s1 =	sand.u32 $0x1, s1;
	s6 =	smul.u32 $0x2800, s11;
	s5 =	sadd.s32 $0x36A00, s0  }
0x9: {  	s9 =	sadd.s32 $0x26A00, s0;
	s8 =	smul.u32 $0x50000, s11;
	s10 =	sadd.s32 $0x16A00, s0  }
0xa: {  	s24 =	sshll.u32 s11, $0xB;
	s25 =	sshll.u32 s11, $0x6;
	s3 =	smul.u32 $0x28000, s1  }
0xb: {  	_ =	strace $0x8000004D;
	s7 =	ssub.s32 $0x2, s1;
	s1 =	sshll.u32 s1, $0xF  }
0xc: {  	s21 =	sshrl.u32 s7, $0x1;
	s23 =	sshrl.u32 s8, $0x2;
	s1 =	sor.u32 s24, s1  }
0xd: {  	s24 =	simm.s32 $0x2;
	s3 =	sadd.s32 s6, s3;
	s22 =	ssub.s32 s7, s21  }
0xe: {  	s13 =	sadd.s32 s23, s2;
	s6 =	sor.u32 $0x1C07, s25;
	s7 =	sadd.s32 s9, s1  }
0xf: {  	s26 =	sor.u32 $0x400, s1;
	s8 =	sadd.s32 s10, s1;
	s21 =	simm.s32 $0x9000  }
0x10: {  	s23 =	simm.s32 $0x4;
	s25 =	simm.s32 $0x5;
	s0 =	sadd.s32 s3, s0  }
0x11: {  	[dreg:$0x4] =	wrdreg s7;
	s9 =	sadd.s32 s9, s26;
	s10 =	sadd.s32 s10, s26  }
0x12: {  	s12 =	smax.u32 s22, $0x1;
	s13 =	sshrl.u32 s13, $0x3;
	s22 =	simm.s32 $0x1  }
0x13: {  	s26 =	simm.s32 $0x3;
	s11 =	sadd.s32 $0x5EA00, s0;
	s0 =	simm.s32 $0x0  }
.LBB2_1:
0x14: {  	s1 =	rddreg [dreg:$0x1]  }
0x15: {  	[spmem:s13], [sflag:s6] =	dma.local [hbm:s1], $0x2800  }
0x16: {  	_ =	swait.ge [sflag:s14], $0x2800  }
0x17: {  	[sflag:s14] =	ssyncset.done $0x0  }
0x18: {  	[sflag:s14] =	ssyncadd.s32 $0xFFFFD800  }
0x19: {  	[bflag:$0x0] =	sbarrier.arrive $0xFFFF  }
0x1a: {  	s3 =	rddreg [dreg:$0x4]  }
0x1b: {  	[tilespmem:s4], [sflag:$0x7] =	stream.linear.gather [hbm4b:s3+s4], $0x1F80, $0x38;
	[tilespmem:$0x1F800] =	vst v63  }
0x1c: {  	_ =	swait.ge [sflag:s14], $0x1F80  }
0x1d: {  	[sflag:s14] =	ssyncset.done $0x0  }
0x1e: {  	[sflag:s14] =	ssyncadd.s32 $0xFFFFE080  }
0x1f: {  	[tilespmem:s15], [sflag:$0x7] =	stream.linear.gather [hbm4b:s8+s4], $0x1F80, $0x38;
	[tilespmem:$0x1F800] =	vst v63  }
0x20: {  	_ =	swait.ge [sflag:s14], $0x1F80  }
0x21: {  	[sflag:s14] =	ssyncset.done $0x0  }
0x22: {  	[sflag:s14] =	ssyncadd.s32 $0xFFFFE080  }
0x23: {  	[tilespmem:s17], [sflag:$0x1] =	stream.indirect.gather [hbm4b:s5+s16], $0x80, s4, s16, $0xb8;
	[tilespmem:$0x1F800] =	vst v63  }
0x24: {  	_ = 	snop  }
0x25: {  	[tilespmem:s19], [sflag:$0x2] =	stream.indirect.gather [hbm4b:s5+s16], $0x80, s18, s16, $0xb8;
	[tilespmem:$0x1F800] =	vst v63  }
0x26: {  	_ = 	snop  }
0x27: {  	[tilespmem:s21], [sflag:$0x3] =	stream.indirect.gather [hbm4b:s5+s16], $0x80, s20, s16, $0xb8;
	[tilespmem:$0x1F800] =	vst v63  }
0x28: {  	_ =	swait.ge [sflag:s22], $0x2800  }
0x29: {  	[sflag:s22] =	ssyncset.done $0x0  }
0x2a: {  	s7 =	simm.s32 $0x2000;
	[sflag:s22] =	ssyncadd.s32 $0xFFFFD800  }
0x2b: {  	[spmem:s2] =	stream.indirect.scatter.add.f32 [tilespmem:s17], [sflag:$0x4], $0x80, s7, s16, $0xb8;
	[tilespmem:$0x1F800] =	vst v63  }
0x2c: {  	_ =	swait.ge [sflag:s23], $0x2800  }
0x2d: {  	[sflag:s23] =	ssyncset.done $0x0  }
0x2e: {  	s3 =	simm.s32 $0x180;
	[sflag:s23] =	ssyncadd.s32 $0xFFFFD800  }
0x2f: {  	[tilespmem:s17], [sflag:$0x1] =	stream.indirect.gather [hbm4b:s5+s16], $0x80, s3, s16, $0xb8;
	[tilespmem:$0x1F800] =	vst v63  }
0x30: {  	_ =	swait.ge [sflag:s24], $0x2800  }
0x31: {  	[sflag:s24] =	ssyncset.done $0x0  }
0x32: {  	s7 =	simm.s32 $0x2080;
	[sflag:s24] =	ssyncadd.s32 $0xFFFFD800  }
0x33: {  	[spmem:s2] =	stream.indirect.scatter.add.f32 [tilespmem:s19], [sflag:$0x5], $0x80, s7, s16, $0xb8;
	[tilespmem:$0x1F800] =	vst v63  }
0x34: {  	_ =	swait.ge [sflag:s25], $0x2800  }
0x35: {  	[sflag:s25] =	ssyncset.done $0x0  }
0x36: {  	s3 =	simm.s32 $0x200;
	[sflag:s25] =	ssyncadd.s32 $0xFFFFD800  }
0x37: {  	[tilespmem:s19], [sflag:$0x2] =	stream.indirect.gather [hbm4b:s5+s16], $0x80, s3, s16, $0xb8;
	[tilespmem:$0x1F800] =	vst v63  }
0x38: {  	_ =	swait.ge [sflag:s26], $0x2800  }
0x39: {  	[sflag:s26] =	ssyncset.done $0x0  }
0x3a: {  	s7 =	simm.s32 $0x2100;
	[sflag:s26] =	ssyncadd.s32 $0xFFFFD800  }
0x3b: {  	[spmem:s2] =	stream.indirect.scatter.add.f32 [tilespmem:s21], [sflag:$0x6], $0x80, s7, s16, $0xb8;
	[tilespmem:$0x1F800] =	vst v63  }
0x3c: {  	_ =	swait.ge [sflag:s28], $0x2800  }
0x3d: {  	[sflag:s28] =	ssyncset.done $0x0  }
0x3e: {  	s1 =	simm.s32 $0x280;
	s3 =	simm.s32 $0x600;
	[sflag:s28] =	ssyncadd.s32 $0xFFFFD800  }
.LBB2_2:
0x3f: {  	[tilespmem:s21], [sflag:$0x3] =	stream.indirect.gather [hbm4b:s5+s16], $0x80, s1, s16, $0xb8;
	[tilespmem:$0x1F800] =	vst v63  }
0x40: {  	s1 =	smov.u32 s3  }
0x41: {  	p0 =	sne.s32 s3, $0x7200;
	s3 =	sadd.s32 $0x600, s3;
	_ =	swait.ge [sflag:s22], $0x2800  }
0x42: {  	s1 =	sshra.s32 s1, $0x2;
	[sflag:s22] =	ssyncset.done $0x0  }
0x43: {  	s7 =	sadd.s32 $0x2000, s1;
	[sflag:s22] =	ssyncadd.s32 $0xFFFFD800  }
0x44: {  	[spmem:s2] =	stream.indirect.scatter.add.f32 [tilespmem:s17], [sflag:$0x4], $0x80, s7, s16, $0xb8;
	[tilespmem:$0x1F800] =	vst v63  }
0x45: {  	_ =	swait.ge [sflag:s23], $0x2800  }
0x46: {  	[sflag:s23] =	ssyncset.done $0x0  }
0x47: {  	s7 =	sadd.s32 $0x180, s1;
	[sflag:s23] =	ssyncadd.s32 $0xFFFFD800  }
0x48: {  	[tilespmem:s17], [sflag:$0x1] =	stream.indirect.gather [hbm4b:s5+s16], $0x80, s7, s16, $0xb8;
	[tilespmem:$0x1F800] =	vst v63  }
0x49: {  	_ =	swait.ge [sflag:s24], $0x2800  }
0x4a: {  	[sflag:s24] =	ssyncset.done $0x0  }
0x4b: {  	s7 =	sadd.s32 $0x2080, s1;
	[sflag:s24] =	ssyncadd.s32 $0xFFFFD800  }
0x4c: {  	[spmem:s2] =	stream.indirect.scatter.add.f32 [tilespmem:s19], [sflag:$0x5], $0x80, s7, s16, $0xb8;
	[tilespmem:$0x1F800] =	vst v63  }
0x4d: {  	_ =	swait.ge [sflag:s25], $0x2800  }
0x4e: {  	[sflag:s25] =	ssyncset.done $0x0  }
0x4f: {  	s7 =	sadd.s32 $0x200, s1;
	[sflag:s25] =	ssyncadd.s32 $0xFFFFD800  }
0x50: {  	[tilespmem:s19], [sflag:$0x2] =	stream.indirect.gather [hbm4b:s5+s16], $0x80, s7, s16, $0xb8;
	[tilespmem:$0x1F800] =	vst v63  }
0x51: {  	_ =	swait.ge [sflag:s26], $0x2800  }
0x52: {  	[sflag:s26] =	ssyncset.done $0x0  }
.Ltmp0:
0x53: {  	s7 =	sadd.s32 $0x2100, s1;
	[sflag:s26] =	ssyncadd.s32 $0xFFFFD800;
	(pc) =	sbr.rel @p0 .LBB2_2-.Ltmp0, $4  }
0x54: {  	[spmem:s2] =	stream.indirect.scatter.add.f32 [tilespmem:s21], [sflag:$0x6], $0x80, s7, s16, $0xb8;
	[tilespmem:$0x1F800] =	vst v63  }
0x55: {  	_ =	swait.ge [sflag:s28], $0x2800  }
0x56: {  	[sflag:s28] =	ssyncset.done $0x0  }
0x57: {  	s1 =	sadd.s32 $0x280, s1;
	[sflag:s28] =	ssyncadd.s32 $0xFFFFD800  }
0x58: {  	[tilespmem:s21], [sflag:$0x3] =	stream.indirect.gather [hbm4b:s5+s16], $0x80, s1, s16, $0xb8;
	[tilespmem:$0x1F800] =	vst v63  }
0x59: {  	_ =	swait.ge [sflag:s22], $0x2800  }
0x5a: {  	[sflag:s22] =	ssyncset.done $0x0  }
0x5b: {  	[sflag:s22] =	ssyncadd.s32 $0xFFFFD800  }
0x5c: {  	[spmem:s2] =	stream.indirect.scatter.add.f32 [tilespmem:s17], [sflag:$0x4], $0x80, s29, s16, $0xb8;
	[tilespmem:$0x1F800] =	vst v63  }
0x5d: {  	_ =	swait.ge [sflag:s23], $0x2800  }
0x5e: {  	[sflag:s23] =	ssyncset.done $0x0  }
0x5f: {  	[sflag:s23] =	ssyncadd.s32 $0xFFFFD800  }
0x60: {  	_ =	swait.ge [sflag:s24], $0x2800  }
0x61: {  	[sflag:s24] =	ssyncset.done $0x0  }
0x62: {  	[sflag:s24] =	ssyncadd.s32 $0xFFFFD800  }
0x63: {  	[spmem:s2] =	stream.indirect.scatter.add.f32 [tilespmem:s19], [sflag:$0x5], $0x80, s30, s16, $0xb8;
	[tilespmem:$0x1F800] =	vst v63  }
0x64: {  	_ =	swait.ge [sflag:s25], $0x2800  }
0x65: {  	[sflag:s25] =	ssyncset.done $0x0  }
0x66: {  	[sflag:s25] =	ssyncadd.s32 $0xFFFFD800  }
0x67: {  	_ =	swait.ge [sflag:s26], $0x2800  }
0x68: {  	[sflag:s26] =	ssyncset.done $0x0  }
0x69: {  	[sflag:s26] =	ssyncadd.s32 $0xFFFFD800  }
0x6a: {  	[spmem:s2] =	stream.indirect.scatter.add.f32 [tilespmem:s21], [sflag:$0x6], $0x80, s31, s16, $0xb8;
	[tilespmem:$0x1F800] =	vst v63  }
0x6b: {  	_ =	swait.ge [sflag:s28], $0x2800  }
0x6c: {  	[sflag:s28] =	ssyncset.done $0x0  }
0x6d: {  	s3 =	simm.s32 $0x0;
	[sflag:s28] =	ssyncadd.s32 $0xFFFFD800  }
0x6e: {  	[tilespmem:s3], [sflag:$0x7] =	stream.linear.gather [hbm4b:s9+s3], $0x1F80, $0x38;
	[tilespmem:$0x1F800] =	vst v63  }
0x6f: {  	_ =	swait.ge [sflag:s14], $0x1F80  }
0x70: {  	[sflag:s14] =	ssyncset.done $0x0  }
0x71: {  	[sflag:s14] =	ssyncadd.s32 $0xFFFFE080  }
0x72: {  	[tilespmem:s15], [sflag:$0x7] =	stream.linear.gather [hbm4b:s10+s3], $0x1F80, $0x38;
	[tilespmem:$0x1F800] =	vst v63  }
0x73: {  	_ =	swait.ge [sflag:s14], $0x1F80  }
0x74: {  	[sflag:s14] =	ssyncset.done $0x0  }
0x75: {  	[sflag:s14] =	ssyncadd.s32 $0xFFFFE080  }
0x76: {  	[tilespmem:s17], [sflag:$0x1] =	stream.indirect.gather [hbm4b:s5+s16], $0x80, s3, s16, $0xb8;
	[tilespmem:$0x1F800] =	vst v63  }
0x77: {  	_ = 	snop  }
0x78: {  	[tilespmem:s19], [sflag:$0x2] =	stream.indirect.gather [hbm4b:s5+s16], $0x80, s18, s16, $0xb8;
	[tilespmem:$0x1F800] =	vst v63  }
0x79: {  	_ = 	snop  }
0x7a: {  	[tilespmem:s21], [sflag:$0x3] =	stream.indirect.gather [hbm4b:s5+s16], $0x80, s20, s16, $0xb8;
	[tilespmem:$0x1F800] =	vst v63  }
0x7b: {  	_ =	swait.ge [sflag:s22], $0x2800  }
0x7c: {  	[sflag:s22] =	ssyncset.done $0x0  }
0x7d: {  	s7 =	simm.s32 $0x2000;
	[sflag:s22] =	ssyncadd.s32 $0xFFFFD800  }
0x7e: {  	[spmem:s2] =	stream.indirect.scatter.add.f32 [tilespmem:s17], [sflag:$0x4], $0x80, s7, s16, $0xb8;
	[tilespmem:$0x1F800] =	vst v63  }
0x7f: {  	_ =	swait.ge [sflag:s23], $0x2800  }
0x80: {  	[sflag:s23] =	ssyncset.done $0x0  }
0x81: {  	s3 =	simm.s32 $0x180;
	[sflag:s23] =	ssyncadd.s32 $0xFFFFD800  }
0x82: {  	[tilespmem:s17], [sflag:$0x1] =	stream.indirect.gather [hbm4b:s5+s16], $0x80, s3, s16, $0xb8;
	[tilespmem:$0x1F800] =	vst v63  }
0x83: {  	_ =	swait.ge [sflag:s24], $0x2800  }
0x84: {  	[sflag:s24] =	ssyncset.done $0x0  }
0x85: {  	s7 =	simm.s32 $0x2080;
	[sflag:s24] =	ssyncadd.s32 $0xFFFFD800  }
0x86: {  	[spmem:s2] =	stream.indirect.scatter.add.f32 [tilespmem:s19], [sflag:$0x5], $0x80, s7, s16, $0xb8;
	[tilespmem:$0x1F800] =	vst v63  }
0x87: {  	_ =	swait.ge [sflag:s25], $0x2800  }
0x88: {  	[sflag:s25] =	ssyncset.done $0x0  }
0x89: {  	s3 =	simm.s32 $0x200;
	[sflag:s25] =	ssyncadd.s32 $0xFFFFD800  }
0x8a: {  	[tilespmem:s19], [sflag:$0x2] =	stream.indirect.gather [hbm4b:s5+s16], $0x80, s3, s16, $0xb8;
	[tilespmem:$0x1F800] =	vst v63  }
0x8b: {  	_ =	swait.ge [sflag:s26], $0x2800  }
0x8c: {  	[sflag:s26] =	ssyncset.done $0x0  }
0x8d: {  	s7 =	simm.s32 $0x2100;
	[sflag:s26] =	ssyncadd.s32 $0xFFFFD800  }
0x8e: {  	[spmem:s2] =	stream.indirect.scatter.add.f32 [tilespmem:s21], [sflag:$0x6], $0x80, s7, s16, $0xb8;
	[tilespmem:$0x1F800] =	vst v63  }
0x8f: {  	_ =	swait.ge [sflag:s28], $0x2800  }
0x90: {  	[sflag:s28] =	ssyncset.done $0x0  }
0x91: {  	s1 =	simm.s32 $0x280;
	s3 =	simm.s32 $0x600;
	[sflag:s28] =	ssyncadd.s32 $0xFFFFD800  }
.LBB2_4:
0x92: {  	[tilespmem:s21], [sflag:$0x3] =	stream.indirect.gather [hbm4b:s5+s16], $0x80, s1, s16, $0xb8;
	[tilespmem:$0x1F800] =	vst v63  }
0x93: {  	s1 =	smov.u32 s3  }
0x94: {  	p0 =	sne.s32 s3, $0x7200;
	s3 =	sadd.s32 $0x600, s3;
	_ =	swait.ge [sflag:s22], $0x2800  }
0x95: {  	s1 =	sshra.s32 s1, $0x2;
	[sflag:s22] =	ssyncset.done $0x0  }
0x96: {  	s7 =	sadd.s32 $0x2000, s1;
	[sflag:s22] =	ssyncadd.s32 $0xFFFFD800  }
0x97: {  	[spmem:s2] =	stream.indirect.scatter.add.f32 [tilespmem:s17], [sflag:$0x4], $0x80, s7, s16, $0xb8;
	[tilespmem:$0x1F800] =	vst v63  }
0x98: {  	_ =	swait.ge [sflag:s23], $0x2800  }
0x99: {  	[sflag:s23] =	ssyncset.done $0x0  }
0x9a: {  	s7 =	sadd.s32 $0x180, s1;
	[sflag:s23] =	ssyncadd.s32 $0xFFFFD800  }
0x9b: {  	[tilespmem:s17], [sflag:$0x1] =	stream.indirect.gather [hbm4b:s5+s16], $0x80, s7, s16, $0xb8;
	[tilespmem:$0x1F800] =	vst v63  }
0x9c: {  	_ =	swait.ge [sflag:s24], $0x2800  }
0x9d: {  	[sflag:s24] =	ssyncset.done $0x0  }
0x9e: {  	s7 =	sadd.s32 $0x2080, s1;
	[sflag:s24] =	ssyncadd.s32 $0xFFFFD800  }
0x9f: {  	[spmem:s2] =	stream.indirect.scatter.add.f32 [tilespmem:s19], [sflag:$0x5], $0x80, s7, s16, $0xb8;
	[tilespmem:$0x1F800] =	vst v63  }
0xa0: {  	_ =	swait.ge [sflag:s25], $0x2800  }
0xa1: {  	[sflag:s25] =	ssyncset.done $0x0  }
0xa2: {  	s7 =	sadd.s32 $0x200, s1;
	[sflag:s25] =	ssyncadd.s32 $0xFFFFD800  }
0xa3: {  	[tilespmem:s19], [sflag:$0x2] =	stream.indirect.gather [hbm4b:s5+s16], $0x80, s7, s16, $0xb8;
	[tilespmem:$0x1F800] =	vst v63  }
0xa4: {  	_ =	swait.ge [sflag:s26], $0x2800  }
0xa5: {  	[sflag:s26] =	ssyncset.done $0x0  }
.Ltmp1:
0xa6: {  	s7 =	sadd.s32 $0x2100, s1;
	[sflag:s26] =	ssyncadd.s32 $0xFFFFD800;
	(pc) =	sbr.rel @p0 .LBB2_4-.Ltmp1, $4  }
0xa7: {  	[spmem:s2] =	stream.indirect.scatter.add.f32 [tilespmem:s21], [sflag:$0x6], $0x80, s7, s16, $0xb8;
	[tilespmem:$0x1F800] =	vst v63  }
0xa8: {  	_ =	swait.ge [sflag:s28], $0x2800  }
0xa9: {  	[sflag:s28] =	ssyncset.done $0x0  }
0xaa: {  	s1 =	sadd.s32 $0x280, s1;
	[sflag:s28] =	ssyncadd.s32 $0xFFFFD800  }
0xab: {  	[tilespmem:s21], [sflag:$0x3] =	stream.indirect.gather [hbm4b:s5+s16], $0x80, s1, s16, $0xb8;
	[tilespmem:$0x1F800] =	vst v63  }
0xac: {  	_ =	swait.ge [sflag:s22], $0x2800  }
0xad: {  	[sflag:s22] =	ssyncset.done $0x0  }
0xae: {  	[sflag:s22] =	ssyncadd.s32 $0xFFFFD800  }
0xaf: {  	[spmem:s2] =	stream.indirect.scatter.add.f32 [tilespmem:s17], [sflag:$0x4], $0x80, s29, s16, $0xb8;
	[tilespmem:$0x1F800] =	vst v63  }
0xb0: {  	_ =	swait.ge [sflag:s23], $0x2800  }
0xb1: {  	[sflag:s23] =	ssyncset.done $0x0  }
0xb2: {  	[sflag:s23] =	ssyncadd.s32 $0xFFFFD800  }
0xb3: {  	_ =	swait.ge [sflag:s24], $0x2800  }
0xb4: {  	[sflag:s24] =	ssyncset.done $0x0  }
0xb5: {  	[sflag:s24] =	ssyncadd.s32 $0xFFFFD800  }
0xb6: {  	[spmem:s2] =	stream.indirect.scatter.add.f32 [tilespmem:s19], [sflag:$0x5], $0x80, s30, s16, $0xb8;
	[tilespmem:$0x1F800] =	vst v63  }
0xb7: {  	_ =	swait.ge [sflag:s25], $0x2800  }
0xb8: {  	[sflag:s25] =	ssyncset.done $0x0  }
0xb9: {  	[sflag:s25] =	ssyncadd.s32 $0xFFFFD800  }
0xba: {  	_ =	swait.ge [sflag:s26], $0x2800  }
0xbb: {  	[sflag:s26] =	ssyncset.done $0x0  }
0xbc: {  	[sflag:s26] =	ssyncadd.s32 $0xFFFFD800  }
0xbd: {  	[spmem:s2] =	stream.indirect.scatter.add.f32 [tilespmem:s21], [sflag:$0x6], $0x80, s31, s16, $0xb8;
	[tilespmem:$0x1F800] =	vst v63  }
0xbe: {  	_ =	swait.ge [sflag:s28], $0x2800  }
0xbf: {  	s0 =	sadd.s32 $0x1, s0;
	[sflag:s28] =	ssyncset.done $0x0  }
0xc0: {  	p0 =	sne.s32 s0, s12;
	[sflag:s28] =	ssyncadd.s32 $0xFFFFD800  }
.Ltmp2:
0xc1: {  	[bflag:$0x0] =	sbarrier.arrive $0xFFFF;
	(pc) =	sbr.rel @p0 .LBB2_1-.Ltmp2, $4  }
0xc2: {  	[hbm:s11], [sflag:s6] =	dma.local [spmem:s13], $0x2800  }
0xc3: {  	_ =	swait.ge [sflag:s14], $0x2800  }
0xc4: {  	[sflag:s14] =	ssyncset.done $0x0  }
0xc5: {  	[sflag:s14] =	ssyncadd.s32 $0xFFFFD800  }
0xc6: {  	_ =	sfence.sel $0x180000  }
0xc7: {  	[bflag:$0x0] =	sbarrier.arrive $0xFFFF  }
0xc8: {  	_ =	strace $0x9000004D  }
0xc9: {  	s0 =	stileid.u32;
	[bflag:$0x2] =	sbarrier.arrive $0xFFFF  }
0xca: {  	p0 =	sne.s32 s0, $0x0;
	s0 =	rddreg [dreg:$0x3]  }
0xcb: {  	s0 =	sadd.s32 @!p0 $0x100000, s0  }
0xcc: {  	[sflag:s0] =	ssyncadd.tile.s32 @!p0 $0x1;
	_ =	shalt  }
.Lfunc_end2:
_tile_overlayer_lowered:
.L_overlay_start_2:
0xcd: {  	(tag) =	ssettag $0x2  }
0xce: {  	s0 =	rddreg [dreg:$0x0];
	s2 =	stileid.u32  }
0xcf: {  	s1 =	rddreg [dreg:$0x1];
	p0 =	sne.s32 s2, $0x0  }
0xd0: {  	s3 =	rddreg [dreg:$0x2];
	[bflag:$0x3] =	sbarrier.arrive $0xFFFF;
	s2 =	simm.s32 @!p0 $0x1C07  }
0xd1: {  	[timem:s3], [sflag:s2] =	dma.local @!p0 [hbm:s0], s1  }
0xd2: {  	s0 =	simm.s32 @!p0 $0x7  }
0xd3: {  	_ =	swait.ge @!p0 [sflag:s0], s1  }
0xd4: {  	s1 =	ssub.s32 @!p0 $0x0, s1;
	[sflag:s0] =	ssyncset.done @!p0 $0x0  }
0xd5: {  	[sflag:s0] =	ssyncadd.s32 @!p0 s1  }
0xd6: {  	[bflag:$0x3] =	sbarrier.arrive $0xFFFF  }
0xd7: {  	_ =	shalt  }

// kernel: kernel.9.cloned.1.call-start
scs
__scs_entry_jumppad:
0x0: {  	(pc) =	sbr.rel $0x88, $3  }
0x1: {  	(tag) =	ssettag $0x0;
	lr =	simm.s32 $0x1  }
0x2: {  	[smem:$0x3F99] =	sst lr;
	_ =	strace $0xD0000000  }
0x3: {  	_ = 	snop  }
0x4: {  	_ = 	snop  }
0x5: {  	_ = 	snop  }
0x6: {  	_ = 	snop  }
0x7: {  	_ = 	snop  }
__scs_overlays_trampoline_lowered:
0x8: {  	[smem:$0x3FA8] =	sst s0  }
0x9: {  	[smem:$0x3FA9] =	sst s1  }
0xa: {  	[smem:$0x3FAA] =	sst s2  }
0xb: {  	[smem:$0x3FAB] =	sst s3  }
0xc: {  	[smem:$0x3FAC] =	sst s4  }
0xd: {  	[smem:$0x3FAD] =	sst s5  }
0xe: {  	[smem:$0x3FAE] =	sst s6  }
0xf: {  	[smem:$0x3FAF] =	sst s7  }
0x10: {  	[smem:$0x3FB0] =	sst s8  }
0x11: {  	[smem:$0x3FB1] =	sst s9;
	s0 =	simm.s32 @!p0 $0x0  }
0x12: {  	s1 =	sld [smem:$0x3F97];
	s0 =	simm.s32 @p0 $0x1  }
0x13: {  	[smem:$0x3FB2] =	sst s0;
	s0 =	simm.s32 @!p1 $0x0  }
0x14: {  	s2 =	sld [smem:$0x3F96];
	s0 =	simm.s32 @p1 $0x1  }
0x15: {  	[smem:$0x3FB3] =	sst s0;
	s0 =	simm.s32 @!p2 $0x0  }
0x16: {  	s3 =	sld [smem:$0x3FDB];
	s0 =	simm.s32 @p2 $0x1  }
0x17: {  	s4 =	simm.s32 $0x1BF5;
	[smem:$0x3FB5] =	sst s0  }
0x18: {  	s0 =	sld [smem:$0x3F98];
	_ =	swait.ge [sflag:s4], $0x0  }
0x19: {  	s7 =	sld [smem:$0x3F99]  }
0x1a: {  	s8 =	sadd.s32 $0xFFFFE003, lr  }
0x1b: {  	s9 =	sadd.s32 $0xFFFFFEF7, lr;
	s5 =	simm.s32 $0xFFFFFFFF;
	p2 =	slt.u32 s8, $0xFFFFF086  }
0x1c: {  	p1 =	slt.u32 s9, $0xF7A;
	s5 =	simm.s32 @!p2 $0x0  }
0x1d: {  	s5 =	simm.s32 @p1 $0x1;
	p0 =	seq.s32 s7, s2  }
0x1e: {  	s7 =	smul.u32 @!p0 $0xF7A, s2;
	p2 =	seq.s32 @!p0 s5, $0x0  }
0x1f: {  	s9 =	smul.u32 $0xF7A, s1;
	s8 =	simm.s32 @!p0 $0x1BF5;
	p2 =	por !p2, p0  }
0x20: {  	[sflag:s8] =	ssyncset.s32 @!p0 $0xFFFFF086;
	s6 =	sadd.s32 @!p0 s3, s7;
	s7 =	simm.s32 @!p0 $0x108  }
0x21: {  	s3 =	sadd.s32 s3, s9;
	s6 =	sadd.s32 @!p0 $0x88, s6;
	s7 =	simm.s32 @p2 $0x1082  }
0x22: {  	[simem:s7], [sflag:s8] =	dma.local @!p0 [hbm:s6], $0xF7A  }
0x23: {  	s9 =	sor.u32 $0xD0000000, s2;
	s6 =	simm.s32 $0x108;
	_ =	swait.ge @!p0 [sflag:s8], $0x0  }
0x24: {  	s3 =	sadd.s32 $0x88, s3;
	s6 =	simm.s32 @!p1 $0x1082;
	[sflag:s4] =	ssyncset.s32 $0xFFFFF086  }
0x25: {  	[simem:s6], [sflag:s4] =	dma.local [hbm:s3], $0xF7A  }
0x26: {  	[smem:$0x3F99] =	sst s1;
	(tag) =	ssettag s2;
	_ =	strace s9  }
0x27: {  	s1 =	sld [smem:$0x3FA9]  }
0x28: {  	s2 =	sld [smem:$0x3FAA]  }
0x29: {  	s4 =	sld [smem:$0x3FAC]  }
0x2a: {  	p0 =	seq.s32 s5, $0x0;
	s5 =	sld [smem:$0x3FAD]  }
0x2b: {  	s6 =	sld [smem:$0x3FAE]  }
0x2c: {  	s7 =	sld [smem:$0x3FAF]  }
0x2d: {  	s3 =	simm.s32 $0x108;
	s8 =	sld [smem:$0x3FB0]  }
0x2e: {  	s3 =	simm.s32 @!p0 $0x1082;
	s9 =	sld [smem:$0x3FB1]  }
0x2f: {  	lr =	sadd.s32 s0, s3;
	s0 =	sld [smem:$0x3FA8]  }
0x30: {  	s3 =	sld [smem:$0x3FAB]  }
0x31: {  	[smem:$0x3FB4] =	sst s10  }
0x32: {  	s10 =	sld [smem:$0x3FB2];
	_ =	sdelay $0x3  }
0x33: {  	p0 =	seq.s32 s10, $0x1;
	s10 =	sld [smem:$0x3FB4];
	_ =	sdelay $0x3  }
0x34: {  	[smem:$0x3FB4] =	sst s10  }
0x35: {  	s10 =	sld [smem:$0x3FB3];
	_ =	sdelay $0x3  }
0x36: {  	p1 =	seq.s32 s10, $0x1;
	s10 =	sld [smem:$0x3FB4];
	_ =	sdelay $0x3  }
0x37: {  	[smem:$0x3FB4] =	sst s10  }
0x38: {  	s10 =	sld [smem:$0x3FB5]  }
0x39: {  	_ = 	snop;
	(pc) =	sbr.ind lr, $3  }
0x3a: {  	_ = 	snop  }
0x3b: {  	_ = 	snop  }
0x3c: {  	p2 =	seq.s32 s10, $0x1;
	s10 =	sld [smem:$0x3FB4]  }
0x3d: {  	_ =	shalt  }
0x3e: {  	_ =	shalt  }
0x3f: {  	_ =	shalt  }
0x40: {  	_ =	shalt  }
0x41: {  	_ =	shalt  }
0x42: {  	_ =	shalt  }
0x43: {  	_ =	shalt  }
0x44: {  	_ =	shalt  }
0x45: {  	_ =	shalt  }
0x46: {  	_ =	shalt  }
0x47: {  	_ =	shalt  }
0x48: {  	_ =	shalt  }
0x49: {  	_ =	shalt  }
0x4a: {  	_ =	shalt  }
0x4b: {  	_ =	shalt  }
0x4c: {  	_ =	shalt  }
0x4d: {  	_ =	shalt  }
0x4e: {  	_ =	shalt  }
0x4f: {  	_ =	shalt  }
0x50: {  	_ =	shalt  }
0x51: {  	_ =	shalt  }
0x52: {  	_ =	shalt  }
0x53: {  	_ =	shalt  }
0x54: {  	_ =	shalt  }
0x55: {  	_ =	shalt  }
0x56: {  	_ =	shalt  }
0x57: {  	_ =	shalt  }
0x58: {  	_ =	shalt  }
0x59: {  	_ =	shalt  }
0x5a: {  	_ =	shalt  }
0x5b: {  	_ =	shalt  }
0x5c: {  	_ =	shalt  }
0x5d: {  	_ =	shalt  }
0x5e: {  	_ =	shalt  }
0x5f: {  	_ =	shalt  }
0x60: {  	_ =	shalt  }
0x61: {  	_ =	shalt  }
0x62: {  	_ =	shalt  }
0x63: {  	_ =	shalt  }
0x64: {  	_ =	shalt  }
0x65: {  	_ =	shalt  }
0x66: {  	_ =	shalt  }
0x67: {  	_ =	shalt  }
0x68: {  	_ =	shalt  }
0x69: {  	_ =	shalt  }
0x6a: {  	_ =	shalt  }
0x6b: {  	_ =	shalt  }
0x6c: {  	_ =	shalt  }
0x6d: {  	_ =	shalt  }
0x6e: {  	_ =	shalt  }
0x6f: {  	_ =	shalt  }
0x70: {  	_ =	shalt  }
0x71: {  	_ =	shalt  }
0x72: {  	_ =	shalt  }
0x73: {  	_ =	shalt  }
0x74: {  	_ =	shalt  }
0x75: {  	_ =	shalt  }
0x76: {  	_ =	shalt  }
0x77: {  	_ =	shalt  }
0x78: {  	_ =	shalt  }
0x79: {  	_ =	shalt  }
0x7a: {  	_ =	shalt  }
0x7b: {  	_ =	shalt  }
0x7c: {  	_ =	shalt  }
0x7d: {  	_ =	shalt  }
0x7e: {  	_ =	shalt  }
0x7f: {  	_ =	shalt  }
0x80: {  	_ =	shalt  }
0x81: {  	_ =	shalt  }
0x82: {  	_ =	shalt  }
0x83: {  	_ =	shalt  }
0x84: {  	_ =	shalt  }
0x85: {  	_ =	shalt  }
0x86: {  	_ =	shalt  }
0x87: {  	_ =	shalt  }
.Lfunc_end0:
.L_simem_size_0:
called_computation_lowered:
.L_overlay_start_0:
0x88: {  	s2 =	sld [smem:$0x3FD9]  }
0x89: {  	s3 =	sld [smem:$0x3FFE];
	_ =	sdelay $0x1  }
0x8a: {  	s1 =	srdreg.scid  }
0x8b: {  	s0 =	sand.u32 $0x1, s1  }
0x8c: {  	s17 =	sshll.u32 s0, $0xA;
	s2 =	sadd.s32 s3, s2  }
0x8d: {  	s2 =	sadd.s32 s2, s17  }
0x8e: {  	[smem:$0x3FC0] =	sst s2  }
0x8f: {  	_ = 	snop  }
0x90: {  	s2 =	sld [smem:$0x3FD0];
	(tm) =	ssettm $0x1  }
0x91: {  	s18 =	sld [smem:$0x3FFB];
	_ =	sdelay $0x3  }
0x92: {  	_ =	strace s18  }
0x93: {  	s3 =	sld [smem:$0x3FFC];
	_ =	sdelay $0x3  }
0x94: {  	_ =	strace s3  }
0x95: {  	s3 =	sld [smem:$0x3FFD];
	_ =	sdelay $0x3  }
0x96: {  	_ =	strace s3  }
0x97: {  	_ =	strace $0x8FFFFFFF  }
0x98: {  	s19 =	sld [smem:$0x3FDB];
	_ =	sdelay $0x1  }
0x99: {  	s4 =	simm.s32 $_scs_section_size  }
0x9a: {  	s5 =	simm.s32 $_size__tile_overlayer_lowered;
	s6 =	simm.s32 $_tile_overlayer_lowered  }
0x9b: {  	s22 =	simm.s32 $0x1BFF;
	s21 =	sshll.u32 s6, $0x1;
	s3 =	sadd.s32 s4, s19  }
0x9c: {  	s7 =	simm.s32 $0x0;
	s20 =	sshll.u32 s5, $0x1;
	s5 =	sadd.s32 s21, s3  }
0x9d: {  	[timem:s7], [sflag:s22] =	dma.local [hbm:s5], s20  }
0x9e: {  	_ =	swait.ge [sflag:s22], s20  }
0x9f: {  	s4 =	ssub.s32 $0x0, s20;
	[sflag:s22] =	ssyncset.done $0x0  }
0xa0: {  	[sflag:s22] =	ssyncadd.s32 s4;
	_ =	sdelay $0x1  }
0xa1: {  	s23 =	simm.s32 $0x1B8B  }
0xa2: {  	_ =	swait.ge [sflag:s23], $0x1  }
0xa3: {  	[sflag:s23] =	ssyncset.done $0x0  }
0xa4: {  	s25 =	simm.s32 $0x1B8E;
	s24 =	sld [smem:$0x3FFE];
	[sflag:s23] =	ssyncadd.s32 $0xFFFFFFFF  }
0xa5: {  	s26 =	simm.s32 $execute0_lowered;
	[smem:$0x3FD2] =	sst s25  }
0xa6: {  	s5 =	sshll.u32 s26, $0x1;
	_ =	strace $0x80000046;
	[dreg:$0x1] =	wrdreg $0xFFFFFFFF  }
0xa7: {  	s28 =	simm.s32 $_size_execute0_lowered;
	s3 =	sadd.s32 s3, s5;
	[dreg:$0x0] =	wrdreg $0x0  }
0xa8: {  	s5 =	sshll.u32 s28, $0x1;
	[dreg:$0x2] =	wrdreg s3  }
0xa9: {  	[dreg:$0x3] =	wrdreg s5  }
0xaa: {  	[dreg:$0x4] =	wrdreg $0xC0  }
0xab: {  	_ =	task [dreg:s7], $0x5FFFF  }
0xac: {  	[dreg:$0x1] =	wrdreg $0xFFFFFFFF  }
0xad: {  	[dreg:$0x0] =	wrdreg $0x60  }
0xae: {  	[dreg:$0x2] =	wrdreg s24  }
0xaf: {  	[dreg:$0x3] =	wrdreg s2  }
0xb0: {  	[dreg:$0x4] =	wrdreg $0x9  }
0xb1: {  	_ =	task.clear_ibuf [dreg:s7], $0x5FFFF;
	_ =	strace $0x90000046  }
0xb2: {  	s29 =	simm.s32 $0x9;
	_ =	strace $0x80000048  }
0xb3: {  	_ =	swait.ge [sflag:s29], $0x1  }
0xb4: {  	[sflag:s29] =	ssyncadd.s32 $0xFFFFFFFF  }
0xb5: {  	_ =	strace $0x90000048  }
0xb6: {  	_ =	sfence  }
0xb7: {  	s30 =	sld [smem:$0x0];
	_ =	sdelay $0x2  }
0xb8: {  	s31 =	sshll.u32 s1, $0xD;
	s1 =	sshrl.u32 s1, $0x2  }
0xb9: {  	s3 =	sand.u32 $0x4000, s31;
	s1 =	sadd.s32 s1, s30  }
0xba: {  	s0 =	sor.u32 s3, s0;
	s1 =	sshll.u32 s1, $0x11  }
0xbb: {  	s0 =	sor.u32 s1, s0  }
0xbc: {  	s0 =	sadd.s32 $0x8F2B, s0  }
0xbd: {  	[sflag:s0] =	ssyncadd.remote.s32 $0x1  }
0xbe: {  	_ =	sfence.sel $0xFFFF  }
0xbf: {  	[dreg:$0x0] =	wrdreg $0xFFFFFFFF;
	(pc) =	sbr.abs _section_cstart, $3  }
0xc0: {  	[dreg:$0x1] =	wrdreg $0xFFFFFFFF  }
0xc1: {  	_ =	task.clear_ibuf [dreg:s7], $0x2FFFF;
	_ =	strace $0x9FFFFFFF  }
0xc2: {  	(tm) =	ssettm $0x7FFFFFFF  }
0xc3: {  	_ =	shalt  }
tec
execute0_lowered:
.L_overlay_start_1:
0x0: {  	(tag) =	ssettag $0x1  }
0x1: {  	s0 =	srdreg.scid  }
0x2: {  	s5 =	rddreg [dreg:$0x0];
	s4 =	sand.u32 $0x1, s0  }
0x3: {  	s2 =	rddreg [dreg:$0x1];
	s0 =	stileid.u32;
	s1 =	sshll.u32 s4, $0x4  }
0x4: {  	s3 =	simm.s32 $0x0;
	s9 =	simm.s32 $0x80;
	s1 =	sor.u32 s0, s1  }
0x5: {  	s10 =	simm.s32 $0x400;
	s11 =	simm.s32 $0x0;
	s6 =	sshrl.u32 s1, $0x3  }
0x6: {  	[smem:$0x7FF] =	sst s3;
	s8 =	sshll.u32 s0, $0x7;
	s7 =	smul.u32 $0x13C00, s6  }
0x7: {  	s4 =	ssub.s32 $0x2, s4;
	s8 =	sand.u32 $0x380, s8;
	s6 =	smul.u32 $0x14000, s6  }
0x8: {  	s31 =	sshrl.u32 s4, $0x1;
	s1 =	rddreg [dreg:$0x2];
	s7 =	sor.u32 s8, s7  }
0x9: {  	_ =	strace $0x80000047;
	s6 =	sor.u32 s8, s6;
	s7 =	sshrl.u32 s7, $0x3  }
0xa: {  	s8 =	simm.s32 $0x1;
	s6 =	sshrl.u32 s6, $0x3;
	s7 =	sadd.s32 s7, s5  }
0xb: {  	s5 =	sadd.s32 s6, s5;
	s6 =	ssub.s32 s4, s31;
	s4 =	sadd.s32 $0x2C00, s7  }
0xc: {  	v0 =	vimm.f32 $1.000000000e+00;
	s5 =	sadd.s32 $0xCA00, s5;
	s6 =	smax.u32 s6, $0x1;
	s7 =	simm.s32 $0x2780  }
.LBB2_1:
0xd: {  	[tilespmem:s7], [sflag:$0x1] =	stream.linear.gather [hbm4b:s2+s3], $0x2800, $0x38;
	[tilespmem:$0x4F80] =	vst v63  }
0xe: {  	_ =	swait.ge [sflag:s8], $0x2800  }
0xf: {  	[sflag:s8] =	ssyncset.done $0x0  }
0x10: {  	[sflag:s8] =	ssyncadd.s32 $0xFFFFD800  }
0x11: {  	[tilespmem:s3], [sflag:$0x1] =	stream.strided.gather [hbm4b:s4+s9], $0x2780, s10, s9, $0x38;
	[tilespmem:$0x4F80] =	vst v63  }
0x12: {  	_ =	swait.ge [sflag:s8], $0x2780  }
0x13: {  	[sflag:s8] =	ssyncset.done $0x0  }
0x14: {  	s13 =	simm.s32 $0x0;
	s12 =	simm.s32 $0x40;
	[sflag:s8] =	ssyncadd.s32 $0xFFFFD880  }
.LBB2_2:
0x15: {  	p0 =	sne.s32 s12, $0x9C00;
	v1 =	vld [tilespmem:s13+$0x0];
	_ =	sdelay $0x3  }
.Ltmp0:
0x16: {  	(pc) =	sbr.rel @p0 .LBB2_2-.Ltmp0, $2  }
0x17: {  	_ =	sdelay $0x2  }
0x18: {  	s13 =	sshra.s32 s12, $0x2;
	s12 =	sadd.s32 $0x40, s12;
	[tilespmem:v1+s7+$0x0] =	vst.idx.add.f32.msk $0xffff, v0  }
0x19: {  	v1 =	vld [tilespmem:s13+$0x0];
	_ =	sdelay $0x5  }
0x1a: {  	s11 =	sadd.s32 $0x1, s11  }
0x1b: {  	p0 =	sne.s32 s11, s6  }
.Ltmp1:
0x1c: {  	[tilespmem:v1+s7+$0x0] =	vst.idx.add.f32.msk $0xffff, v0;
	(pc) =	sbr.rel @p0 .LBB2_1-.Ltmp1, $4  }
0x1d: {  	[hbm4b:s5+s9] =	stream.strided.scatter [tilespmem:s7], [sflag:$0x1], $0x2800, s10, s9, $0x38;
	[tilespmem:$0x4F80] =	vst v63  }
0x1e: {  	_ =	swait.ge [sflag:s8], $0x2800  }
0x1f: {  	[sflag:s8] =	ssyncset.done $0x0  }
0x20: {  	[sflag:s8] =	ssyncadd.s32 $0xFFFFD800  }
0x21: {  	_ =	sfence.sel $0x180000  }
0x22: {  	[bflag:$0x0] =	sbarrier.arrive $0xFFFF  }
0x23: {  	p0 =	sne.s32 s0, $0x0;
	_ =	strace $0x90000047  }
0x24: {  	s0 =	sadd.s32 @!p0 $0x100000, s1;
	[bflag:$0x2] =	sbarrier.arrive $0xFFFF  }
0x25: {  	[sflag:s0] =	ssyncadd.tile.s32 @!p0 $0x1;
	_ =	shalt  }
.Lfunc_end2:
_tile_overlayer_lowered:
.L_overlay_start_2:
0x26: {  	(tag) =	ssettag $0x2  }
0x27: {  	s0 =	rddreg [dreg:$0x0];
	s2 =	stileid.u32  }
0x28: {  	s1 =	rddreg [dreg:$0x1];
	p0 =	sne.s32 s2, $0x0  }
0x29: {  	s3 =	rddreg [dreg:$0x2];
	[bflag:$0x3] =	sbarrier.arrive $0xFFFF;
	s2 =	simm.s32 @!p0 $0x1C01  }
0x2a: {  	[timem:s3], [sflag:s2] =	dma.local @!p0 [hbm:s0], s1  }
0x2b: {  	s0 =	simm.s32 @!p0 $0x1  }
0x2c: {  	_ =	swait.ge @!p0 [sflag:s0], s1  }
0x2d: {  	s1 =	ssub.s32 @!p0 $0x0, s1;
	[sflag:s0] =	ssyncset.done @!p0 $0x0  }
0x2e: {  	[sflag:s0] =	ssyncadd.s32 @!p0 s1  }
0x2f: {  	[bflag:$0x3] =	sbarrier.arrive $0xFFFF  }
0x30: {  	_ =	shalt  }

</sc_bundles>
